<compile_context>
chip_gen: v7x
topology: tpu7x:2x2x1
jax: 0.10.2.dev20260603
libtpu: 0.0.44.dev20260713+nightly
codegen_flags: <defaults>
</compile_context>

<pallas_src>
import functools

import jax
import jax.numpy as jnp
from jax import lax
from jax.experimental import pallas as pl
from jax.experimental.pallas import tpu as pltpu
from jax.experimental.pallas import tpu_sc as plsc

N = 10000
E = 160000
F = 128
NB = 8
SHD = 9
NSPEC = 10
CORR = 3
AVG = 16.0

NC = 2
NS = 16
NW = NC * NS
EPT = 5120
E_PAD = NW * EPT
BATCH = 128
NBATCH = EPT // BATCH
N_PAD = 10240
RPT = N_PAD // NS

BE = 2048
BN = 1000
NCHUNK = 4
CH = E_PAD // NCHUNK
EPT_C = CH // NW
NBATCH_C = EPT_C // BATCH


def _gather_body(nf_hbm, snd_hbm, h_hbm, idx_v, rows0, rows1, gs0, gs1,
                 os0, os1):
    c = lax.axis_index("c")
    s = lax.axis_index("s")
    base = (c * NS + s) * EPT_C
    pltpu.sync_copy(snd_hbm.at[pl.ds(base, EPT_C)], idx_v)

    def gat(b, rows, sem):
        off = pl.multiple_of(b * BATCH, BATCH)
        pltpu.async_copy(nf_hbm.at[idx_v.at[pl.ds(off, BATCH)]], rows, sem)

    def out(b, rows, sem):
        off = pl.multiple_of(b * BATCH, BATCH)
        pltpu.async_copy(rows, h_hbm.at[pl.ds(base + off, BATCH)], sem)

    def wait_g(rows, sem):
        pltpu.make_async_copy(nf_hbm.at[idx_v.at[pl.ds(0, BATCH)]], rows,
                              sem).wait()

    def wait_o(rows, sem):
        pltpu.make_async_copy(rows, h_hbm.at[pl.ds(base, BATCH)], sem).wait()

    gat(0, rows0, gs0)

    def body(jj, carry):
        b0 = jj * 2

        @pl.when(jj > 0)
        def _():
            wait_o(rows1, os1)

        gat(b0 + 1, rows1, gs1)
        wait_g(rows0, gs0)
        out(b0, rows0, os0)

        @pl.when(jj < NBATCH_C // 2 - 1)
        def _():
            wait_o(rows0, os0)
            gat(b0 + 2, rows0, gs0)

        wait_g(rows1, gs1)
        out(b0 + 1, rows1, os1)
        return carry

    lax.fori_loop(0, NBATCH_C // 2, body, 0)
    wait_o(rows0, os0)
    wait_o(rows1, os1)


@functools.cache
def _gather():
    mesh = plsc.VectorSubcoreMesh(core_axis_name="c", subcore_axis_name="s")
    return pl.kernel(
        _gather_body,
        out_type=jax.ShapeDtypeStruct((CH, F), jnp.float32),
        mesh=mesh,
        scratch_types=[
            pltpu.VMEM((EPT_C,), jnp.int32),
            pltpu.VMEM((BATCH, F), jnp.float32),
            pltpu.VMEM((BATCH, F), jnp.float32),
            pltpu.SemaphoreType.DMA,
            pltpu.SemaphoreType.DMA,
            pltpu.SemaphoreType.DMA,
            pltpu.SemaphoreType.DMA,
        ],
    )



def _scatter_body(m_hbm, recv3_hbm, zeros_hbm, out_hbm, ridx_v, m0, m1,
                  ls0, ls1, ss0, ss1, acc_sh):
    c = lax.axis_index("c")
    s = lax.axis_index("s")
    wid = c * NS + s
    base = wid * EPT_C
    row0 = s * RPT
    pltpu.sync_copy(zeros_hbm.at[pl.ds(row0, RPT)], acc_sh.at[pl.ds(row0, RPT)])
    pltpu.sync_copy(recv3_hbm.at[wid], ridx_v)
    plsc.subcore_barrier()

    def load(b, buf, sem):
        off = pl.multiple_of(b * BATCH, BATCH)
        pltpu.async_copy(m_hbm.at[pl.ds(base + off, BATCH)], buf, sem)

    def scat(b, buf, sem):
        pltpu.async_copy(buf, acc_sh.at[ridx_v.at[b]], sem, add=True)

    def wait_l(buf, sem):
        pltpu.make_async_copy(m_hbm.at[pl.ds(base, BATCH)], buf, sem).wait()

    def wait_s(buf, sem):
        pltpu.make_async_copy(buf, acc_sh.at[ridx_v.at[0]], sem).wait()

    load(0, m0, ls0)

    def body(jj, carry):
        b0 = jj * 2

        @pl.when(jj > 0)
        def _():
            wait_s(m1, ss1)

        load(b0 + 1, m1, ls1)
        wait_l(m0, ls0)
        scat(b0, m0, ss0)

        @pl.when(jj < NBATCH_C // 2 - 1)
        def _():
            wait_s(m0, ss0)
            load(b0 + 2, m0, ls0)

        wait_l(m1, ls1)
        scat(b0 + 1, m1, ss1)
        return carry

    lax.fori_loop(0, NBATCH_C // 2, body, 0)
    wait_s(m0, ss0)
    wait_s(m1, ss1)
    plsc.subcore_barrier()
    pltpu.sync_copy(acc_sh.at[pl.ds(row0, RPT)], out_hbm.at[c, pl.ds(row0, RPT)])


@functools.cache
def _scatter():
    mesh = plsc.VectorSubcoreMesh(core_axis_name="c", subcore_axis_name="s")
    return pl.kernel(
        _scatter_body,
        out_type=jax.ShapeDtypeStruct((NC, N_PAD, F), jnp.float32),
        mesh=mesh,
        scratch_types=[
            pltpu.VMEM((NBATCH_C, BATCH), jnp.int32),
            pltpu.VMEM((BATCH, F), jnp.float32),
            pltpu.VMEM((BATCH, F), jnp.float32),
            pltpu.SemaphoreType.DMA,
            pltpu.SemaphoreType.DMA,
            pltpu.SemaphoreType.DMA,
            pltpu.SemaphoreType.DMA,
            pltpu.VMEM_SHARED((N_PAD, F), jnp.float32),
        ],
    )



def _edge_body(vect_ref, radt_ref, h_ref, wr1t_ref, br1_ref, wr2t_ref,
               br2_ref, exp_ref, wlin_ref, m_ref):
    vt = vect_ref[...]
    r = jnp.sqrt(jnp.sum(vt * vt, axis=0, keepdims=True)) + 1e-8
    ut = vt / r
    x, y, z = ut[0:1, :], ut[1:2, :], ut[2:3, :]
    yht = jnp.concatenate([
        jnp.ones_like(x), x, y, z,
        x * y, y * z, 3.0 * z * z - 1.0, x * z, x * x - y * y,
    ], axis=0)
    rht = jnp.dot(wr1t_ref[...], radt_ref[...],
                  preferred_element_type=jnp.float32) + br1_ref[...]
    rht = rht * jax.nn.sigmoid(rht)
    rwt = jnp.dot(wr2t_ref[...], rht,
                  preferred_element_type=jnp.float32) + br2_ref[...]
    cct = yht * rwt
    cc = cct.astype(jnp.bfloat16).T
    h = h_ref[...].astype(jnp.bfloat16)
    x = jnp.concatenate([h * cc[:, lm:lm + 1] for lm in range(SHD)],
                        axis=1)
    acc = jnp.dot(x, wlin_ref[...], preferred_element_type=jnp.float32)
    m_ref[...] = acc * (1.0 / jnp.sqrt(AVG))


def _edge_call(vec_p, rad_p, h, wr1, br1, wr2, br2, wlin):
    grid = CH // BE
    exp9 = jnp.kron(jnp.eye(SHD, dtype=jnp.bfloat16),
                    jnp.ones((1, F), jnp.bfloat16))
    return pl.pallas_call(
        _edge_body,
        grid=(grid,),
        in_specs=[
            pl.BlockSpec((3, BE), lambda i: (0, i)),
            pl.BlockSpec((NB, BE), lambda i: (0, i)),
            pl.BlockSpec((BE, F), lambda i: (i, 0)),
            pl.BlockSpec((64, NB), lambda i: (0, 0)),
            pl.BlockSpec((64, 1), lambda i: (0, 0)),
            pl.BlockSpec((SHD, 64), lambda i: (0, 0)),
            pl.BlockSpec((SHD, 1), lambda i: (0, 0)),
            pl.BlockSpec((SHD, SHD * F), lambda i: (0, 0)),
            pl.BlockSpec((SHD * F, F), lambda i: (0, 0)),
        ],
        out_specs=pl.BlockSpec((BE, F), lambda i: (i, 0)),
        out_shape=jax.ShapeDtypeStruct((CH, F), jnp.float32),
    )(vec_p.T, rad_p.T, h, wr1.T, br1.reshape(64, 1), wr2.T,
      br2.reshape(SHD, 1), exp9, wlin.astype(jnp.bfloat16))



def _node_body(p_ref, nf_ref, spec_ref, wskip_ref, wprod_ref, wpl_ref,
               wread_ref, out1_ref, feats_ref):
    agg = jnp.sum(p_ref[...], axis=0)
    spec = spec_ref[...]
    onehot = (spec == lax.broadcasted_iota(jnp.int32, (1, NSPEC), 1)
              ).astype(jnp.float32)
    nf = nf_ref[...]
    skip = jnp.zeros((BN, F), jnp.float32)
    for sp in range(NSPEC):
        skip = skip + onehot[:, sp:sp + 1] * jnp.dot(
            nf, wskip_ref[sp], preferred_element_type=jnp.float32)
    w = jnp.dot(onehot, wprod_ref[...],
                preferred_element_type=jnp.float32)
    pb = jnp.zeros((BN, F), jnp.float32)
    p = agg
    for nu in range(CORR):
        pb = pb + w[:, nu * F:(nu + 1) * F] * p
        p = p * agg
    feats = jnp.dot(pb, wpl_ref[...], preferred_element_type=jnp.float32) + skip
    feats_ref[...] = feats
    out1_ref[...] = jnp.dot(feats, wread_ref[...],
                            preferred_element_type=jnp.float32)


def _node_call(partials, nf, spec2, wskip, wprod2, wpl, wread):
    grid = N // BN
    return pl.pallas_call(
        _node_body,
        grid=(grid,),
        in_specs=[
            pl.BlockSpec((NCHUNK * NC, BN, F), lambda i: (0, i, 0)),
            pl.BlockSpec((BN, F), lambda i: (i, 0)),
            pl.BlockSpec((BN, 1), lambda i: (i, 0)),
            pl.BlockSpec((NSPEC, F, F), lambda i: (0, 0, 0)),
            pl.BlockSpec((NSPEC, CORR * F), lambda i: (0, 0)),
            pl.BlockSpec((F, F), lambda i: (0, 0)),
            pl.BlockSpec((F, 1), lambda i: (0, 0)),
        ],
        out_specs=[
            pl.BlockSpec((BN, 1), lambda i: (i, 0)),
            pl.BlockSpec((BN, F), lambda i: (i, 0)),
        ],
        out_shape=[
            jax.ShapeDtypeStruct((N, 1), jnp.float32),
            jax.ShapeDtypeStruct((N, F), jnp.float32),
        ],
    )(partials, nf, spec2, wskip, wprod2, wpl, wread)



def kernel(vectors, node_feats, node_specie, radial_embedding, senders,
           receivers, W_skip, Wr1, br1, Wr2, br2, W_lin, w_prod, W_prodlin,
           W_read):
    pad = E_PAD - E
    snd = jnp.concatenate(
        [senders.astype(jnp.int32), jnp.zeros((pad,), jnp.int32)])
    rcv = jnp.concatenate(
        [receivers.astype(jnp.int32), jnp.full((pad,), N, jnp.int32)])
    vec_p = jnp.concatenate([vectors, jnp.ones((pad, 3), jnp.float32)])
    rad_p = jnp.concatenate(
        [radial_embedding, jnp.zeros((pad, NB), jnp.float32)])
    zeros = jnp.zeros((N_PAD, F), jnp.float32)

    partials = []
    for k in range(NCHUNK):
        sl = slice(k * CH, (k + 1) * CH)
        h = _gather()(node_feats, snd[sl])
        m = _edge_call(vec_p[sl], rad_p[sl], h, Wr1, br1, Wr2, br2, W_lin)
        recv3 = rcv[sl].reshape(NW, NBATCH_C, BATCH)
        partials.append(_scatter()(m, recv3, zeros))
    out1, feats = _node_call(
        jnp.concatenate(partials, axis=0)[:, :N, :], node_feats,
        node_specie.reshape(N, 1).astype(jnp.int32), W_skip,
        w_prod.reshape(NSPEC, CORR * F), W_prodlin, W_read)
    return out1, feats

# --- scband reference (transcript-rebuilt; emitter-appended) ---
"""Pipeline reference for scband-macelayer-17935783428301 (READ-ONLY COPY).

The authoritative reference and input builder live on the scoring server;
editing this copy changes nothing except your own understanding.
"""

import jax, jax.numpy as jnp
import numpy as np

N = 10000
E = 160000
F = 128
NB = 8
SHD = 9  # (max_ell+1)^2 with max_ell=2
NSPEC = 10
CORR = 3
AVG = 16.0


def _sph(v):
    # real spherical harmonics up to l=2 (unnormalized constants, simplified)
    r = jnp.sqrt(jnp.sum(v * v, axis=-1, keepdims=True)) + 1e-8
    u = v / r
    x, y, z = u[:, 0], u[:, 1], u[:, 2]
    return jnp.stack([
        jnp.ones_like(x),          # l=0
        x, y, z,                   # l=1
        x * y, y * z, 3.0 * z * z - 1.0, x * z, x * x - y * y,  # l=2
    ], axis=-1)


def setup_inputs(seed: int = 0) -> dict:
    key = jax.random.key(seed)
    ks = jax.random.split(key, 16)
    vectors = jax.random.normal(ks[0], (E, 3), dtype=jnp.float32)
    node_feats = jax.random.normal(ks[1], (N, F), dtype=jnp.float32)
    node_specie = jax.random.randint(ks[2], (N,), 0, NSPEC)
    radial_embedding = jax.random.normal(ks[3], (E, NB), dtype=jnp.float32)
    senders = jax.random.randint(ks[4], (E,), 0, N)
    receivers = jax.random.randint(ks[5], (E,), 0, N)

    def s(k, shp, fan):
        return (jax.random.normal(k, shp, dtype=jnp.float32) / np.sqrt(fan)).astype(jnp.float32)

    W_skip = s(ks[6], (NSPEC, F, F), F)           # species-indexed skip linear
    Wr1 = s(ks[7], (NB, 64), NB)
    br1 = jnp.zeros((64,), jnp.float32)
    Wr2 = s(ks[8], (64, SHD), 64)
    br2 = jnp.zeros((SHD,), jnp.float32)
    W_lin = s(ks[9], (SHD * F, F), SHD * F)        # post-aggregation linear
    w_prod = s(ks[10], (NSPEC, CORR, F), 1)        # symmetric product-basis weights
    W_prodlin = s(ks[11], (F, F), F)
    W_read = s(ks[12], (F, 1), F)                  # linear readout (0e output)
    return dict(vectors=vectors, node_feats=node_feats, node_specie=node_specie,
                radial_embedding=radial_embedding, senders=senders, receivers=receivers,
                W_skip=W_skip, Wr1=Wr1, br1=br1, Wr2=Wr2, br2=br2, W_lin=W_lin,
                w_prod=w_prod, W_prodlin=W_prodlin, W_read=W_read)


def reference(vectors, node_feats, node_specie, radial_embedding, senders, receivers,
              W_skip, Wr1, br1, Wr2, br2, W_lin, w_prod, W_prodlin, W_read):
    # self-connection (skip_tp): species-indexed linear
    sc = jnp.einsum('nf,nfg->ng', node_feats, W_skip[node_specie])

    # InteractionBlock: sh(vectors) x gathered node feats, weighted by radial MLP
    Y = _sph(vectors)                                   # [E, SHD]
    Rh = jax.nn.silu(radial_embedding @ Wr1 + br1)
    Rw = Rh @ Wr2 + br2                                 # [E, SHD]
    h_send = jnp.take(node_feats, senders, axis=0)      # gather [E, F]
    cols = []
    for lm in range(SHD):
        coeff = (Y[:, lm] * Rw[:, lm])[:, None]
        cols.append(jax.ops.segment_sum(h_send * coeff, receivers, num_segments=N))
    A = jnp.concatenate(cols, axis=-1)                  # [N, SHD*F]
    feats = (A @ W_lin) / jnp.sqrt(AVG)                 # epsilon is None -> / sqrt(avg_num_neighbors)

    # EquivariantProductBasisBlock: species-indexed symmetric contractions up to correlation=3
    w = w_prod[node_specie]                             # [N, CORR, F]
    pb = jnp.zeros_like(feats)
    p = feats
    for nu in range(CORR):
        pb = pb + w[:, nu, :] * p
        p = p * feats
    feats = pb @ W_prodlin

    feats = feats + sc                                  # residual (first=False)
    node_outputs = feats @ W_read                       # LinearReadoutBlock (last=False)
    return node_outputs, feats

if __name__ == "__main__":
    import jax
    _d = setup_inputs()
    print(jax.jit(kernel)(*tuple(_d.values())))

</pallas_src>

<mosaic_0001>
#map = affine_map<(d0, d1) -> (0, 0)>
#map1 = affine_map<(d0, d1) -> (0)>
module attributes {stable_mosaic.version = 14 : i64} {
  func.func @_gather_body(%arg0: i32, %arg1: i32, %arg2: memref<10000x128xf32, #tpu.memory_space<hbm>>, %arg3: memref<40960xi32, #tpu.memory_space<hbm>>, %arg4: memref<40960x128xf32, #tpu.memory_space<hbm>>, %arg5: memref<1280xi32, #tpu.memory_space<vmem>>, %arg6: memref<128x128xf32, #tpu.memory_space<vmem>>, %arg7: memref<128x128xf32, #tpu.memory_space<vmem>>, %arg8: memref<!tpu.dma_semaphore, #tpu.memory_space<semaphore_mem>>, %arg9: memref<!tpu.dma_semaphore, #tpu.memory_space<semaphore_mem>>, %arg10: memref<!tpu.dma_semaphore, #tpu.memory_space<semaphore_mem>>, %arg11: memref<!tpu.dma_semaphore, #tpu.memory_space<semaphore_mem>>) attributes {dimension_semantics = [#tpu.dimension_semantics<core_parallel>, #tpu.dimension_semantics<subcore_parallel>], iteration_bounds = array<i64: 2, 16>, scalar_prefetch = 0 : i64, scratch_operands = 7 : i64, tpu.core_type = #tpu.core_type<sc_vector_subcore>, window_params = [{transform_indices = #map}, {transform_indices = #map1}, {transform_indices = #map}]} {
    %mul3A = arith.constant 16 : i32
    %mul3A_0 = arith.muli %arg0, %mul3A : i32
    %add3A = arith.addi %mul3A_0, %arg1 : i32
    %mul3A_1 = arith.constant 1280 : i32
    %mul3A_2 = arith.muli %add3A, %mul3A_1 : i32
    "tpu.region"() ({
      %run_scoped3A = tpu.sem_alloc : memref<!tpu.dma_semaphore, #tpu.memory_space<semaphore_mem>>
      %dma_start3A_19 = tpu.memref_slice %arg3[%mul3A_2] : memref<40960xi32, #tpu.memory_space<hbm>> -> memref<1280xi32, #tpu.memory_space<hbm>>
      %dma_start3A_20 = tpu.memref_slice %arg3[%mul3A_2] : memref<40960xi32, #tpu.memory_space<hbm>> -> memref<1280xi32, #tpu.memory_space<hbm>>
      tpu.enqueue_dma source(%dma_start3A_20 : memref<1280xi32, #tpu.memory_space<hbm>>) target(%arg5 : memref<1280xi32, #tpu.memory_space<vmem>>) target_semaphore(%run_scoped3A : memref<!tpu.dma_semaphore, #tpu.memory_space<semaphore_mem>>)
      %dma_wait3A_21 = tpu.memref_slice %arg3[%mul3A_2] : memref<40960xi32, #tpu.memory_space<hbm>> -> memref<1280xi32, #tpu.memory_space<hbm>>
      %dma_wait3A_22 = tpu.memref_slice %arg3[%mul3A_2] : memref<40960xi32, #tpu.memory_space<hbm>> -> memref<1280xi32, #tpu.memory_space<hbm>>
      tpu.wait_dma2 semaphore(%run_scoped3A : memref<!tpu.dma_semaphore, #tpu.memory_space<semaphore_mem>>) src(%dma_wait3A_22 : memref<1280xi32, #tpu.memory_space<hbm>>) dst(%arg5 : memref<1280xi32, #tpu.memory_space<vmem>>)
      tpu.yield
    }) : () -> ()
    %multiple_of3A = arith.constant 0 : i32
    %multiple_of3A_3 = tpu.assume_multiple %multiple_of3A, 128 : i32
    %dma_start3A = tpu.memref_slice %arg5[%multiple_of3A_3] : memref<1280xi32, #tpu.memory_space<vmem>> -> memref<128xi32, #tpu.memory_space<vmem>>
    %dma_start3A_4 = arith.constant 0 : i32
    %dma_start3A_5 = arith.constant 0 : i32
    %dma_start3A_6 = tpu.memref_slice %arg2[%dma_start3A_4, %dma_start3A_5] : memref<10000x128xf32, #tpu.memory_space<hbm>> -> memref<10000x128xf32, #tpu.memory_space<hbm>>
    tpu.enqueue_indirect_dma source(%dma_start3A_6 : memref<10000x128xf32, #tpu.memory_space<hbm>>) target(%arg6 : memref<128x128xf32, #tpu.memory_space<vmem>>) offsets(%dma_start3A : memref<128xi32, #tpu.memory_space<vmem>>) semaphore(%arg8 : memref<!tpu.dma_semaphore, #tpu.memory_space<semaphore_mem>>)
    %scan3A = arith.constant 0 : i32
    %scan3A_7 = arith.constant 0 : i32
    %scan3A_8 = arith.constant 5 : i32
    %scan3A_9 = arith.addi %scan3A_7, %scan3A_8 : i32
    %scan3A_10 = arith.constant 1 : i32
    scf.for %scan3A_19 = %scan3A_7 to %scan3A_9 step %scan3A_10  : i32 {
      %mul3A_20 = arith.constant 2 : i32
      %mul3A_21 = arith.muli %scan3A_19, %mul3A_20 : i32
      %gt3A = arith.constant 0 : i32
      %gt3A_22 = arith.cmpi sgt, %scan3A_19, %gt3A : i32
      %convert_element_type3A = arith.extui %gt3A_22 : i1 to i32
      %cond3A = arith.constant 0 : i32
      %cond3A_23 = arith.cmpi ne, %convert_element_type3A, %cond3A : i32
      scf.if %cond3A_23 {
        %dma_wait3A_65 = arith.constant 0 : i32
        %dma_wait3A_66 = tpu.memref_slice %arg4[%mul3A_2, %dma_wait3A_65] : memref<40960x128xf32, #tpu.memory_space<hbm>> -> memref<128x128xf32, #tpu.memory_space<hbm>>
        %dma_wait3A_67 = arith.constant 0 : i32
        %dma_wait3A_68 = tpu.memref_slice %arg4[%mul3A_2, %dma_wait3A_67] : memref<40960x128xf32, #tpu.memory_space<hbm>> -> memref<128x128xf32, #tpu.memory_space<hbm>>
        tpu.wait_dma2 semaphore(%arg11 : memref<!tpu.dma_semaphore, #tpu.memory_space<semaphore_mem>>) src(%arg7 : memref<128x128xf32, #tpu.memory_space<vmem>>) dst(%dma_wait3A_68 : memref<128x128xf32, #tpu.memory_space<hbm>>)
      } else {
      }
      %add3A_24 = arith.constant 1 : i32
      %add3A_25 = arith.addi %mul3A_21, %add3A_24 : i32
      %mul3A_26 = arith.constant 128 : i32
      %mul3A_27 = arith.muli %add3A_25, %mul3A_26 : i32
      %multiple_of3A_28 = tpu.assume_multiple %mul3A_27, 128 : i32
      %dma_start3A_29 = tpu.memref_slice %arg5[%multiple_of3A_28] : memref<1280xi32, #tpu.memory_space<vmem>> -> memref<128xi32, #tpu.memory_space<vmem>>
      %dma_start3A_30 = arith.constant 0 : i32
      %dma_start3A_31 = arith.constant 0 : i32
      %dma_start3A_32 = tpu.memref_slice %arg2[%dma_start3A_30, %dma_start3A_31] : memref<10000x128xf32, #tpu.memory_space<hbm>> -> memref<10000x128xf32, #tpu.memory_space<hbm>>
      tpu.enqueue_indirect_dma source(%dma_start3A_32 : memref<10000x128xf32, #tpu.memory_space<hbm>>) target(%arg7 : memref<128x128xf32, #tpu.memory_space<vmem>>) offsets(%dma_start3A_29 : memref<128xi32, #tpu.memory_space<vmem>>) semaphore(%arg9 : memref<!tpu.dma_semaphore, #tpu.memory_space<semaphore_mem>>)
      %dma_wait3A_33 = arith.constant 0 : i32
      %dma_wait3A_34 = tpu.memref_slice %arg5[%dma_wait3A_33] : memref<1280xi32, #tpu.memory_space<vmem>> -> memref<128xi32, #tpu.memory_space<vmem>>
      %dma_wait3A_35 = arith.constant 0 : i32
      %dma_wait3A_36 = arith.constant 0 : i32
      %dma_wait3A_37 = tpu.memref_slice %arg2[%dma_wait3A_35, %dma_wait3A_36] : memref<10000x128xf32, #tpu.memory_space<hbm>> -> memref<10000x128xf32, #tpu.memory_space<hbm>>
      tpu.wait_indirect_dma semaphore(%arg8 : memref<!tpu.dma_semaphore, #tpu.memory_space<semaphore_mem>>) src(%dma_wait3A_37 : memref<10000x128xf32, #tpu.memory_space<hbm>>) dst(%arg6 : memref<128x128xf32, #tpu.memory_space<vmem>>)
      %mul3A_38 = arith.constant 128 : i32
      %mul3A_39 = arith.muli %mul3A_21, %mul3A_38 : i32
      %multiple_of3A_40 = tpu.assume_multiple %mul3A_39, 128 : i32
      %add3A_41 = arith.addi %mul3A_2, %multiple_of3A_40 : i32
      %dma_start3A_42 = arith.constant 0 : i32
      %dma_start3A_43 = tpu.memref_slice %arg4[%add3A_41, %dma_start3A_42] : memref<40960x128xf32, #tpu.memory_space<hbm>> -> memref<128x128xf32, #tpu.memory_space<hbm>>
      %dma_start3A_44 = arith.constant 0 : i32
      %dma_start3A_45 = tpu.memref_slice %arg4[%add3A_41, %dma_start3A_44] : memref<40960x128xf32, #tpu.memory_space<hbm>> -> memref<128x128xf32, #tpu.memory_space<hbm>>
      tpu.enqueue_dma source(%arg6 : memref<128x128xf32, #tpu.memory_space<vmem>>) target(%dma_start3A_45 : memref<128x128xf32, #tpu.memory_space<hbm>>) target_semaphore(%arg10 : memref<!tpu.dma_semaphore, #tpu.memory_space<semaphore_mem>>)
      %lt3A = arith.constant 4 : i32
      %lt3A_46 = arith.cmpi slt, %scan3A_19, %lt3A : i32
      %convert_element_type3A_47 = arith.extui %lt3A_46 : i1 to i32
      %cond3A_48 = arith.constant 0 : i32
      %cond3A_49 = arith.cmpi ne, %convert_element_type3A_47, %cond3A_48 : i32
      scf.if %cond3A_49 {
        %dma_wait3A_65 = arith.constant 0 : i32
        %dma_wait3A_66 = tpu.memref_slice %arg4[%mul3A_2, %dma_wait3A_65] : memref<40960x128xf32, #tpu.memory_space<hbm>> -> memref<128x128xf32, #tpu.memory_space<hbm>>
        %dma_wait3A_67 = arith.constant 0 : i32
        %dma_wait3A_68 = tpu.memref_slice %arg4[%mul3A_2, %dma_wait3A_67] : memref<40960x128xf32, #tpu.memory_space<hbm>> -> memref<128x128xf32, #tpu.memory_space<hbm>>
        tpu.wait_dma2 semaphore(%arg10 : memref<!tpu.dma_semaphore, #tpu.memory_space<semaphore_mem>>) src(%arg6 : memref<128x128xf32, #tpu.memory_space<vmem>>) dst(%dma_wait3A_68 : memref<128x128xf32, #tpu.memory_space<hbm>>)
        %add3A_69 = arith.constant 2 : i32
        %add3A_70 = arith.addi %mul3A_21, %add3A_69 : i32
        %mul3A_71 = arith.constant 128 : i32
        %mul3A_72 = arith.muli %add3A_70, %mul3A_71 : i32
        %multiple_of3A_73 = tpu.assume_multiple %mul3A_72, 128 : i32
        %dma_start3A_74 = tpu.memref_slice %arg5[%multiple_of3A_73] : memref<1280xi32, #tpu.memory_space<vmem>> -> memref<128xi32, #tpu.memory_space<vmem>>
        %dma_start3A_75 = arith.constant 0 : i32
        %dma_start3A_76 = arith.constant 0 : i32
        %dma_start3A_77 = tpu.memref_slice %arg2[%dma_start3A_75, %dma_start3A_76] : memref<10000x128xf32, #tpu.memory_space<hbm>> -> memref<10000x128xf32, #tpu.memory_space<hbm>>
        tpu.enqueue_indirect_dma source(%dma_start3A_77 : memref<10000x128xf32, #tpu.memory_space<hbm>>) target(%arg6 : memref<128x128xf32, #tpu.memory_space<vmem>>) offsets(%dma_start3A_74 : memref<128xi32, #tpu.memory_space<vmem>>) semaphore(%arg8 : memref<!tpu.dma_semaphore, #tpu.memory_space<semaphore_mem>>)
      } else {
      }
      %dma_wait3A_50 = arith.constant 0 : i32
      %dma_wait3A_51 = tpu.memref_slice %arg5[%dma_wait3A_50] : memref<1280xi32, #tpu.memory_space<vmem>> -> memref<128xi32, #tpu.memory_space<vmem>>
      %dma_wait3A_52 = arith.constant 0 : i32
      %dma_wait3A_53 = arith.constant 0 : i32
      %dma_wait3A_54 = tpu.memref_slice %arg2[%dma_wait3A_52, %dma_wait3A_53] : memref<10000x128xf32, #tpu.memory_space<hbm>> -> memref<10000x128xf32, #tpu.memory_space<hbm>>
      tpu.wait_indirect_dma semaphore(%arg9 : memref<!tpu.dma_semaphore, #tpu.memory_space<semaphore_mem>>) src(%dma_wait3A_54 : memref<10000x128xf32, #tpu.memory_space<hbm>>) dst(%arg7 : memref<128x128xf32, #tpu.memory_space<vmem>>)
      %add3A_55 = arith.constant 1 : i32
      %add3A_56 = arith.addi %mul3A_21, %add3A_55 : i32
      %mul3A_57 = arith.constant 128 : i32
      %mul3A_58 = arith.muli %add3A_56, %mul3A_57 : i32
      %multiple_of3A_59 = tpu.assume_multiple %mul3A_58, 128 : i32
      %add3A_60 = arith.addi %mul3A_2, %multiple_of3A_59 : i32
      %dma_start3A_61 = arith.constant 0 : i32
      %dma_start3A_62 = tpu.memref_slice %arg4[%add3A_60, %dma_start3A_61] : memref<40960x128xf32, #tpu.memory_space<hbm>> -> memref<128x128xf32, #tpu.memory_space<hbm>>
      %dma_start3A_63 = arith.constant 0 : i32
      %dma_start3A_64 = tpu.memref_slice %arg4[%add3A_60, %dma_start3A_63] : memref<40960x128xf32, #tpu.memory_space<hbm>> -> memref<128x128xf32, #tpu.memory_space<hbm>>
      tpu.enqueue_dma source(%arg7 : memref<128x128xf32, #tpu.memory_space<vmem>>) target(%dma_start3A_64 : memref<128x128xf32, #tpu.memory_space<hbm>>) target_semaphore(%arg11 : memref<!tpu.dma_semaphore, #tpu.memory_space<semaphore_mem>>)
    }
    %scan3A_11 = arith.constant 5 : i32
    %dma_wait3A = arith.constant 0 : i32
    %dma_wait3A_12 = tpu.memref_slice %arg4[%mul3A_2, %dma_wait3A] : memref<40960x128xf32, #tpu.memory_space<hbm>> -> memref<128x128xf32, #tpu.memory_space<hbm>>
    %dma_wait3A_13 = arith.constant 0 : i32
    %dma_wait3A_14 = tpu.memref_slice %arg4[%mul3A_2, %dma_wait3A_13] : memref<40960x128xf32, #tpu.memory_space<hbm>> -> memref<128x128xf32, #tpu.memory_space<hbm>>
    tpu.wait_dma2 semaphore(%arg10 : memref<!tpu.dma_semaphore, #tpu.memory_space<semaphore_mem>>) src(%arg6 : memref<128x128xf32, #tpu.memory_space<vmem>>) dst(%dma_wait3A_14 : memref<128x128xf32, #tpu.memory_space<hbm>>)
    %dma_wait3A_15 = arith.constant 0 : i32
    %dma_wait3A_16 = tpu.memref_slice %arg4[%mul3A_2, %dma_wait3A_15] : memref<40960x128xf32, #tpu.memory_space<hbm>> -> memref<128x128xf32, #tpu.memory_space<hbm>>
    %dma_wait3A_17 = arith.constant 0 : i32
    %dma_wait3A_18 = tpu.memref_slice %arg4[%mul3A_2, %dma_wait3A_17] : memref<40960x128xf32, #tpu.memory_space<hbm>> -> memref<128x128xf32, #tpu.memory_space<hbm>>
    tpu.wait_dma2 semaphore(%arg11 : memref<!tpu.dma_semaphore, #tpu.memory_space<semaphore_mem>>) src(%arg7 : memref<128x128xf32, #tpu.memory_space<vmem>>) dst(%dma_wait3A_18 : memref<128x128xf32, #tpu.memory_space<hbm>>)
    return
  }
}

#map = affine_map<(d0, d1) -> (0, 0)>
#map1 = affine_map<(d0, d1) -> (0)>
module attributes {stable_mosaic.version = 14 : i64} {
  func.func @_gather_body(%arg0: i32, %arg1: i32, %arg2: memref<10000x128xf32, #tpu.memory_space<hbm>>, %arg3: memref<40960xi32, #tpu.memory_space<hbm>>, %arg4: memref<40960x128xf32, #tpu.memory_space<hbm>>, %arg5: memref<1280xi32, #tpu.memory_space<vmem>>, %arg6: memref<128x128xf32, #tpu.memory_space<vmem>>, %arg7: memref<128x128xf32, #tpu.memory_space<vmem>>, %arg8: memref<!tpu.dma_semaphore, #tpu.memory_space<semaphore_mem>>, %arg9: memref<!tpu.dma_semaphore, #tpu.memory_space<semaphore_mem>>, %arg10: memref<!tpu.dma_semaphore, #tpu.memory_space<semaphore_mem>>, %arg11: memref<!tpu.dma_semaphore, #tpu.memory_space<semaphore_mem>>) attributes {dimension_semantics = [#tpu.dimension_semantics<core_parallel>, #tpu.dimension_semantics<subcore_parallel>], iteration_bounds = array<i64: 2, 16>, scalar_prefetch = 0 : i64, scratch_operands = 7 : i64, tpu.core_type = #tpu.core_type<sc_vector_subcore>, window_params = [{transform_indices = #map}, {transform_indices = #map1}, {transform_indices = #map}]} {
    %mul3A = arith.constant 16 : i32
    %mul3A_0 = arith.muli %arg0, %mul3A : i32
    %add3A = arith.addi %mul3A_0, %arg1 : i32
    %mul3A_1 = arith.constant 1280 : i32
    %mul3A_2 = arith.muli %add3A, %mul3A_1 : i32
    "tpu.region"() ({
      %run_scoped3A = tpu.sem_alloc : memref<!tpu.dma_semaphore, #tpu.memory_space<semaphore_mem>>
      %dma_start3A_19 = tpu.memref_slice %arg3[%mul3A_2] : memref<40960xi32, #tpu.memory_space<hbm>> -> memref<1280xi32, #tpu.memory_space<hbm>>
      %dma_start3A_20 = tpu.memref_slice %arg3[%mul3A_2] : memref<40960xi32, #tpu.memory_space<hbm>> -> memref<1280xi32, #tpu.memory_space<hbm>>
      tpu.enqueue_dma source(%dma_start3A_20 : memref<1280xi32, #tpu.memory_space<hbm>>) target(%arg5 : memref<1280xi32, #tpu.memory_space<vmem>>) target_semaphore(%run_scoped3A : memref<!tpu.dma_semaphore, #tpu.memory_space<semaphore_mem>>)
      %dma_wait3A_21 = tpu.memref_slice %arg3[%mul3A_2] : memref<40960xi32, #tpu.memory_space<hbm>> -> memref<1280xi32, #tpu.memory_space<hbm>>
      %dma_wait3A_22 = tpu.memref_slice %arg3[%mul3A_2] : memref<40960xi32, #tpu.memory_space<hbm>> -> memref<1280xi32, #tpu.memory_space<hbm>>
      tpu.wait_dma2 semaphore(%run_scoped3A : memref<!tpu.dma_semaphore, #tpu.memory_space<semaphore_mem>>) src(%dma_wait3A_22 : memref<1280xi32, #tpu.memory_space<hbm>>) dst(%arg5 : memref<1280xi32, #tpu.memory_space<vmem>>)
      tpu.yield
    }) : () -> ()
    %multiple_of3A = arith.constant 0 : i32
    %multiple_of3A_3 = tpu.assume_multiple %multiple_of3A, 128 : i32
    %dma_start3A = tpu.memref_slice %arg5[%multiple_of3A_3] : memref<1280xi32, #tpu.memory_space<vmem>> -> memref<128xi32, #tpu.memory_space<vmem>>
    %dma_start3A_4 = arith.constant 0 : i32
    %dma_start3A_5 = arith.constant 0 : i32
    %dma_start3A_6 = tpu.memref_slice %arg2[%dma_start3A_4, %dma_start3A_5] : memref<10000x128xf32, #tpu.memory_space<hbm>> -> memref<10000x128xf32, #tpu.memory_space<hbm>>
    tpu.enqueue_indirect_dma source(%dma_start3A_6 : memref<10000x128xf32, #tpu.memory_space<hbm>>) target(%arg6 : memref<128x128xf32, #tpu.memory_space<vmem>>) offsets(%dma_start3A : memref<128xi32, #tpu.memory_space<vmem>>) semaphore(%arg8 : memref<!tpu.dma_semaphore, #tpu.memory_space<semaphore_mem>>)
    %scan3A = arith.constant 0 : i32
    %scan3A_7 = arith.constant 0 : i32
    %scan3A_8 = arith.constant 5 : i32
    %scan3A_9 = arith.addi %scan3A_7, %scan3A_8 : i32
    %scan3A_10 = arith.constant 1 : i32
    scf.for %scan3A_19 = %scan3A_7 to %scan3A_9 step %scan3A_10  : i32 {
      %mul3A_20 = arith.constant 2 : i32
      %mul3A_21 = arith.muli %scan3A_19, %mul3A_20 : i32
      %gt3A = arith.constant 0 : i32
      %gt3A_22 = arith.cmpi sgt, %scan3A_19, %gt3A : i32
      %convert_element_type3A = arith.extui %gt3A_22 : i1 to i32
      %cond3A = arith.constant 0 : i32
      %cond3A_23 = arith.cmpi ne, %convert_element_type3A, %cond3A : i32
      scf.if %cond3A_23 {
        %dma_wait3A_65 = arith.constant 0 : i32
        %dma_wait3A_66 = tpu.memref_slice %arg4[%mul3A_2, %dma_wait3A_65] : memref<40960x128xf32, #tpu.memory_space<hbm>> -> memref<128x128xf32, #tpu.memory_space<hbm>>
        %dma_wait3A_67 = arith.constant 0 : i32
        %dma_wait3A_68 = tpu.memref_slice %arg4[%mul3A_2, %dma_wait3A_67] : memref<40960x128xf32, #tpu.memory_space<hbm>> -> memref<128x128xf32, #tpu.memory_space<hbm>>
        tpu.wait_dma2 semaphore(%arg11 : memref<!tpu.dma_semaphore, #tpu.memory_space<semaphore_mem>>) src(%arg7 : memref<128x128xf32, #tpu.memory_space<vmem>>) dst(%dma_wait3A_68 : memref<128x128xf32, #tpu.memory_space<hbm>>)
      } else {
      }
      %add3A_24 = arith.constant 1 : i32
      %add3A_25 = arith.addi %mul3A_21, %add3A_24 : i32
      %mul3A_26 = arith.constant 128 : i32
      %mul3A_27 = arith.muli %add3A_25, %mul3A_26 : i32
      %multiple_of3A_28 = tpu.assume_multiple %mul3A_27, 128 : i32
      %dma_start3A_29 = tpu.memref_slice %arg5[%multiple_of3A_28] : memref<1280xi32, #tpu.memory_space<vmem>> -> memref<128xi32, #tpu.memory_space<vmem>>
      %dma_start3A_30 = arith.constant 0 : i32
      %dma_start3A_31 = arith.constant 0 : i32
      %dma_start3A_32 = tpu.memref_slice %arg2[%dma_start3A_30, %dma_start3A_31] : memref<10000x128xf32, #tpu.memory_space<hbm>> -> memref<10000x128xf32, #tpu.memory_space<hbm>>
      tpu.enqueue_indirect_dma source(%dma_start3A_32 : memref<10000x128xf32, #tpu.memory_space<hbm>>) target(%arg7 : memref<128x128xf32, #tpu.memory_space<vmem>>) offsets(%dma_start3A_29 : memref<128xi32, #tpu.memory_space<vmem>>) semaphore(%arg9 : memref<!tpu.dma_semaphore, #tpu.memory_space<semaphore_mem>>)
      %dma_wait3A_33 = arith.constant 0 : i32
      %dma_wait3A_34 = tpu.memref_slice %arg5[%dma_wait3A_33] : memref<1280xi32, #tpu.memory_space<vmem>> -> memref<128xi32, #tpu.memory_space<vmem>>
      %dma_wait3A_35 = arith.constant 0 : i32
      %dma_wait3A_36 = arith.constant 0 : i32
      %dma_wait3A_37 = tpu.memref_slice %arg2[%dma_wait3A_35, %dma_wait3A_36] : memref<10000x128xf32, #tpu.memory_space<hbm>> -> memref<10000x128xf32, #tpu.memory_space<hbm>>
      tpu.wait_indirect_dma semaphore(%arg8 : memref<!tpu.dma_semaphore, #tpu.memory_space<semaphore_mem>>) src(%dma_wait3A_37 : memref<10000x128xf32, #tpu.memory_space<hbm>>) dst(%arg6 : memref<128x128xf32, #tpu.memory_space<vmem>>)
      %mul3A_38 = arith.constant 128 : i32
      %mul3A_39 = arith.muli %mul3A_21, %mul3A_38 : i32
      %multiple_of3A_40 = tpu.assume_multiple %mul3A_39, 128 : i32
      %add3A_41 = arith.addi %mul3A_2, %multiple_of3A_40 : i32
      %dma_start3A_42 = arith.constant 0 : i32
      %dma_start3A_43 = tpu.memref_slice %arg4[%add3A_41, %dma_start3A_42] : memref<40960x128xf32, #tpu.memory_space<hbm>> -> memref<128x128xf32, #tpu.memory_space<hbm>>
      %dma_start3A_44 = arith.constant 0 : i32
      %dma_start3A_45 = tpu.memref_slice %arg4[%add3A_41, %dma_start3A_44] : memref<40960x128xf32, #tpu.memory_space<hbm>> -> memref<128x128xf32, #tpu.memory_space<hbm>>
      tpu.enqueue_dma source(%arg6 : memref<128x128xf32, #tpu.memory_space<vmem>>) target(%dma_start3A_45 : memref<128x128xf32, #tpu.memory_space<hbm>>) target_semaphore(%arg10 : memref<!tpu.dma_semaphore, #tpu.memory_space<semaphore_mem>>)
      %lt3A = arith.constant 4 : i32
      %lt3A_46 = arith.cmpi slt, %scan3A_19, %lt3A : i32
      %convert_element_type3A_47 = arith.extui %lt3A_46 : i1 to i32
      %cond3A_48 = arith.constant 0 : i32
      %cond3A_49 = arith.cmpi ne, %convert_element_type3A_47, %cond3A_48 : i32
      scf.if %cond3A_49 {
        %dma_wait3A_65 = arith.constant 0 : i32
        %dma_wait3A_66 = tpu.memref_slice %arg4[%mul3A_2, %dma_wait3A_65] : memref<40960x128xf32, #tpu.memory_space<hbm>> -> memref<128x128xf32, #tpu.memory_space<hbm>>
        %dma_wait3A_67 = arith.constant 0 : i32
        %dma_wait3A_68 = tpu.memref_slice %arg4[%mul3A_2, %dma_wait3A_67] : memref<40960x128xf32, #tpu.memory_space<hbm>> -> memref<128x128xf32, #tpu.memory_space<hbm>>
        tpu.wait_dma2 semaphore(%arg10 : memref<!tpu.dma_semaphore, #tpu.memory_space<semaphore_mem>>) src(%arg6 : memref<128x128xf32, #tpu.memory_space<vmem>>) dst(%dma_wait3A_68 : memref<128x128xf32, #tpu.memory_space<hbm>>)
        %add3A_69 = arith.constant 2 : i32
        %add3A_70 = arith.addi %mul3A_21, %add3A_69 : i32
        %mul3A_71 = arith.constant 128 : i32
        %mul3A_72 = arith.muli %add3A_70, %mul3A_71 : i32
        %multiple_of3A_73 = tpu.assume_multiple %mul3A_72, 128 : i32
        %dma_start3A_74 = tpu.memref_slice %arg5[%multiple_of3A_73] : memref<1280xi32, #tpu.memory_space<vmem>> -> memref<128xi32, #tpu.memory_space<vmem>>
        %dma_start3A_75 = arith.constant 0 : i32
        %dma_start3A_76 = arith.constant 0 : i32
        %dma_start3A_77 = tpu.memref_slice %arg2[%dma_start3A_75, %dma_start3A_76] : memref<10000x128xf32, #tpu.memory_space<hbm>> -> memref<10000x128xf32, #tpu.memory_space<hbm>>
        tpu.enqueue_indirect_dma source(%dma_start3A_77 : memref<10000x128xf32, #tpu.memory_space<hbm>>) target(%arg6 : memref<128x128xf32, #tpu.memory_space<vmem>>) offsets(%dma_start3A_74 : memref<128xi32, #tpu.memory_space<vmem>>) semaphore(%arg8 : memref<!tpu.dma_semaphore, #tpu.memory_space<semaphore_mem>>)
      } else {
      }
      %dma_wait3A_50 = arith.constant 0 : i32
      %dma_wait3A_51 = tpu.memref_slice %arg5[%dma_wait3A_50] : memref<1280xi32, #tpu.memory_space<vmem>> -> memref<128xi32, #tpu.memory_space<vmem>>
      %dma_wait3A_52 = arith.constant 0 : i32
      %dma_wait3A_53 = arith.constant 0 : i32
      %dma_wait3A_54 = tpu.memref_slice %arg2[%dma_wait3A_52, %dma_wait3A_53] : memref<10000x128xf32, #tpu.memory_space<hbm>> -> memref<10000x128xf32, #tpu.memory_space<hbm>>
      tpu.wait_indirect_dma semaphore(%arg9 : memref<!tpu.dma_semaphore, #tpu.memory_space<semaphore_mem>>) src(%dma_wait3A_54 : memref<10000x128xf32, #tpu.memory_space<hbm>>) dst(%arg7 : memref<128x128xf32, #tpu.memory_space<vmem>>)
      %add3A_55 = arith.constant 1 : i32
      %add3A_56 = arith.addi %mul3A_21, %add3A_55 : i32
      %mul3A_57 = arith.constant 128 : i32
      %mul3A_58 = arith.muli %add3A_56, %mul3A_57 : i32
      %multiple_of3A_59 = tpu.assume_multiple %mul3A_58, 128 : i32
      %add3A_60 = arith.addi %mul3A_2, %multiple_of3A_59 : i32
      %dma_start3A_61 = arith.constant 0 : i32
      %dma_start3A_62 = tpu.memref_slice %arg4[%add3A_60, %dma_start3A_61] : memref<40960x128xf32, #tpu.memory_space<hbm>> -> memref<128x128xf32, #tpu.memory_space<hbm>>
      %dma_start3A_63 = arith.constant 0 : i32
      %dma_start3A_64 = tpu.memref_slice %arg4[%add3A_60, %dma_start3A_63] : memref<40960x128xf32, #tpu.memory_space<hbm>> -> memref<128x128xf32, #tpu.memory_space<hbm>>
      tpu.enqueue_dma source(%arg7 : memref<128x128xf32, #tpu.memory_space<vmem>>) target(%dma_start3A_64 : memref<128x128xf32, #tpu.memory_space<hbm>>) target_semaphore(%arg11 : memref<!tpu.dma_semaphore, #tpu.memory_space<semaphore_mem>>)
    }
    %scan3A_11 = arith.constant 5 : i32
    %dma_wait3A = arith.constant 0 : i32
    %dma_wait3A_12 = tpu.memref_slice %arg4[%mul3A_2, %dma_wait3A] : memref<40960x128xf32, #tpu.memory_space<hbm>> -> memref<128x128xf32, #tpu.memory_space<hbm>>
    %dma_wait3A_13 = arith.constant 0 : i32
    %dma_wait3A_14 = tpu.memref_slice %arg4[%mul3A_2, %dma_wait3A_13] : memref<40960x128xf32, #tpu.memory_space<hbm>> -> memref<128x128xf32, #tpu.memory_space<hbm>>
    tpu.wait_dma2 semaphore(%arg10 : memref<!tpu.dma_semaphore, #tpu.memory_space<semaphore_mem>>) src(%arg6 : memref<128x128xf32, #tpu.memory_space<vmem>>) dst(%dma_wait3A_14 : memref<128x128xf32, #tpu.memory_space<hbm>>)
    %dma_wait3A_15 = arith.constant 0 : i32
    %dma_wait3A_16 = tpu.memref_slice %arg4[%mul3A_2, %dma_wait3A_15] : memref<40960x128xf32, #tpu.memory_space<hbm>> -> memref<128x128xf32, #tpu.memory_space<hbm>>
    %dma_wait3A_17 = arith.constant 0 : i32
    %dma_wait3A_18 = tpu.memref_slice %arg4[%mul3A_2, %dma_wait3A_17] : memref<40960x128xf32, #tpu.memory_space<hbm>> -> memref<128x128xf32, #tpu.memory_space<hbm>>
    tpu.wait_dma2 semaphore(%arg11 : memref<!tpu.dma_semaphore, #tpu.memory_space<semaphore_mem>>) src(%arg7 : memref<128x128xf32, #tpu.memory_space<vmem>>) dst(%dma_wait3A_18 : memref<128x128xf32, #tpu.memory_space<hbm>>)
    return
  }
}

#map = affine_map<(d0, d1) -> (0, 0)>
#map1 = affine_map<(d0, d1) -> (0)>
module attributes {stable_mosaic.version = 14 : i64} {
  func.func @_gather_body(%arg0: i32, %arg1: i32, %arg2: memref<10000x128xf32, #tpu.memory_space<hbm>>, %arg3: memref<40960xi32, #tpu.memory_space<hbm>>, %arg4: memref<40960x128xf32, #tpu.memory_space<hbm>>, %arg5: memref<1280xi32, #tpu.memory_space<vmem>>, %arg6: memref<128x128xf32, #tpu.memory_space<vmem>>, %arg7: memref<128x128xf32, #tpu.memory_space<vmem>>, %arg8: memref<!tpu.dma_semaphore, #tpu.memory_space<semaphore_mem>>, %arg9: memref<!tpu.dma_semaphore, #tpu.memory_space<semaphore_mem>>, %arg10: memref<!tpu.dma_semaphore, #tpu.memory_space<semaphore_mem>>, %arg11: memref<!tpu.dma_semaphore, #tpu.memory_space<semaphore_mem>>) attributes {dimension_semantics = [#tpu.dimension_semantics<core_parallel>, #tpu.dimension_semantics<subcore_parallel>], iteration_bounds = array<i64: 2, 16>, scalar_prefetch = 0 : i64, scratch_operands = 7 : i64, tpu.core_type = #tpu.core_type<sc_vector_subcore>, window_params = [{transform_indices = #map}, {transform_indices = #map1}, {transform_indices = #map}]} {
    %mul3A = arith.constant 16 : i32
    %mul3A_0 = arith.muli %arg0, %mul3A : i32
    %add3A = arith.addi %mul3A_0, %arg1 : i32
    %mul3A_1 = arith.constant 1280 : i32
    %mul3A_2 = arith.muli %add3A, %mul3A_1 : i32
    "tpu.region"() ({
      %run_scoped3A = tpu.sem_alloc : memref<!tpu.dma_semaphore, #tpu.memory_space<semaphore_mem>>
      %dma_start3A_19 = tpu.memref_slice %arg3[%mul3A_2] : memref<40960xi32, #tpu.memory_space<hbm>> -> memref<1280xi32, #tpu.memory_space<hbm>>
      %dma_start3A_20 = tpu.memref_slice %arg3[%mul3A_2] : memref<40960xi32, #tpu.memory_space<hbm>> -> memref<1280xi32, #tpu.memory_space<hbm>>
      tpu.enqueue_dma source(%dma_start3A_20 : memref<1280xi32, #tpu.memory_space<hbm>>) target(%arg5 : memref<1280xi32, #tpu.memory_space<vmem>>) target_semaphore(%run_scoped3A : memref<!tpu.dma_semaphore, #tpu.memory_space<semaphore_mem>>)
      %dma_wait3A_21 = tpu.memref_slice %arg3[%mul3A_2] : memref<40960xi32, #tpu.memory_space<hbm>> -> memref<1280xi32, #tpu.memory_space<hbm>>
      %dma_wait3A_22 = tpu.memref_slice %arg3[%mul3A_2] : memref<40960xi32, #tpu.memory_space<hbm>> -> memref<1280xi32, #tpu.memory_space<hbm>>
      tpu.wait_dma2 semaphore(%run_scoped3A : memref<!tpu.dma_semaphore, #tpu.memory_space<semaphore_mem>>) src(%dma_wait3A_22 : memref<1280xi32, #tpu.memory_space<hbm>>) dst(%arg5 : memref<1280xi32, #tpu.memory_space<vmem>>)
      tpu.yield
    }) : () -> ()
    %multiple_of3A = arith.constant 0 : i32
    %multiple_of3A_3 = tpu.assume_multiple %multiple_of3A, 128 : i32
    %dma_start3A = tpu.memref_slice %arg5[%multiple_of3A_3] : memref<1280xi32, #tpu.memory_space<vmem>> -> memref<128xi32, #tpu.memory_space<vmem>>
    %dma_start3A_4 = arith.constant 0 : i32
    %dma_start3A_5 = arith.constant 0 : i32
    %dma_start3A_6 = tpu.memref_slice %arg2[%dma_start3A_4, %dma_start3A_5] : memref<10000x128xf32, #tpu.memory_space<hbm>> -> memref<10000x128xf32, #tpu.memory_space<hbm>>
    tpu.enqueue_indirect_dma source(%dma_start3A_6 : memref<10000x128xf32, #tpu.memory_space<hbm>>) target(%arg6 : memref<128x128xf32, #tpu.memory_space<vmem>>) offsets(%dma_start3A : memref<128xi32, #tpu.memory_space<vmem>>) semaphore(%arg8 : memref<!tpu.dma_semaphore, #tpu.memory_space<semaphore_mem>>)
    %scan3A = arith.constant 0 : i32
    %scan3A_7 = arith.constant 0 : i32
    %scan3A_8 = arith.constant 5 : i32
    %scan3A_9 = arith.addi %scan3A_7, %scan3A_8 : i32
    %scan3A_10 = arith.constant 1 : i32
    scf.for %scan3A_19 = %scan3A_7 to %scan3A_9 step %scan3A_10  : i32 {
      %mul3A_20 = arith.constant 2 : i32
      %mul3A_21 = arith.muli %scan3A_19, %mul3A_20 : i32
      %gt3A = arith.constant 0 : i32
      %gt3A_22 = arith.cmpi sgt, %scan3A_19, %gt3A : i32
      %convert_element_type3A = arith.extui %gt3A_22 : i1 to i32
      %cond3A = arith.constant 0 : i32
      %cond3A_23 = arith.cmpi ne, %convert_element_type3A, %cond3A : i32
      scf.if %cond3A_23 {
        %dma_wait3A_65 = arith.constant 0 : i32
        %dma_wait3A_66 = tpu.memref_slice %arg4[%mul3A_2, %dma_wait3A_65] : memref<40960x128xf32, #tpu.memory_space<hbm>> -> memref<128x128xf32, #tpu.memory_space<hbm>>
        %dma_wait3A_67 = arith.constant 0 : i32
        %dma_wait3A_68 = tpu.memref_slice %arg4[%mul3A_2, %dma_wait3A_67] : memref<40960x128xf32, #tpu.memory_space<hbm>> -> memref<128x128xf32, #tpu.memory_space<hbm>>
        tpu.wait_dma2 semaphore(%arg11 : memref<!tpu.dma_semaphore, #tpu.memory_space<semaphore_mem>>) src(%arg7 : memref<128x128xf32, #tpu.memory_space<vmem>>) dst(%dma_wait3A_68 : memref<128x128xf32, #tpu.memory_space<hbm>>)
      } else {
      }
      %add3A_24 = arith.constant 1 : i32
      %add3A_25 = arith.addi %mul3A_21, %add3A_24 : i32
      %mul3A_26 = arith.constant 128 : i32
      %mul3A_27 = arith.muli %add3A_25, %mul3A_26 : i32
      %multiple_of3A_28 = tpu.assume_multiple %mul3A_27, 128 : i32
      %dma_start3A_29 = tpu.memref_slice %arg5[%multiple_of3A_28] : memref<1280xi32, #tpu.memory_space<vmem>> -> memref<128xi32, #tpu.memory_space<vmem>>
      %dma_start3A_30 = arith.constant 0 : i32
      %dma_start3A_31 = arith.constant 0 : i32
      %dma_start3A_32 = tpu.memref_slice %arg2[%dma_start3A_30, %dma_start3A_31] : memref<10000x128xf32, #tpu.memory_space<hbm>> -> memref<10000x128xf32, #tpu.memory_space<hbm>>
      tpu.enqueue_indirect_dma source(%dma_start3A_32 : memref<10000x128xf32, #tpu.memory_space<hbm>>) target(%arg7 : memref<128x128xf32, #tpu.memory_space<vmem>>) offsets(%dma_start3A_29 : memref<128xi32, #tpu.memory_space<vmem>>) semaphore(%arg9 : memref<!tpu.dma_semaphore, #tpu.memory_space<semaphore_mem>>)
      %dma_wait3A_33 = arith.constant 0 : i32
      %dma_wait3A_34 = tpu.memref_slice %arg5[%dma_wait3A_33] : memref<1280xi32, #tpu.memory_space<vmem>> -> memref<128xi32, #tpu.memory_space<vmem>>
      %dma_wait3A_35 = arith.constant 0 : i32
      %dma_wait3A_36 = arith.constant 0 : i32
      %dma_wait3A_37 = tpu.memref_slice %arg2[%dma_wait3A_35, %dma_wait3A_36] : memref<10000x128xf32, #tpu.memory_space<hbm>> -> memref<10000x128xf32, #tpu.memory_space<hbm>>
      tpu.wait_indirect_dma semaphore(%arg8 : memref<!tpu.dma_semaphore, #tpu.memory_space<semaphore_mem>>) src(%dma_wait3A_37 : memref<10000x128xf32, #tpu.memory_space<hbm>>) dst(%arg6 : memref<128x128xf32, #tpu.memory_space<vmem>>)
      %mul3A_38 = arith.constant 128 : i32
      %mul3A_39 = arith.muli %mul3A_21, %mul3A_38 : i32
      %multiple_of3A_40 = tpu.assume_multiple %mul3A_39, 128 : i32
      %add3A_41 = arith.addi %mul3A_2, %multiple_of3A_40 : i32
      %dma_start3A_42 = arith.constant 0 : i32
      %dma_start3A_43 = tpu.memref_slice %arg4[%add3A_41, %dma_start3A_42] : memref<40960x128xf32, #tpu.memory_space<hbm>> -> memref<128x128xf32, #tpu.memory_space<hbm>>
      %dma_start3A_44 = arith.constant 0 : i32
      %dma_start3A_45 = tpu.memref_slice %arg4[%add3A_41, %dma_start3A_44] : memref<40960x128xf32, #tpu.memory_space<hbm>> -> memref<128x128xf32, #tpu.memory_space<hbm>>
      tpu.enqueue_dma source(%arg6 : memref<128x128xf32, #tpu.memory_space<vmem>>) target(%dma_start3A_45 : memref<128x128xf32, #tpu.memory_space<hbm>>) target_semaphore(%arg10 : memref<!tpu.dma_semaphore, #tpu.memory_space<semaphore_mem>>)
      %lt3A = arith.constant 4 : i32
      %lt3A_46 = arith.cmpi slt, %scan3A_19, %lt3A : i32
      %convert_element_type3A_47 = arith.extui %lt3A_46 : i1 to i32
      %cond3A_48 = arith.constant 0 : i32
      %cond3A_49 = arith.cmpi ne, %convert_element_type3A_47, %cond3A_48 : i32
      scf.if %cond3A_49 {
        %dma_wait3A_65 = arith.constant 0 : i32
        %dma_wait3A_66 = tpu.memref_slice %arg4[%mul3A_2, %dma_wait3A_65] : memref<40960x128xf32, #tpu.memory_space<hbm>> -> memref<128x128xf32, #tpu.memory_space<hbm>>
        %dma_wait3A_67 = arith.constant 0 : i32
        %dma_wait3A_68 = tpu.memref_slice %arg4[%mul3A_2, %dma_wait3A_67] : memref<40960x128xf32, #tpu.memory_space<hbm>> -> memref<128x128xf32, #tpu.memory_space<hbm>>
        tpu.wait_dma2 semaphore(%arg10 : memref<!tpu.dma_semaphore, #tpu.memory_space<semaphore_mem>>) src(%arg6 : memref<128x128xf32, #tpu.memory_space<vmem>>) dst(%dma_wait3A_68 : memref<128x128xf32, #tpu.memory_space<hbm>>)
        %add3A_69 = arith.constant 2 : i32
        %add3A_70 = arith.addi %mul3A_21, %add3A_69 : i32
        %mul3A_71 = arith.constant 128 : i32
        %mul3A_72 = arith.muli %add3A_70, %mul3A_71 : i32
        %multiple_of3A_73 = tpu.assume_multiple %mul3A_72, 128 : i32
        %dma_start3A_74 = tpu.memref_slice %arg5[%multiple_of3A_73] : memref<1280xi32, #tpu.memory_space<vmem>> -> memref<128xi32, #tpu.memory_space<vmem>>
        %dma_start3A_75 = arith.constant 0 : i32
        %dma_start3A_76 = arith.constant 0 : i32
        %dma_start3A_77 = tpu.memref_slice %arg2[%dma_start3A_75, %dma_start3A_76] : memref<10000x128xf32, #tpu.memory_space<hbm>> -> memref<10000x128xf32, #tpu.memory_space<hbm>>
        tpu.enqueue_indirect_dma source(%dma_start3A_77 : memref<10000x128xf32, #tpu.memory_space<hbm>>) target(%arg6 : memref<128x128xf32, #tpu.memory_space<vmem>>) offsets(%dma_start3A_74 : memref<128xi32, #tpu.memory_space<vmem>>) semaphore(%arg8 : memref<!tpu.dma_semaphore, #tpu.memory_space<semaphore_mem>>)
      } else {
      }
      %dma_wait3A_50 = arith.constant 0 : i32
      %dma_wait3A_51 = tpu.memref_slice %arg5[%dma_wait3A_50] : memref<1280xi32, #tpu.memory_space<vmem>> -> memref<128xi32, #tpu.memory_space<vmem>>
      %dma_wait3A_52 = arith.constant 0 : i32
      %dma_wait3A_53 = arith.constant 0 : i32
      %dma_wait3A_54 = tpu.memref_slice %arg2[%dma_wait3A_52, %dma_wait3A_53] : memref<10000x128xf32, #tpu.memory_space<hbm>> -> memref<10000x128xf32, #tpu.memory_space<hbm>>
      tpu.wait_indirect_dma semaphore(%arg9 : memref<!tpu.dma_semaphore, #tpu.memory_space<semaphore_mem>>) src(%dma_wait3A_54 : memref<10000x128xf32, #tpu.memory_space<hbm>>) dst(%arg7 : memref<128x128xf32, #tpu.memory_space<vmem>>)
      %add3A_55 = arith.constant 1 : i32
      %add3A_56 = arith.addi %mul3A_21, %add3A_55 : i32
      %mul3A_57 = arith.constant 128 : i32
      %mul3A_58 = arith.muli %add3A_56, %mul3A_57 : i32
      %multiple_of3A_59 = tpu.assume_multiple %mul3A_58, 128 : i32
      %add3A_60 = arith.addi %mul3A_2, %multiple_of3A_59 : i32
      %dma_start3A_61 = arith.constant 0 : i32
      %dma_start3A_62 = tpu.memref_slice %arg4[%add3A_60, %dma_start3A_61] : memref<40960x128xf32, #tpu.memory_space<hbm>> -> memref<128x128xf32, #tpu.memory_space<hbm>>
      %dma_start3A_63 = arith.constant 0 : i32
      %dma_start3A_64 = tpu.memref_slice %arg4[%add3A_60, %dma_start3A_63] : memref<40960x128xf32, #tpu.memory_space<hbm>> -> memref<128x128xf32, #tpu.memory_space<hbm>>
      tpu.enqueue_dma source(%arg7 : memref<128x128xf32, #tpu.memory_space<vmem>>) target(%dma_start3A_64 : memref<128x128xf32, #tpu.memory_space<hbm>>) target_semaphore(%arg11 : memref<!tpu.dma_semaphore, #tpu.memory_space<semaphore_mem>>)
    }
    %scan3A_11 = arith.constant 5 : i32
    %dma_wait3A = arith.constant 0 : i32
    %dma_wait3A_12 = tpu.memref_slice %arg4[%mul3A_2, %dma_wait3A] : memref<40960x128xf32, #tpu.memory_space<hbm>> -> memref<128x128xf32, #tpu.memory_space<hbm>>
    %dma_wait3A_13 = arith.constant 0 : i32
    %dma_wait3A_14 = tpu.memref_slice %arg4[%mul3A_2, %dma_wait3A_13] : memref<40960x128xf32, #tpu.memory_space<hbm>> -> memref<128x128xf32, #tpu.memory_space<hbm>>
    tpu.wait_dma2 semaphore(%arg10 : memref<!tpu.dma_semaphore, #tpu.memory_space<semaphore_mem>>) src(%arg6 : memref<128x128xf32, #tpu.memory_space<vmem>>) dst(%dma_wait3A_14 : memref<128x128xf32, #tpu.memory_space<hbm>>)
    %dma_wait3A_15 = arith.constant 0 : i32
    %dma_wait3A_16 = tpu.memref_slice %arg4[%mul3A_2, %dma_wait3A_15] : memref<40960x128xf32, #tpu.memory_space<hbm>> -> memref<128x128xf32, #tpu.memory_space<hbm>>
    %dma_wait3A_17 = arith.constant 0 : i32
    %dma_wait3A_18 = tpu.memref_slice %arg4[%mul3A_2, %dma_wait3A_17] : memref<40960x128xf32, #tpu.memory_space<hbm>> -> memref<128x128xf32, #tpu.memory_space<hbm>>
    tpu.wait_dma2 semaphore(%arg11 : memref<!tpu.dma_semaphore, #tpu.memory_space<semaphore_mem>>) src(%arg7 : memref<128x128xf32, #tpu.memory_space<vmem>>) dst(%dma_wait3A_18 : memref<128x128xf32, #tpu.memory_space<hbm>>)
    return
  }
}

#map = affine_map<(d0, d1) -> (0, 0)>
#map1 = affine_map<(d0, d1) -> (0)>
module attributes {stable_mosaic.version = 14 : i64} {
  func.func @_gather_body(%arg0: i32, %arg1: i32, %arg2: memref<10000x128xf32, #tpu.memory_space<hbm>>, %arg3: memref<40960xi32, #tpu.memory_space<hbm>>, %arg4: memref<40960x128xf32, #tpu.memory_space<hbm>>, %arg5: memref<1280xi32, #tpu.memory_space<vmem>>, %arg6: memref<128x128xf32, #tpu.memory_space<vmem>>, %arg7: memref<128x128xf32, #tpu.memory_space<vmem>>, %arg8: memref<!tpu.dma_semaphore, #tpu.memory_space<semaphore_mem>>, %arg9: memref<!tpu.dma_semaphore, #tpu.memory_space<semaphore_mem>>, %arg10: memref<!tpu.dma_semaphore, #tpu.memory_space<semaphore_mem>>, %arg11: memref<!tpu.dma_semaphore, #tpu.memory_space<semaphore_mem>>) attributes {dimension_semantics = [#tpu.dimension_semantics<core_parallel>, #tpu.dimension_semantics<subcore_parallel>], iteration_bounds = array<i64: 2, 16>, scalar_prefetch = 0 : i64, scratch_operands = 7 : i64, tpu.core_type = #tpu.core_type<sc_vector_subcore>, window_params = [{transform_indices = #map}, {transform_indices = #map1}, {transform_indices = #map}]} {
    %mul3A = arith.constant 16 : i32
    %mul3A_0 = arith.muli %arg0, %mul3A : i32
    %add3A = arith.addi %mul3A_0, %arg1 : i32
    %mul3A_1 = arith.constant 1280 : i32
    %mul3A_2 = arith.muli %add3A, %mul3A_1 : i32
    "tpu.region"() ({
      %run_scoped3A = tpu.sem_alloc : memref<!tpu.dma_semaphore, #tpu.memory_space<semaphore_mem>>
      %dma_start3A_19 = tpu.memref_slice %arg3[%mul3A_2] : memref<40960xi32, #tpu.memory_space<hbm>> -> memref<1280xi32, #tpu.memory_space<hbm>>
      %dma_start3A_20 = tpu.memref_slice %arg3[%mul3A_2] : memref<40960xi32, #tpu.memory_space<hbm>> -> memref<1280xi32, #tpu.memory_space<hbm>>
      tpu.enqueue_dma source(%dma_start3A_20 : memref<1280xi32, #tpu.memory_space<hbm>>) target(%arg5 : memref<1280xi32, #tpu.memory_space<vmem>>) target_semaphore(%run_scoped3A : memref<!tpu.dma_semaphore, #tpu.memory_space<semaphore_mem>>)
      %dma_wait3A_21 = tpu.memref_slice %arg3[%mul3A_2] : memref<40960xi32, #tpu.memory_space<hbm>> -> memref<1280xi32, #tpu.memory_space<hbm>>
      %dma_wait3A_22 = tpu.memref_slice %arg3[%mul3A_2] : memref<40960xi32, #tpu.memory_space<hbm>> -> memref<1280xi32, #tpu.memory_space<hbm>>
      tpu.wait_dma2 semaphore(%run_scoped3A : memref<!tpu.dma_semaphore, #tpu.memory_space<semaphore_mem>>) src(%dma_wait3A_22 : memref<1280xi32, #tpu.memory_space<hbm>>) dst(%arg5 : memref<1280xi32, #tpu.memory_space<vmem>>)
      tpu.yield
    }) : () -> ()
    %multiple_of3A = arith.constant 0 : i32
    %multiple_of3A_3 = tpu.assume_multiple %multiple_of3A, 128 : i32
    %dma_start3A = tpu.memref_slice %arg5[%multiple_of3A_3] : memref<1280xi32, #tpu.memory_space<vmem>> -> memref<128xi32, #tpu.memory_space<vmem>>
    %dma_start3A_4 = arith.constant 0 : i32
    %dma_start3A_5 = arith.constant 0 : i32
    %dma_start3A_6 = tpu.memref_slice %arg2[%dma_start3A_4, %dma_start3A_5] : memref<10000x128xf32, #tpu.memory_space<hbm>> -> memref<10000x128xf32, #tpu.memory_space<hbm>>
    tpu.enqueue_indirect_dma source(%dma_start3A_6 : memref<10000x128xf32, #tpu.memory_space<hbm>>) target(%arg6 : memref<128x128xf32, #tpu.memory_space<vmem>>) offsets(%dma_start3A : memref<128xi32, #tpu.memory_space<vmem>>) semaphore(%arg8 : memref<!tpu.dma_semaphore, #tpu.memory_space<semaphore_mem>>)
    %scan3A = arith.constant 0 : i32
    %scan3A_7 = arith.constant 0 : i32
    %scan3A_8 = arith.constant 5 : i32
    %scan3A_9 = arith.addi %scan3A_7, %scan3A_8 : i32
    %scan3A_10 = arith.constant 1 : i32
    scf.for %scan3A_19 = %scan3A_7 to %scan3A_9 step %scan3A_10  : i32 {
      %mul3A_20 = arith.constant 2 : i32
      %mul3A_21 = arith.muli %scan3A_19, %mul3A_20 : i32
      %gt3A = arith.constant 0 : i32
      %gt3A_22 = arith.cmpi sgt, %scan3A_19, %gt3A : i32
      %convert_element_type3A = arith.extui %gt3A_22 : i1 to i32
      %cond3A = arith.constant 0 : i32
      %cond3A_23 = arith.cmpi ne, %convert_element_type3A, %cond3A : i32
      scf.if %cond3A_23 {
        %dma_wait3A_65 = arith.constant 0 : i32
        %dma_wait3A_66 = tpu.memref_slice %arg4[%mul3A_2, %dma_wait3A_65] : memref<40960x128xf32, #tpu.memory_space<hbm>> -> memref<128x128xf32, #tpu.memory_space<hbm>>
        %dma_wait3A_67 = arith.constant 0 : i32
        %dma_wait3A_68 = tpu.memref_slice %arg4[%mul3A_2, %dma_wait3A_67] : memref<40960x128xf32, #tpu.memory_space<hbm>> -> memref<128x128xf32, #tpu.memory_space<hbm>>
        tpu.wait_dma2 semaphore(%arg11 : memref<!tpu.dma_semaphore, #tpu.memory_space<semaphore_mem>>) src(%arg7 : memref<128x128xf32, #tpu.memory_space<vmem>>) dst(%dma_wait3A_68 : memref<128x128xf32, #tpu.memory_space<hbm>>)
      } else {
      }
      %add3A_24 = arith.constant 1 : i32
      %add3A_25 = arith.addi %mul3A_21, %add3A_24 : i32
      %mul3A_26 = arith.constant 128 : i32
      %mul3A_27 = arith.muli %add3A_25, %mul3A_26 : i32
      %multiple_of3A_28 = tpu.assume_multiple %mul3A_27, 128 : i32
      %dma_start3A_29 = tpu.memref_slice %arg5[%multiple_of3A_28] : memref<1280xi32, #tpu.memory_space<vmem>> -> memref<128xi32, #tpu.memory_space<vmem>>
      %dma_start3A_30 = arith.constant 0 : i32
      %dma_start3A_31 = arith.constant 0 : i32
      %dma_start3A_32 = tpu.memref_slice %arg2[%dma_start3A_30, %dma_start3A_31] : memref<10000x128xf32, #tpu.memory_space<hbm>> -> memref<10000x128xf32, #tpu.memory_space<hbm>>
      tpu.enqueue_indirect_dma source(%dma_start3A_32 : memref<10000x128xf32, #tpu.memory_space<hbm>>) target(%arg7 : memref<128x128xf32, #tpu.memory_space<vmem>>) offsets(%dma_start3A_29 : memref<128xi32, #tpu.memory_space<vmem>>) semaphore(%arg9 : memref<!tpu.dma_semaphore, #tpu.memory_space<semaphore_mem>>)
      %dma_wait3A_33 = arith.constant 0 : i32
      %dma_wait3A_34 = tpu.memref_slice %arg5[%dma_wait3A_33] : memref<1280xi32, #tpu.memory_space<vmem>> -> memref<128xi32, #tpu.memory_space<vmem>>
      %dma_wait3A_35 = arith.constant 0 : i32
      %dma_wait3A_36 = arith.constant 0 : i32
      %dma_wait3A_37 = tpu.memref_slice %arg2[%dma_wait3A_35, %dma_wait3A_36] : memref<10000x128xf32, #tpu.memory_space<hbm>> -> memref<10000x128xf32, #tpu.memory_space<hbm>>
      tpu.wait_indirect_dma semaphore(%arg8 : memref<!tpu.dma_semaphore, #tpu.memory_space<semaphore_mem>>) src(%dma_wait3A_37 : memref<10000x128xf32, #tpu.memory_space<hbm>>) dst(%arg6 : memref<128x128xf32, #tpu.memory_space<vmem>>)
      %mul3A_38 = arith.constant 128 : i32
      %mul3A_39 = arith.muli %mul3A_21, %mul3A_38 : i32
      %multiple_of3A_40 = tpu.assume_multiple %mul3A_39, 128 : i32
      %add3A_41 = arith.addi %mul3A_2, %multiple_of3A_40 : i32
      %dma_start3A_42 = arith.constant 0 : i32
      %dma_start3A_43 = tpu.memref_slice %arg4[%add3A_41, %dma_start3A_42] : memref<40960x128xf32, #tpu.memory_space<hbm>> -> memref<128x128xf32, #tpu.memory_space<hbm>>
      %dma_start3A_44 = arith.constant 0 : i32
      %dma_start3A_45 = tpu.memref_slice %arg4[%add3A_41, %dma_start3A_44] : memref<40960x128xf32, #tpu.memory_space<hbm>> -> memref<128x128xf32, #tpu.memory_space<hbm>>
      tpu.enqueue_dma source(%arg6 : memref<128x128xf32, #tpu.memory_space<vmem>>) target(%dma_start3A_45 : memref<128x128xf32, #tpu.memory_space<hbm>>) target_semaphore(%arg10 : memref<!tpu.dma_semaphore, #tpu.memory_space<semaphore_mem>>)
      %lt3A = arith.constant 4 : i32
      %lt3A_46 = arith.cmpi slt, %scan3A_19, %lt3A : i32
      %convert_element_type3A_47 = arith.extui %lt3A_46 : i1 to i32
      %cond3A_48 = arith.constant 0 : i32
      %cond3A_49 = arith.cmpi ne, %convert_element_type3A_47, %cond3A_48 : i32
      scf.if %cond3A_49 {
        %dma_wait3A_65 = arith.constant 0 : i32
        %dma_wait3A_66 = tpu.memref_slice %arg4[%mul3A_2, %dma_wait3A_65] : memref<40960x128xf32, #tpu.memory_space<hbm>> -> memref<128x128xf32, #tpu.memory_space<hbm>>
        %dma_wait3A_67 = arith.constant 0 : i32
        %dma_wait3A_68 = tpu.memref_slice %arg4[%mul3A_2, %dma_wait3A_67] : memref<40960x128xf32, #tpu.memory_space<hbm>> -> memref<128x128xf32, #tpu.memory_space<hbm>>
        tpu.wait_dma2 semaphore(%arg10 : memref<!tpu.dma_semaphore, #tpu.memory_space<semaphore_mem>>) src(%arg6 : memref<128x128xf32, #tpu.memory_space<vmem>>) dst(%dma_wait3A_68 : memref<128x128xf32, #tpu.memory_space<hbm>>)
        %add3A_69 = arith.constant 2 : i32
        %add3A_70 = arith.addi %mul3A_21, %add3A_69 : i32
        %mul3A_71 = arith.constant 128 : i32
        %mul3A_72 = arith.muli %add3A_70, %mul3A_71 : i32
        %multiple_of3A_73 = tpu.assume_multiple %mul3A_72, 128 : i32
        %dma_start3A_74 = tpu.memref_slice %arg5[%multiple_of3A_73] : memref<1280xi32, #tpu.memory_space<vmem>> -> memref<128xi32, #tpu.memory_space<vmem>>
        %dma_start3A_75 = arith.constant 0 : i32
        %dma_start3A_76 = arith.constant 0 : i32
        %dma_start3A_77 = tpu.memref_slice %arg2[%dma_start3A_75, %dma_start3A_76] : memref<10000x128xf32, #tpu.memory_space<hbm>> -> memref<10000x128xf32, #tpu.memory_space<hbm>>
        tpu.enqueue_indirect_dma source(%dma_start3A_77 : memref<10000x128xf32, #tpu.memory_space<hbm>>) target(%arg6 : memref<128x128xf32, #tpu.memory_space<vmem>>) offsets(%dma_start3A_74 : memref<128xi32, #tpu.memory_space<vmem>>) semaphore(%arg8 : memref<!tpu.dma_semaphore, #tpu.memory_space<semaphore_mem>>)
      } else {
      }
      %dma_wait3A_50 = arith.constant 0 : i32
      %dma_wait3A_51 = tpu.memref_slice %arg5[%dma_wait3A_50] : memref<1280xi32, #tpu.memory_space<vmem>> -> memref<128xi32, #tpu.memory_space<vmem>>
      %dma_wait3A_52 = arith.constant 0 : i32
      %dma_wait3A_53 = arith.constant 0 : i32
      %dma_wait3A_54 = tpu.memref_slice %arg2[%dma_wait3A_52, %dma_wait3A_53] : memref<10000x128xf32, #tpu.memory_space<hbm>> -> memref<10000x128xf32, #tpu.memory_space<hbm>>
      tpu.wait_indirect_dma semaphore(%arg9 : memref<!tpu.dma_semaphore, #tpu.memory_space<semaphore_mem>>) src(%dma_wait3A_54 : memref<10000x128xf32, #tpu.memory_space<hbm>>) dst(%arg7 : memref<128x128xf32, #tpu.memory_space<vmem>>)
      %add3A_55 = arith.constant 1 : i32
      %add3A_56 = arith.addi %mul3A_21, %add3A_55 : i32
      %mul3A_57 = arith.constant 128 : i32
      %mul3A_58 = arith.muli %add3A_56, %mul3A_57 : i32
      %multiple_of3A_59 = tpu.assume_multiple %mul3A_58, 128 : i32
      %add3A_60 = arith.addi %mul3A_2, %multiple_of3A_59 : i32
      %dma_start3A_61 = arith.constant 0 : i32
      %dma_start3A_62 = tpu.memref_slice %arg4[%add3A_60, %dma_start3A_61] : memref<40960x128xf32, #tpu.memory_space<hbm>> -> memref<128x128xf32, #tpu.memory_space<hbm>>
      %dma_start3A_63 = arith.constant 0 : i32
      %dma_start3A_64 = tpu.memref_slice %arg4[%add3A_60, %dma_start3A_63] : memref<40960x128xf32, #tpu.memory_space<hbm>> -> memref<128x128xf32, #tpu.memory_space<hbm>>
      tpu.enqueue_dma source(%arg7 : memref<128x128xf32, #tpu.memory_space<vmem>>) target(%dma_start3A_64 : memref<128x128xf32, #tpu.memory_space<hbm>>) target_semaphore(%arg11 : memref<!tpu.dma_semaphore, #tpu.memory_space<semaphore_mem>>)
    }
    %scan3A_11 = arith.constant 5 : i32
    %dma_wait3A = arith.constant 0 : i32
    %dma_wait3A_12 = tpu.memref_slice %arg4[%mul3A_2, %dma_wait3A] : memref<40960x128xf32, #tpu.memory_space<hbm>> -> memref<128x128xf32, #tpu.memory_space<hbm>>
    %dma_wait3A_13 = arith.constant 0 : i32
    %dma_wait3A_14 = tpu.memref_slice %arg4[%mul3A_2, %dma_wait3A_13] : memref<40960x128xf32, #tpu.memory_space<hbm>> -> memref<128x128xf32, #tpu.memory_space<hbm>>
    tpu.wait_dma2 semaphore(%arg10 : memref<!tpu.dma_semaphore, #tpu.memory_space<semaphore_mem>>) src(%arg6 : memref<128x128xf32, #tpu.memory_space<vmem>>) dst(%dma_wait3A_14 : memref<128x128xf32, #tpu.memory_space<hbm>>)
    %dma_wait3A_15 = arith.constant 0 : i32
    %dma_wait3A_16 = tpu.memref_slice %arg4[%mul3A_2, %dma_wait3A_15] : memref<40960x128xf32, #tpu.memory_space<hbm>> -> memref<128x128xf32, #tpu.memory_space<hbm>>
    %dma_wait3A_17 = arith.constant 0 : i32
    %dma_wait3A_18 = tpu.memref_slice %arg4[%mul3A_2, %dma_wait3A_17] : memref<40960x128xf32, #tpu.memory_space<hbm>> -> memref<128x128xf32, #tpu.memory_space<hbm>>
    tpu.wait_dma2 semaphore(%arg11 : memref<!tpu.dma_semaphore, #tpu.memory_space<semaphore_mem>>) src(%arg7 : memref<128x128xf32, #tpu.memory_space<vmem>>) dst(%dma_wait3A_18 : memref<128x128xf32, #tpu.memory_space<hbm>>)
    return
  }
}

#map = affine_map<(d0, d1) -> (0, 0)>
#map1 = affine_map<(d0, d1) -> (0, 0, 0)>
module attributes {stable_mosaic.version = 14 : i64} {
  func.func @_scatter_body(%arg0: i32, %arg1: i32, %arg2: memref<40960x128xf32, #tpu.memory_space<hbm>>, %arg3: memref<32x10x128xi32, #tpu.memory_space<hbm>>, %arg4: memref<10240x128xf32, #tpu.memory_space<hbm>>, %arg5: memref<2x10240x128xf32, #tpu.memory_space<hbm>>, %arg6: memref<10x128xi32, #tpu.memory_space<vmem>>, %arg7: memref<128x128xf32, #tpu.memory_space<vmem>>, %arg8: memref<128x128xf32, #tpu.memory_space<vmem>>, %arg9: memref<!tpu.dma_semaphore, #tpu.memory_space<semaphore_mem>>, %arg10: memref<!tpu.dma_semaphore, #tpu.memory_space<semaphore_mem>>, %arg11: memref<!tpu.dma_semaphore, #tpu.memory_space<semaphore_mem>>, %arg12: memref<!tpu.dma_semaphore, #tpu.memory_space<semaphore_mem>>, %arg13: memref<10240x128xf32, #tpu.memory_space<vmem_shared>>) attributes {dimension_semantics = [#tpu.dimension_semantics<core_parallel>, #tpu.dimension_semantics<subcore_parallel>], iteration_bounds = array<i64: 2, 16>, scalar_prefetch = 0 : i64, scratch_operands = 8 : i64, tpu.core_type = #tpu.core_type<sc_vector_subcore>, window_params = [{transform_indices = #map}, {transform_indices = #map1}, {transform_indices = #map}, {transform_indices = #map1}]} {
    %mul3A = arith.constant 16 : i32
    %mul3A_0 = arith.muli %arg0, %mul3A : i32
    %add3A = arith.addi %mul3A_0, %arg1 : i32
    %mul3A_1 = arith.constant 1280 : i32
    %mul3A_2 = arith.muli %add3A, %mul3A_1 : i32
    %mul3A_3 = arith.constant 640 : i32
    %mul3A_4 = arith.muli %arg1, %mul3A_3 : i32
    "tpu.region"() ({
      %run_scoped3A = tpu.sem_alloc : memref<!tpu.dma_semaphore, #tpu.memory_space<semaphore_mem>>
      %dma_start3A_29 = arith.constant 0 : i32
      %dma_start3A_30 = tpu.memref_slice %arg13[%mul3A_4, %dma_start3A_29] : memref<10240x128xf32, #tpu.memory_space<vmem_shared>> -> memref<640x128xf32, #tpu.memory_space<vmem_shared>>
      %dma_start3A_31 = arith.constant 0 : i32
      %dma_start3A_32 = tpu.memref_slice %arg4[%mul3A_4, %dma_start3A_31] : memref<10240x128xf32, #tpu.memory_space<hbm>> -> memref<640x128xf32, #tpu.memory_space<hbm>>
      tpu.enqueue_dma source(%dma_start3A_32 : memref<640x128xf32, #tpu.memory_space<hbm>>) target(%dma_start3A_30 : memref<640x128xf32, #tpu.memory_space<vmem_shared>>) target_semaphore(%run_scoped3A : memref<!tpu.dma_semaphore, #tpu.memory_space<semaphore_mem>>)
      %dma_wait3A_33 = arith.constant 0 : i32
      %dma_wait3A_34 = tpu.memref_slice %arg13[%mul3A_4, %dma_wait3A_33] : memref<10240x128xf32, #tpu.memory_space<vmem_shared>> -> memref<640x128xf32, #tpu.memory_space<vmem_shared>>
      %dma_wait3A_35 = arith.constant 0 : i32
      %dma_wait3A_36 = tpu.memref_slice %arg4[%mul3A_4, %dma_wait3A_35] : memref<10240x128xf32, #tpu.memory_space<hbm>> -> memref<640x128xf32, #tpu.memory_space<hbm>>
      tpu.wait_dma2 semaphore(%run_scoped3A : memref<!tpu.dma_semaphore, #tpu.memory_space<semaphore_mem>>) src(%dma_wait3A_36 : memref<640x128xf32, #tpu.memory_space<hbm>>) dst(%dma_wait3A_34 : memref<640x128xf32, #tpu.memory_space<vmem_shared>>)
      tpu.yield
    }) : () -> ()
    "tpu.region"() ({
      %run_scoped3A = tpu.sem_alloc : memref<!tpu.dma_semaphore, #tpu.memory_space<semaphore_mem>>
      %dma_start3A_29 = arith.constant 0 : i32
      %dma_start3A_30 = arith.constant 0 : i32
      %dma_start3A_31 = tpu.memref_slice %arg3[%add3A, %dma_start3A_29, %dma_start3A_30] : memref<32x10x128xi32, #tpu.memory_space<hbm>> -> memref<1x10x128xi32, #tpu.memory_space<hbm>>
      %dma_start3A_32 = tpu.memref_squeeze %dma_start3A_31 : memref<1x10x128xi32, #tpu.memory_space<hbm>> -> memref<10x128xi32, #tpu.memory_space<hbm>>
      %dma_start3A_33 = arith.constant 0 : i32
      %dma_start3A_34 = arith.constant 0 : i32
      %dma_start3A_35 = tpu.memref_slice %arg3[%add3A, %dma_start3A_33, %dma_start3A_34] : memref<32x10x128xi32, #tpu.memory_space<hbm>> -> memref<1x10x128xi32, #tpu.memory_space<hbm>>
      %dma_start3A_36 = tpu.memref_squeeze %dma_start3A_35 : memref<1x10x128xi32, #tpu.memory_space<hbm>> -> memref<10x128xi32, #tpu.memory_space<hbm>>
      tpu.enqueue_dma source(%dma_start3A_36 : memref<10x128xi32, #tpu.memory_space<hbm>>) target(%arg6 : memref<10x128xi32, #tpu.memory_space<vmem>>) target_semaphore(%run_scoped3A : memref<!tpu.dma_semaphore, #tpu.memory_space<semaphore_mem>>)
      %dma_wait3A_37 = arith.constant 0 : i32
      %dma_wait3A_38 = arith.constant 0 : i32
      %dma_wait3A_39 = tpu.memref_slice %arg3[%add3A, %dma_wait3A_37, %dma_wait3A_38] : memref<32x10x128xi32, #tpu.memory_space<hbm>> -> memref<1x10x128xi32, #tpu.memory_space<hbm>>
      %dma_wait3A_40 = tpu.memref_squeeze %dma_wait3A_39 : memref<1x10x128xi32, #tpu.memory_space<hbm>> -> memref<10x128xi32, #tpu.memory_space<hbm>>
      %dma_wait3A_41 = arith.constant 0 : i32
      %dma_wait3A_42 = arith.constant 0 : i32
      %dma_wait3A_43 = tpu.memref_slice %arg3[%add3A, %dma_wait3A_41, %dma_wait3A_42] : memref<32x10x128xi32, #tpu.memory_space<hbm>> -> memref<1x10x128xi32, #tpu.memory_space<hbm>>
      %dma_wait3A_44 = tpu.memref_squeeze %dma_wait3A_43 : memref<1x10x128xi32, #tpu.memory_space<hbm>> -> memref<10x128xi32, #tpu.memory_space<hbm>>
      tpu.wait_dma2 semaphore(%run_scoped3A : memref<!tpu.dma_semaphore, #tpu.memory_space<semaphore_mem>>) src(%dma_wait3A_44 : memref<10x128xi32, #tpu.memory_space<hbm>>) dst(%arg6 : memref<10x128xi32, #tpu.memory_space<vmem>>)
      tpu.yield
    }) : () -> ()
    %barrier3A = arith.constant 0 : index
    tpu.barrier barrier_id(%barrier3A)
    %multiple_of3A = arith.constant 0 : i32
    %multiple_of3A_5 = tpu.assume_multiple %multiple_of3A, 128 : i32
    %add3A_6 = arith.addi %mul3A_2, %multiple_of3A_5 : i32
    %dma_start3A = arith.constant 0 : i32
    %dma_start3A_7 = tpu.memref_slice %arg2[%add3A_6, %dma_start3A] : memref<40960x128xf32, #tpu.memory_space<hbm>> -> memref<128x128xf32, #tpu.memory_space<hbm>>
    %dma_start3A_8 = arith.constant 0 : i32
    %dma_start3A_9 = tpu.memref_slice %arg2[%add3A_6, %dma_start3A_8] : memref<40960x128xf32, #tpu.memory_space<hbm>> -> memref<128x128xf32, #tpu.memory_space<hbm>>
    tpu.enqueue_dma source(%dma_start3A_9 : memref<128x128xf32, #tpu.memory_space<hbm>>) target(%arg7 : memref<128x128xf32, #tpu.memory_space<vmem>>) target_semaphore(%arg9 : memref<!tpu.dma_semaphore, #tpu.memory_space<semaphore_mem>>)
    %scan3A = arith.constant 0 : i32
    %scan3A_10 = arith.constant 0 : i32
    %scan3A_11 = arith.constant 5 : i32
    %scan3A_12 = arith.addi %scan3A_10, %scan3A_11 : i32
    %scan3A_13 = arith.constant 1 : i32
    scf.for %scan3A_29 = %scan3A_10 to %scan3A_12 step %scan3A_13  : i32 {
      %mul3A_30 = arith.constant 2 : i32
      %mul3A_31 = arith.muli %scan3A_29, %mul3A_30 : i32
      %gt3A = arith.constant 0 : i32
      %gt3A_32 = arith.cmpi sgt, %scan3A_29, %gt3A : i32
      %convert_element_type3A = arith.extui %gt3A_32 : i1 to i32
      %cond3A = arith.constant 0 : i32
      %cond3A_33 = arith.cmpi ne, %convert_element_type3A, %cond3A : i32
      scf.if %cond3A_33 {
        %dma_wait3A_70 = arith.constant 0 : i32
        %dma_wait3A_71 = arith.constant 0 : i32
        %dma_wait3A_72 = tpu.memref_slice %arg6[%dma_wait3A_70, %dma_wait3A_71] : memref<10x128xi32, #tpu.memory_space<vmem>> -> memref<1x128xi32, #tpu.memory_space<vmem>>
        %dma_wait3A_73 = tpu.memref_squeeze %dma_wait3A_72 : memref<1x128xi32, #tpu.memory_space<vmem>> -> memref<128xi32, #tpu.memory_space<vmem>>
        %dma_wait3A_74 = arith.constant 0 : i32
        %dma_wait3A_75 = arith.constant 0 : i32
        %dma_wait3A_76 = tpu.memref_slice %arg13[%dma_wait3A_74, %dma_wait3A_75] : memref<10240x128xf32, #tpu.memory_space<vmem_shared>> -> memref<10240x128xf32, #tpu.memory_space<vmem_shared>>
        tpu.wait_indirect_dma semaphore(%arg12 : memref<!tpu.dma_semaphore, #tpu.memory_space<semaphore_mem>>) src(%arg8 : memref<128x128xf32, #tpu.memory_space<vmem>>) dst(%dma_wait3A_76 : memref<10240x128xf32, #tpu.memory_space<vmem_shared>>)
      } else {
      }
      %add3A_34 = arith.constant 1 : i32
      %add3A_35 = arith.addi %mul3A_31, %add3A_34 : i32
      %mul3A_36 = arith.constant 128 : i32
      %mul3A_37 = arith.muli %add3A_35, %mul3A_36 : i32
      %multiple_of3A_38 = tpu.assume_multiple %mul3A_37, 128 : i32
      %add3A_39 = arith.addi %mul3A_2, %multiple_of3A_38 : i32
      %dma_start3A_40 = arith.constant 0 : i32
      %dma_start3A_41 = tpu.memref_slice %arg2[%add3A_39, %dma_start3A_40] : memref<40960x128xf32, #tpu.memory_space<hbm>> -> memref<128x128xf32, #tpu.memory_space<hbm>>
      %dma_start3A_42 = arith.constant 0 : i32
      %dma_start3A_43 = tpu.memref_slice %arg2[%add3A_39, %dma_start3A_42] : memref<40960x128xf32, #tpu.memory_space<hbm>> -> memref<128x128xf32, #tpu.memory_space<hbm>>
      tpu.enqueue_dma source(%dma_start3A_43 : memref<128x128xf32, #tpu.memory_space<hbm>>) target(%arg8 : memref<128x128xf32, #tpu.memory_space<vmem>>) target_semaphore(%arg10 : memref<!tpu.dma_semaphore, #tpu.memory_space<semaphore_mem>>)
      %dma_wait3A_44 = arith.constant 0 : i32
      %dma_wait3A_45 = tpu.memref_slice %arg2[%mul3A_2, %dma_wait3A_44] : memref<40960x128xf32, #tpu.memory_space<hbm>> -> memref<128x128xf32, #tpu.memory_space<hbm>>
      %dma_wait3A_46 = arith.constant 0 : i32
      %dma_wait3A_47 = tpu.memref_slice %arg2[%mul3A_2, %dma_wait3A_46] : memref<40960x128xf32, #tpu.memory_space<hbm>> -> memref<128x128xf32, #tpu.memory_space<hbm>>
      tpu.wait_dma2 semaphore(%arg9 : memref<!tpu.dma_semaphore, #tpu.memory_space<semaphore_mem>>) src(%dma_wait3A_47 : memref<128x128xf32, #tpu.memory_space<hbm>>) dst(%arg7 : memref<128x128xf32, #tpu.memory_space<vmem>>)
      %dma_start3A_48 = arith.constant 0 : i32
      %dma_start3A_49 = tpu.memref_slice %arg6[%mul3A_31, %dma_start3A_48] : memref<10x128xi32, #tpu.memory_space<vmem>> -> memref<1x128xi32, #tpu.memory_space<vmem>>
      %dma_start3A_50 = tpu.memref_squeeze %dma_start3A_49 : memref<1x128xi32, #tpu.memory_space<vmem>> -> memref<128xi32, #tpu.memory_space<vmem>>
      %dma_start3A_51 = arith.constant 0 : i32
      %dma_start3A_52 = arith.constant 0 : i32
      %dma_start3A_53 = tpu.memref_slice %arg13[%dma_start3A_51, %dma_start3A_52] : memref<10240x128xf32, #tpu.memory_space<vmem_shared>> -> memref<10240x128xf32, #tpu.memory_space<vmem_shared>>
      tpu.enqueue_indirect_dma source(%arg7 : memref<128x128xf32, #tpu.memory_space<vmem>>) target(%dma_start3A_53 : memref<10240x128xf32, #tpu.memory_space<vmem_shared>>) offsets(%dma_start3A_50 : memref<128xi32, #tpu.memory_space<vmem>>) semaphore(%arg11 : memref<!tpu.dma_semaphore, #tpu.memory_space<semaphore_mem>>) {add = true}
      %lt3A = arith.constant 4 : i32
      %lt3A_54 = arith.cmpi slt, %scan3A_29, %lt3A : i32
      %convert_element_type3A_55 = arith.extui %lt3A_54 : i1 to i32
      %cond3A_56 = arith.constant 0 : i32
      %cond3A_57 = arith.cmpi ne, %convert_element_type3A_55, %cond3A_56 : i32
      scf.if %cond3A_57 {
        %dma_wait3A_70 = arith.constant 0 : i32
        %dma_wait3A_71 = arith.constant 0 : i32
        %dma_wait3A_72 = tpu.memref_slice %arg6[%dma_wait3A_70, %dma_wait3A_71] : memref<10x128xi32, #tpu.memory_space<vmem>> -> memref<1x128xi32, #tpu.memory_space<vmem>>
        %dma_wait3A_73 = tpu.memref_squeeze %dma_wait3A_72 : memref<1x128xi32, #tpu.memory_space<vmem>> -> memref<128xi32, #tpu.memory_space<vmem>>
        %dma_wait3A_74 = arith.constant 0 : i32
        %dma_wait3A_75 = arith.constant 0 : i32
        %dma_wait3A_76 = tpu.memref_slice %arg13[%dma_wait3A_74, %dma_wait3A_75] : memref<10240x128xf32, #tpu.memory_space<vmem_shared>> -> memref<10240x128xf32, #tpu.memory_space<vmem_shared>>
        tpu.wait_indirect_dma semaphore(%arg11 : memref<!tpu.dma_semaphore, #tpu.memory_space<semaphore_mem>>) src(%arg7 : memref<128x128xf32, #tpu.memory_space<vmem>>) dst(%dma_wait3A_76 : memref<10240x128xf32, #tpu.memory_space<vmem_shared>>)
        %add3A_77 = arith.constant 2 : i32
        %add3A_78 = arith.addi %mul3A_31, %add3A_77 : i32
        %mul3A_79 = arith.constant 128 : i32
        %mul3A_80 = arith.muli %add3A_78, %mul3A_79 : i32
        %multiple_of3A_81 = tpu.assume_multiple %mul3A_80, 128 : i32
        %add3A_82 = arith.addi %mul3A_2, %multiple_of3A_81 : i32
        %dma_start3A_83 = arith.constant 0 : i32
        %dma_start3A_84 = tpu.memref_slice %arg2[%add3A_82, %dma_start3A_83] : memref<40960x128xf32, #tpu.memory_space<hbm>> -> memref<128x128xf32, #tpu.memory_space<hbm>>
        %dma_start3A_85 = arith.constant 0 : i32
        %dma_start3A_86 = tpu.memref_slice %arg2[%add3A_82, %dma_start3A_85] : memref<40960x128xf32, #tpu.memory_space<hbm>> -> memref<128x128xf32, #tpu.memory_space<hbm>>
        tpu.enqueue_dma source(%dma_start3A_86 : memref<128x128xf32, #tpu.memory_space<hbm>>) target(%arg7 : memref<128x128xf32, #tpu.memory_space<vmem>>) target_semaphore(%arg9 : memref<!tpu.dma_semaphore, #tpu.memory_space<semaphore_mem>>)
      } else {
      }
      %dma_wait3A_58 = arith.constant 0 : i32
      %dma_wait3A_59 = tpu.memref_slice %arg2[%mul3A_2, %dma_wait3A_58] : memref<40960x128xf32, #tpu.memory_space<hbm>> -> memref<128x128xf32, #tpu.memory_space<hbm>>
      %dma_wait3A_60 = arith.constant 0 : i32
      %dma_wait3A_61 = tpu.memref_slice %arg2[%mul3A_2, %dma_wait3A_60] : memref<40960x128xf32, #tpu.memory_space<hbm>> -> memref<128x128xf32, #tpu.memory_space<hbm>>
      tpu.wait_dma2 semaphore(%arg10 : memref<!tpu.dma_semaphore, #tpu.memory_space<semaphore_mem>>) src(%dma_wait3A_61 : memref<128x128xf32, #tpu.memory_space<hbm>>) dst(%arg8 : memref<128x128xf32, #tpu.memory_space<vmem>>)
      %add3A_62 = arith.constant 1 : i32
      %add3A_63 = arith.addi %mul3A_31, %add3A_62 : i32
      %dma_start3A_64 = arith.constant 0 : i32
      %dma_start3A_65 = tpu.memref_slice %arg6[%add3A_63, %dma_start3A_64] : memref<10x128xi32, #tpu.memory_space<vmem>> -> memref<1x128xi32, #tpu.memory_space<vmem>>
      %dma_start3A_66 = tpu.memref_squeeze %dma_start3A_65 : memref<1x128xi32, #tpu.memory_space<vmem>> -> memref<128xi32, #tpu.memory_space<vmem>>
      %dma_start3A_67 = arith.constant 0 : i32
      %dma_start3A_68 = arith.constant 0 : i32
      %dma_start3A_69 = tpu.memref_slice %arg13[%dma_start3A_67, %dma_start3A_68] : memref<10240x128xf32, #tpu.memory_space<vmem_shared>> -> memref<10240x128xf32, #tpu.memory_space<vmem_shared>>
      tpu.enqueue_indirect_dma source(%arg8 : memref<128x128xf32, #tpu.memory_space<vmem>>) target(%dma_start3A_69 : memref<10240x128xf32, #tpu.memory_space<vmem_shared>>) offsets(%dma_start3A_66 : memref<128xi32, #tpu.memory_space<vmem>>) semaphore(%arg12 : memref<!tpu.dma_semaphore, #tpu.memory_space<semaphore_mem>>) {add = true}
    }
    %scan3A_14 = arith.constant 5 : i32
    %dma_wait3A = arith.constant 0 : i32
    %dma_wait3A_15 = arith.constant 0 : i32
    %dma_wait3A_16 = tpu.memref_slice %arg6[%dma_wait3A, %dma_wait3A_15] : memref<10x128xi32, #tpu.memory_space<vmem>> -> memref<1x128xi32, #tpu.memory_space<vmem>>
    %dma_wait3A_17 = tpu.memref_squeeze %dma_wait3A_16 : memref<1x128xi32, #tpu.memory_space<vmem>> -> memref<128xi32, #tpu.memory_space<vmem>>
    %dma_wait3A_18 = arith.constant 0 : i32
    %dma_wait3A_19 = arith.constant 0 : i32
    %dma_wait3A_20 = tpu.memref_slice %arg13[%dma_wait3A_18, %dma_wait3A_19] : memref<10240x128xf32, #tpu.memory_space<vmem_shared>> -> memref<10240x128xf32, #tpu.memory_space<vmem_shared>>
    tpu.wait_indirect_dma semaphore(%arg11 : memref<!tpu.dma_semaphore, #tpu.memory_space<semaphore_mem>>) src(%arg7 : memref<128x128xf32, #tpu.memory_space<vmem>>) dst(%dma_wait3A_20 : memref<10240x128xf32, #tpu.memory_space<vmem_shared>>)
    %dma_wait3A_21 = arith.constant 0 : i32
    %dma_wait3A_22 = arith.constant 0 : i32
    %dma_wait3A_23 = tpu.memref_slice %arg6[%dma_wait3A_21, %dma_wait3A_22] : memref<10x128xi32, #tpu.memory_space<vmem>> -> memref<1x128xi32, #tpu.memory_space<vmem>>
    %dma_wait3A_24 = tpu.memref_squeeze %dma_wait3A_23 : memref<1x128xi32, #tpu.memory_space<vmem>> -> memref<128xi32, #tpu.memory_space<vmem>>
    %dma_wait3A_25 = arith.constant 0 : i32
    %dma_wait3A_26 = arith.constant 0 : i32
    %dma_wait3A_27 = tpu.memref_slice %arg13[%dma_wait3A_25, %dma_wait3A_26] : memref<10240x128xf32, #tpu.memory_space<vmem_shared>> -> memref<10240x128xf32, #tpu.memory_space<vmem_shared>>
    tpu.wait_indirect_dma semaphore(%arg12 : memref<!tpu.dma_semaphore, #tpu.memory_space<semaphore_mem>>) src(%arg8 : memref<128x128xf32, #tpu.memory_space<vmem>>) dst(%dma_wait3A_27 : memref<10240x128xf32, #tpu.memory_space<vmem_shared>>)
    %barrier3A_28 = arith.constant 0 : index
    tpu.barrier barrier_id(%barrier3A_28)
    "tpu.region"() ({
      %run_scoped3A = tpu.sem_alloc : memref<!tpu.dma_semaphore, #tpu.memory_space<semaphore_mem>>
      %dma_start3A_29 = arith.constant 0 : i32
      %dma_start3A_30 = tpu.memref_slice %arg5[%arg0, %mul3A_4, %dma_start3A_29] : memref<2x10240x128xf32, #tpu.memory_space<hbm>> -> memref<1x640x128xf32, #tpu.memory_space<hbm>>
      %dma_start3A_31 = tpu.memref_squeeze %dma_start3A_30 : memref<1x640x128xf32, #tpu.memory_space<hbm>> -> memref<640x128xf32, #tpu.memory_space<hbm>>
      %dma_start3A_32 = arith.constant 0 : i32
      %dma_start3A_33 = tpu.memref_slice %arg13[%mul3A_4, %dma_start3A_32] : memref<10240x128xf32, #tpu.memory_space<vmem_shared>> -> memref<640x128xf32, #tpu.memory_space<vmem_shared>>
      tpu.enqueue_dma source(%dma_start3A_33 : memref<640x128xf32, #tpu.memory_space<vmem_shared>>) target(%dma_start3A_31 : memref<640x128xf32, #tpu.memory_space<hbm>>) target_semaphore(%run_scoped3A : memref<!tpu.dma_semaphore, #tpu.memory_space<semaphore_mem>>)
      %dma_wait3A_34 = arith.constant 0 : i32
      %dma_wait3A_35 = tpu.memref_slice %arg5[%arg0, %mul3A_4, %dma_wait3A_34] : memref<2x10240x128xf32, #tpu.memory_space<hbm>> -> memref<1x640x128xf32, #tpu.memory_space<hbm>>
      %dma_wait3A_36 = tpu.memref_squeeze %dma_wait3A_35 : memref<1x640x128xf32, #tpu.memory_space<hbm>> -> memref<640x128xf32, #tpu.memory_space<hbm>>
      %dma_wait3A_37 = arith.constant 0 : i32
      %dma_wait3A_38 = tpu.memref_slice %arg13[%mul3A_4, %dma_wait3A_37] : memref<10240x128xf32, #tpu.memory_space<vmem_shared>> -> memref<640x128xf32, #tpu.memory_space<vmem_shared>>
      tpu.wait_dma2 semaphore(%run_scoped3A : memref<!tpu.dma_semaphore, #tpu.memory_space<semaphore_mem>>) src(%dma_wait3A_38 : memref<640x128xf32, #tpu.memory_space<vmem_shared>>) dst(%dma_wait3A_36 : memref<640x128xf32, #tpu.memory_space<hbm>>)
      tpu.yield
    }) : () -> ()
    return
  }
}

#map = affine_map<(d0, d1) -> (0, 0)>
#map1 = affine_map<(d0, d1) -> (0, 0, 0)>
module attributes {stable_mosaic.version = 14 : i64} {
  func.func @_scatter_body(%arg0: i32, %arg1: i32, %arg2: memref<40960x128xf32, #tpu.memory_space<hbm>>, %arg3: memref<32x10x128xi32, #tpu.memory_space<hbm>>, %arg4: memref<10240x128xf32, #tpu.memory_space<hbm>>, %arg5: memref<2x10240x128xf32, #tpu.memory_space<hbm>>, %arg6: memref<10x128xi32, #tpu.memory_space<vmem>>, %arg7: memref<128x128xf32, #tpu.memory_space<vmem>>, %arg8: memref<128x128xf32, #tpu.memory_space<vmem>>, %arg9: memref<!tpu.dma_semaphore, #tpu.memory_space<semaphore_mem>>, %arg10: memref<!tpu.dma_semaphore, #tpu.memory_space<semaphore_mem>>, %arg11: memref<!tpu.dma_semaphore, #tpu.memory_space<semaphore_mem>>, %arg12: memref<!tpu.dma_semaphore, #tpu.memory_space<semaphore_mem>>, %arg13: memref<10240x128xf32, #tpu.memory_space<vmem_shared>>) attributes {dimension_semantics = [#tpu.dimension_semantics<core_parallel>, #tpu.dimension_semantics<subcore_parallel>], iteration_bounds = array<i64: 2, 16>, scalar_prefetch = 0 : i64, scratch_operands = 8 : i64, tpu.core_type = #tpu.core_type<sc_vector_subcore>, window_params = [{transform_indices = #map}, {transform_indices = #map1}, {transform_indices = #map}, {transform_indices = #map1}]} {
    %mul3A = arith.constant 16 : i32
    %mul3A_0 = arith.muli %arg0, %mul3A : i32
    %add3A = arith.addi %mul3A_0, %arg1 : i32
    %mul3A_1 = arith.constant 1280 : i32
    %mul3A_2 = arith.muli %add3A, %mul3A_1 : i32
    %mul3A_3 = arith.constant 640 : i32
    %mul3A_4 = arith.muli %arg1, %mul3A_3 : i32
    "tpu.region"() ({
      %run_scoped3A = tpu.sem_alloc : memref<!tpu.dma_semaphore, #tpu.memory_space<semaphore_mem>>
      %dma_start3A_29 = arith.constant 0 : i32
      %dma_start3A_30 = tpu.memref_slice %arg13[%mul3A_4, %dma_start3A_29] : memref<10240x128xf32, #tpu.memory_space<vmem_shared>> -> memref<640x128xf32, #tpu.memory_space<vmem_shared>>
      %dma_start3A_31 = arith.constant 0 : i32
      %dma_start3A_32 = tpu.memref_slice %arg4[%mul3A_4, %dma_start3A_31] : memref<10240x128xf32, #tpu.memory_space<hbm>> -> memref<640x128xf32, #tpu.memory_space<hbm>>
      tpu.enqueue_dma source(%dma_start3A_32 : memref<640x128xf32, #tpu.memory_space<hbm>>) target(%dma_start3A_30 : memref<640x128xf32, #tpu.memory_space<vmem_shared>>) target_semaphore(%run_scoped3A : memref<!tpu.dma_semaphore, #tpu.memory_space<semaphore_mem>>)
      %dma_wait3A_33 = arith.constant 0 : i32
      %dma_wait3A_34 = tpu.memref_slice %arg13[%mul3A_4, %dma_wait3A_33] : memref<10240x128xf32, #tpu.memory_space<vmem_shared>> -> memref<640x128xf32, #tpu.memory_space<vmem_shared>>
      %dma_wait3A_35 = arith.constant 0 : i32
      %dma_wait3A_36 = tpu.memref_slice %arg4[%mul3A_4, %dma_wait3A_35] : memref<10240x128xf32, #tpu.memory_space<hbm>> -> memref<640x128xf32, #tpu.memory_space<hbm>>
      tpu.wait_dma2 semaphore(%run_scoped3A : memref<!tpu.dma_semaphore, #tpu.memory_space<semaphore_mem>>) src(%dma_wait3A_36 : memref<640x128xf32, #tpu.memory_space<hbm>>) dst(%dma_wait3A_34 : memref<640x128xf32, #tpu.memory_space<vmem_shared>>)
      tpu.yield
    }) : () -> ()
    "tpu.region"() ({
      %run_scoped3A = tpu.sem_alloc : memref<!tpu.dma_semaphore, #tpu.memory_space<semaphore_mem>>
      %dma_start3A_29 = arith.constant 0 : i32
      %dma_start3A_30 = arith.constant 0 : i32
      %dma_start3A_31 = tpu.memref_slice %arg3[%add3A, %dma_start3A_29, %dma_start3A_30] : memref<32x10x128xi32, #tpu.memory_space<hbm>> -> memref<1x10x128xi32, #tpu.memory_space<hbm>>
      %dma_start3A_32 = tpu.memref_squeeze %dma_start3A_31 : memref<1x10x128xi32, #tpu.memory_space<hbm>> -> memref<10x128xi32, #tpu.memory_space<hbm>>
      %dma_start3A_33 = arith.constant 0 : i32
      %dma_start3A_34 = arith.constant 0 : i32
      %dma_start3A_35 = tpu.memref_slice %arg3[%add3A, %dma_start3A_33, %dma_start3A_34] : memref<32x10x128xi32, #tpu.memory_space<hbm>> -> memref<1x10x128xi32, #tpu.memory_space<hbm>>
      %dma_start3A_36 = tpu.memref_squeeze %dma_start3A_35 : memref<1x10x128xi32, #tpu.memory_space<hbm>> -> memref<10x128xi32, #tpu.memory_space<hbm>>
      tpu.enqueue_dma source(%dma_start3A_36 : memref<10x128xi32, #tpu.memory_space<hbm>>) target(%arg6 : memref<10x128xi32, #tpu.memory_space<vmem>>) target_semaphore(%run_scoped3A : memref<!tpu.dma_semaphore, #tpu.memory_space<semaphore_mem>>)
      %dma_wait3A_37 = arith.constant 0 : i32
      %dma_wait3A_38 = arith.constant 0 : i32
      %dma_wait3A_39 = tpu.memref_slice %arg3[%add3A, %dma_wait3A_37, %dma_wait3A_38] : memref<32x10x128xi32, #tpu.memory_space<hbm>> -> memref<1x10x128xi32, #tpu.memory_space<hbm>>
      %dma_wait3A_40 = tpu.memref_squeeze %dma_wait3A_39 : memref<1x10x128xi32, #tpu.memory_space<hbm>> -> memref<10x128xi32, #tpu.memory_space<hbm>>
      %dma_wait3A_41 = arith.constant 0 : i32
      %dma_wait3A_42 = arith.constant 0 : i32
      %dma_wait3A_43 = tpu.memref_slice %arg3[%add3A, %dma_wait3A_41, %dma_wait3A_42] : memref<32x10x128xi32, #tpu.memory_space<hbm>> -> memref<1x10x128xi32, #tpu.memory_space<hbm>>
      %dma_wait3A_44 = tpu.memref_squeeze %dma_wait3A_43 : memref<1x10x128xi32, #tpu.memory_space<hbm>> -> memref<10x128xi32, #tpu.memory_space<hbm>>
      tpu.wait_dma2 semaphore(%run_scoped3A : memref<!tpu.dma_semaphore, #tpu.memory_space<semaphore_mem>>) src(%dma_wait3A_44 : memref<10x128xi32, #tpu.memory_space<hbm>>) dst(%arg6 : memref<10x128xi32, #tpu.memory_space<vmem>>)
      tpu.yield
    }) : () -> ()
    %barrier3A = arith.constant 0 : index
    tpu.barrier barrier_id(%barrier3A)
    %multiple_of3A = arith.constant 0 : i32
    %multiple_of3A_5 = tpu.assume_multiple %multiple_of3A, 128 : i32
    %add3A_6 = arith.addi %mul3A_2, %multiple_of3A_5 : i32
    %dma_start3A = arith.constant 0 : i32
    %dma_start3A_7 = tpu.memref_slice %arg2[%add3A_6, %dma_start3A] : memref<40960x128xf32, #tpu.memory_space<hbm>> -> memref<128x128xf32, #tpu.memory_space<hbm>>
    %dma_start3A_8 = arith.constant 0 : i32
    %dma_start3A_9 = tpu.memref_slice %arg2[%add3A_6, %dma_start3A_8] : memref<40960x128xf32, #tpu.memory_space<hbm>> -> memref<128x128xf32, #tpu.memory_space<hbm>>
    tpu.enqueue_dma source(%dma_start3A_9 : memref<128x128xf32, #tpu.memory_space<hbm>>) target(%arg7 : memref<128x128xf32, #tpu.memory_space<vmem>>) target_semaphore(%arg9 : memref<!tpu.dma_semaphore, #tpu.memory_space<semaphore_mem>>)
    %scan3A = arith.constant 0 : i32
    %scan3A_10 = arith.constant 0 : i32
    %scan3A_11 = arith.constant 5 : i32
    %scan3A_12 = arith.addi %scan3A_10, %scan3A_11 : i32
    %scan3A_13 = arith.constant 1 : i32
    scf.for %scan3A_29 = %scan3A_10 to %scan3A_12 step %scan3A_13  : i32 {
      %mul3A_30 = arith.constant 2 : i32
      %mul3A_31 = arith.muli %scan3A_29, %mul3A_30 : i32
      %gt3A = arith.constant 0 : i32
      %gt3A_32 = arith.cmpi sgt, %scan3A_29, %gt3A : i32
      %convert_element_type3A = arith.extui %gt3A_32 : i1 to i32
      %cond3A = arith.constant 0 : i32
      %cond3A_33 = arith.cmpi ne, %convert_element_type3A, %cond3A : i32
      scf.if %cond3A_33 {
        %dma_wait3A_70 = arith.constant 0 : i32
        %dma_wait3A_71 = arith.constant 0 : i32
        %dma_wait3A_72 = tpu.memref_slice %arg6[%dma_wait3A_70, %dma_wait3A_71] : memref<10x128xi32, #tpu.memory_space<vmem>> -> memref<1x128xi32, #tpu.memory_space<vmem>>
        %dma_wait3A_73 = tpu.memref_squeeze %dma_wait3A_72 : memref<1x128xi32, #tpu.memory_space<vmem>> -> memref<128xi32, #tpu.memory_space<vmem>>
        %dma_wait3A_74 = arith.constant 0 : i32
        %dma_wait3A_75 = arith.constant 0 : i32
        %dma_wait3A_76 = tpu.memref_slice %arg13[%dma_wait3A_74, %dma_wait3A_75] : memref<10240x128xf32, #tpu.memory_space<vmem_shared>> -> memref<10240x128xf32, #tpu.memory_space<vmem_shared>>
        tpu.wait_indirect_dma semaphore(%arg12 : memref<!tpu.dma_semaphore, #tpu.memory_space<semaphore_mem>>) src(%arg8 : memref<128x128xf32, #tpu.memory_space<vmem>>) dst(%dma_wait3A_76 : memref<10240x128xf32, #tpu.memory_space<vmem_shared>>)
      } else {
      }
      %add3A_34 = arith.constant 1 : i32
      %add3A_35 = arith.addi %mul3A_31, %add3A_34 : i32
      %mul3A_36 = arith.constant 128 : i32
      %mul3A_37 = arith.muli %add3A_35, %mul3A_36 : i32
      %multiple_of3A_38 = tpu.assume_multiple %mul3A_37, 128 : i32
      %add3A_39 = arith.addi %mul3A_2, %multiple_of3A_38 : i32
      %dma_start3A_40 = arith.constant 0 : i32
      %dma_start3A_41 = tpu.memref_slice %arg2[%add3A_39, %dma_start3A_40] : memref<40960x128xf32, #tpu.memory_space<hbm>> -> memref<128x128xf32, #tpu.memory_space<hbm>>
      %dma_start3A_42 = arith.constant 0 : i32
      %dma_start3A_43 = tpu.memref_slice %arg2[%add3A_39, %dma_start3A_42] : memref<40960x128xf32, #tpu.memory_space<hbm>> -> memref<128x128xf32, #tpu.memory_space<hbm>>
      tpu.enqueue_dma source(%dma_start3A_43 : memref<128x128xf32, #tpu.memory_space<hbm>>) target(%arg8 : memref<128x128xf32, #tpu.memory_space<vmem>>) target_semaphore(%arg10 : memref<!tpu.dma_semaphore, #tpu.memory_space<semaphore_mem>>)
      %dma_wait3A_44 = arith.constant 0 : i32
      %dma_wait3A_45 = tpu.memref_slice %arg2[%mul3A_2, %dma_wait3A_44] : memref<40960x128xf32, #tpu.memory_space<hbm>> -> memref<128x128xf32, #tpu.memory_space<hbm>>
      %dma_wait3A_46 = arith.constant 0 : i32
      %dma_wait3A_47 = tpu.memref_slice %arg2[%mul3A_2, %dma_wait3A_46] : memref<40960x128xf32, #tpu.memory_space<hbm>> -> memref<128x128xf32, #tpu.memory_space<hbm>>
      tpu.wait_dma2 semaphore(%arg9 : memref<!tpu.dma_semaphore, #tpu.memory_space<semaphore_mem>>) src(%dma_wait3A_47 : memref<128x128xf32, #tpu.memory_space<hbm>>) dst(%arg7 : memref<128x128xf32, #tpu.memory_space<vmem>>)
      %dma_start3A_48 = arith.constant 0 : i32
      %dma_start3A_49 = tpu.memref_slice %arg6[%mul3A_31, %dma_start3A_48] : memref<10x128xi32, #tpu.memory_space<vmem>> -> memref<1x128xi32, #tpu.memory_space<vmem>>
      %dma_start3A_50 = tpu.memref_squeeze %dma_start3A_49 : memref<1x128xi32, #tpu.memory_space<vmem>> -> memref<128xi32, #tpu.memory_space<vmem>>
      %dma_start3A_51 = arith.constant 0 : i32
      %dma_start3A_52 = arith.constant 0 : i32
      %dma_start3A_53 = tpu.memref_slice %arg13[%dma_start3A_51, %dma_start3A_52] : memref<10240x128xf32, #tpu.memory_space<vmem_shared>> -> memref<10240x128xf32, #tpu.memory_space<vmem_shared>>
      tpu.enqueue_indirect_dma source(%arg7 : memref<128x128xf32, #tpu.memory_space<vmem>>) target(%dma_start3A_53 : memref<10240x128xf32, #tpu.memory_space<vmem_shared>>) offsets(%dma_start3A_50 : memref<128xi32, #tpu.memory_space<vmem>>) semaphore(%arg11 : memref<!tpu.dma_semaphore, #tpu.memory_space<semaphore_mem>>) {add = true}
      %lt3A = arith.constant 4 : i32
      %lt3A_54 = arith.cmpi slt, %scan3A_29, %lt3A : i32
      %convert_element_type3A_55 = arith.extui %lt3A_54 : i1 to i32
      %cond3A_56 = arith.constant 0 : i32
      %cond3A_57 = arith.cmpi ne, %convert_element_type3A_55, %cond3A_56 : i32
      scf.if %cond3A_57 {
        %dma_wait3A_70 = arith.constant 0 : i32
        %dma_wait3A_71 = arith.constant 0 : i32
        %dma_wait3A_72 = tpu.memref_slice %arg6[%dma_wait3A_70, %dma_wait3A_71] : memref<10x128xi32, #tpu.memory_space<vmem>> -> memref<1x128xi32, #tpu.memory_space<vmem>>
        %dma_wait3A_73 = tpu.memref_squeeze %dma_wait3A_72 : memref<1x128xi32, #tpu.memory_space<vmem>> -> memref<128xi32, #tpu.memory_space<vmem>>
        %dma_wait3A_74 = arith.constant 0 : i32
        %dma_wait3A_75 = arith.constant 0 : i32
        %dma_wait3A_76 = tpu.memref_slice %arg13[%dma_wait3A_74, %dma_wait3A_75] : memref<10240x128xf32, #tpu.memory_space<vmem_shared>> -> memref<10240x128xf32, #tpu.memory_space<vmem_shared>>
        tpu.wait_indirect_dma semaphore(%arg11 : memref<!tpu.dma_semaphore, #tpu.memory_space<semaphore_mem>>) src(%arg7 : memref<128x128xf32, #tpu.memory_space<vmem>>) dst(%dma_wait3A_76 : memref<10240x128xf32, #tpu.memory_space<vmem_shared>>)
        %add3A_77 = arith.constant 2 : i32
        %add3A_78 = arith.addi %mul3A_31, %add3A_77 : i32
        %mul3A_79 = arith.constant 128 : i32
        %mul3A_80 = arith.muli %add3A_78, %mul3A_79 : i32
        %multiple_of3A_81 = tpu.assume_multiple %mul3A_80, 128 : i32
        %add3A_82 = arith.addi %mul3A_2, %multiple_of3A_81 : i32
        %dma_start3A_83 = arith.constant 0 : i32
        %dma_start3A_84 = tpu.memref_slice %arg2[%add3A_82, %dma_start3A_83] : memref<40960x128xf32, #tpu.memory_space<hbm>> -> memref<128x128xf32, #tpu.memory_space<hbm>>
        %dma_start3A_85 = arith.constant 0 : i32
        %dma_start3A_86 = tpu.memref_slice %arg2[%add3A_82, %dma_start3A_85] : memref<40960x128xf32, #tpu.memory_space<hbm>> -> memref<128x128xf32, #tpu.memory_space<hbm>>
        tpu.enqueue_dma source(%dma_start3A_86 : memref<128x128xf32, #tpu.memory_space<hbm>>) target(%arg7 : memref<128x128xf32, #tpu.memory_space<vmem>>) target_semaphore(%arg9 : memref<!tpu.dma_semaphore, #tpu.memory_space<semaphore_mem>>)
      } else {
      }
      %dma_wait3A_58 = arith.constant 0 : i32
      %dma_wait3A_59 = tpu.memref_slice %arg2[%mul3A_2, %dma_wait3A_58] : memref<40960x128xf32, #tpu.memory_space<hbm>> -> memref<128x128xf32, #tpu.memory_space<hbm>>
      %dma_wait3A_60 = arith.constant 0 : i32
      %dma_wait3A_61 = tpu.memref_slice %arg2[%mul3A_2, %dma_wait3A_60] : memref<40960x128xf32, #tpu.memory_space<hbm>> -> memref<128x128xf32, #tpu.memory_space<hbm>>
      tpu.wait_dma2 semaphore(%arg10 : memref<!tpu.dma_semaphore, #tpu.memory_space<semaphore_mem>>) src(%dma_wait3A_61 : memref<128x128xf32, #tpu.memory_space<hbm>>) dst(%arg8 : memref<128x128xf32, #tpu.memory_space<vmem>>)
      %add3A_62 = arith.constant 1 : i32
      %add3A_63 = arith.addi %mul3A_31, %add3A_62 : i32
      %dma_start3A_64 = arith.constant 0 : i32
      %dma_start3A_65 = tpu.memref_slice %arg6[%add3A_63, %dma_start3A_64] : memref<10x128xi32, #tpu.memory_space<vmem>> -> memref<1x128xi32, #tpu.memory_space<vmem>>
      %dma_start3A_66 = tpu.memref_squeeze %dma_start3A_65 : memref<1x128xi32, #tpu.memory_space<vmem>> -> memref<128xi32, #tpu.memory_space<vmem>>
      %dma_start3A_67 = arith.constant 0 : i32
      %dma_start3A_68 = arith.constant 0 : i32
      %dma_start3A_69 = tpu.memref_slice %arg13[%dma_start3A_67, %dma_start3A_68] : memref<10240x128xf32, #tpu.memory_space<vmem_shared>> -> memref<10240x128xf32, #tpu.memory_space<vmem_shared>>
      tpu.enqueue_indirect_dma source(%arg8 : memref<128x128xf32, #tpu.memory_space<vmem>>) target(%dma_start3A_69 : memref<10240x128xf32, #tpu.memory_space<vmem_shared>>) offsets(%dma_start3A_66 : memref<128xi32, #tpu.memory_space<vmem>>) semaphore(%arg12 : memref<!tpu.dma_semaphore, #tpu.memory_space<semaphore_mem>>) {add = true}
    }
    %scan3A_14 = arith.constant 5 : i32
    %dma_wait3A = arith.constant 0 : i32
    %dma_wait3A_15 = arith.constant 0 : i32
    %dma_wait3A_16 = tpu.memref_slice %arg6[%dma_wait3A, %dma_wait3A_15] : memref<10x128xi32, #tpu.memory_space<vmem>> -> memref<1x128xi32, #tpu.memory_space<vmem>>
    %dma_wait3A_17 = tpu.memref_squeeze %dma_wait3A_16 : memref<1x128xi32, #tpu.memory_space<vmem>> -> memref<128xi32, #tpu.memory_space<vmem>>
    %dma_wait3A_18 = arith.constant 0 : i32
    %dma_wait3A_19 = arith.constant 0 : i32
    %dma_wait3A_20 = tpu.memref_slice %arg13[%dma_wait3A_18, %dma_wait3A_19] : memref<10240x128xf32, #tpu.memory_space<vmem_shared>> -> memref<10240x128xf32, #tpu.memory_space<vmem_shared>>
    tpu.wait_indirect_dma semaphore(%arg11 : memref<!tpu.dma_semaphore, #tpu.memory_space<semaphore_mem>>) src(%arg7 : memref<128x128xf32, #tpu.memory_space<vmem>>) dst(%dma_wait3A_20 : memref<10240x128xf32, #tpu.memory_space<vmem_shared>>)
    %dma_wait3A_21 = arith.constant 0 : i32
    %dma_wait3A_22 = arith.constant 0 : i32
    %dma_wait3A_23 = tpu.memref_slice %arg6[%dma_wait3A_21, %dma_wait3A_22] : memref<10x128xi32, #tpu.memory_space<vmem>> -> memref<1x128xi32, #tpu.memory_space<vmem>>
    %dma_wait3A_24 = tpu.memref_squeeze %dma_wait3A_23 : memref<1x128xi32, #tpu.memory_space<vmem>> -> memref<128xi32, #tpu.memory_space<vmem>>
    %dma_wait3A_25 = arith.constant 0 : i32
    %dma_wait3A_26 = arith.constant 0 : i32
    %dma_wait3A_27 = tpu.memref_slice %arg13[%dma_wait3A_25, %dma_wait3A_26] : memref<10240x128xf32, #tpu.memory_space<vmem_shared>> -> memref<10240x128xf32, #tpu.memory_space<vmem_shared>>
    tpu.wait_indirect_dma semaphore(%arg12 : memref<!tpu.dma_semaphore, #tpu.memory_space<semaphore_mem>>) src(%arg8 : memref<128x128xf32, #tpu.memory_space<vmem>>) dst(%dma_wait3A_27 : memref<10240x128xf32, #tpu.memory_space<vmem_shared>>)
    %barrier3A_28 = arith.constant 0 : index
    tpu.barrier barrier_id(%barrier3A_28)
    "tpu.region"() ({
      %run_scoped3A = tpu.sem_alloc : memref<!tpu.dma_semaphore, #tpu.memory_space<semaphore_mem>>
      %dma_start3A_29 = arith.constant 0 : i32
      %dma_start3A_30 = tpu.memref_slice %arg5[%arg0, %mul3A_4, %dma_start3A_29] : memref<2x10240x128xf32, #tpu.memory_space<hbm>> -> memref<1x640x128xf32, #tpu.memory_space<hbm>>
      %dma_start3A_31 = tpu.memref_squeeze %dma_start3A_30 : memref<1x640x128xf32, #tpu.memory_space<hbm>> -> memref<640x128xf32, #tpu.memory_space<hbm>>
      %dma_start3A_32 = arith.constant 0 : i32
      %dma_start3A_33 = tpu.memref_slice %arg13[%mul3A_4, %dma_start3A_32] : memref<10240x128xf32, #tpu.memory_space<vmem_shared>> -> memref<640x128xf32, #tpu.memory_space<vmem_shared>>
      tpu.enqueue_dma source(%dma_start3A_33 : memref<640x128xf32, #tpu.memory_space<vmem_shared>>) target(%dma_start3A_31 : memref<640x128xf32, #tpu.memory_space<hbm>>) target_semaphore(%run_scoped3A : memref<!tpu.dma_semaphore, #tpu.memory_space<semaphore_mem>>)
      %dma_wait3A_34 = arith.constant 0 : i32
      %dma_wait3A_35 = tpu.memref_slice %arg5[%arg0, %mul3A_4, %dma_wait3A_34] : memref<2x10240x128xf32, #tpu.memory_space<hbm>> -> memref<1x640x128xf32, #tpu.memory_space<hbm>>
      %dma_wait3A_36 = tpu.memref_squeeze %dma_wait3A_35 : memref<1x640x128xf32, #tpu.memory_space<hbm>> -> memref<640x128xf32, #tpu.memory_space<hbm>>
      %dma_wait3A_37 = arith.constant 0 : i32
      %dma_wait3A_38 = tpu.memref_slice %arg13[%mul3A_4, %dma_wait3A_37] : memref<10240x128xf32, #tpu.memory_space<vmem_shared>> -> memref<640x128xf32, #tpu.memory_space<vmem_shared>>
      tpu.wait_dma2 semaphore(%run_scoped3A : memref<!tpu.dma_semaphore, #tpu.memory_space<semaphore_mem>>) src(%dma_wait3A_38 : memref<640x128xf32, #tpu.memory_space<vmem_shared>>) dst(%dma_wait3A_36 : memref<640x128xf32, #tpu.memory_space<hbm>>)
      tpu.yield
    }) : () -> ()
    return
  }
}

#map = affine_map<(d0, d1) -> (0, 0)>
#map1 = affine_map<(d0, d1) -> (0, 0, 0)>
module attributes {stable_mosaic.version = 14 : i64} {
  func.func @_scatter_body(%arg0: i32, %arg1: i32, %arg2: memref<40960x128xf32, #tpu.memory_space<hbm>>, %arg3: memref<32x10x128xi32, #tpu.memory_space<hbm>>, %arg4: memref<10240x128xf32, #tpu.memory_space<hbm>>, %arg5: memref<2x10240x128xf32, #tpu.memory_space<hbm>>, %arg6: memref<10x128xi32, #tpu.memory_space<vmem>>, %arg7: memref<128x128xf32, #tpu.memory_space<vmem>>, %arg8: memref<128x128xf32, #tpu.memory_space<vmem>>, %arg9: memref<!tpu.dma_semaphore, #tpu.memory_space<semaphore_mem>>, %arg10: memref<!tpu.dma_semaphore, #tpu.memory_space<semaphore_mem>>, %arg11: memref<!tpu.dma_semaphore, #tpu.memory_space<semaphore_mem>>, %arg12: memref<!tpu.dma_semaphore, #tpu.memory_space<semaphore_mem>>, %arg13: memref<10240x128xf32, #tpu.memory_space<vmem_shared>>) attributes {dimension_semantics = [#tpu.dimension_semantics<core_parallel>, #tpu.dimension_semantics<subcore_parallel>], iteration_bounds = array<i64: 2, 16>, scalar_prefetch = 0 : i64, scratch_operands = 8 : i64, tpu.core_type = #tpu.core_type<sc_vector_subcore>, window_params = [{transform_indices = #map}, {transform_indices = #map1}, {transform_indices = #map}, {transform_indices = #map1}]} {
    %mul3A = arith.constant 16 : i32
    %mul3A_0 = arith.muli %arg0, %mul3A : i32
    %add3A = arith.addi %mul3A_0, %arg1 : i32
    %mul3A_1 = arith.constant 1280 : i32
    %mul3A_2 = arith.muli %add3A, %mul3A_1 : i32
    %mul3A_3 = arith.constant 640 : i32
    %mul3A_4 = arith.muli %arg1, %mul3A_3 : i32
    "tpu.region"() ({
      %run_scoped3A = tpu.sem_alloc : memref<!tpu.dma_semaphore, #tpu.memory_space<semaphore_mem>>
      %dma_start3A_29 = arith.constant 0 : i32
      %dma_start3A_30 = tpu.memref_slice %arg13[%mul3A_4, %dma_start3A_29] : memref<10240x128xf32, #tpu.memory_space<vmem_shared>> -> memref<640x128xf32, #tpu.memory_space<vmem_shared>>
      %dma_start3A_31 = arith.constant 0 : i32
      %dma_start3A_32 = tpu.memref_slice %arg4[%mul3A_4, %dma_start3A_31] : memref<10240x128xf32, #tpu.memory_space<hbm>> -> memref<640x128xf32, #tpu.memory_space<hbm>>
      tpu.enqueue_dma source(%dma_start3A_32 : memref<640x128xf32, #tpu.memory_space<hbm>>) target(%dma_start3A_30 : memref<640x128xf32, #tpu.memory_space<vmem_shared>>) target_semaphore(%run_scoped3A : memref<!tpu.dma_semaphore, #tpu.memory_space<semaphore_mem>>)
      %dma_wait3A_33 = arith.constant 0 : i32
      %dma_wait3A_34 = tpu.memref_slice %arg13[%mul3A_4, %dma_wait3A_33] : memref<10240x128xf32, #tpu.memory_space<vmem_shared>> -> memref<640x128xf32, #tpu.memory_space<vmem_shared>>
      %dma_wait3A_35 = arith.constant 0 : i32
      %dma_wait3A_36 = tpu.memref_slice %arg4[%mul3A_4, %dma_wait3A_35] : memref<10240x128xf32, #tpu.memory_space<hbm>> -> memref<640x128xf32, #tpu.memory_space<hbm>>
      tpu.wait_dma2 semaphore(%run_scoped3A : memref<!tpu.dma_semaphore, #tpu.memory_space<semaphore_mem>>) src(%dma_wait3A_36 : memref<640x128xf32, #tpu.memory_space<hbm>>) dst(%dma_wait3A_34 : memref<640x128xf32, #tpu.memory_space<vmem_shared>>)
      tpu.yield
    }) : () -> ()
    "tpu.region"() ({
      %run_scoped3A = tpu.sem_alloc : memref<!tpu.dma_semaphore, #tpu.memory_space<semaphore_mem>>
      %dma_start3A_29 = arith.constant 0 : i32
      %dma_start3A_30 = arith.constant 0 : i32
      %dma_start3A_31 = tpu.memref_slice %arg3[%add3A, %dma_start3A_29, %dma_start3A_30] : memref<32x10x128xi32, #tpu.memory_space<hbm>> -> memref<1x10x128xi32, #tpu.memory_space<hbm>>
      %dma_start3A_32 = tpu.memref_squeeze %dma_start3A_31 : memref<1x10x128xi32, #tpu.memory_space<hbm>> -> memref<10x128xi32, #tpu.memory_space<hbm>>
      %dma_start3A_33 = arith.constant 0 : i32
      %dma_start3A_34 = arith.constant 0 : i32
      %dma_start3A_35 = tpu.memref_slice %arg3[%add3A, %dma_start3A_33, %dma_start3A_34] : memref<32x10x128xi32, #tpu.memory_space<hbm>> -> memref<1x10x128xi32, #tpu.memory_space<hbm>>
      %dma_start3A_36 = tpu.memref_squeeze %dma_start3A_35 : memref<1x10x128xi32, #tpu.memory_space<hbm>> -> memref<10x128xi32, #tpu.memory_space<hbm>>
      tpu.enqueue_dma source(%dma_start3A_36 : memref<10x128xi32, #tpu.memory_space<hbm>>) target(%arg6 : memref<10x128xi32, #tpu.memory_space<vmem>>) target_semaphore(%run_scoped3A : memref<!tpu.dma_semaphore, #tpu.memory_space<semaphore_mem>>)
      %dma_wait3A_37 = arith.constant 0 : i32
      %dma_wait3A_38 = arith.constant 0 : i32
      %dma_wait3A_39 = tpu.memref_slice %arg3[%add3A, %dma_wait3A_37, %dma_wait3A_38] : memref<32x10x128xi32, #tpu.memory_space<hbm>> -> memref<1x10x128xi32, #tpu.memory_space<hbm>>
      %dma_wait3A_40 = tpu.memref_squeeze %dma_wait3A_39 : memref<1x10x128xi32, #tpu.memory_space<hbm>> -> memref<10x128xi32, #tpu.memory_space<hbm>>
      %dma_wait3A_41 = arith.constant 0 : i32
      %dma_wait3A_42 = arith.constant 0 : i32
      %dma_wait3A_43 = tpu.memref_slice %arg3[%add3A, %dma_wait3A_41, %dma_wait3A_42] : memref<32x10x128xi32, #tpu.memory_space<hbm>> -> memref<1x10x128xi32, #tpu.memory_space<hbm>>
      %dma_wait3A_44 = tpu.memref_squeeze %dma_wait3A_43 : memref<1x10x128xi32, #tpu.memory_space<hbm>> -> memref<10x128xi32, #tpu.memory_space<hbm>>
      tpu.wait_dma2 semaphore(%run_scoped3A : memref<!tpu.dma_semaphore, #tpu.memory_space<semaphore_mem>>) src(%dma_wait3A_44 : memref<10x128xi32, #tpu.memory_space<hbm>>) dst(%arg6 : memref<10x128xi32, #tpu.memory_space<vmem>>)
      tpu.yield
    }) : () -> ()
    %barrier3A = arith.constant 0 : index
    tpu.barrier barrier_id(%barrier3A)
    %multiple_of3A = arith.constant 0 : i32
    %multiple_of3A_5 = tpu.assume_multiple %multiple_of3A, 128 : i32
    %add3A_6 = arith.addi %mul3A_2, %multiple_of3A_5 : i32
    %dma_start3A = arith.constant 0 : i32
    %dma_start3A_7 = tpu.memref_slice %arg2[%add3A_6, %dma_start3A] : memref<40960x128xf32, #tpu.memory_space<hbm>> -> memref<128x128xf32, #tpu.memory_space<hbm>>
    %dma_start3A_8 = arith.constant 0 : i32
    %dma_start3A_9 = tpu.memref_slice %arg2[%add3A_6, %dma_start3A_8] : memref<40960x128xf32, #tpu.memory_space<hbm>> -> memref<128x128xf32, #tpu.memory_space<hbm>>
    tpu.enqueue_dma source(%dma_start3A_9 : memref<128x128xf32, #tpu.memory_space<hbm>>) target(%arg7 : memref<128x128xf32, #tpu.memory_space<vmem>>) target_semaphore(%arg9 : memref<!tpu.dma_semaphore, #tpu.memory_space<semaphore_mem>>)
    %scan3A = arith.constant 0 : i32
    %scan3A_10 = arith.constant 0 : i32
    %scan3A_11 = arith.constant 5 : i32
    %scan3A_12 = arith.addi %scan3A_10, %scan3A_11 : i32
    %scan3A_13 = arith.constant 1 : i32
    scf.for %scan3A_29 = %scan3A_10 to %scan3A_12 step %scan3A_13  : i32 {
      %mul3A_30 = arith.constant 2 : i32
      %mul3A_31 = arith.muli %scan3A_29, %mul3A_30 : i32
      %gt3A = arith.constant 0 : i32
      %gt3A_32 = arith.cmpi sgt, %scan3A_29, %gt3A : i32
      %convert_element_type3A = arith.extui %gt3A_32 : i1 to i32
      %cond3A = arith.constant 0 : i32
      %cond3A_33 = arith.cmpi ne, %convert_element_type3A, %cond3A : i32
      scf.if %cond3A_33 {
        %dma_wait3A_70 = arith.constant 0 : i32
        %dma_wait3A_71 = arith.constant 0 : i32
        %dma_wait3A_72 = tpu.memref_slice %arg6[%dma_wait3A_70, %dma_wait3A_71] : memref<10x128xi32, #tpu.memory_space<vmem>> -> memref<1x128xi32, #tpu.memory_space<vmem>>
        %dma_wait3A_73 = tpu.memref_squeeze %dma_wait3A_72 : memref<1x128xi32, #tpu.memory_space<vmem>> -> memref<128xi32, #tpu.memory_space<vmem>>
        %dma_wait3A_74 = arith.constant 0 : i32
        %dma_wait3A_75 = arith.constant 0 : i32
        %dma_wait3A_76 = tpu.memref_slice %arg13[%dma_wait3A_74, %dma_wait3A_75] : memref<10240x128xf32, #tpu.memory_space<vmem_shared>> -> memref<10240x128xf32, #tpu.memory_space<vmem_shared>>
        tpu.wait_indirect_dma semaphore(%arg12 : memref<!tpu.dma_semaphore, #tpu.memory_space<semaphore_mem>>) src(%arg8 : memref<128x128xf32, #tpu.memory_space<vmem>>) dst(%dma_wait3A_76 : memref<10240x128xf32, #tpu.memory_space<vmem_shared>>)
      } else {
      }
      %add3A_34 = arith.constant 1 : i32
      %add3A_35 = arith.addi %mul3A_31, %add3A_34 : i32
      %mul3A_36 = arith.constant 128 : i32
      %mul3A_37 = arith.muli %add3A_35, %mul3A_36 : i32
      %multiple_of3A_38 = tpu.assume_multiple %mul3A_37, 128 : i32
      %add3A_39 = arith.addi %mul3A_2, %multiple_of3A_38 : i32
      %dma_start3A_40 = arith.constant 0 : i32
      %dma_start3A_41 = tpu.memref_slice %arg2[%add3A_39, %dma_start3A_40] : memref<40960x128xf32, #tpu.memory_space<hbm>> -> memref<128x128xf32, #tpu.memory_space<hbm>>
      %dma_start3A_42 = arith.constant 0 : i32
      %dma_start3A_43 = tpu.memref_slice %arg2[%add3A_39, %dma_start3A_42] : memref<40960x128xf32, #tpu.memory_space<hbm>> -> memref<128x128xf32, #tpu.memory_space<hbm>>
      tpu.enqueue_dma source(%dma_start3A_43 : memref<128x128xf32, #tpu.memory_space<hbm>>) target(%arg8 : memref<128x128xf32, #tpu.memory_space<vmem>>) target_semaphore(%arg10 : memref<!tpu.dma_semaphore, #tpu.memory_space<semaphore_mem>>)
      %dma_wait3A_44 = arith.constant 0 : i32
      %dma_wait3A_45 = tpu.memref_slice %arg2[%mul3A_2, %dma_wait3A_44] : memref<40960x128xf32, #tpu.memory_space<hbm>> -> memref<128x128xf32, #tpu.memory_space<hbm>>
      %dma_wait3A_46 = arith.constant 0 : i32
      %dma_wait3A_47 = tpu.memref_slice %arg2[%mul3A_2, %dma_wait3A_46] : memref<40960x128xf32, #tpu.memory_space<hbm>> -> memref<128x128xf32, #tpu.memory_space<hbm>>
      tpu.wait_dma2 semaphore(%arg9 : memref<!tpu.dma_semaphore, #tpu.memory_space<semaphore_mem>>) src(%dma_wait3A_47 : memref<128x128xf32, #tpu.memory_space<hbm>>) dst(%arg7 : memref<128x128xf32, #tpu.memory_space<vmem>>)
      %dma_start3A_48 = arith.constant 0 : i32
      %dma_start3A_49 = tpu.memref_slice %arg6[%mul3A_31, %dma_start3A_48] : memref<10x128xi32, #tpu.memory_space<vmem>> -> memref<1x128xi32, #tpu.memory_space<vmem>>
      %dma_start3A_50 = tpu.memref_squeeze %dma_start3A_49 : memref<1x128xi32, #tpu.memory_space<vmem>> -> memref<128xi32, #tpu.memory_space<vmem>>
      %dma_start3A_51 = arith.constant 0 : i32
      %dma_start3A_52 = arith.constant 0 : i32
      %dma_start3A_53 = tpu.memref_slice %arg13[%dma_start3A_51, %dma_start3A_52] : memref<10240x128xf32, #tpu.memory_space<vmem_shared>> -> memref<10240x128xf32, #tpu.memory_space<vmem_shared>>
      tpu.enqueue_indirect_dma source(%arg7 : memref<128x128xf32, #tpu.memory_space<vmem>>) target(%dma_start3A_53 : memref<10240x128xf32, #tpu.memory_space<vmem_shared>>) offsets(%dma_start3A_50 : memref<128xi32, #tpu.memory_space<vmem>>) semaphore(%arg11 : memref<!tpu.dma_semaphore, #tpu.memory_space<semaphore_mem>>) {add = true}
      %lt3A = arith.constant 4 : i32
      %lt3A_54 = arith.cmpi slt, %scan3A_29, %lt3A : i32
      %convert_element_type3A_55 = arith.extui %lt3A_54 : i1 to i32
      %cond3A_56 = arith.constant 0 : i32
      %cond3A_57 = arith.cmpi ne, %convert_element_type3A_55, %cond3A_56 : i32
      scf.if %cond3A_57 {
        %dma_wait3A_70 = arith.constant 0 : i32
        %dma_wait3A_71 = arith.constant 0 : i32
        %dma_wait3A_72 = tpu.memref_slice %arg6[%dma_wait3A_70, %dma_wait3A_71] : memref<10x128xi32, #tpu.memory_space<vmem>> -> memref<1x128xi32, #tpu.memory_space<vmem>>
        %dma_wait3A_73 = tpu.memref_squeeze %dma_wait3A_72 : memref<1x128xi32, #tpu.memory_space<vmem>> -> memref<128xi32, #tpu.memory_space<vmem>>
        %dma_wait3A_74 = arith.constant 0 : i32
        %dma_wait3A_75 = arith.constant 0 : i32
        %dma_wait3A_76 = tpu.memref_slice %arg13[%dma_wait3A_74, %dma_wait3A_75] : memref<10240x128xf32, #tpu.memory_space<vmem_shared>> -> memref<10240x128xf32, #tpu.memory_space<vmem_shared>>
        tpu.wait_indirect_dma semaphore(%arg11 : memref<!tpu.dma_semaphore, #tpu.memory_space<semaphore_mem>>) src(%arg7 : memref<128x128xf32, #tpu.memory_space<vmem>>) dst(%dma_wait3A_76 : memref<10240x128xf32, #tpu.memory_space<vmem_shared>>)
        %add3A_77 = arith.constant 2 : i32
        %add3A_78 = arith.addi %mul3A_31, %add3A_77 : i32
        %mul3A_79 = arith.constant 128 : i32
        %mul3A_80 = arith.muli %add3A_78, %mul3A_79 : i32
        %multiple_of3A_81 = tpu.assume_multiple %mul3A_80, 128 : i32
        %add3A_82 = arith.addi %mul3A_2, %multiple_of3A_81 : i32
        %dma_start3A_83 = arith.constant 0 : i32
        %dma_start3A_84 = tpu.memref_slice %arg2[%add3A_82, %dma_start3A_83] : memref<40960x128xf32, #tpu.memory_space<hbm>> -> memref<128x128xf32, #tpu.memory_space<hbm>>
        %dma_start3A_85 = arith.constant 0 : i32
        %dma_start3A_86 = tpu.memref_slice %arg2[%add3A_82, %dma_start3A_85] : memref<40960x128xf32, #tpu.memory_space<hbm>> -> memref<128x128xf32, #tpu.memory_space<hbm>>
        tpu.enqueue_dma source(%dma_start3A_86 : memref<128x128xf32, #tpu.memory_space<hbm>>) target(%arg7 : memref<128x128xf32, #tpu.memory_space<vmem>>) target_semaphore(%arg9 : memref<!tpu.dma_semaphore, #tpu.memory_space<semaphore_mem>>)
      } else {
      }
      %dma_wait3A_58 = arith.constant 0 : i32
      %dma_wait3A_59 = tpu.memref_slice %arg2[%mul3A_2, %dma_wait3A_58] : memref<40960x128xf32, #tpu.memory_space<hbm>> -> memref<128x128xf32, #tpu.memory_space<hbm>>
      %dma_wait3A_60 = arith.constant 0 : i32
      %dma_wait3A_61 = tpu.memref_slice %arg2[%mul3A_2, %dma_wait3A_60] : memref<40960x128xf32, #tpu.memory_space<hbm>> -> memref<128x128xf32, #tpu.memory_space<hbm>>
      tpu.wait_dma2 semaphore(%arg10 : memref<!tpu.dma_semaphore, #tpu.memory_space<semaphore_mem>>) src(%dma_wait3A_61 : memref<128x128xf32, #tpu.memory_space<hbm>>) dst(%arg8 : memref<128x128xf32, #tpu.memory_space<vmem>>)
      %add3A_62 = arith.constant 1 : i32
      %add3A_63 = arith.addi %mul3A_31, %add3A_62 : i32
      %dma_start3A_64 = arith.constant 0 : i32
      %dma_start3A_65 = tpu.memref_slice %arg6[%add3A_63, %dma_start3A_64] : memref<10x128xi32, #tpu.memory_space<vmem>> -> memref<1x128xi32, #tpu.memory_space<vmem>>
      %dma_start3A_66 = tpu.memref_squeeze %dma_start3A_65 : memref<1x128xi32, #tpu.memory_space<vmem>> -> memref<128xi32, #tpu.memory_space<vmem>>
      %dma_start3A_67 = arith.constant 0 : i32
      %dma_start3A_68 = arith.constant 0 : i32
      %dma_start3A_69 = tpu.memref_slice %arg13[%dma_start3A_67, %dma_start3A_68] : memref<10240x128xf32, #tpu.memory_space<vmem_shared>> -> memref<10240x128xf32, #tpu.memory_space<vmem_shared>>
      tpu.enqueue_indirect_dma source(%arg8 : memref<128x128xf32, #tpu.memory_space<vmem>>) target(%dma_start3A_69 : memref<10240x128xf32, #tpu.memory_space<vmem_shared>>) offsets(%dma_start3A_66 : memref<128xi32, #tpu.memory_space<vmem>>) semaphore(%arg12 : memref<!tpu.dma_semaphore, #tpu.memory_space<semaphore_mem>>) {add = true}
    }
    %scan3A_14 = arith.constant 5 : i32
    %dma_wait3A = arith.constant 0 : i32
    %dma_wait3A_15 = arith.constant 0 : i32
    %dma_wait3A_16 = tpu.memref_slice %arg6[%dma_wait3A, %dma_wait3A_15] : memref<10x128xi32, #tpu.memory_space<vmem>> -> memref<1x128xi32, #tpu.memory_space<vmem>>
    %dma_wait3A_17 = tpu.memref_squeeze %dma_wait3A_16 : memref<1x128xi32, #tpu.memory_space<vmem>> -> memref<128xi32, #tpu.memory_space<vmem>>
    %dma_wait3A_18 = arith.constant 0 : i32
    %dma_wait3A_19 = arith.constant 0 : i32
    %dma_wait3A_20 = tpu.memref_slice %arg13[%dma_wait3A_18, %dma_wait3A_19] : memref<10240x128xf32, #tpu.memory_space<vmem_shared>> -> memref<10240x128xf32, #tpu.memory_space<vmem_shared>>
    tpu.wait_indirect_dma semaphore(%arg11 : memref<!tpu.dma_semaphore, #tpu.memory_space<semaphore_mem>>) src(%arg7 : memref<128x128xf32, #tpu.memory_space<vmem>>) dst(%dma_wait3A_20 : memref<10240x128xf32, #tpu.memory_space<vmem_shared>>)
    %dma_wait3A_21 = arith.constant 0 : i32
    %dma_wait3A_22 = arith.constant 0 : i32
    %dma_wait3A_23 = tpu.memref_slice %arg6[%dma_wait3A_21, %dma_wait3A_22] : memref<10x128xi32, #tpu.memory_space<vmem>> -> memref<1x128xi32, #tpu.memory_space<vmem>>
    %dma_wait3A_24 = tpu.memref_squeeze %dma_wait3A_23 : memref<1x128xi32, #tpu.memory_space<vmem>> -> memref<128xi32, #tpu.memory_space<vmem>>
    %dma_wait3A_25 = arith.constant 0 : i32
    %dma_wait3A_26 = arith.constant 0 : i32
    %dma_wait3A_27 = tpu.memref_slice %arg13[%dma_wait3A_25, %dma_wait3A_26] : memref<10240x128xf32, #tpu.memory_space<vmem_shared>> -> memref<10240x128xf32, #tpu.memory_space<vmem_shared>>
    tpu.wait_indirect_dma semaphore(%arg12 : memref<!tpu.dma_semaphore, #tpu.memory_space<semaphore_mem>>) src(%arg8 : memref<128x128xf32, #tpu.memory_space<vmem>>) dst(%dma_wait3A_27 : memref<10240x128xf32, #tpu.memory_space<vmem_shared>>)
    %barrier3A_28 = arith.constant 0 : index
    tpu.barrier barrier_id(%barrier3A_28)
    "tpu.region"() ({
      %run_scoped3A = tpu.sem_alloc : memref<!tpu.dma_semaphore, #tpu.memory_space<semaphore_mem>>
      %dma_start3A_29 = arith.constant 0 : i32
      %dma_start3A_30 = tpu.memref_slice %arg5[%arg0, %mul3A_4, %dma_start3A_29] : memref<2x10240x128xf32, #tpu.memory_space<hbm>> -> memref<1x640x128xf32, #tpu.memory_space<hbm>>
      %dma_start3A_31 = tpu.memref_squeeze %dma_start3A_30 : memref<1x640x128xf32, #tpu.memory_space<hbm>> -> memref<640x128xf32, #tpu.memory_space<hbm>>
      %dma_start3A_32 = arith.constant 0 : i32
      %dma_start3A_33 = tpu.memref_slice %arg13[%mul3A_4, %dma_start3A_32] : memref<10240x128xf32, #tpu.memory_space<vmem_shared>> -> memref<640x128xf32, #tpu.memory_space<vmem_shared>>
      tpu.enqueue_dma source(%dma_start3A_33 : memref<640x128xf32, #tpu.memory_space<vmem_shared>>) target(%dma_start3A_31 : memref<640x128xf32, #tpu.memory_space<hbm>>) target_semaphore(%run_scoped3A : memref<!tpu.dma_semaphore, #tpu.memory_space<semaphore_mem>>)
      %dma_wait3A_34 = arith.constant 0 : i32
      %dma_wait3A_35 = tpu.memref_slice %arg5[%arg0, %mul3A_4, %dma_wait3A_34] : memref<2x10240x128xf32, #tpu.memory_space<hbm>> -> memref<1x640x128xf32, #tpu.memory_space<hbm>>
      %dma_wait3A_36 = tpu.memref_squeeze %dma_wait3A_35 : memref<1x640x128xf32, #tpu.memory_space<hbm>> -> memref<640x128xf32, #tpu.memory_space<hbm>>
      %dma_wait3A_37 = arith.constant 0 : i32
      %dma_wait3A_38 = tpu.memref_slice %arg13[%mul3A_4, %dma_wait3A_37] : memref<10240x128xf32, #tpu.memory_space<vmem_shared>> -> memref<640x128xf32, #tpu.memory_space<vmem_shared>>
      tpu.wait_dma2 semaphore(%run_scoped3A : memref<!tpu.dma_semaphore, #tpu.memory_space<semaphore_mem>>) src(%dma_wait3A_38 : memref<640x128xf32, #tpu.memory_space<vmem_shared>>) dst(%dma_wait3A_36 : memref<640x128xf32, #tpu.memory_space<hbm>>)
      tpu.yield
    }) : () -> ()
    return
  }
}

#map = affine_map<(d0, d1) -> (0, 0)>
#map1 = affine_map<(d0, d1) -> (0, 0, 0)>
module attributes {stable_mosaic.version = 14 : i64} {
  func.func @_scatter_body(%arg0: i32, %arg1: i32, %arg2: memref<40960x128xf32, #tpu.memory_space<hbm>>, %arg3: memref<32x10x128xi32, #tpu.memory_space<hbm>>, %arg4: memref<10240x128xf32, #tpu.memory_space<hbm>>, %arg5: memref<2x10240x128xf32, #tpu.memory_space<hbm>>, %arg6: memref<10x128xi32, #tpu.memory_space<vmem>>, %arg7: memref<128x128xf32, #tpu.memory_space<vmem>>, %arg8: memref<128x128xf32, #tpu.memory_space<vmem>>, %arg9: memref<!tpu.dma_semaphore, #tpu.memory_space<semaphore_mem>>, %arg10: memref<!tpu.dma_semaphore, #tpu.memory_space<semaphore_mem>>, %arg11: memref<!tpu.dma_semaphore, #tpu.memory_space<semaphore_mem>>, %arg12: memref<!tpu.dma_semaphore, #tpu.memory_space<semaphore_mem>>, %arg13: memref<10240x128xf32, #tpu.memory_space<vmem_shared>>) attributes {dimension_semantics = [#tpu.dimension_semantics<core_parallel>, #tpu.dimension_semantics<subcore_parallel>], iteration_bounds = array<i64: 2, 16>, scalar_prefetch = 0 : i64, scratch_operands = 8 : i64, tpu.core_type = #tpu.core_type<sc_vector_subcore>, window_params = [{transform_indices = #map}, {transform_indices = #map1}, {transform_indices = #map}, {transform_indices = #map1}]} {
    %mul3A = arith.constant 16 : i32
    %mul3A_0 = arith.muli %arg0, %mul3A : i32
    %add3A = arith.addi %mul3A_0, %arg1 : i32
    %mul3A_1 = arith.constant 1280 : i32
    %mul3A_2 = arith.muli %add3A, %mul3A_1 : i32
    %mul3A_3 = arith.constant 640 : i32
    %mul3A_4 = arith.muli %arg1, %mul3A_3 : i32
    "tpu.region"() ({
      %run_scoped3A = tpu.sem_alloc : memref<!tpu.dma_semaphore, #tpu.memory_space<semaphore_mem>>
      %dma_start3A_29 = arith.constant 0 : i32
      %dma_start3A_30 = tpu.memref_slice %arg13[%mul3A_4, %dma_start3A_29] : memref<10240x128xf32, #tpu.memory_space<vmem_shared>> -> memref<640x128xf32, #tpu.memory_space<vmem_shared>>
      %dma_start3A_31 = arith.constant 0 : i32
      %dma_start3A_32 = tpu.memref_slice %arg4[%mul3A_4, %dma_start3A_31] : memref<10240x128xf32, #tpu.memory_space<hbm>> -> memref<640x128xf32, #tpu.memory_space<hbm>>
      tpu.enqueue_dma source(%dma_start3A_32 : memref<640x128xf32, #tpu.memory_space<hbm>>) target(%dma_start3A_30 : memref<640x128xf32, #tpu.memory_space<vmem_shared>>) target_semaphore(%run_scoped3A : memref<!tpu.dma_semaphore, #tpu.memory_space<semaphore_mem>>)
      %dma_wait3A_33 = arith.constant 0 : i32
      %dma_wait3A_34 = tpu.memref_slice %arg13[%mul3A_4, %dma_wait3A_33] : memref<10240x128xf32, #tpu.memory_space<vmem_shared>> -> memref<640x128xf32, #tpu.memory_space<vmem_shared>>
      %dma_wait3A_35 = arith.constant 0 : i32
      %dma_wait3A_36 = tpu.memref_slice %arg4[%mul3A_4, %dma_wait3A_35] : memref<10240x128xf32, #tpu.memory_space<hbm>> -> memref<640x128xf32, #tpu.memory_space<hbm>>
      tpu.wait_dma2 semaphore(%run_scoped3A : memref<!tpu.dma_semaphore, #tpu.memory_space<semaphore_mem>>) src(%dma_wait3A_36 : memref<640x128xf32, #tpu.memory_space<hbm>>) dst(%dma_wait3A_34 : memref<640x128xf32, #tpu.memory_space<vmem_shared>>)
      tpu.yield
    }) : () -> ()
    "tpu.region"() ({
      %run_scoped3A = tpu.sem_alloc : memref<!tpu.dma_semaphore, #tpu.memory_space<semaphore_mem>>
      %dma_start3A_29 = arith.constant 0 : i32
      %dma_start3A_30 = arith.constant 0 : i32
      %dma_start3A_31 = tpu.memref_slice %arg3[%add3A, %dma_start3A_29, %dma_start3A_30] : memref<32x10x128xi32, #tpu.memory_space<hbm>> -> memref<1x10x128xi32, #tpu.memory_space<hbm>>
      %dma_start3A_32 = tpu.memref_squeeze %dma_start3A_31 : memref<1x10x128xi32, #tpu.memory_space<hbm>> -> memref<10x128xi32, #tpu.memory_space<hbm>>
      %dma_start3A_33 = arith.constant 0 : i32
      %dma_start3A_34 = arith.constant 0 : i32
      %dma_start3A_35 = tpu.memref_slice %arg3[%add3A, %dma_start3A_33, %dma_start3A_34] : memref<32x10x128xi32, #tpu.memory_space<hbm>> -> memref<1x10x128xi32, #tpu.memory_space<hbm>>
      %dma_start3A_36 = tpu.memref_squeeze %dma_start3A_35 : memref<1x10x128xi32, #tpu.memory_space<hbm>> -> memref<10x128xi32, #tpu.memory_space<hbm>>
      tpu.enqueue_dma source(%dma_start3A_36 : memref<10x128xi32, #tpu.memory_space<hbm>>) target(%arg6 : memref<10x128xi32, #tpu.memory_space<vmem>>) target_semaphore(%run_scoped3A : memref<!tpu.dma_semaphore, #tpu.memory_space<semaphore_mem>>)
      %dma_wait3A_37 = arith.constant 0 : i32
      %dma_wait3A_38 = arith.constant 0 : i32
      %dma_wait3A_39 = tpu.memref_slice %arg3[%add3A, %dma_wait3A_37, %dma_wait3A_38] : memref<32x10x128xi32, #tpu.memory_space<hbm>> -> memref<1x10x128xi32, #tpu.memory_space<hbm>>
      %dma_wait3A_40 = tpu.memref_squeeze %dma_wait3A_39 : memref<1x10x128xi32, #tpu.memory_space<hbm>> -> memref<10x128xi32, #tpu.memory_space<hbm>>
      %dma_wait3A_41 = arith.constant 0 : i32
      %dma_wait3A_42 = arith.constant 0 : i32
      %dma_wait3A_43 = tpu.memref_slice %arg3[%add3A, %dma_wait3A_41, %dma_wait3A_42] : memref<32x10x128xi32, #tpu.memory_space<hbm>> -> memref<1x10x128xi32, #tpu.memory_space<hbm>>
      %dma_wait3A_44 = tpu.memref_squeeze %dma_wait3A_43 : memref<1x10x128xi32, #tpu.memory_space<hbm>> -> memref<10x128xi32, #tpu.memory_space<hbm>>
      tpu.wait_dma2 semaphore(%run_scoped3A : memref<!tpu.dma_semaphore, #tpu.memory_space<semaphore_mem>>) src(%dma_wait3A_44 : memref<10x128xi32, #tpu.memory_space<hbm>>) dst(%arg6 : memref<10x128xi32, #tpu.memory_space<vmem>>)
      tpu.yield
    }) : () -> ()
    %barrier3A = arith.constant 0 : index
    tpu.barrier barrier_id(%barrier3A)
    %multiple_of3A = arith.constant 0 : i32
    %multiple_of3A_5 = tpu.assume_multiple %multiple_of3A, 128 : i32
    %add3A_6 = arith.addi %mul3A_2, %multiple_of3A_5 : i32
    %dma_start3A = arith.constant 0 : i32
    %dma_start3A_7 = tpu.memref_slice %arg2[%add3A_6, %dma_start3A] : memref<40960x128xf32, #tpu.memory_space<hbm>> -> memref<128x128xf32, #tpu.memory_space<hbm>>
    %dma_start3A_8 = arith.constant 0 : i32
    %dma_start3A_9 = tpu.memref_slice %arg2[%add3A_6, %dma_start3A_8] : memref<40960x128xf32, #tpu.memory_space<hbm>> -> memref<128x128xf32, #tpu.memory_space<hbm>>
    tpu.enqueue_dma source(%dma_start3A_9 : memref<128x128xf32, #tpu.memory_space<hbm>>) target(%arg7 : memref<128x128xf32, #tpu.memory_space<vmem>>) target_semaphore(%arg9 : memref<!tpu.dma_semaphore, #tpu.memory_space<semaphore_mem>>)
    %scan3A = arith.constant 0 : i32
    %scan3A_10 = arith.constant 0 : i32
    %scan3A_11 = arith.constant 5 : i32
    %scan3A_12 = arith.addi %scan3A_10, %scan3A_11 : i32
    %scan3A_13 = arith.constant 1 : i32
    scf.for %scan3A_29 = %scan3A_10 to %scan3A_12 step %scan3A_13  : i32 {
      %mul3A_30 = arith.constant 2 : i32
      %mul3A_31 = arith.muli %scan3A_29, %mul3A_30 : i32
      %gt3A = arith.constant 0 : i32
      %gt3A_32 = arith.cmpi sgt, %scan3A_29, %gt3A : i32
      %convert_element_type3A = arith.extui %gt3A_32 : i1 to i32
      %cond3A = arith.constant 0 : i32
      %cond3A_33 = arith.cmpi ne, %convert_element_type3A, %cond3A : i32
      scf.if %cond3A_33 {
        %dma_wait3A_70 = arith.constant 0 : i32
        %dma_wait3A_71 = arith.constant 0 : i32
        %dma_wait3A_72 = tpu.memref_slice %arg6[%dma_wait3A_70, %dma_wait3A_71] : memref<10x128xi32, #tpu.memory_space<vmem>> -> memref<1x128xi32, #tpu.memory_space<vmem>>
        %dma_wait3A_73 = tpu.memref_squeeze %dma_wait3A_72 : memref<1x128xi32, #tpu.memory_space<vmem>> -> memref<128xi32, #tpu.memory_space<vmem>>
        %dma_wait3A_74 = arith.constant 0 : i32
        %dma_wait3A_75 = arith.constant 0 : i32
        %dma_wait3A_76 = tpu.memref_slice %arg13[%dma_wait3A_74, %dma_wait3A_75] : memref<10240x128xf32, #tpu.memory_space<vmem_shared>> -> memref<10240x128xf32, #tpu.memory_space<vmem_shared>>
        tpu.wait_indirect_dma semaphore(%arg12 : memref<!tpu.dma_semaphore, #tpu.memory_space<semaphore_mem>>) src(%arg8 : memref<128x128xf32, #tpu.memory_space<vmem>>) dst(%dma_wait3A_76 : memref<10240x128xf32, #tpu.memory_space<vmem_shared>>)
      } else {
      }
      %add3A_34 = arith.constant 1 : i32
      %add3A_35 = arith.addi %mul3A_31, %add3A_34 : i32
      %mul3A_36 = arith.constant 128 : i32
      %mul3A_37 = arith.muli %add3A_35, %mul3A_36 : i32
      %multiple_of3A_38 = tpu.assume_multiple %mul3A_37, 128 : i32
      %add3A_39 = arith.addi %mul3A_2, %multiple_of3A_38 : i32
      %dma_start3A_40 = arith.constant 0 : i32
      %dma_start3A_41 = tpu.memref_slice %arg2[%add3A_39, %dma_start3A_40] : memref<40960x128xf32, #tpu.memory_space<hbm>> -> memref<128x128xf32, #tpu.memory_space<hbm>>
      %dma_start3A_42 = arith.constant 0 : i32
      %dma_start3A_43 = tpu.memref_slice %arg2[%add3A_39, %dma_start3A_42] : memref<40960x128xf32, #tpu.memory_space<hbm>> -> memref<128x128xf32, #tpu.memory_space<hbm>>
      tpu.enqueue_dma source(%dma_start3A_43 : memref<128x128xf32, #tpu.memory_space<hbm>>) target(%arg8 : memref<128x128xf32, #tpu.memory_space<vmem>>) target_semaphore(%arg10 : memref<!tpu.dma_semaphore, #tpu.memory_space<semaphore_mem>>)
      %dma_wait3A_44 = arith.constant 0 : i32
      %dma_wait3A_45 = tpu.memref_slice %arg2[%mul3A_2, %dma_wait3A_44] : memref<40960x128xf32, #tpu.memory_space<hbm>> -> memref<128x128xf32, #tpu.memory_space<hbm>>
      %dma_wait3A_46 = arith.constant 0 : i32
      %dma_wait3A_47 = tpu.memref_slice %arg2[%mul3A_2, %dma_wait3A_46] : memref<40960x128xf32, #tpu.memory_space<hbm>> -> memref<128x128xf32, #tpu.memory_space<hbm>>
      tpu.wait_dma2 semaphore(%arg9 : memref<!tpu.dma_semaphore, #tpu.memory_space<semaphore_mem>>) src(%dma_wait3A_47 : memref<128x128xf32, #tpu.memory_space<hbm>>) dst(%arg7 : memref<128x128xf32, #tpu.memory_space<vmem>>)
      %dma_start3A_48 = arith.constant 0 : i32
      %dma_start3A_49 = tpu.memref_slice %arg6[%mul3A_31, %dma_start3A_48] : memref<10x128xi32, #tpu.memory_space<vmem>> -> memref<1x128xi32, #tpu.memory_space<vmem>>
      %dma_start3A_50 = tpu.memref_squeeze %dma_start3A_49 : memref<1x128xi32, #tpu.memory_space<vmem>> -> memref<128xi32, #tpu.memory_space<vmem>>
      %dma_start3A_51 = arith.constant 0 : i32
      %dma_start3A_52 = arith.constant 0 : i32
      %dma_start3A_53 = tpu.memref_slice %arg13[%dma_start3A_51, %dma_start3A_52] : memref<10240x128xf32, #tpu.memory_space<vmem_shared>> -> memref<10240x128xf32, #tpu.memory_space<vmem_shared>>
      tpu.enqueue_indirect_dma source(%arg7 : memref<128x128xf32, #tpu.memory_space<vmem>>) target(%dma_start3A_53 : memref<10240x128xf32, #tpu.memory_space<vmem_shared>>) offsets(%dma_start3A_50 : memref<128xi32, #tpu.memory_space<vmem>>) semaphore(%arg11 : memref<!tpu.dma_semaphore, #tpu.memory_space<semaphore_mem>>) {add = true}
      %lt3A = arith.constant 4 : i32
      %lt3A_54 = arith.cmpi slt, %scan3A_29, %lt3A : i32
      %convert_element_type3A_55 = arith.extui %lt3A_54 : i1 to i32
      %cond3A_56 = arith.constant 0 : i32
      %cond3A_57 = arith.cmpi ne, %convert_element_type3A_55, %cond3A_56 : i32
      scf.if %cond3A_57 {
        %dma_wait3A_70 = arith.constant 0 : i32
        %dma_wait3A_71 = arith.constant 0 : i32
        %dma_wait3A_72 = tpu.memref_slice %arg6[%dma_wait3A_70, %dma_wait3A_71] : memref<10x128xi32, #tpu.memory_space<vmem>> -> memref<1x128xi32, #tpu.memory_space<vmem>>
        %dma_wait3A_73 = tpu.memref_squeeze %dma_wait3A_72 : memref<1x128xi32, #tpu.memory_space<vmem>> -> memref<128xi32, #tpu.memory_space<vmem>>
        %dma_wait3A_74 = arith.constant 0 : i32
        %dma_wait3A_75 = arith.constant 0 : i32
        %dma_wait3A_76 = tpu.memref_slice %arg13[%dma_wait3A_74, %dma_wait3A_75] : memref<10240x128xf32, #tpu.memory_space<vmem_shared>> -> memref<10240x128xf32, #tpu.memory_space<vmem_shared>>
        tpu.wait_indirect_dma semaphore(%arg11 : memref<!tpu.dma_semaphore, #tpu.memory_space<semaphore_mem>>) src(%arg7 : memref<128x128xf32, #tpu.memory_space<vmem>>) dst(%dma_wait3A_76 : memref<10240x128xf32, #tpu.memory_space<vmem_shared>>)
        %add3A_77 = arith.constant 2 : i32
        %add3A_78 = arith.addi %mul3A_31, %add3A_77 : i32
        %mul3A_79 = arith.constant 128 : i32
        %mul3A_80 = arith.muli %add3A_78, %mul3A_79 : i32
        %multiple_of3A_81 = tpu.assume_multiple %mul3A_80, 128 : i32
        %add3A_82 = arith.addi %mul3A_2, %multiple_of3A_81 : i32
        %dma_start3A_83 = arith.constant 0 : i32
        %dma_start3A_84 = tpu.memref_slice %arg2[%add3A_82, %dma_start3A_83] : memref<40960x128xf32, #tpu.memory_space<hbm>> -> memref<128x128xf32, #tpu.memory_space<hbm>>
        %dma_start3A_85 = arith.constant 0 : i32
        %dma_start3A_86 = tpu.memref_slice %arg2[%add3A_82, %dma_start3A_85] : memref<40960x128xf32, #tpu.memory_space<hbm>> -> memref<128x128xf32, #tpu.memory_space<hbm>>
        tpu.enqueue_dma source(%dma_start3A_86 : memref<128x128xf32, #tpu.memory_space<hbm>>) target(%arg7 : memref<128x128xf32, #tpu.memory_space<vmem>>) target_semaphore(%arg9 : memref<!tpu.dma_semaphore, #tpu.memory_space<semaphore_mem>>)
      } else {
      }
      %dma_wait3A_58 = arith.constant 0 : i32
      %dma_wait3A_59 = tpu.memref_slice %arg2[%mul3A_2, %dma_wait3A_58] : memref<40960x128xf32, #tpu.memory_space<hbm>> -> memref<128x128xf32, #tpu.memory_space<hbm>>
      %dma_wait3A_60 = arith.constant 0 : i32
      %dma_wait3A_61 = tpu.memref_slice %arg2[%mul3A_2, %dma_wait3A_60] : memref<40960x128xf32, #tpu.memory_space<hbm>> -> memref<128x128xf32, #tpu.memory_space<hbm>>
      tpu.wait_dma2 semaphore(%arg10 : memref<!tpu.dma_semaphore, #tpu.memory_space<semaphore_mem>>) src(%dma_wait3A_61 : memref<128x128xf32, #tpu.memory_space<hbm>>) dst(%arg8 : memref<128x128xf32, #tpu.memory_space<vmem>>)
      %add3A_62 = arith.constant 1 : i32
      %add3A_63 = arith.addi %mul3A_31, %add3A_62 : i32
      %dma_start3A_64 = arith.constant 0 : i32
      %dma_start3A_65 = tpu.memref_slice %arg6[%add3A_63, %dma_start3A_64] : memref<10x128xi32, #tpu.memory_space<vmem>> -> memref<1x128xi32, #tpu.memory_space<vmem>>
      %dma_start3A_66 = tpu.memref_squeeze %dma_start3A_65 : memref<1x128xi32, #tpu.memory_space<vmem>> -> memref<128xi32, #tpu.memory_space<vmem>>
      %dma_start3A_67 = arith.constant 0 : i32
      %dma_start3A_68 = arith.constant 0 : i32
      %dma_start3A_69 = tpu.memref_slice %arg13[%dma_start3A_67, %dma_start3A_68] : memref<10240x128xf32, #tpu.memory_space<vmem_shared>> -> memref<10240x128xf32, #tpu.memory_space<vmem_shared>>
      tpu.enqueue_indirect_dma source(%arg8 : memref<128x128xf32, #tpu.memory_space<vmem>>) target(%dma_start3A_69 : memref<10240x128xf32, #tpu.memory_space<vmem_shared>>) offsets(%dma_start3A_66 : memref<128xi32, #tpu.memory_space<vmem>>) semaphore(%arg12 : memref<!tpu.dma_semaphore, #tpu.memory_space<semaphore_mem>>) {add = true}
    }
    %scan3A_14 = arith.constant 5 : i32
    %dma_wait3A = arith.constant 0 : i32
    %dma_wait3A_15 = arith.constant 0 : i32
    %dma_wait3A_16 = tpu.memref_slice %arg6[%dma_wait3A, %dma_wait3A_15] : memref<10x128xi32, #tpu.memory_space<vmem>> -> memref<1x128xi32, #tpu.memory_space<vmem>>
    %dma_wait3A_17 = tpu.memref_squeeze %dma_wait3A_16 : memref<1x128xi32, #tpu.memory_space<vmem>> -> memref<128xi32, #tpu.memory_space<vmem>>
    %dma_wait3A_18 = arith.constant 0 : i32
    %dma_wait3A_19 = arith.constant 0 : i32
    %dma_wait3A_20 = tpu.memref_slice %arg13[%dma_wait3A_18, %dma_wait3A_19] : memref<10240x128xf32, #tpu.memory_space<vmem_shared>> -> memref<10240x128xf32, #tpu.memory_space<vmem_shared>>
    tpu.wait_indirect_dma semaphore(%arg11 : memref<!tpu.dma_semaphore, #tpu.memory_space<semaphore_mem>>) src(%arg7 : memref<128x128xf32, #tpu.memory_space<vmem>>) dst(%dma_wait3A_20 : memref<10240x128xf32, #tpu.memory_space<vmem_shared>>)
    %dma_wait3A_21 = arith.constant 0 : i32
    %dma_wait3A_22 = arith.constant 0 : i32
    %dma_wait3A_23 = tpu.memref_slice %arg6[%dma_wait3A_21, %dma_wait3A_22] : memref<10x128xi32, #tpu.memory_space<vmem>> -> memref<1x128xi32, #tpu.memory_space<vmem>>
    %dma_wait3A_24 = tpu.memref_squeeze %dma_wait3A_23 : memref<1x128xi32, #tpu.memory_space<vmem>> -> memref<128xi32, #tpu.memory_space<vmem>>
    %dma_wait3A_25 = arith.constant 0 : i32
    %dma_wait3A_26 = arith.constant 0 : i32
    %dma_wait3A_27 = tpu.memref_slice %arg13[%dma_wait3A_25, %dma_wait3A_26] : memref<10240x128xf32, #tpu.memory_space<vmem_shared>> -> memref<10240x128xf32, #tpu.memory_space<vmem_shared>>
    tpu.wait_indirect_dma semaphore(%arg12 : memref<!tpu.dma_semaphore, #tpu.memory_space<semaphore_mem>>) src(%arg8 : memref<128x128xf32, #tpu.memory_space<vmem>>) dst(%dma_wait3A_27 : memref<10240x128xf32, #tpu.memory_space<vmem_shared>>)
    %barrier3A_28 = arith.constant 0 : index
    tpu.barrier barrier_id(%barrier3A_28)
    "tpu.region"() ({
      %run_scoped3A = tpu.sem_alloc : memref<!tpu.dma_semaphore, #tpu.memory_space<semaphore_mem>>
      %dma_start3A_29 = arith.constant 0 : i32
      %dma_start3A_30 = tpu.memref_slice %arg5[%arg0, %mul3A_4, %dma_start3A_29] : memref<2x10240x128xf32, #tpu.memory_space<hbm>> -> memref<1x640x128xf32, #tpu.memory_space<hbm>>
      %dma_start3A_31 = tpu.memref_squeeze %dma_start3A_30 : memref<1x640x128xf32, #tpu.memory_space<hbm>> -> memref<640x128xf32, #tpu.memory_space<hbm>>
      %dma_start3A_32 = arith.constant 0 : i32
      %dma_start3A_33 = tpu.memref_slice %arg13[%mul3A_4, %dma_start3A_32] : memref<10240x128xf32, #tpu.memory_space<vmem_shared>> -> memref<640x128xf32, #tpu.memory_space<vmem_shared>>
      tpu.enqueue_dma source(%dma_start3A_33 : memref<640x128xf32, #tpu.memory_space<vmem_shared>>) target(%dma_start3A_31 : memref<640x128xf32, #tpu.memory_space<hbm>>) target_semaphore(%run_scoped3A : memref<!tpu.dma_semaphore, #tpu.memory_space<semaphore_mem>>)
      %dma_wait3A_34 = arith.constant 0 : i32
      %dma_wait3A_35 = tpu.memref_slice %arg5[%arg0, %mul3A_4, %dma_wait3A_34] : memref<2x10240x128xf32, #tpu.memory_space<hbm>> -> memref<1x640x128xf32, #tpu.memory_space<hbm>>
      %dma_wait3A_36 = tpu.memref_squeeze %dma_wait3A_35 : memref<1x640x128xf32, #tpu.memory_space<hbm>> -> memref<640x128xf32, #tpu.memory_space<hbm>>
      %dma_wait3A_37 = arith.constant 0 : i32
      %dma_wait3A_38 = tpu.memref_slice %arg13[%mul3A_4, %dma_wait3A_37] : memref<10240x128xf32, #tpu.memory_space<vmem_shared>> -> memref<640x128xf32, #tpu.memory_space<vmem_shared>>
      tpu.wait_dma2 semaphore(%run_scoped3A : memref<!tpu.dma_semaphore, #tpu.memory_space<semaphore_mem>>) src(%dma_wait3A_38 : memref<640x128xf32, #tpu.memory_space<vmem_shared>>) dst(%dma_wait3A_36 : memref<640x128xf32, #tpu.memory_space<hbm>>)
      tpu.yield
    }) : () -> ()
    return
  }
}

module attributes {stable_mosaic.version = 14 : i64} {
  func.func @_edge_body(%arg0: i32, %arg1: memref<3x2048xf32, #tpu.memory_space<vmem>>, %arg2: memref<8x2048xf32, #tpu.memory_space<vmem>>, %arg3: memref<2048x128xf32, #tpu.memory_space<vmem>>, %arg4: memref<64x8xf32, #tpu.memory_space<vmem>>, %arg5: memref<64x1xf32, #tpu.memory_space<vmem>>, %arg6: memref<9x64xf32, #tpu.memory_space<vmem>>, %arg7: memref<9x1xf32, #tpu.memory_space<vmem>>, %arg8: memref<9x1152xbf16, #tpu.memory_space<vmem>>, %arg9: memref<1152x128xbf16, #tpu.memory_space<vmem>>, %arg10: memref<2048x128xf32, #tpu.memory_space<vmem>>) attributes {dimension_semantics = [#tpu.dimension_semantics<arbitrary>], iteration_bounds = array<i64: 20>, scalar_prefetch = 0 : i64, scratch_operands = 0 : i64, tpu.core_type = #tpu.core_type<tc>, window_params = [{transform_indices = @transform_0, window_bounds = array<i64: 3, 2048>}, {transform_indices = @transform_1, window_bounds = array<i64: 8, 2048>}, {transform_indices = @transform_2, window_bounds = array<i64: 2048, 128>}, {pipeline_mode = #tpu.pipeline_mode<synchronous>, transform_indices = @transform_3, window_bounds = array<i64: 64, 8>}, {pipeline_mode = #tpu.pipeline_mode<synchronous>, transform_indices = @transform_4, window_bounds = array<i64: 64, 1>}, {pipeline_mode = #tpu.pipeline_mode<synchronous>, transform_indices = @transform_5, window_bounds = array<i64: 9, 64>}, {pipeline_mode = #tpu.pipeline_mode<synchronous>, transform_indices = @transform_6, window_bounds = array<i64: 9, 1>}, {pipeline_mode = #tpu.pipeline_mode<synchronous>, transform_indices = @transform_7, window_bounds = array<i64: 9, 1152>}, {pipeline_mode = #tpu.pipeline_mode<synchronous>, transform_indices = @transform_8, window_bounds = array<i64: 1152, 128>}, {transform_indices = @transform_9, window_bounds = array<i64: 2048, 128>}]} {
    %get3A = arith.constant 0 : index
    %get3A_0 = arith.constant 0 : index
    %get3A_1 = vector.load %arg1[%get3A, %get3A_0] : memref<3x2048xf32, #tpu.memory_space<vmem>>, vector<3x2048xf32>
    %mul3A = arith.mulf %get3A_1, %get3A_1 : vector<3x2048xf32>
    %reduce_sum3A = arith.constant dense<0.000000e+00> : vector<2048xf32>
    %reduce_sum3A_2 = vector.multi_reduction <add>, %mul3A, %reduce_sum3A [0] : vector<3x2048xf32> to vector<2048xf32>
    %broadcast_in_dim3A = vector.shape_cast %reduce_sum3A_2 : vector<2048xf32> to vector<1x2048xf32>
    %sqrt3A = math.sqrt %broadcast_in_dim3A : vector<1x2048xf32>
    %add3A = arith.constant 9.99999993E-9 : f32
    %add3A_3 = vector.broadcast %add3A : f32 to vector<1x2048xf32>
    %add3A_4 = arith.addf %sqrt3A, %add3A_3 : vector<1x2048xf32>
    %div3A = vector.broadcast %add3A_4 : vector<1x2048xf32> to vector<3x2048xf32>
    %div3A_5 = arith.divf %get3A_1, %div3A : vector<3x2048xf32>
    %slice3A = vector.extract_strided_slice %div3A_5 {offsets = [0, 0], sizes = [1, 2048], strides = [1, 1]} : vector<3x2048xf32> to vector<1x2048xf32>
    %slice3A_6 = vector.extract_strided_slice %div3A_5 {offsets = [1, 0], sizes = [1, 2048], strides = [1, 1]} : vector<3x2048xf32> to vector<1x2048xf32>
    %slice3A_7 = vector.extract_strided_slice %div3A_5 {offsets = [2, 0], sizes = [1, 2048], strides = [1, 1]} : vector<3x2048xf32> to vector<1x2048xf32>
    %broadcast_in_dim3A_8 = arith.constant 1.000000e+00 : f32
    %broadcast_in_dim3A_9 = vector.broadcast %broadcast_in_dim3A_8 : f32 to vector<1x2048xf32>
    %mul3A_10 = arith.mulf %slice3A, %slice3A_6 : vector<1x2048xf32>
    %mul3A_11 = arith.mulf %slice3A_6, %slice3A_7 : vector<1x2048xf32>
    %mul3A_12 = arith.constant 3.000000e+00 : f32
    %mul3A_13 = vector.broadcast %mul3A_12 : f32 to vector<1x2048xf32>
    %mul3A_14 = arith.mulf %mul3A_13, %slice3A_7 : vector<1x2048xf32>
    %mul3A_15 = arith.mulf %mul3A_14, %slice3A_7 : vector<1x2048xf32>
    %sub3A = arith.constant 1.000000e+00 : f32
    %sub3A_16 = vector.broadcast %sub3A : f32 to vector<1x2048xf32>
    %sub3A_17 = arith.subf %mul3A_15, %sub3A_16 : vector<1x2048xf32>
    %mul3A_18 = arith.mulf %slice3A, %slice3A_7 : vector<1x2048xf32>
    %mul3A_19 = arith.mulf %slice3A, %slice3A : vector<1x2048xf32>
    %mul3A_20 = arith.mulf %slice3A_6, %slice3A_6 : vector<1x2048xf32>
    %sub3A_21 = arith.subf %mul3A_19, %mul3A_20 : vector<1x2048xf32>
    %concatenate3A = tpu.concatenate %broadcast_in_dim3A_9, %slice3A, %slice3A_6, %slice3A_7, %mul3A_10, %mul3A_11, %sub3A_17, %mul3A_18, %sub3A_21 in 0 : vector<1x2048xf32>, vector<1x2048xf32>, vector<1x2048xf32>, vector<1x2048xf32>, vector<1x2048xf32>, vector<1x2048xf32>, vector<1x2048xf32>, vector<1x2048xf32>, vector<1x2048xf32> -> vector<9x2048xf32>
    %get3A_22 = arith.constant 0 : index
    %get3A_23 = arith.constant 0 : index
    %get3A_24 = vector.load %arg4[%get3A_22, %get3A_23] : memref<64x8xf32, #tpu.memory_space<vmem>>, vector<64x8xf32>
    %get3A_25 = arith.constant 0 : index
    %get3A_26 = arith.constant 0 : index
    %get3A_27 = vector.load %arg2[%get3A_25, %get3A_26] : memref<8x2048xf32, #tpu.memory_space<vmem>>, vector<8x2048xf32>
    %dot_general3A = arith.constant dense<0.000000e+00> : vector<64x2048xf32>
    %dot_general3A_28 = tpu.matmul %get3A_24, %get3A_27, %dot_general3A {dimension_numbers = #tpu.dot_dimension_numbers<[1], [0], [0], [1], [0, 0, 1, 1], [], []>, transpose_lhs_hint = false} : vector<64x8xf32>, vector<8x2048xf32>, vector<64x2048xf32> -> vector<64x2048xf32>
    %get3A_29 = arith.constant 0 : index
    %get3A_30 = arith.constant 0 : index
    %get3A_31 = vector.load %arg5[%get3A_29, %get3A_30] : memref<64x1xf32, #tpu.memory_space<vmem>>, vector<64x1xf32>
    %add3A_32 = vector.broadcast %get3A_31 : vector<64x1xf32> to vector<64x2048xf32>
    %add3A_33 = arith.addf %dot_general3A_28, %add3A_32 : vector<64x2048xf32>
    %logistic3A = arith.negf %add3A_33 : vector<64x2048xf32>
    %logistic3A_34 = math.exp %logistic3A : vector<64x2048xf32>
    %logistic3A_35 = arith.constant 1.000000e+00 : f32
    %logistic3A_36 = vector.broadcast %logistic3A_35 : f32 to vector<64x2048xf32>
    %logistic3A_37 = arith.addf %logistic3A_36, %logistic3A_34 : vector<64x2048xf32>
    %logistic3A_38 = arith.divf %logistic3A_36, %logistic3A_37 : vector<64x2048xf32>
    %mul3A_39 = arith.mulf %add3A_33, %logistic3A_38 : vector<64x2048xf32>
    %get3A_40 = arith.constant 0 : index
    %get3A_41 = arith.constant 0 : index
    %get3A_42 = vector.load %arg6[%get3A_40, %get3A_41] : memref<9x64xf32, #tpu.memory_space<vmem>>, vector<9x64xf32>
    %dot_general3A_43 = arith.constant dense<0.000000e+00> : vector<9x2048xf32>
    %dot_general3A_44 = tpu.matmul %get3A_42, %mul3A_39, %dot_general3A_43 {dimension_numbers = #tpu.dot_dimension_numbers<[1], [0], [0], [1], [0, 0, 1, 1], [], []>, transpose_lhs_hint = false} : vector<9x64xf32>, vector<64x2048xf32>, vector<9x2048xf32> -> vector<9x2048xf32>
    %get3A_45 = arith.constant 0 : index
    %get3A_46 = arith.constant 0 : index
    %get3A_47 = vector.load %arg7[%get3A_45, %get3A_46] : memref<9x1xf32, #tpu.memory_space<vmem>>, vector<9x1xf32>
    %add3A_48 = vector.broadcast %get3A_47 : vector<9x1xf32> to vector<9x2048xf32>
    %add3A_49 = arith.addf %dot_general3A_44, %add3A_48 : vector<9x2048xf32>
    %mul3A_50 = arith.mulf %concatenate3A, %add3A_49 : vector<9x2048xf32>
    %convert_element_type3A = arith.truncf %mul3A_50 : vector<9x2048xf32> to vector<9x2048xbf16>
    %transpose3A = tpu.transpose %convert_element_type3A, [1, 0] : vector<9x2048xbf16> -> vector<2048x9xbf16>
    %get3A_51 = arith.constant 0 : index
    %get3A_52 = arith.constant 0 : index
    %get3A_53 = vector.load %arg3[%get3A_51, %get3A_52] : memref<2048x128xf32, #tpu.memory_space<vmem>>, vector<2048x128xf32>
    %convert_element_type3A_54 = arith.truncf %get3A_53 : vector<2048x128xf32> to vector<2048x128xbf16>
    %slice3A_55 = vector.extract_strided_slice %transpose3A {offsets = [0, 0], sizes = [2048, 1], strides = [1, 1]} : vector<2048x9xbf16> to vector<2048x1xbf16>
    %mul3A_56 = vector.broadcast %slice3A_55 : vector<2048x1xbf16> to vector<2048x128xbf16>
    %mul3A_57 = arith.mulf %convert_element_type3A_54, %mul3A_56 : vector<2048x128xbf16>
    %slice3A_58 = vector.extract_strided_slice %transpose3A {offsets = [0, 1], sizes = [2048, 1], strides = [1, 1]} : vector<2048x9xbf16> to vector<2048x1xbf16>
    %mul3A_59 = vector.broadcast %slice3A_58 : vector<2048x1xbf16> to vector<2048x128xbf16>
    %mul3A_60 = arith.mulf %convert_element_type3A_54, %mul3A_59 : vector<2048x128xbf16>
    %slice3A_61 = vector.extract_strided_slice %transpose3A {offsets = [0, 2], sizes = [2048, 1], strides = [1, 1]} : vector<2048x9xbf16> to vector<2048x1xbf16>
    %mul3A_62 = vector.broadcast %slice3A_61 : vector<2048x1xbf16> to vector<2048x128xbf16>
    %mul3A_63 = arith.mulf %convert_element_type3A_54, %mul3A_62 : vector<2048x128xbf16>
    %slice3A_64 = vector.extract_strided_slice %transpose3A {offsets = [0, 3], sizes = [2048, 1], strides = [1, 1]} : vector<2048x9xbf16> to vector<2048x1xbf16>
    %mul3A_65 = vector.broadcast %slice3A_64 : vector<2048x1xbf16> to vector<2048x128xbf16>
    %mul3A_66 = arith.mulf %convert_element_type3A_54, %mul3A_65 : vector<2048x128xbf16>
    %slice3A_67 = vector.extract_strided_slice %transpose3A {offsets = [0, 4], sizes = [2048, 1], strides = [1, 1]} : vector<2048x9xbf16> to vector<2048x1xbf16>
    %mul3A_68 = vector.broadcast %slice3A_67 : vector<2048x1xbf16> to vector<2048x128xbf16>
    %mul3A_69 = arith.mulf %convert_element_type3A_54, %mul3A_68 : vector<2048x128xbf16>
    %slice3A_70 = vector.extract_strided_slice %transpose3A {offsets = [0, 5], sizes = [2048, 1], strides = [1, 1]} : vector<2048x9xbf16> to vector<2048x1xbf16>
    %mul3A_71 = vector.broadcast %slice3A_70 : vector<2048x1xbf16> to vector<2048x128xbf16>
    %mul3A_72 = arith.mulf %convert_element_type3A_54, %mul3A_71 : vector<2048x128xbf16>
    %slice3A_73 = vector.extract_strided_slice %transpose3A {offsets = [0, 6], sizes = [2048, 1], strides = [1, 1]} : vector<2048x9xbf16> to vector<2048x1xbf16>
    %mul3A_74 = vector.broadcast %slice3A_73 : vector<2048x1xbf16> to vector<2048x128xbf16>
    %mul3A_75 = arith.mulf %convert_element_type3A_54, %mul3A_74 : vector<2048x128xbf16>
    %slice3A_76 = vector.extract_strided_slice %transpose3A {offsets = [0, 7], sizes = [2048, 1], strides = [1, 1]} : vector<2048x9xbf16> to vector<2048x1xbf16>
    %mul3A_77 = vector.broadcast %slice3A_76 : vector<2048x1xbf16> to vector<2048x128xbf16>
    %mul3A_78 = arith.mulf %convert_element_type3A_54, %mul3A_77 : vector<2048x128xbf16>
    %slice3A_79 = vector.extract_strided_slice %transpose3A {offsets = [0, 8], sizes = [2048, 1], strides = [1, 1]} : vector<2048x9xbf16> to vector<2048x1xbf16>
    %mul3A_80 = vector.broadcast %slice3A_79 : vector<2048x1xbf16> to vector<2048x128xbf16>
    %mul3A_81 = arith.mulf %convert_element_type3A_54, %mul3A_80 : vector<2048x128xbf16>
    %concatenate3A_82 = tpu.concatenate %mul3A_57, %mul3A_60, %mul3A_63, %mul3A_66, %mul3A_69, %mul3A_72, %mul3A_75, %mul3A_78, %mul3A_81 in 1 : vector<2048x128xbf16>, vector<2048x128xbf16>, vector<2048x128xbf16>, vector<2048x128xbf16>, vector<2048x128xbf16>, vector<2048x128xbf16>, vector<2048x128xbf16>, vector<2048x128xbf16>, vector<2048x128xbf16> -> vector<2048x1152xbf16>
    %get3A_83 = arith.constant 0 : index
    %get3A_84 = arith.constant 0 : index
    %get3A_85 = vector.load %arg9[%get3A_83, %get3A_84] : memref<1152x128xbf16, #tpu.memory_space<vmem>>, vector<1152x128xbf16>
    %dot_general3A_86 = arith.constant dense<0.000000e+00> : vector<2048x128xf32>
    %dot_general3A_87 = tpu.matmul %concatenate3A_82, %get3A_85, %dot_general3A_86 {dimension_numbers = #tpu.dot_dimension_numbers<[1], [0], [0], [1], [0, 0, 1, 1], [], []>, transpose_lhs_hint = false} : vector<2048x1152xbf16>, vector<1152x128xbf16>, vector<2048x128xf32> -> vector<2048x128xf32>
    %sqrt3A_88 = arith.constant 1.600000e+01 : f32
    %sqrt3A_89 = math.sqrt %sqrt3A_88 : f32
    %div3A_90 = arith.constant 1.000000e+00 : f32
    %div3A_91 = arith.divf %div3A_90, %sqrt3A_89 : f32
    %mul3A_92 = vector.broadcast %div3A_91 : f32 to vector<2048x128xf32>
    %mul3A_93 = arith.mulf %dot_general3A_87, %mul3A_92 : vector<2048x128xf32>
    %swap3A = arith.constant 0 : index
    %swap3A_94 = arith.constant 0 : index
    %swap3A_95 = vector.load %arg10[%swap3A, %swap3A_94] : memref<2048x128xf32, #tpu.memory_space<vmem>>, vector<2048x128xf32>
    tpu.vector_store %arg10[%swap3A, %swap3A_94], %mul3A_93 {strides = array<i32>} : memref<2048x128xf32, #tpu.memory_space<vmem>>, vector<2048x128xf32>,
    return
  }
  func.func @transform_0(%arg0: i32) -> (i32, i32) {
    %c0_i32 = arith.constant 0 : i32
    %c0_i32_0 = arith.constant 0 : i32
    return %c0_i32, %arg0 : i32, i32
  }
  func.func @transform_1(%arg0: i32) -> (i32, i32) {
    %c0_i32 = arith.constant 0 : i32
    %c0_i32_0 = arith.constant 0 : i32
    return %c0_i32, %arg0 : i32, i32
  }
  func.func @transform_2(%arg0: i32) -> (i32, i32) {
    %c0_i32 = arith.constant 0 : i32
    %c0_i32_0 = arith.constant 0 : i32
    return %arg0, %c0_i32 : i32, i32
  }
  func.func @transform_3(%arg0: i32) -> (i32, i32) {
    %c0_i32 = arith.constant 0 : i32
    %c0_i32_0 = arith.constant 0 : i32
    %c0_i32_1 = arith.constant 0 : i32
    return %c0_i32, %c0_i32_0 : i32, i32
  }
  func.func @transform_4(%arg0: i32) -> (i32, i32) {
    %c0_i32 = arith.constant 0 : i32
    %c0_i32_0 = arith.constant 0 : i32
    %c0_i32_1 = arith.constant 0 : i32
    return %c0_i32, %c0_i32_0 : i32, i32
  }
  func.func @transform_5(%arg0: i32) -> (i32, i32) {
    %c0_i32 = arith.constant 0 : i32
    %c0_i32_0 = arith.constant 0 : i32
    %c0_i32_1 = arith.constant 0 : i32
    return %c0_i32, %c0_i32_0 : i32, i32
  }
  func.func @transform_6(%arg0: i32) -> (i32, i32) {
    %c0_i32 = arith.constant 0 : i32
    %c0_i32_0 = arith.constant 0 : i32
    %c0_i32_1 = arith.constant 0 : i32
    return %c0_i32, %c0_i32_0 : i32, i32
  }
  func.func @transform_7(%arg0: i32) -> (i32, i32) {
    %c0_i32 = arith.constant 0 : i32
    %c0_i32_0 = arith.constant 0 : i32
    %c0_i32_1 = arith.constant 0 : i32
    return %c0_i32, %c0_i32_0 : i32, i32
  }
  func.func @transform_8(%arg0: i32) -> (i32, i32) {
    %c0_i32 = arith.constant 0 : i32
    %c0_i32_0 = arith.constant 0 : i32
    %c0_i32_1 = arith.constant 0 : i32
    return %c0_i32, %c0_i32_0 : i32, i32
  }
  func.func @transform_9(%arg0: i32) -> (i32, i32) {
    %c0_i32 = arith.constant 0 : i32
    %c0_i32_0 = arith.constant 0 : i32
    return %arg0, %c0_i32 : i32, i32
  }
}

module attributes {stable_mosaic.version = 14 : i64} {
  func.func @_node_body(%arg0: i32, %arg1: memref<8x1000x128xf32, #tpu.memory_space<vmem>>, %arg2: memref<1000x128xf32, #tpu.memory_space<vmem>>, %arg3: memref<1000x1xi32, #tpu.memory_space<vmem>>, %arg4: memref<10x128x128xf32, #tpu.memory_space<vmem>>, %arg5: memref<10x384xf32, #tpu.memory_space<vmem>>, %arg6: memref<128x128xf32, #tpu.memory_space<vmem>>, %arg7: memref<128x1xf32, #tpu.memory_space<vmem>>, %arg8: memref<1000x1xf32, #tpu.memory_space<vmem>>, %arg9: memref<1000x128xf32, #tpu.memory_space<vmem>>) attributes {dimension_semantics = [#tpu.dimension_semantics<arbitrary>], iteration_bounds = array<i64: 10>, scalar_prefetch = 0 : i64, scratch_operands = 0 : i64, tpu.core_type = #tpu.core_type<tc>, window_params = [{transform_indices = @transform_0, window_bounds = array<i64: 8, 1000, 128>}, {transform_indices = @transform_1, window_bounds = array<i64: 1000, 128>}, {transform_indices = @transform_2, window_bounds = array<i64: 1000, 1>}, {pipeline_mode = #tpu.pipeline_mode<synchronous>, transform_indices = @transform_3, window_bounds = array<i64: 10, 128, 128>}, {pipeline_mode = #tpu.pipeline_mode<synchronous>, transform_indices = @transform_4, window_bounds = array<i64: 10, 384>}, {pipeline_mode = #tpu.pipeline_mode<synchronous>, transform_indices = @transform_5, window_bounds = array<i64: 128, 128>}, {pipeline_mode = #tpu.pipeline_mode<synchronous>, transform_indices = @transform_6, window_bounds = array<i64: 128, 1>}, {transform_indices = @transform_7, window_bounds = array<i64: 1000, 1>}, {transform_indices = @transform_8, window_bounds = array<i64: 1000, 128>}]} {
    %get3A = arith.constant 0 : index
    %get3A_0 = arith.constant 0 : index
    %get3A_1 = arith.constant 0 : index
    %get3A_2 = vector.load %arg1[%get3A, %get3A_0, %get3A_1] : memref<8x1000x128xf32, #tpu.memory_space<vmem>>, vector<8x1000x128xf32>
    %reduce_sum3A = arith.constant dense<0.000000e+00> : vector<1000x128xf32>
    %reduce_sum3A_3 = vector.multi_reduction <add>, %get3A_2, %reduce_sum3A [0] : vector<8x1000x128xf32> to vector<1000x128xf32>
    %get3A_4 = arith.constant 0 : index
    %get3A_5 = arith.constant 0 : index
    %get3A_6 = vector.load %arg3[%get3A_4, %get3A_5] : memref<1000x1xi32, #tpu.memory_space<vmem>>, vector<1000x1xi32>
    %iota3A = tpu.iota {dimensions = array<i32: 1>} : vector<1x10xi32>
    %eq3A = vector.broadcast %get3A_6 : vector<1000x1xi32> to vector<1000x10xi32>
    %eq3A_7 = vector.broadcast %iota3A : vector<1x10xi32> to vector<1000x10xi32>
    %eq3A_8 = arith.cmpi eq, %eq3A, %eq3A_7 : vector<1000x10xi32>
    %convert_element_type3A = arith.extui %eq3A_8 : vector<1000x10xi1> to vector<1000x10xi32>
    %convert_element_type3A_9 = arith.sitofp %convert_element_type3A : vector<1000x10xi32> to vector<1000x10xf32>
    %get3A_10 = arith.constant 0 : index
    %get3A_11 = arith.constant 0 : index
    %get3A_12 = vector.load %arg2[%get3A_10, %get3A_11] : memref<1000x128xf32, #tpu.memory_space<vmem>>, vector<1000x128xf32>
    %broadcast_in_dim3A = arith.constant 0.000000e+00 : f32
    %broadcast_in_dim3A_13 = vector.broadcast %broadcast_in_dim3A : f32 to vector<1000x128xf32>
    %slice3A = vector.extract_strided_slice %convert_element_type3A_9 {offsets = [0, 0], sizes = [1000, 1], strides = [1, 1]} : vector<1000x10xf32> to vector<1000x1xf32>
    %get3A_14 = arith.constant 0 : index
    %get3A_15 = arith.constant 0 : index
    %get3A_16 = arith.constant 0 : index
    %get3A_17 = vector.load %arg4[%get3A_14, %get3A_15, %get3A_16] : memref<10x128x128xf32, #tpu.memory_space<vmem>>, vector<1x128x128xf32>
    %get3A_18 = vector.shape_cast %get3A_17 : vector<1x128x128xf32> to vector<128x128xf32>
    %dot_general3A = arith.constant dense<0.000000e+00> : vector<1000x128xf32>
    %dot_general3A_19 = tpu.matmul %get3A_12, %get3A_18, %dot_general3A {dimension_numbers = #tpu.dot_dimension_numbers<[1], [0], [0], [1], [0, 0, 1, 1], [], []>, transpose_lhs_hint = false} : vector<1000x128xf32>, vector<128x128xf32>, vector<1000x128xf32> -> vector<1000x128xf32>
    %mul3A = vector.broadcast %slice3A : vector<1000x1xf32> to vector<1000x128xf32>
    %mul3A_20 = arith.mulf %mul3A, %dot_general3A_19 : vector<1000x128xf32>
    %add3A = arith.addf %broadcast_in_dim3A_13, %mul3A_20 : vector<1000x128xf32>
    %slice3A_21 = vector.extract_strided_slice %convert_element_type3A_9 {offsets = [0, 1], sizes = [1000, 1], strides = [1, 1]} : vector<1000x10xf32> to vector<1000x1xf32>
    %get3A_22 = arith.constant 1 : index
    %get3A_23 = arith.constant 0 : index
    %get3A_24 = arith.constant 0 : index
    %get3A_25 = vector.load %arg4[%get3A_22, %get3A_23, %get3A_24] : memref<10x128x128xf32, #tpu.memory_space<vmem>>, vector<1x128x128xf32>
    %get3A_26 = vector.shape_cast %get3A_25 : vector<1x128x128xf32> to vector<128x128xf32>
    %dot_general3A_27 = arith.constant dense<0.000000e+00> : vector<1000x128xf32>
    %dot_general3A_28 = tpu.matmul %get3A_12, %get3A_26, %dot_general3A_27 {dimension_numbers = #tpu.dot_dimension_numbers<[1], [0], [0], [1], [0, 0, 1, 1], [], []>, transpose_lhs_hint = false} : vector<1000x128xf32>, vector<128x128xf32>, vector<1000x128xf32> -> vector<1000x128xf32>
    %mul3A_29 = vector.broadcast %slice3A_21 : vector<1000x1xf32> to vector<1000x128xf32>
    %mul3A_30 = arith.mulf %mul3A_29, %dot_general3A_28 : vector<1000x128xf32>
    %add3A_31 = arith.addf %add3A, %mul3A_30 : vector<1000x128xf32>
    %slice3A_32 = vector.extract_strided_slice %convert_element_type3A_9 {offsets = [0, 2], sizes = [1000, 1], strides = [1, 1]} : vector<1000x10xf32> to vector<1000x1xf32>
    %get3A_33 = arith.constant 2 : index
    %get3A_34 = arith.constant 0 : index
    %get3A_35 = arith.constant 0 : index
    %get3A_36 = vector.load %arg4[%get3A_33, %get3A_34, %get3A_35] : memref<10x128x128xf32, #tpu.memory_space<vmem>>, vector<1x128x128xf32>
    %get3A_37 = vector.shape_cast %get3A_36 : vector<1x128x128xf32> to vector<128x128xf32>
    %dot_general3A_38 = arith.constant dense<0.000000e+00> : vector<1000x128xf32>
    %dot_general3A_39 = tpu.matmul %get3A_12, %get3A_37, %dot_general3A_38 {dimension_numbers = #tpu.dot_dimension_numbers<[1], [0], [0], [1], [0, 0, 1, 1], [], []>, transpose_lhs_hint = false} : vector<1000x128xf32>, vector<128x128xf32>, vector<1000x128xf32> -> vector<1000x128xf32>
    %mul3A_40 = vector.broadcast %slice3A_32 : vector<1000x1xf32> to vector<1000x128xf32>
    %mul3A_41 = arith.mulf %mul3A_40, %dot_general3A_39 : vector<1000x128xf32>
    %add3A_42 = arith.addf %add3A_31, %mul3A_41 : vector<1000x128xf32>
    %slice3A_43 = vector.extract_strided_slice %convert_element_type3A_9 {offsets = [0, 3], sizes = [1000, 1], strides = [1, 1]} : vector<1000x10xf32> to vector<1000x1xf32>
    %get3A_44 = arith.constant 3 : index
    %get3A_45 = arith.constant 0 : index
    %get3A_46 = arith.constant 0 : index
    %get3A_47 = vector.load %arg4[%get3A_44, %get3A_45, %get3A_46] : memref<10x128x128xf32, #tpu.memory_space<vmem>>, vector<1x128x128xf32>
    %get3A_48 = vector.shape_cast %get3A_47 : vector<1x128x128xf32> to vector<128x128xf32>
    %dot_general3A_49 = arith.constant dense<0.000000e+00> : vector<1000x128xf32>
    %dot_general3A_50 = tpu.matmul %get3A_12, %get3A_48, %dot_general3A_49 {dimension_numbers = #tpu.dot_dimension_numbers<[1], [0], [0], [1], [0, 0, 1, 1], [], []>, transpose_lhs_hint = false} : vector<1000x128xf32>, vector<128x128xf32>, vector<1000x128xf32> -> vector<1000x128xf32>
    %mul3A_51 = vector.broadcast %slice3A_43 : vector<1000x1xf32> to vector<1000x128xf32>
    %mul3A_52 = arith.mulf %mul3A_51, %dot_general3A_50 : vector<1000x128xf32>
    %add3A_53 = arith.addf %add3A_42, %mul3A_52 : vector<1000x128xf32>
    %slice3A_54 = vector.extract_strided_slice %convert_element_type3A_9 {offsets = [0, 4], sizes = [1000, 1], strides = [1, 1]} : vector<1000x10xf32> to vector<1000x1xf32>
    %get3A_55 = arith.constant 4 : index
    %get3A_56 = arith.constant 0 : index
    %get3A_57 = arith.constant 0 : index
    %get3A_58 = vector.load %arg4[%get3A_55, %get3A_56, %get3A_57] : memref<10x128x128xf32, #tpu.memory_space<vmem>>, vector<1x128x128xf32>
    %get3A_59 = vector.shape_cast %get3A_58 : vector<1x128x128xf32> to vector<128x128xf32>
    %dot_general3A_60 = arith.constant dense<0.000000e+00> : vector<1000x128xf32>
    %dot_general3A_61 = tpu.matmul %get3A_12, %get3A_59, %dot_general3A_60 {dimension_numbers = #tpu.dot_dimension_numbers<[1], [0], [0], [1], [0, 0, 1, 1], [], []>, transpose_lhs_hint = false} : vector<1000x128xf32>, vector<128x128xf32>, vector<1000x128xf32> -> vector<1000x128xf32>
    %mul3A_62 = vector.broadcast %slice3A_54 : vector<1000x1xf32> to vector<1000x128xf32>
    %mul3A_63 = arith.mulf %mul3A_62, %dot_general3A_61 : vector<1000x128xf32>
    %add3A_64 = arith.addf %add3A_53, %mul3A_63 : vector<1000x128xf32>
    %slice3A_65 = vector.extract_strided_slice %convert_element_type3A_9 {offsets = [0, 5], sizes = [1000, 1], strides = [1, 1]} : vector<1000x10xf32> to vector<1000x1xf32>
    %get3A_66 = arith.constant 5 : index
    %get3A_67 = arith.constant 0 : index
    %get3A_68 = arith.constant 0 : index
    %get3A_69 = vector.load %arg4[%get3A_66, %get3A_67, %get3A_68] : memref<10x128x128xf32, #tpu.memory_space<vmem>>, vector<1x128x128xf32>
    %get3A_70 = vector.shape_cast %get3A_69 : vector<1x128x128xf32> to vector<128x128xf32>
    %dot_general3A_71 = arith.constant dense<0.000000e+00> : vector<1000x128xf32>
    %dot_general3A_72 = tpu.matmul %get3A_12, %get3A_70, %dot_general3A_71 {dimension_numbers = #tpu.dot_dimension_numbers<[1], [0], [0], [1], [0, 0, 1, 1], [], []>, transpose_lhs_hint = false} : vector<1000x128xf32>, vector<128x128xf32>, vector<1000x128xf32> -> vector<1000x128xf32>
    %mul3A_73 = vector.broadcast %slice3A_65 : vector<1000x1xf32> to vector<1000x128xf32>
    %mul3A_74 = arith.mulf %mul3A_73, %dot_general3A_72 : vector<1000x128xf32>
    %add3A_75 = arith.addf %add3A_64, %mul3A_74 : vector<1000x128xf32>
    %slice3A_76 = vector.extract_strided_slice %convert_element_type3A_9 {offsets = [0, 6], sizes = [1000, 1], strides = [1, 1]} : vector<1000x10xf32> to vector<1000x1xf32>
    %get3A_77 = arith.constant 6 : index
    %get3A_78 = arith.constant 0 : index
    %get3A_79 = arith.constant 0 : index
    %get3A_80 = vector.load %arg4[%get3A_77, %get3A_78, %get3A_79] : memref<10x128x128xf32, #tpu.memory_space<vmem>>, vector<1x128x128xf32>
    %get3A_81 = vector.shape_cast %get3A_80 : vector<1x128x128xf32> to vector<128x128xf32>
    %dot_general3A_82 = arith.constant dense<0.000000e+00> : vector<1000x128xf32>
    %dot_general3A_83 = tpu.matmul %get3A_12, %get3A_81, %dot_general3A_82 {dimension_numbers = #tpu.dot_dimension_numbers<[1], [0], [0], [1], [0, 0, 1, 1], [], []>, transpose_lhs_hint = false} : vector<1000x128xf32>, vector<128x128xf32>, vector<1000x128xf32> -> vector<1000x128xf32>
    %mul3A_84 = vector.broadcast %slice3A_76 : vector<1000x1xf32> to vector<1000x128xf32>
    %mul3A_85 = arith.mulf %mul3A_84, %dot_general3A_83 : vector<1000x128xf32>
    %add3A_86 = arith.addf %add3A_75, %mul3A_85 : vector<1000x128xf32>
    %slice3A_87 = vector.extract_strided_slice %convert_element_type3A_9 {offsets = [0, 7], sizes = [1000, 1], strides = [1, 1]} : vector<1000x10xf32> to vector<1000x1xf32>
    %get3A_88 = arith.constant 7 : index
    %get3A_89 = arith.constant 0 : index
    %get3A_90 = arith.constant 0 : index
    %get3A_91 = vector.load %arg4[%get3A_88, %get3A_89, %get3A_90] : memref<10x128x128xf32, #tpu.memory_space<vmem>>, vector<1x128x128xf32>
    %get3A_92 = vector.shape_cast %get3A_91 : vector<1x128x128xf32> to vector<128x128xf32>
    %dot_general3A_93 = arith.constant dense<0.000000e+00> : vector<1000x128xf32>
    %dot_general3A_94 = tpu.matmul %get3A_12, %get3A_92, %dot_general3A_93 {dimension_numbers = #tpu.dot_dimension_numbers<[1], [0], [0], [1], [0, 0, 1, 1], [], []>, transpose_lhs_hint = false} : vector<1000x128xf32>, vector<128x128xf32>, vector<1000x128xf32> -> vector<1000x128xf32>
    %mul3A_95 = vector.broadcast %slice3A_87 : vector<1000x1xf32> to vector<1000x128xf32>
    %mul3A_96 = arith.mulf %mul3A_95, %dot_general3A_94 : vector<1000x128xf32>
    %add3A_97 = arith.addf %add3A_86, %mul3A_96 : vector<1000x128xf32>
    %slice3A_98 = vector.extract_strided_slice %convert_element_type3A_9 {offsets = [0, 8], sizes = [1000, 1], strides = [1, 1]} : vector<1000x10xf32> to vector<1000x1xf32>
    %get3A_99 = arith.constant 8 : index
    %get3A_100 = arith.constant 0 : index
    %get3A_101 = arith.constant 0 : index
    %get3A_102 = vector.load %arg4[%get3A_99, %get3A_100, %get3A_101] : memref<10x128x128xf32, #tpu.memory_space<vmem>>, vector<1x128x128xf32>
    %get3A_103 = vector.shape_cast %get3A_102 : vector<1x128x128xf32> to vector<128x128xf32>
    %dot_general3A_104 = arith.constant dense<0.000000e+00> : vector<1000x128xf32>
    %dot_general3A_105 = tpu.matmul %get3A_12, %get3A_103, %dot_general3A_104 {dimension_numbers = #tpu.dot_dimension_numbers<[1], [0], [0], [1], [0, 0, 1, 1], [], []>, transpose_lhs_hint = false} : vector<1000x128xf32>, vector<128x128xf32>, vector<1000x128xf32> -> vector<1000x128xf32>
    %mul3A_106 = vector.broadcast %slice3A_98 : vector<1000x1xf32> to vector<1000x128xf32>
    %mul3A_107 = arith.mulf %mul3A_106, %dot_general3A_105 : vector<1000x128xf32>
    %add3A_108 = arith.addf %add3A_97, %mul3A_107 : vector<1000x128xf32>
    %slice3A_109 = vector.extract_strided_slice %convert_element_type3A_9 {offsets = [0, 9], sizes = [1000, 1], strides = [1, 1]} : vector<1000x10xf32> to vector<1000x1xf32>
    %get3A_110 = arith.constant 9 : index
    %get3A_111 = arith.constant 0 : index
    %get3A_112 = arith.constant 0 : index
    %get3A_113 = vector.load %arg4[%get3A_110, %get3A_111, %get3A_112] : memref<10x128x128xf32, #tpu.memory_space<vmem>>, vector<1x128x128xf32>
    %get3A_114 = vector.shape_cast %get3A_113 : vector<1x128x128xf32> to vector<128x128xf32>
    %dot_general3A_115 = arith.constant dense<0.000000e+00> : vector<1000x128xf32>
    %dot_general3A_116 = tpu.matmul %get3A_12, %get3A_114, %dot_general3A_115 {dimension_numbers = #tpu.dot_dimension_numbers<[1], [0], [0], [1], [0, 0, 1, 1], [], []>, transpose_lhs_hint = false} : vector<1000x128xf32>, vector<128x128xf32>, vector<1000x128xf32> -> vector<1000x128xf32>
    %mul3A_117 = vector.broadcast %slice3A_109 : vector<1000x1xf32> to vector<1000x128xf32>
    %mul3A_118 = arith.mulf %mul3A_117, %dot_general3A_116 : vector<1000x128xf32>
    %add3A_119 = arith.addf %add3A_108, %mul3A_118 : vector<1000x128xf32>
    %get3A_120 = arith.constant 0 : index
    %get3A_121 = arith.constant 0 : index
    %get3A_122 = vector.load %arg5[%get3A_120, %get3A_121] : memref<10x384xf32, #tpu.memory_space<vmem>>, vector<10x384xf32>
    %dot_general3A_123 = arith.constant dense<0.000000e+00> : vector<1000x384xf32>
    %dot_general3A_124 = tpu.matmul %convert_element_type3A_9, %get3A_122, %dot_general3A_123 {dimension_numbers = #tpu.dot_dimension_numbers<[1], [0], [0], [1], [0, 0, 1, 1], [], []>, transpose_lhs_hint = false} : vector<1000x10xf32>, vector<10x384xf32>, vector<1000x384xf32> -> vector<1000x384xf32>
    %broadcast_in_dim3A_125 = arith.constant 0.000000e+00 : f32
    %broadcast_in_dim3A_126 = vector.broadcast %broadcast_in_dim3A_125 : f32 to vector<1000x128xf32>
    %slice3A_127 = vector.extract_strided_slice %dot_general3A_124 {offsets = [0, 0], sizes = [1000, 128], strides = [1, 1]} : vector<1000x384xf32> to vector<1000x128xf32>
    %mul3A_128 = arith.mulf %slice3A_127, %reduce_sum3A_3 : vector<1000x128xf32>
    %add3A_129 = arith.addf %broadcast_in_dim3A_126, %mul3A_128 : vector<1000x128xf32>
    %mul3A_130 = arith.mulf %reduce_sum3A_3, %reduce_sum3A_3 : vector<1000x128xf32>
    %slice3A_131 = vector.extract_strided_slice %dot_general3A_124 {offsets = [0, 128], sizes = [1000, 128], strides = [1, 1]} : vector<1000x384xf32> to vector<1000x128xf32>
    %mul3A_132 = arith.mulf %slice3A_131, %mul3A_130 : vector<1000x128xf32>
    %add3A_133 = arith.addf %add3A_129, %mul3A_132 : vector<1000x128xf32>
    %mul3A_134 = arith.mulf %mul3A_130, %reduce_sum3A_3 : vector<1000x128xf32>
    %slice3A_135 = vector.extract_strided_slice %dot_general3A_124 {offsets = [0, 256], sizes = [1000, 128], strides = [1, 1]} : vector<1000x384xf32> to vector<1000x128xf32>
    %mul3A_136 = arith.mulf %slice3A_135, %mul3A_134 : vector<1000x128xf32>
    %add3A_137 = arith.addf %add3A_133, %mul3A_136 : vector<1000x128xf32>
    %get3A_138 = arith.constant 0 : index
    %get3A_139 = arith.constant 0 : index
    %get3A_140 = vector.load %arg6[%get3A_138, %get3A_139] : memref<128x128xf32, #tpu.memory_space<vmem>>, vector<128x128xf32>
    %dot_general3A_141 = arith.constant dense<0.000000e+00> : vector<1000x128xf32>
    %dot_general3A_142 = tpu.matmul %add3A_137, %get3A_140, %dot_general3A_141 {dimension_numbers = #tpu.dot_dimension_numbers<[1], [0], [0], [1], [0, 0, 1, 1], [], []>, transpose_lhs_hint = false} : vector<1000x128xf32>, vector<128x128xf32>, vector<1000x128xf32> -> vector<1000x128xf32>
    %add3A_143 = arith.addf %dot_general3A_142, %add3A_119 : vector<1000x128xf32>
    %swap3A = arith.constant 0 : index
    %swap3A_144 = arith.constant 0 : index
    %swap3A_145 = vector.load %arg9[%swap3A, %swap3A_144] : memref<1000x128xf32, #tpu.memory_space<vmem>>, vector<1000x128xf32>
    tpu.vector_store %arg9[%swap3A, %swap3A_144], %add3A_143 {strides = array<i32>} : memref<1000x128xf32, #tpu.memory_space<vmem>>, vector<1000x128xf32>,
    %get3A_146 = arith.constant 0 : index
    %get3A_147 = arith.constant 0 : index
    %get3A_148 = vector.load %arg7[%get3A_146, %get3A_147] : memref<128x1xf32, #tpu.memory_space<vmem>>, vector<128x1xf32>
    %dot_general3A_149 = arith.constant dense<0.000000e+00> : vector<1000x1xf32>
    %dot_general3A_150 = tpu.matmul %add3A_143, %get3A_148, %dot_general3A_149 {dimension_numbers = #tpu.dot_dimension_numbers<[1], [0], [0], [1], [0, 0, 1, 1], [], []>, transpose_lhs_hint = false} : vector<1000x128xf32>, vector<128x1xf32>, vector<1000x1xf32> -> vector<1000x1xf32>
    %swap3A_151 = arith.constant 0 : index
    %swap3A_152 = arith.constant 0 : index
    %swap3A_153 = vector.load %arg8[%swap3A_151, %swap3A_152] : memref<1000x1xf32, #tpu.memory_space<vmem>>, vector<1000x1xf32>
    tpu.vector_store %arg8[%swap3A_151, %swap3A_152], %dot_general3A_150 {strides = array<i32>} : memref<1000x1xf32, #tpu.memory_space<vmem>>, vector<1000x1xf32>,
    return
  }
  func.func @transform_0(%arg0: i32) -> (i32, i32, i32) {
    %c0_i32 = arith.constant 0 : i32
    %c0_i32_0 = arith.constant 0 : i32
    %c0_i32_1 = arith.constant 0 : i32
    return %c0_i32, %arg0, %c0_i32_0 : i32, i32, i32
  }
  func.func @transform_1(%arg0: i32) -> (i32, i32) {
    %c0_i32 = arith.constant 0 : i32
    %c0_i32_0 = arith.constant 0 : i32
    return %arg0, %c0_i32 : i32, i32
  }
  func.func @transform_2(%arg0: i32) -> (i32, i32) {
    %c0_i32 = arith.constant 0 : i32
    %c0_i32_0 = arith.constant 0 : i32
    return %arg0, %c0_i32 : i32, i32
  }
  func.func @transform_3(%arg0: i32) -> (i32, i32, i32) {
    %c0_i32 = arith.constant 0 : i32
    %c0_i32_0 = arith.constant 0 : i32
    %c0_i32_1 = arith.constant 0 : i32
    %c0_i32_2 = arith.constant 0 : i32
    return %c0_i32, %c0_i32_0, %c0_i32_1 : i32, i32, i32
  }
  func.func @transform_4(%arg0: i32) -> (i32, i32) {
    %c0_i32 = arith.constant 0 : i32
    %c0_i32_0 = arith.constant 0 : i32
    %c0_i32_1 = arith.constant 0 : i32
    return %c0_i32, %c0_i32_0 : i32, i32
  }
  func.func @transform_5(%arg0: i32) -> (i32, i32) {
    %c0_i32 = arith.constant 0 : i32
    %c0_i32_0 = arith.constant 0 : i32
    %c0_i32_1 = arith.constant 0 : i32
    return %c0_i32, %c0_i32_0 : i32, i32
  }
  func.func @transform_6(%arg0: i32) -> (i32, i32) {
    %c0_i32 = arith.constant 0 : i32
    %c0_i32_0 = arith.constant 0 : i32
    %c0_i32_1 = arith.constant 0 : i32
    return %c0_i32, %c0_i32_0 : i32, i32
  }
  func.func @transform_7(%arg0: i32) -> (i32, i32) {
    %c0_i32 = arith.constant 0 : i32
    %c0_i32_0 = arith.constant 0 : i32
    return %arg0, %c0_i32 : i32, i32
  }
  func.func @transform_8(%arg0: i32) -> (i32, i32) {
    %c0_i32 = arith.constant 0 : i32
    %c0_i32_0 = arith.constant 0 : i32
    return %arg0, %c0_i32 : i32, i32
  }
}

</mosaic_0001>

<sc_bundles>
// kernel: kernel.15.cloned.1.call-start
scs
__scs_entry_jumppad:
0x0: {  	(pc) =	sbr.rel $0x88, $3  }
0x1: {  	(tag) =	ssettag $0x0;
	lr =	simm.s32 $0x1  }
0x2: {  	[smem:$0x3F92] =	sst lr;
	_ =	strace $0xD0000000  }
0x3: {  	_ = 	snop  }
0x4: {  	_ = 	snop  }
0x5: {  	_ = 	snop  }
0x6: {  	_ = 	snop  }
0x7: {  	_ = 	snop  }
__scs_overlays_trampoline_lowered:
0x8: {  	[smem:$0x3FA1] =	sst s0  }
0x9: {  	[smem:$0x3FA2] =	sst s1  }
0xa: {  	[smem:$0x3FA3] =	sst s2  }
0xb: {  	[smem:$0x3FA4] =	sst s3  }
0xc: {  	[smem:$0x3FA5] =	sst s4  }
0xd: {  	[smem:$0x3FA6] =	sst s5  }
0xe: {  	[smem:$0x3FA7] =	sst s6  }
0xf: {  	[smem:$0x3FA8] =	sst s7  }
0x10: {  	[smem:$0x3FA9] =	sst s8  }
0x11: {  	[smem:$0x3FAA] =	sst s9;
	s0 =	simm.s32 @!p0 $0x0  }
0x12: {  	s1 =	sld [smem:$0x3F90];
	s0 =	simm.s32 @p0 $0x1  }
0x13: {  	[smem:$0x3FAB] =	sst s0;
	s0 =	simm.s32 @!p1 $0x0  }
0x14: {  	s2 =	sld [smem:$0x3F8F];
	s0 =	simm.s32 @p1 $0x1  }
0x15: {  	[smem:$0x3FAC] =	sst s0;
	s0 =	simm.s32 @!p2 $0x0  }
0x16: {  	s3 =	sld [smem:$0x3FDB];
	s0 =	simm.s32 @p2 $0x1  }
0x17: {  	s4 =	simm.s32 $0x1BF5;
	[smem:$0x3FAE] =	sst s0  }
0x18: {  	s0 =	sld [smem:$0x3F91];
	_ =	swait.ge [sflag:s4], $0x0  }
0x19: {  	s7 =	sld [smem:$0x3F92]  }
0x1a: {  	s8 =	sadd.s32 $0xFFFFE003, lr  }
0x1b: {  	s9 =	sadd.s32 $0xFFFFFEF7, lr;
	s5 =	simm.s32 $0xFFFFFFFF;
	p2 =	slt.u32 s8, $0xFFFFF086  }
0x1c: {  	p1 =	slt.u32 s9, $0xF7A;
	s5 =	simm.s32 @!p2 $0x0  }
0x1d: {  	s5 =	simm.s32 @p1 $0x1;
	p0 =	seq.s32 s7, s2  }
0x1e: {  	s7 =	smul.u32 @!p0 $0xF7A, s2;
	p2 =	seq.s32 @!p0 s5, $0x0  }
0x1f: {  	s9 =	smul.u32 $0xF7A, s1;
	s8 =	simm.s32 @!p0 $0x1BF5;
	p2 =	por !p2, p0  }
0x20: {  	[sflag:s8] =	ssyncset.s32 @!p0 $0xFFFFF086;
	s6 =	sadd.s32 @!p0 s3, s7;
	s7 =	simm.s32 @!p0 $0x108  }
0x21: {  	s3 =	sadd.s32 s3, s9;
	s6 =	sadd.s32 @!p0 $0x88, s6;
	s7 =	simm.s32 @p2 $0x1082  }
0x22: {  	[simem:s7], [sflag:s8] =	dma.local @!p0 [hbm:s6], $0xF7A  }
0x23: {  	s9 =	sor.u32 $0xD0000000, s2;
	s6 =	simm.s32 $0x108;
	_ =	swait.ge @!p0 [sflag:s8], $0x0  }
0x24: {  	s3 =	sadd.s32 $0x88, s3;
	s6 =	simm.s32 @!p1 $0x1082;
	[sflag:s4] =	ssyncset.s32 $0xFFFFF086  }
0x25: {  	[simem:s6], [sflag:s4] =	dma.local [hbm:s3], $0xF7A  }
0x26: {  	[smem:$0x3F92] =	sst s1;
	(tag) =	ssettag s2;
	_ =	strace s9  }
0x27: {  	s1 =	sld [smem:$0x3FA2]  }
0x28: {  	s2 =	sld [smem:$0x3FA3]  }
0x29: {  	s4 =	sld [smem:$0x3FA5]  }
0x2a: {  	p0 =	seq.s32 s5, $0x0;
	s5 =	sld [smem:$0x3FA6]  }
0x2b: {  	s6 =	sld [smem:$0x3FA7]  }
0x2c: {  	s7 =	sld [smem:$0x3FA8]  }
0x2d: {  	s3 =	simm.s32 $0x108;
	s8 =	sld [smem:$0x3FA9]  }
0x2e: {  	s3 =	simm.s32 @!p0 $0x1082;
	s9 =	sld [smem:$0x3FAA]  }
0x2f: {  	lr =	sadd.s32 s0, s3;
	s0 =	sld [smem:$0x3FA1]  }
0x30: {  	s3 =	sld [smem:$0x3FA4]  }
0x31: {  	[smem:$0x3FAD] =	sst s10  }
0x32: {  	s10 =	sld [smem:$0x3FAB];
	_ =	sdelay $0x3  }
0x33: {  	p0 =	seq.s32 s10, $0x1;
	s10 =	sld [smem:$0x3FAD];
	_ =	sdelay $0x3  }
0x34: {  	[smem:$0x3FAD] =	sst s10  }
0x35: {  	s10 =	sld [smem:$0x3FAC];
	_ =	sdelay $0x3  }
0x36: {  	p1 =	seq.s32 s10, $0x1;
	s10 =	sld [smem:$0x3FAD];
	_ =	sdelay $0x3  }
0x37: {  	[smem:$0x3FAD] =	sst s10  }
0x38: {  	s10 =	sld [smem:$0x3FAE]  }
0x39: {  	_ = 	snop;
	(pc) =	sbr.ind lr, $3  }
0x3a: {  	_ = 	snop  }
0x3b: {  	_ = 	snop  }
0x3c: {  	p2 =	seq.s32 s10, $0x1;
	s10 =	sld [smem:$0x3FAD]  }
0x3d: {  	_ =	shalt  }
0x3e: {  	_ =	shalt  }
0x3f: {  	_ =	shalt  }
0x40: {  	_ =	shalt  }
0x41: {  	_ =	shalt  }
0x42: {  	_ =	shalt  }
0x43: {  	_ =	shalt  }
0x44: {  	_ =	shalt  }
0x45: {  	_ =	shalt  }
0x46: {  	_ =	shalt  }
0x47: {  	_ =	shalt  }
0x48: {  	_ =	shalt  }
0x49: {  	_ =	shalt  }
0x4a: {  	_ =	shalt  }
0x4b: {  	_ =	shalt  }
0x4c: {  	_ =	shalt  }
0x4d: {  	_ =	shalt  }
0x4e: {  	_ =	shalt  }
0x4f: {  	_ =	shalt  }
0x50: {  	_ =	shalt  }
0x51: {  	_ =	shalt  }
0x52: {  	_ =	shalt  }
0x53: {  	_ =	shalt  }
0x54: {  	_ =	shalt  }
0x55: {  	_ =	shalt  }
0x56: {  	_ =	shalt  }
0x57: {  	_ =	shalt  }
0x58: {  	_ =	shalt  }
0x59: {  	_ =	shalt  }
0x5a: {  	_ =	shalt  }
0x5b: {  	_ =	shalt  }
0x5c: {  	_ =	shalt  }
0x5d: {  	_ =	shalt  }
0x5e: {  	_ =	shalt  }
0x5f: {  	_ =	shalt  }
0x60: {  	_ =	shalt  }
0x61: {  	_ =	shalt  }
0x62: {  	_ =	shalt  }
0x63: {  	_ =	shalt  }
0x64: {  	_ =	shalt  }
0x65: {  	_ =	shalt  }
0x66: {  	_ =	shalt  }
0x67: {  	_ =	shalt  }
0x68: {  	_ =	shalt  }
0x69: {  	_ =	shalt  }
0x6a: {  	_ =	shalt  }
0x6b: {  	_ =	shalt  }
0x6c: {  	_ =	shalt  }
0x6d: {  	_ =	shalt  }
0x6e: {  	_ =	shalt  }
0x6f: {  	_ =	shalt  }
0x70: {  	_ =	shalt  }
0x71: {  	_ =	shalt  }
0x72: {  	_ =	shalt  }
0x73: {  	_ =	shalt  }
0x74: {  	_ =	shalt  }
0x75: {  	_ =	shalt  }
0x76: {  	_ =	shalt  }
0x77: {  	_ =	shalt  }
0x78: {  	_ =	shalt  }
0x79: {  	_ =	shalt  }
0x7a: {  	_ =	shalt  }
0x7b: {  	_ =	shalt  }
0x7c: {  	_ =	shalt  }
0x7d: {  	_ =	shalt  }
0x7e: {  	_ =	shalt  }
0x7f: {  	_ =	shalt  }
0x80: {  	_ =	shalt  }
0x81: {  	_ =	shalt  }
0x82: {  	_ =	shalt  }
0x83: {  	_ =	shalt  }
0x84: {  	_ =	shalt  }
0x85: {  	_ =	shalt  }
0x86: {  	_ =	shalt  }
0x87: {  	_ =	shalt  }
.Lfunc_end0:
.L_simem_size_0:
called_computation_lowered:
.L_overlay_start_0:
0x88: {  	s2 =	sld [smem:$0x3FD9]  }
0x89: {  	s3 =	sld [smem:$0x3FFE];
	_ =	sdelay $0x1  }
0x8a: {  	s1 =	srdreg.scid  }
0x8b: {  	s0 =	sand.u32 $0x1, s1  }
0x8c: {  	s17 =	sshll.u32 s0, $0xA;
	s2 =	sadd.s32 s3, s2  }
0x8d: {  	s2 =	sadd.s32 s2, s17  }
0x8e: {  	[smem:$0x3FB9] =	sst s2  }
0x8f: {  	_ = 	snop  }
0x90: {  	s18 =	sld [smem:$0x3FC8];
	(tm) =	ssettm $0x1  }
0x91: {  	s19 =	sld [smem:$0x3FFB];
	_ =	sdelay $0x3  }
0x92: {  	_ =	strace s19  }
0x93: {  	s2 =	sld [smem:$0x3FFC];
	_ =	sdelay $0x3  }
0x94: {  	_ =	strace s2  }
0x95: {  	s2 =	sld [smem:$0x3FFD];
	_ =	sdelay $0x3  }
0x96: {  	_ =	strace s2  }
0x97: {  	_ =	strace $0x8FFFFFFF  }
0x98: {  	s20 =	sld [smem:$0x3FDB];
	_ =	sdelay $0x1  }
0x99: {  	s4 =	simm.s32 $_scs_section_size  }
0x9a: {  	s5 =	simm.s32 $_size__tile_overlayer_lowered;
	s6 =	simm.s32 $_tile_overlayer_lowered  }
0x9b: {  	s7 =	simm.s32 $0x1BFF;
	s21 =	sshll.u32 s6, $0x1;
	s4 =	sadd.s32 s4, s20  }
0x9c: {  	s22 =	simm.s32 $0x0;
	s5 =	sshll.u32 s5, $0x1;
	s6 =	sadd.s32 s21, s4  }
0x9d: {  	[timem:s22], [sflag:s7] =	dma.local [hbm:s6], s5  }
0x9e: {  	_ =	swait.ge [sflag:s7], s5  }
0x9f: {  	s5 =	ssub.s32 $0x0, s5;
	[sflag:s7] =	ssyncset.done $0x0  }
0xa0: {  	[sflag:s7] =	ssyncadd.s32 s5;
	_ =	sdelay $0x1  }
0xa1: {  	s23 =	simm.s32 $0x1B8B  }
0xa2: {  	_ =	swait.ge [sflag:s23], $0x1  }
0xa3: {  	[sflag:s23] =	ssyncset.done $0x0  }
0xa4: {  	[sflag:s23] =	ssyncadd.s32 $0xFFFFFFFF  }
0xa5: {  	s5 =	sld [smem:$0x0]  }
0xa6: {  	s6 =	sand.u32 $0xFFFFFFFE, s1  }
0xa7: {  	p0 =	sne.s32 s1, s6  }
0xa8: {  	s6 =	sshll.u32 @p0 s6, $0xE  }
0xa9: {  	s6 =	sadd.s32 @p0 $0x11B8D, s6;
	s7 =	sshll.u32 @p0 s5, $0x11  }
0xaa: {  	s6 =	sor.u32 @p0 s7, s6  }
0xab: {  	[sflag:s6] =	ssyncadd.remote.s32 @p0 $0x1;
	_ =	sdelay $0x1  }
0xac: {  	s6 =	simm.s32 @p0 $0x1B8D  }
0xad: {  	_ =	swait.eq @p0 [sflag:s6], $0x1  }
0xae: {  	[sflag:s6] =	ssyncadd.s32 @p0 $0xFFFFFFFF  }
0xaf: {  	s7 =	sshll.u32 @!p0 s1, $0xE  }
0xb0: {  	s7 =	sor.u32 @!p0 $0x4000, s7;
	s6 =	simm.s32 @!p0 $0x1B8D  }
0xb1: {  	s5 =	sshll.u32 @!p0 s5, $0x11;
	s7 =	sadd.s32 @!p0 $0x11B8D, s7;
	_ =	swait.eq @!p0 [sflag:s6], $0x1  }
0xb2: {  	s5 =	sor.u32 @!p0 s5, s7;
	[sflag:s6] =	ssyncadd.s32 @!p0 $0xFFFFFFFF  }
0xb3: {  	s25 =	simm.s32 $0x1B8E;
	s24 =	sld [smem:$0x3FFE];
	[sflag:s5] =	ssyncadd.remote.s32 @!p0 $0x1  }
0xb4: {  	s26 =	simm.s32 $execute0_lowered;
	[smem:$0x3FD2] =	sst s25  }
0xb5: {  	s6 =	sshll.u32 s26, $0x1;
	_ =	strace $0x8000004F;
	[dreg:$0x1] =	wrdreg $0xFFFFFFFF  }
0xb6: {  	s28 =	simm.s32 $_size_execute0_lowered;
	s4 =	sadd.s32 s4, s6;
	[dreg:$0x0] =	wrdreg $0x0  }
0xb7: {  	s6 =	sshll.u32 s28, $0x1;
	[dreg:$0x2] =	wrdreg s4  }
0xb8: {  	[dreg:$0x3] =	wrdreg s6  }
0xb9: {  	[dreg:$0x4] =	wrdreg $0xC0  }
0xba: {  	_ =	task [dreg:s22], $0x5FFFF  }
0xbb: {  	[dreg:$0x1] =	wrdreg $0xFFFFFFFF  }
0xbc: {  	[dreg:$0x0] =	wrdreg $0x60  }
0xbd: {  	[dreg:$0x2] =	wrdreg s18  }
0xbe: {  	[dreg:$0x3] =	wrdreg s24  }
0xbf: {  	[dreg:$0x4] =	wrdreg $0x9  }
0xc0: {  	_ =	task.clear_ibuf [dreg:s22], $0x5FFFF;
	_ =	strace $0x9000004F  }
0xc1: {  	s29 =	simm.s32 $0x9;
	_ =	strace $0x80000051  }
0xc2: {  	_ =	swait.ge [sflag:s29], $0x1  }
0xc3: {  	[sflag:s29] =	ssyncadd.s32 $0xFFFFFFFF  }
0xc4: {  	_ =	strace $0x90000051  }
0xc5: {  	_ =	sfence  }
0xc6: {  	s30 =	sld [smem:$0x0];
	_ =	sdelay $0x2  }
0xc7: {  	s31 =	sshll.u32 s1, $0xD;
	s1 =	sshrl.u32 s1, $0x2  }
0xc8: {  	s4 =	sand.u32 $0x4000, s31;
	s1 =	sadd.s32 s1, s30  }
0xc9: {  	s0 =	sor.u32 s4, s0;
	s1 =	sshll.u32 s1, $0x11  }
0xca: {  	s0 =	sor.u32 s1, s0  }
0xcb: {  	s0 =	sadd.s32 $0x8F2B, s0  }
0xcc: {  	[sflag:s0] =	ssyncadd.remote.s32 $0x1  }
0xcd: {  	_ =	sfence.sel $0xFFFF  }
0xce: {  	[dreg:$0x0] =	wrdreg $0xFFFFFFFF;
	(pc) =	sbr.abs _section_cstart, $3  }
0xcf: {  	[dreg:$0x1] =	wrdreg $0xFFFFFFFF  }
0xd0: {  	_ =	task.clear_ibuf [dreg:s22], $0x2FFFF;
	_ =	strace $0x9FFFFFFF  }
0xd1: {  	(tm) =	ssettm $0x7FFFFFFF  }
tec
execute0_lowered:
.L_overlay_start_1:
0x0: {  	(tag) =	ssettag $0x1  }
0x1: {  	s0 =	srdreg.scid  }
0x2: {  	s30 =	sand.u32 $0x1, s0  }
0x3: {  	s0 =	stileid.u32;
	s1 =	sshll.u32 s30, $0x4  }
0x4: {  	s11 =	sor.u32 s0, s1  }
0x5: {  	s4 =	smul.u32 $0xA0, s11  }
0x6: {  	s9 =	rddreg [dreg:$0x1]  }
0x7: {  	s2 =	rddreg [dreg:$0x0];
	s3 =	simm.s32 $0x0;
	s4 =	sadd.s32 s4, s9  }
0x8: {  	[smem:$0x7FF] =	sst s3;
	s4 =	sadd.s32 $0x7E00, s4  }
0x9: {  	_ =	strace $0x80000050;
	[dreg:$0x3] =	wrdreg s4  }
0xa: {  	s4 =	simm.s32 $0x5;
	s5 =	rddreg [dreg:$0x3]  }
0xb: {  	[tilespmem:s3], [sflag:$0x5] =	stream.linear.gather [hbm4b:s5+s3], $0x500, $0x38;
	[tilespmem:$0x8500] =	vst v63  }
0xc: {  	_ =	swait.ge [sflag:s4], $0x500  }
0xd: {  	[sflag:s4] =	ssyncset.done $0x0  }
0xe: {  	s6 =	simm.s32 $0x500;
	s5 =	simm.s32 $0x80;
	[sflag:s4] =	ssyncadd.s32 $0xFFFFFB00  }
0xf: {  	[tilespmem:s6], [sflag:$0x1] =	stream.indirect.gather [hbm4b:s2+s5], $0x80, s3, s5, $0xb8;
	[tilespmem:$0x8500] =	vst v63  }
0x10: {  	s7 =	simm.s32 $0x4500;
	s8 =	simm.s32 $0x1;
	s10 =	smul.u32 $0x28000, s11  }
0x11: {  	[tilespmem:s7], [sflag:$0x2] =	stream.indirect.gather [hbm4b:s2+s5], $0x80, s5, s5, $0xb8;
	[tilespmem:$0x8500] =	vst v63  }
0x12: {  	_ =	swait.ge [sflag:s8], $0x4000  }
0x13: {  	s13 =	sadd.s32 $0x1E9200, s9;
	s26 =	sshrl.u32 s10, $0x3;
	[sflag:s8] =	ssyncset.done $0x0  }
0x14: {  	s10 =	simm.s32 $0x3;
	s9 =	sadd.s32 s13, s26;
	[sflag:s8] =	ssyncadd.s32 $0xFFFFC000  }
0x15: {  	[hbm4b:s9+s3] =	stream.linear.scatter [tilespmem:s6], [sflag:$0x3], $0x4000, $0x38;
	[tilespmem:$0x8500] =	vst v63  }
0x16: {  	_ =	swait.ge [sflag:s10], $0x4000  }
0x17: {  	s12 =	simm.s32 $0x2;
	[sflag:s10] =	ssyncset.done $0x0  }
0x18: {  	s14 =	smul.u32 $0x5000, s11;
	s11 =	simm.s32 $0x100;
	[sflag:s10] =	ssyncadd.s32 $0xFFFFC000  }
0x19: {  	[tilespmem:s6], [sflag:$0x1] =	stream.indirect.gather [hbm4b:s2+s5], $0x80, s11, s5, $0xb8;
	[tilespmem:$0x8500] =	vst v63  }
0x1a: {  	_ =	swait.ge [sflag:s12], $0x4000  }
0x1b: {  	s31 =	sadd.s32 s13, s14;
	[sflag:s12] =	ssyncset.done $0x0  }
0x1c: {  	s14 =	sadd.s32 $0x800, s31;
	s13 =	simm.s32 $0x4;
	[sflag:s12] =	ssyncadd.s32 $0xFFFFC000  }
0x1d: {  	[hbm4b:s14+s3] =	stream.linear.scatter [tilespmem:s7], [sflag:$0x4], $0x4000, $0x38;
	[tilespmem:$0x8500] =	vst v63  }
0x1e: {  	_ =	swait.ge [sflag:s13], $0x4000  }
0x1f: {  	[sflag:s13] =	ssyncset.done $0x0  }
0x20: {  	s15 =	simm.s32 $0x180;
	[sflag:s13] =	ssyncadd.s32 $0xFFFFC000  }
0x21: {  	[tilespmem:s7], [sflag:$0x2] =	stream.indirect.gather [hbm4b:s2+s5], $0x80, s15, s5, $0xb8;
	[tilespmem:$0x8500] =	vst v63  }
0x22: {  	_ =	swait.ge [sflag:s8], $0x4000  }
0x23: {  	[sflag:s8] =	ssyncset.done $0x0  }
0x24: {  	s16 =	sadd.s32 $0x1000, s9;
	[sflag:s8] =	ssyncadd.s32 $0xFFFFC000  }
0x25: {  	[hbm4b:s16+s3] =	stream.linear.scatter [tilespmem:s6], [sflag:$0x3], $0x4000, $0x38;
	[tilespmem:$0x8500] =	vst v63  }
0x26: {  	_ =	swait.ge [sflag:s10], $0x4000  }
0x27: {  	[sflag:s10] =	ssyncset.done $0x0  }
0x28: {  	s17 =	simm.s32 $0x200;
	[sflag:s10] =	ssyncadd.s32 $0xFFFFC000  }
0x29: {  	[tilespmem:s6], [sflag:$0x1] =	stream.indirect.gather [hbm4b:s2+s5], $0x80, s17, s5, $0xb8;
	[tilespmem:$0x8500] =	vst v63  }
0x2a: {  	_ =	swait.ge [sflag:s12], $0x4000  }
0x2b: {  	[sflag:s12] =	ssyncset.done $0x0  }
0x2c: {  	s18 =	sadd.s32 $0x1800, s31;
	[sflag:s12] =	ssyncadd.s32 $0xFFFFC000  }
0x2d: {  	[hbm4b:s18+s3] =	stream.linear.scatter [tilespmem:s7], [sflag:$0x4], $0x4000, $0x38;
	[tilespmem:$0x8500] =	vst v63  }
0x2e: {  	_ =	swait.ge [sflag:s13], $0x4000  }
0x2f: {  	[sflag:s13] =	ssyncset.done $0x0  }
0x30: {  	s19 =	simm.s32 $0x280;
	[sflag:s13] =	ssyncadd.s32 $0xFFFFC000  }
0x31: {  	[tilespmem:s7], [sflag:$0x2] =	stream.indirect.gather [hbm4b:s2+s5], $0x80, s19, s5, $0xb8;
	[tilespmem:$0x8500] =	vst v63  }
0x32: {  	_ =	swait.ge [sflag:s8], $0x4000  }
0x33: {  	[sflag:s8] =	ssyncset.done $0x0  }
0x34: {  	s20 =	sadd.s32 $0x2000, s9;
	[sflag:s8] =	ssyncadd.s32 $0xFFFFC000  }
0x35: {  	[hbm4b:s20+s3] =	stream.linear.scatter [tilespmem:s6], [sflag:$0x3], $0x4000, $0x38;
	[tilespmem:$0x8500] =	vst v63  }
0x36: {  	_ =	swait.ge [sflag:s10], $0x4000  }
0x37: {  	[sflag:s10] =	ssyncset.done $0x0  }
0x38: {  	s21 =	simm.s32 $0x300;
	[sflag:s10] =	ssyncadd.s32 $0xFFFFC000  }
0x39: {  	[tilespmem:s6], [sflag:$0x1] =	stream.indirect.gather [hbm4b:s2+s5], $0x80, s21, s5, $0xb8;
	[tilespmem:$0x8500] =	vst v63  }
0x3a: {  	_ =	swait.ge [sflag:s12], $0x4000  }
0x3b: {  	[sflag:s12] =	ssyncset.done $0x0  }
0x3c: {  	s22 =	sadd.s32 $0x2800, s31;
	[sflag:s12] =	ssyncadd.s32 $0xFFFFC000  }
0x3d: {  	[hbm4b:s22+s3] =	stream.linear.scatter [tilespmem:s7], [sflag:$0x4], $0x4000, $0x38;
	[tilespmem:$0x8500] =	vst v63  }
0x3e: {  	_ =	swait.ge [sflag:s13], $0x4000  }
0x3f: {  	[sflag:s13] =	ssyncset.done $0x0  }
0x40: {  	s23 =	simm.s32 $0x380;
	[sflag:s13] =	ssyncadd.s32 $0xFFFFC000  }
0x41: {  	[tilespmem:s7], [sflag:$0x2] =	stream.indirect.gather [hbm4b:s2+s5], $0x80, s23, s5, $0xb8;
	[tilespmem:$0x8500] =	vst v63  }
0x42: {  	_ =	swait.ge [sflag:s8], $0x4000  }
0x43: {  	[sflag:s8] =	ssyncset.done $0x0  }
0x44: {  	s24 =	sadd.s32 $0x3000, s9;
	[sflag:s8] =	ssyncadd.s32 $0xFFFFC000  }
0x45: {  	[hbm4b:s24+s3] =	stream.linear.scatter [tilespmem:s6], [sflag:$0x3], $0x4000, $0x38;
	[tilespmem:$0x8500] =	vst v63  }
0x46: {  	_ =	swait.ge [sflag:s10], $0x4000  }
0x47: {  	[sflag:s10] =	ssyncset.done $0x0  }
0x48: {  	s25 =	simm.s32 $0x400;
	[sflag:s10] =	ssyncadd.s32 $0xFFFFC000  }
0x49: {  	[tilespmem:s6], [sflag:$0x1] =	stream.indirect.gather [hbm4b:s2+s5], $0x80, s25, s5, $0xb8;
	[tilespmem:$0x8500] =	vst v63  }
0x4a: {  	_ =	swait.ge [sflag:s12], $0x4000  }
0x4b: {  	[sflag:s12] =	ssyncset.done $0x0  }
0x4c: {  	s26 =	sadd.s32 $0x3800, s31;
	[sflag:s12] =	ssyncadd.s32 $0xFFFFC000  }
0x4d: {  	[hbm4b:s26+s3] =	stream.linear.scatter [tilespmem:s7], [sflag:$0x4], $0x4000, $0x38;
	[tilespmem:$0x8500] =	vst v63  }
0x4e: {  	_ =	swait.ge [sflag:s13], $0x4000  }
0x4f: {  	[sflag:s13] =	ssyncset.done $0x0  }
0x50: {  	s28 =	simm.s32 $0x480;
	[sflag:s13] =	ssyncadd.s32 $0xFFFFC000  }
0x51: {  	[tilespmem:s7], [sflag:$0x2] =	stream.indirect.gather [hbm4b:s2+s5], $0x80, s28, s5, $0xb8;
	[tilespmem:$0x8500] =	vst v63  }
0x52: {  	_ =	swait.ge [sflag:s8], $0x4000  }
0x53: {  	s1 =	ssub.s32 $0x2, s30;
	s30 =	sadd.s32 $0x4800, s31;
	[sflag:s8] =	ssyncset.done $0x0  }
0x54: {  	s31 =	sshrl.u32 s1, $0x1;
	s29 =	sadd.s32 $0x4000, s9;
	[sflag:s8] =	ssyncadd.s32 $0xFFFFC000  }
0x55: {  	[hbm4b:s29+s3] =	stream.linear.scatter [tilespmem:s6], [sflag:$0x3], $0x4000, $0x38;
	[tilespmem:$0x8500] =	vst v63  }
0x56: {  	s1 =	ssub.s32 s1, s31;
	_ =	swait.ge [sflag:s12], $0x4000  }
0x57: {  	s1 =	smax.u32 s1, $0x1;
	[sflag:s12] =	ssyncset.done $0x0  }
0x58: {  	p0 =	sne.s32 s1, $0x1;
	[sflag:s12] =	ssyncadd.s32 $0xFFFFC000  }
0x59: {  	[hbm4b:s30+s3] =	stream.linear.scatter [tilespmem:s7], [sflag:$0x4], $0x4000, $0x38;
	[tilespmem:$0x8500] =	vst v63  }
.Ltmp0:
0x5a: {  	_ =	swait.ge [sflag:s10], $0x4000;
	(pc) =	sbr.rel @!p0 .LBB2_2-.Ltmp0, $4  }
0x5b: {  	[sflag:s10] =	ssyncset.done $0x0  }
0x5c: {  	[sflag:s10] =	ssyncadd.s32 $0xFFFFC000  }
0x5d: {  	_ =	swait.ge [sflag:s13], $0x4000  }
0x5e: {  	s31 =	sadd.s32 $0xFFFFFFFF, s1;
	[sflag:s13] =	ssyncset.done $0x0  }
.LBB2_1:
0x5f: {  	s1 =	rddreg [dreg:$0x3];
	[sflag:s13] =	ssyncadd.s32 $0xFFFFC000  }
0x60: {  	[tilespmem:s3], [sflag:$0x5] =	stream.linear.gather [hbm4b:s1+s3], $0x500, $0x38;
	[tilespmem:$0x8500] =	vst v63  }
0x61: {  	_ =	swait.ge [sflag:s4], $0x500  }
0x62: {  	[sflag:s4] =	ssyncset.done $0x0  }
0x63: {  	[sflag:s4] =	ssyncadd.s32 $0xFFFFFB00  }
0x64: {  	[tilespmem:s6], [sflag:$0x1] =	stream.indirect.gather [hbm4b:s2+s5], $0x80, s3, s5, $0xb8;
	[tilespmem:$0x8500] =	vst v63  }
0x65: {  	_ = 	snop  }
0x66: {  	[tilespmem:s7], [sflag:$0x2] =	stream.indirect.gather [hbm4b:s2+s5], $0x80, s5, s5, $0xb8;
	[tilespmem:$0x8500] =	vst v63  }
0x67: {  	_ =	swait.ge [sflag:s8], $0x4000  }
0x68: {  	[sflag:s8] =	ssyncset.done $0x0  }
0x69: {  	[sflag:s8] =	ssyncadd.s32 $0xFFFFC000  }
0x6a: {  	[hbm4b:s9+s3] =	stream.linear.scatter [tilespmem:s6], [sflag:$0x3], $0x4000, $0x38;
	[tilespmem:$0x8500] =	vst v63  }
0x6b: {  	_ =	swait.ge [sflag:s10], $0x4000  }
0x6c: {  	[sflag:s10] =	ssyncset.done $0x0  }
0x6d: {  	[sflag:s10] =	ssyncadd.s32 $0xFFFFC000  }
0x6e: {  	[tilespmem:s6], [sflag:$0x1] =	stream.indirect.gather [hbm4b:s2+s5], $0x80, s11, s5, $0xb8;
	[tilespmem:$0x8500] =	vst v63  }
0x6f: {  	_ =	swait.ge [sflag:s12], $0x4000  }
0x70: {  	[sflag:s12] =	ssyncset.done $0x0  }
0x71: {  	[sflag:s12] =	ssyncadd.s32 $0xFFFFC000  }
0x72: {  	[hbm4b:s14+s3] =	stream.linear.scatter [tilespmem:s7], [sflag:$0x4], $0x4000, $0x38;
	[tilespmem:$0x8500] =	vst v63  }
0x73: {  	_ =	swait.ge [sflag:s13], $0x4000  }
0x74: {  	[sflag:s13] =	ssyncset.done $0x0  }
0x75: {  	[sflag:s13] =	ssyncadd.s32 $0xFFFFC000  }
0x76: {  	[tilespmem:s7], [sflag:$0x2] =	stream.indirect.gather [hbm4b:s2+s5], $0x80, s15, s5, $0xb8;
	[tilespmem:$0x8500] =	vst v63  }
0x77: {  	_ =	swait.ge [sflag:s8], $0x4000  }
0x78: {  	[sflag:s8] =	ssyncset.done $0x0  }
0x79: {  	[sflag:s8] =	ssyncadd.s32 $0xFFFFC000  }
0x7a: {  	[hbm4b:s16+s3] =	stream.linear.scatter [tilespmem:s6], [sflag:$0x3], $0x4000, $0x38;
	[tilespmem:$0x8500] =	vst v63  }
0x7b: {  	_ =	swait.ge [sflag:s10], $0x4000  }
0x7c: {  	[sflag:s10] =	ssyncset.done $0x0  }
0x7d: {  	[sflag:s10] =	ssyncadd.s32 $0xFFFFC000  }
0x7e: {  	[tilespmem:s6], [sflag:$0x1] =	stream.indirect.gather [hbm4b:s2+s5], $0x80, s17, s5, $0xb8;
	[tilespmem:$0x8500] =	vst v63  }
0x7f: {  	_ =	swait.ge [sflag:s12], $0x4000  }
0x80: {  	[sflag:s12] =	ssyncset.done $0x0  }
0x81: {  	[sflag:s12] =	ssyncadd.s32 $0xFFFFC000  }
0x82: {  	[hbm4b:s18+s3] =	stream.linear.scatter [tilespmem:s7], [sflag:$0x4], $0x4000, $0x38;
	[tilespmem:$0x8500] =	vst v63  }
0x83: {  	_ =	swait.ge [sflag:s13], $0x4000  }
0x84: {  	[sflag:s13] =	ssyncset.done $0x0  }
0x85: {  	[sflag:s13] =	ssyncadd.s32 $0xFFFFC000  }
0x86: {  	[tilespmem:s7], [sflag:$0x2] =	stream.indirect.gather [hbm4b:s2+s5], $0x80, s19, s5, $0xb8;
	[tilespmem:$0x8500] =	vst v63  }
0x87: {  	_ =	swait.ge [sflag:s8], $0x4000  }
0x88: {  	[sflag:s8] =	ssyncset.done $0x0  }
0x89: {  	[sflag:s8] =	ssyncadd.s32 $0xFFFFC000  }
0x8a: {  	[hbm4b:s20+s3] =	stream.linear.scatter [tilespmem:s6], [sflag:$0x3], $0x4000, $0x38;
	[tilespmem:$0x8500] =	vst v63  }
0x8b: {  	_ =	swait.ge [sflag:s10], $0x4000  }
0x8c: {  	[sflag:s10] =	ssyncset.done $0x0  }
0x8d: {  	[sflag:s10] =	ssyncadd.s32 $0xFFFFC000  }
0x8e: {  	[tilespmem:s6], [sflag:$0x1] =	stream.indirect.gather [hbm4b:s2+s5], $0x80, s21, s5, $0xb8;
	[tilespmem:$0x8500] =	vst v63  }
0x8f: {  	_ =	swait.ge [sflag:s12], $0x4000  }
0x90: {  	[sflag:s12] =	ssyncset.done $0x0  }
0x91: {  	[sflag:s12] =	ssyncadd.s32 $0xFFFFC000  }
0x92: {  	[hbm4b:s22+s3] =	stream.linear.scatter [tilespmem:s7], [sflag:$0x4], $0x4000, $0x38;
	[tilespmem:$0x8500] =	vst v63  }
0x93: {  	_ =	swait.ge [sflag:s13], $0x4000  }
0x94: {  	[sflag:s13] =	ssyncset.done $0x0  }
0x95: {  	[sflag:s13] =	ssyncadd.s32 $0xFFFFC000  }
0x96: {  	[tilespmem:s7], [sflag:$0x2] =	stream.indirect.gather [hbm4b:s2+s5], $0x80, s23, s5, $0xb8;
	[tilespmem:$0x8500] =	vst v63  }
0x97: {  	_ =	swait.ge [sflag:s8], $0x4000  }
0x98: {  	[sflag:s8] =	ssyncset.done $0x0  }
0x99: {  	[sflag:s8] =	ssyncadd.s32 $0xFFFFC000  }
0x9a: {  	[hbm4b:s24+s3] =	stream.linear.scatter [tilespmem:s6], [sflag:$0x3], $0x4000, $0x38;
	[tilespmem:$0x8500] =	vst v63  }
0x9b: {  	_ =	swait.ge [sflag:s10], $0x4000  }
0x9c: {  	[sflag:s10] =	ssyncset.done $0x0  }
0x9d: {  	[sflag:s10] =	ssyncadd.s32 $0xFFFFC000  }
0x9e: {  	[tilespmem:s6], [sflag:$0x1] =	stream.indirect.gather [hbm4b:s2+s5], $0x80, s25, s5, $0xb8;
	[tilespmem:$0x8500] =	vst v63  }
0x9f: {  	_ =	swait.ge [sflag:s12], $0x4000  }
0xa0: {  	[sflag:s12] =	ssyncset.done $0x0  }
0xa1: {  	[sflag:s12] =	ssyncadd.s32 $0xFFFFC000  }
0xa2: {  	[hbm4b:s26+s3] =	stream.linear.scatter [tilespmem:s7], [sflag:$0x4], $0x4000, $0x38;
	[tilespmem:$0x8500] =	vst v63  }
0xa3: {  	_ =	swait.ge [sflag:s13], $0x4000  }
0xa4: {  	[sflag:s13] =	ssyncset.done $0x0  }
0xa5: {  	[sflag:s13] =	ssyncadd.s32 $0xFFFFC000  }
0xa6: {  	[tilespmem:s7], [sflag:$0x2] =	stream.indirect.gather [hbm4b:s2+s5], $0x80, s28, s5, $0xb8;
	[tilespmem:$0x8500] =	vst v63  }
0xa7: {  	_ =	swait.ge [sflag:s8], $0x4000  }
0xa8: {  	[sflag:s8] =	ssyncset.done $0x0  }
0xa9: {  	[sflag:s8] =	ssyncadd.s32 $0xFFFFC000  }
0xaa: {  	[hbm4b:s29+s3] =	stream.linear.scatter [tilespmem:s6], [sflag:$0x3], $0x4000, $0x38;
	[tilespmem:$0x8500] =	vst v63  }
0xab: {  	_ =	swait.ge [sflag:s12], $0x4000  }
0xac: {  	[sflag:s12] =	ssyncset.done $0x0  }
0xad: {  	p0 =	sne.s32 s31, $0x1;
	[sflag:s12] =	ssyncadd.s32 $0xFFFFC000  }
0xae: {  	[hbm4b:s30+s3] =	stream.linear.scatter [tilespmem:s7], [sflag:$0x4], $0x4000, $0x38;
	[tilespmem:$0x8500] =	vst v63  }
.Ltmp1:
0xaf: {  	_ =	swait.ge [sflag:s10], $0x4000;
	(pc) =	sbr.rel @p0 .LBB2_1-.Ltmp1, $4  }
0xb0: {  	[sflag:s10] =	ssyncset.done $0x0  }
0xb1: {  	[sflag:s10] =	ssyncadd.s32 $0xFFFFC000  }
0xb2: {  	_ =	swait.ge [sflag:s13], $0x4000  }
0xb3: {  	s31 =	sadd.s32 $0xFFFFFFFF, s31;
	[sflag:s13] =	ssyncset.done $0x0  }
.LBB2_2:
0xb4: {  	[sflag:s13] =	ssyncadd.s32 $0xFFFFC000  }
0xb5: {  	_ =	sfence.sel $0x180000  }
0xb6: {  	[bflag:$0x0] =	sbarrier.arrive $0xFFFF  }
0xb7: {  	_ =	strace $0x90000050  }
0xb8: {  	[bflag:$0x2] =	sbarrier.arrive $0xFFFF  }
0xb9: {  	p0 =	sne.s32 s0, $0x0;
	s0 =	rddreg [dreg:$0x2]  }
0xba: {  	s0 =	sadd.s32 @!p0 $0x100000, s0  }
0xbb: {  	[sflag:s0] =	ssyncadd.tile.s32 @!p0 $0x1;
	_ =	shalt  }
.Lfunc_end2:
_tile_overlayer_lowered:
.L_overlay_start_2:
0xbc: {  	(tag) =	ssettag $0x2  }
0xbd: {  	s0 =	rddreg [dreg:$0x0];
	s2 =	stileid.u32  }
0xbe: {  	s1 =	rddreg [dreg:$0x1];
	p0 =	sne.s32 s2, $0x0  }
0xbf: {  	s3 =	rddreg [dreg:$0x2];
	[bflag:$0x3] =	sbarrier.arrive $0xFFFF;
	s2 =	simm.s32 @!p0 $0x1C05  }
0xc0: {  	[timem:s3], [sflag:s2] =	dma.local @!p0 [hbm:s0], s1  }
0xc1: {  	s0 =	simm.s32 @!p0 $0x5  }
0xc2: {  	_ =	swait.ge @!p0 [sflag:s0], s1  }
0xc3: {  	s1 =	ssub.s32 @!p0 $0x0, s1;
	[sflag:s0] =	ssyncset.done @!p0 $0x0  }
0xc4: {  	[sflag:s0] =	ssyncadd.s32 @!p0 s1  }
0xc5: {  	[bflag:$0x3] =	sbarrier.arrive $0xFFFF  }
0xc6: {  	_ =	shalt  }

// kernel: kernel.18.cloned.1.call-start
scs
__scs_entry_jumppad:
0x0: {  	(pc) =	sbr.rel $0x88, $3  }
0x1: {  	(tag) =	ssettag $0x0;
	lr =	simm.s32 $0x1  }
0x2: {  	[smem:$0x3F92] =	sst lr;
	_ =	strace $0xD0000000  }
0x3: {  	_ = 	snop  }
0x4: {  	_ = 	snop  }
0x5: {  	_ = 	snop  }
0x6: {  	_ = 	snop  }
0x7: {  	_ = 	snop  }
__scs_overlays_trampoline_lowered:
0x8: {  	[smem:$0x3FA1] =	sst s0  }
0x9: {  	[smem:$0x3FA2] =	sst s1  }
0xa: {  	[smem:$0x3FA3] =	sst s2  }
0xb: {  	[smem:$0x3FA4] =	sst s3  }
0xc: {  	[smem:$0x3FA5] =	sst s4  }
0xd: {  	[smem:$0x3FA6] =	sst s5  }
0xe: {  	[smem:$0x3FA7] =	sst s6  }
0xf: {  	[smem:$0x3FA8] =	sst s7  }
0x10: {  	[smem:$0x3FA9] =	sst s8  }
0x11: {  	[smem:$0x3FAA] =	sst s9;
	s0 =	simm.s32 @!p0 $0x0  }
0x12: {  	s1 =	sld [smem:$0x3F90];
	s0 =	simm.s32 @p0 $0x1  }
0x13: {  	[smem:$0x3FAB] =	sst s0;
	s0 =	simm.s32 @!p1 $0x0  }
0x14: {  	s2 =	sld [smem:$0x3F8F];
	s0 =	simm.s32 @p1 $0x1  }
0x15: {  	[smem:$0x3FAC] =	sst s0;
	s0 =	simm.s32 @!p2 $0x0  }
0x16: {  	s3 =	sld [smem:$0x3FDB];
	s0 =	simm.s32 @p2 $0x1  }
0x17: {  	s4 =	simm.s32 $0x1BF5;
	[smem:$0x3FAE] =	sst s0  }
0x18: {  	s0 =	sld [smem:$0x3F91];
	_ =	swait.ge [sflag:s4], $0x0  }
0x19: {  	s7 =	sld [smem:$0x3F92]  }
0x1a: {  	s8 =	sadd.s32 $0xFFFFE003, lr  }
0x1b: {  	s9 =	sadd.s32 $0xFFFFFEF7, lr;
	s5 =	simm.s32 $0xFFFFFFFF;
	p2 =	slt.u32 s8, $0xFFFFF086  }
0x1c: {  	p1 =	slt.u32 s9, $0xF7A;
	s5 =	simm.s32 @!p2 $0x0  }
0x1d: {  	s5 =	simm.s32 @p1 $0x1;
	p0 =	seq.s32 s7, s2  }
0x1e: {  	s7 =	smul.u32 @!p0 $0xF7A, s2;
	p2 =	seq.s32 @!p0 s5, $0x0  }
0x1f: {  	s9 =	smul.u32 $0xF7A, s1;
	s8 =	simm.s32 @!p0 $0x1BF5;
	p2 =	por !p2, p0  }
0x20: {  	[sflag:s8] =	ssyncset.s32 @!p0 $0xFFFFF086;
	s6 =	sadd.s32 @!p0 s3, s7;
	s7 =	simm.s32 @!p0 $0x108  }
0x21: {  	s3 =	sadd.s32 s3, s9;
	s6 =	sadd.s32 @!p0 $0x88, s6;
	s7 =	simm.s32 @p2 $0x1082  }
0x22: {  	[simem:s7], [sflag:s8] =	dma.local @!p0 [hbm:s6], $0xF7A  }
0x23: {  	s9 =	sor.u32 $0xD0000000, s2;
	s6 =	simm.s32 $0x108;
	_ =	swait.ge @!p0 [sflag:s8], $0x0  }
0x24: {  	s3 =	sadd.s32 $0x88, s3;
	s6 =	simm.s32 @!p1 $0x1082;
	[sflag:s4] =	ssyncset.s32 $0xFFFFF086  }
0x25: {  	[simem:s6], [sflag:s4] =	dma.local [hbm:s3], $0xF7A  }
0x26: {  	[smem:$0x3F92] =	sst s1;
	(tag) =	ssettag s2;
	_ =	strace s9  }
0x27: {  	s1 =	sld [smem:$0x3FA2]  }
0x28: {  	s2 =	sld [smem:$0x3FA3]  }
0x29: {  	s4 =	sld [smem:$0x3FA5]  }
0x2a: {  	p0 =	seq.s32 s5, $0x0;
	s5 =	sld [smem:$0x3FA6]  }
0x2b: {  	s6 =	sld [smem:$0x3FA7]  }
0x2c: {  	s7 =	sld [smem:$0x3FA8]  }
0x2d: {  	s3 =	simm.s32 $0x108;
	s8 =	sld [smem:$0x3FA9]  }
0x2e: {  	s3 =	simm.s32 @!p0 $0x1082;
	s9 =	sld [smem:$0x3FAA]  }
0x2f: {  	lr =	sadd.s32 s0, s3;
	s0 =	sld [smem:$0x3FA1]  }
0x30: {  	s3 =	sld [smem:$0x3FA4]  }
0x31: {  	[smem:$0x3FAD] =	sst s10  }
0x32: {  	s10 =	sld [smem:$0x3FAB];
	_ =	sdelay $0x3  }
0x33: {  	p0 =	seq.s32 s10, $0x1;
	s10 =	sld [smem:$0x3FAD];
	_ =	sdelay $0x3  }
0x34: {  	[smem:$0x3FAD] =	sst s10  }
0x35: {  	s10 =	sld [smem:$0x3FAC];
	_ =	sdelay $0x3  }
0x36: {  	p1 =	seq.s32 s10, $0x1;
	s10 =	sld [smem:$0x3FAD];
	_ =	sdelay $0x3  }
0x37: {  	[smem:$0x3FAD] =	sst s10  }
0x38: {  	s10 =	sld [smem:$0x3FAE]  }
0x39: {  	_ = 	snop;
	(pc) =	sbr.ind lr, $3  }
0x3a: {  	_ = 	snop  }
0x3b: {  	_ = 	snop  }
0x3c: {  	p2 =	seq.s32 s10, $0x1;
	s10 =	sld [smem:$0x3FAD]  }
0x3d: {  	_ =	shalt  }
0x3e: {  	_ =	shalt  }
0x3f: {  	_ =	shalt  }
0x40: {  	_ =	shalt  }
0x41: {  	_ =	shalt  }
0x42: {  	_ =	shalt  }
0x43: {  	_ =	shalt  }
0x44: {  	_ =	shalt  }
0x45: {  	_ =	shalt  }
0x46: {  	_ =	shalt  }
0x47: {  	_ =	shalt  }
0x48: {  	_ =	shalt  }
0x49: {  	_ =	shalt  }
0x4a: {  	_ =	shalt  }
0x4b: {  	_ =	shalt  }
0x4c: {  	_ =	shalt  }
0x4d: {  	_ =	shalt  }
0x4e: {  	_ =	shalt  }
0x4f: {  	_ =	shalt  }
0x50: {  	_ =	shalt  }
0x51: {  	_ =	shalt  }
0x52: {  	_ =	shalt  }
0x53: {  	_ =	shalt  }
0x54: {  	_ =	shalt  }
0x55: {  	_ =	shalt  }
0x56: {  	_ =	shalt  }
0x57: {  	_ =	shalt  }
0x58: {  	_ =	shalt  }
0x59: {  	_ =	shalt  }
0x5a: {  	_ =	shalt  }
0x5b: {  	_ =	shalt  }
0x5c: {  	_ =	shalt  }
0x5d: {  	_ =	shalt  }
0x5e: {  	_ =	shalt  }
0x5f: {  	_ =	shalt  }
0x60: {  	_ =	shalt  }
0x61: {  	_ =	shalt  }
0x62: {  	_ =	shalt  }
0x63: {  	_ =	shalt  }
0x64: {  	_ =	shalt  }
0x65: {  	_ =	shalt  }
0x66: {  	_ =	shalt  }
0x67: {  	_ =	shalt  }
0x68: {  	_ =	shalt  }
0x69: {  	_ =	shalt  }
0x6a: {  	_ =	shalt  }
0x6b: {  	_ =	shalt  }
0x6c: {  	_ =	shalt  }
0x6d: {  	_ =	shalt  }
0x6e: {  	_ =	shalt  }
0x6f: {  	_ =	shalt  }
0x70: {  	_ =	shalt  }
0x71: {  	_ =	shalt  }
0x72: {  	_ =	shalt  }
0x73: {  	_ =	shalt  }
0x74: {  	_ =	shalt  }
0x75: {  	_ =	shalt  }
0x76: {  	_ =	shalt  }
0x77: {  	_ =	shalt  }
0x78: {  	_ =	shalt  }
0x79: {  	_ =	shalt  }
0x7a: {  	_ =	shalt  }
0x7b: {  	_ =	shalt  }
0x7c: {  	_ =	shalt  }
0x7d: {  	_ =	shalt  }
0x7e: {  	_ =	shalt  }
0x7f: {  	_ =	shalt  }
0x80: {  	_ =	shalt  }
0x81: {  	_ =	shalt  }
0x82: {  	_ =	shalt  }
0x83: {  	_ =	shalt  }
0x84: {  	_ =	shalt  }
0x85: {  	_ =	shalt  }
0x86: {  	_ =	shalt  }
0x87: {  	_ =	shalt  }
.Lfunc_end0:
.L_simem_size_0:
called_computation.1_lowered:
.L_overlay_start_0:
0x88: {  	s2 =	sld [smem:$0x3FD9]  }
0x89: {  	s3 =	sld [smem:$0x3FFE];
	_ =	sdelay $0x1  }
0x8a: {  	s1 =	srdreg.scid  }
0x8b: {  	s0 =	sand.u32 $0x1, s1  }
0x8c: {  	s17 =	sshll.u32 s0, $0xA;
	s2 =	sadd.s32 s3, s2  }
0x8d: {  	s2 =	sadd.s32 s2, s17  }
0x8e: {  	[smem:$0x3FB9] =	sst s2  }
0x8f: {  	_ = 	snop  }
0x90: {  	(tm) =	ssettm $0x1  }
0x91: {  	s18 =	sld [smem:$0x3FFB];
	_ =	sdelay $0x3  }
0x92: {  	_ =	strace s18  }
0x93: {  	s2 =	sld [smem:$0x3FFC];
	_ =	sdelay $0x3  }
0x94: {  	_ =	strace s2  }
0x95: {  	s2 =	sld [smem:$0x3FFD];
	_ =	sdelay $0x3  }
0x96: {  	_ =	strace s2  }
0x97: {  	_ =	strace $0x8FFFFFFF  }
0x98: {  	s19 =	sld [smem:$0x3FDB];
	_ =	sdelay $0x1  }
0x99: {  	s20 =	simm.s32 $_scs_section_size  }
0x9a: {  	s4 =	simm.s32 $_size__tile_overlayer_lowered;
	s5 =	simm.s32 $_tile_overlayer_lowered  }
0x9b: {  	s6 =	simm.s32 $0x1BFF;
	s21 =	sshll.u32 s5, $0x1;
	s3 =	sadd.s32 s20, s19  }
0x9c: {  	s22 =	simm.s32 $0x0;
	s4 =	sshll.u32 s4, $0x1;
	s5 =	sadd.s32 s21, s3  }
0x9d: {  	[timem:s22], [sflag:s6] =	dma.local [hbm:s5], s4  }
0x9e: {  	_ =	swait.ge [sflag:s6], s4  }
0x9f: {  	s4 =	ssub.s32 $0x0, s4;
	[sflag:s6] =	ssyncset.done $0x0  }
0xa0: {  	[sflag:s6] =	ssyncadd.s32 s4;
	_ =	sdelay $0x1  }
0xa1: {  	s23 =	simm.s32 $0x1B8B  }
0xa2: {  	_ =	swait.ge [sflag:s23], $0x1  }
0xa3: {  	[sflag:s23] =	ssyncset.done $0x0  }
0xa4: {  	[sflag:s23] =	ssyncadd.s32 $0xFFFFFFFF  }
0xa5: {  	s4 =	sld [smem:$0x0]  }
0xa6: {  	s5 =	sand.u32 $0xFFFFFFFE, s1  }
0xa7: {  	p0 =	sne.s32 s1, s5  }
0xa8: {  	s5 =	sshll.u32 @p0 s5, $0xE  }
0xa9: {  	s5 =	sadd.s32 @p0 $0x11B8D, s5;
	s6 =	sshll.u32 @p0 s4, $0x11  }
0xaa: {  	s5 =	sor.u32 @p0 s6, s5  }
0xab: {  	[sflag:s5] =	ssyncadd.remote.s32 @p0 $0x1;
	_ =	sdelay $0x1  }
0xac: {  	s5 =	simm.s32 @p0 $0x1B8D  }
0xad: {  	_ =	swait.eq @p0 [sflag:s5], $0x1  }
0xae: {  	[sflag:s5] =	ssyncadd.s32 @p0 $0xFFFFFFFF  }
0xaf: {  	s6 =	sshll.u32 @!p0 s1, $0xE  }
0xb0: {  	s6 =	sor.u32 @!p0 $0x4000, s6;
	s5 =	simm.s32 @!p0 $0x1B8D  }
0xb1: {  	s4 =	sshll.u32 @!p0 s4, $0x11;
	s6 =	sadd.s32 @!p0 $0x11B8D, s6;
	_ =	swait.eq @!p0 [sflag:s5], $0x1  }
0xb2: {  	s4 =	sor.u32 @!p0 s4, s6;
	[sflag:s5] =	ssyncadd.s32 @!p0 $0xFFFFFFFF  }
0xb3: {  	s25 =	simm.s32 $0x1B8E;
	s24 =	sld [smem:$0x3FFE];
	[sflag:s4] =	ssyncadd.remote.s32 @!p0 $0x1  }
0xb4: {  	s26 =	simm.s32 $execute0_lowered;
	[smem:$0x3FD2] =	sst s25  }
0xb5: {  	s5 =	sshll.u32 s26, $0x1;
	_ =	strace $0x8000005B;
	[dreg:$0x1] =	wrdreg $0xFFFFFFFF  }
0xb6: {  	s28 =	simm.s32 $_size_execute0_lowered;
	s3 =	sadd.s32 s3, s5;
	[dreg:$0x0] =	wrdreg $0x0  }
0xb7: {  	s5 =	sshll.u32 s28, $0x1;
	[dreg:$0x2] =	wrdreg s3  }
0xb8: {  	[dreg:$0x3] =	wrdreg s5  }
0xb9: {  	[dreg:$0x4] =	wrdreg $0xC0  }
0xba: {  	_ =	task [dreg:s22], $0x5FFFF  }
0xbb: {  	[dreg:$0x1] =	wrdreg $0xFFFFFFFF  }
0xbc: {  	[dreg:$0x0] =	wrdreg $0x60  }
0xbd: {  	[dreg:$0x2] =	wrdreg s24  }
0xbe: {  	[dreg:$0x3] =	wrdreg $0x88000  }
0xbf: {  	[dreg:$0x4] =	wrdreg $0x9  }
0xc0: {  	_ =	task.clear_ibuf [dreg:s22], $0x5FFFF;
	_ =	strace $0x9000005B  }
0xc1: {  	s29 =	simm.s32 $0x9;
	_ =	strace $0x8000005D  }
0xc2: {  	_ =	swait.ge [sflag:s29], $0x1  }
0xc3: {  	[sflag:s29] =	ssyncadd.s32 $0xFFFFFFFF  }
0xc4: {  	_ =	strace $0x9000005D  }
0xc5: {  	_ =	sfence  }
0xc6: {  	s30 =	sld [smem:$0x0];
	_ =	sdelay $0x2  }
0xc7: {  	s31 =	sshll.u32 s1, $0xD;
	s1 =	sshrl.u32 s1, $0x2  }
0xc8: {  	s4 =	sand.u32 $0x4000, s31;
	s1 =	sadd.s32 s1, s30  }
0xc9: {  	s0 =	sor.u32 s4, s0;
	s1 =	sshll.u32 s1, $0x11  }
0xca: {  	s0 =	sor.u32 s1, s0  }
0xcb: {  	s0 =	sadd.s32 $0x8F2B, s0  }
0xcc: {  	[sflag:s0] =	ssyncadd.remote.s32 $0x1  }
0xcd: {  	_ =	sfence.sel $0xFFFF  }
0xce: {  	[dreg:$0x0] =	wrdreg $0xFFFFFFFF;
	(pc) =	sbr.abs _section_cstart, $3  }
0xcf: {  	[dreg:$0x1] =	wrdreg $0xFFFFFFFF  }
0xd0: {  	_ =	task.clear_ibuf [dreg:s22], $0x2FFFF;
	_ =	strace $0x9FFFFFFF  }
0xd1: {  	(tm) =	ssettm $0x7FFFFFFF  }
tec
execute0_lowered:
.L_overlay_start_1:
0x0: {  	(tag) =	ssettag $0x1  }
0x1: {  	s0 =	srdreg.scid;
	s16 =	stileid.u32  }
0x2: {  	s4 =	rddreg [dreg:$0x0];
	s7 =	smul.u32 $0x14000, s16  }
0x3: {  	s2 =	rddreg [dreg:$0x1];
	s1 =	sand.u32 $0x1, s0;
	s18 =	smul.u32 $0x50000, s16  }
0x4: {  	s21 =	sshll.u32 s16, $0x6;
	s3 =	sshll.u32 s1, $0x4;
	s8 =	smul.u32 $0x140000, s1  }
0x5: {  	s5 =	sor.u32 s16, s3;
	s3 =	simm.s32 $0x0;
	s17 =	sshrl.u32 s7, $0x3  }
0x6: {  	s6 =	smul.u32 $0x5000, s5;
	[smem:$0x7FF] =	sst s3;
	s5 =	sshll.u32 s5, $0x8  }
0x7: {  	s7 =	sadd.s32 s7, s8;
	_ =	strace $0x8000005C;
	s5 =	sadd.s32 s5, s4  }
0x8: {  	s29 =	sadd.s32 s6, s4;
	s6 =	sadd.s32 s17, s4;
	s5 =	sadd.s32 $0x5600, s5  }
0x9: {  	s7 =	sshrl.u32 s7, $0x3;
	s6 =	sadd.s32 $0x9200, s6;
	[dreg:$0x4] =	wrdreg s5  }
0xa: {  	s19 =	sadd.s32 s7, s4;
	s22 =	sadd.s32 $0x121200, s29;
	[dreg:$0x3] =	wrdreg s6  }
0xb: {  	s8 =	sshrl.u32 s18, $0x2;
	s24 =	sadd.s32 $0x1C1200, s19;
	[dreg:$0x5] =	wrdreg s22  }
0xc: {  	s20 =	sadd.s32 s8, s2;
	s4 =	sor.u32 $0x1C05, s21;
	[dreg:$0x6] =	wrdreg s24  }
0xd: {  	s5 =	simm.s32 $0x5;
	s6 =	sshrl.u32 s20, $0x3;
	s23 =	rddreg [dreg:$0x3]  }
0xe: {  	[spmem:s6], [sflag:s4] =	dma.local [hbm:s23], $0x2800  }
0xf: {  	_ =	swait.ge [sflag:s5], $0x2800  }
0x10: {  	[sflag:s5] =	ssyncset.done $0x0  }
0x11: {  	s25 =	rddreg [dreg:$0x4];
	[sflag:s5] =	ssyncadd.s32 $0xFFFFD800  }
0x12: {  	[tilespmem:s3], [sflag:$0x5] =	stream.linear.gather [hbm4b:s25+s3], $0x500, $0x38;
	[tilespmem:$0x1C800] =	vst v63  }
0x13: {  	_ =	swait.ge [sflag:s5], $0x500  }
0x14: {  	[sflag:s5] =	ssyncset.done $0x0  }
0x15: {  	[sflag:s5] =	ssyncadd.s32 $0xFFFFFB00  }
0x16: {  	[bflag:$0x0] =	sbarrier.arrive $0xFFFF  }
0x17: {  	s7 =	simm.s32 $0x800;
	s26 =	rddreg [dreg:$0x5]  }
0x18: {  	[tilespmem:s7], [sflag:$0x1] =	stream.linear.gather [hbm4b:s26+s3], $0x4000, $0x38;
	[tilespmem:$0x1C800] =	vst v63  }
0x19: {  	s9 =	simm.s32 $0x4800;
	s10 =	simm.s32 $0x1;
	s8 =	sadd.s32 $0x121A00, s29  }
0x1a: {  	[tilespmem:s9], [sflag:$0x2] =	stream.linear.gather [hbm4b:s8+s3], $0x4000, $0x38;
	[tilespmem:$0x1C800] =	vst v63  }
0x1b: {  	_ =	swait.ge [sflag:s10], $0x4000  }
0x1c: {  	[sflag:s10] =	ssyncset.done $0x0  }
0x1d: {  	s11 =	simm.s32 $0x80;
	s12 =	simm.s32 $0x3;
	[sflag:s10] =	ssyncadd.s32 $0xFFFFC000  }
0x1e: {  	[spmem:s2] =	stream.indirect.scatter.add.f32 [tilespmem:s7], [sflag:$0x3], $0x80, s3, s11, $0xb8;
	[tilespmem:$0x1C800] =	vst v63  }
0x1f: {  	_ =	swait.ge [sflag:s12], $0x4000  }
0x20: {  	[sflag:s12] =	ssyncset.done $0x0  }
0x21: {  	s14 =	simm.s32 $0x2;
	s13 =	sadd.s32 $0x122200, s29;
	[sflag:s12] =	ssyncadd.s32 $0xFFFFC000  }
0x22: {  	[tilespmem:s7], [sflag:$0x1] =	stream.linear.gather [hbm4b:s13+s3], $0x4000, $0x38;
	[tilespmem:$0x1C800] =	vst v63  }
0x23: {  	_ =	swait.ge [sflag:s14], $0x4000  }
0x24: {  	[sflag:s14] =	ssyncset.done $0x0  }
0x25: {  	s15 =	simm.s32 $0x4;
	[sflag:s14] =	ssyncadd.s32 $0xFFFFC000  }
0x26: {  	[spmem:s2] =	stream.indirect.scatter.add.f32 [tilespmem:s9], [sflag:$0x4], $0x80, s11, s11, $0xb8;
	[tilespmem:$0x1C800] =	vst v63  }
0x27: {  	_ =	swait.ge [sflag:s15], $0x4000  }
0x28: {  	[sflag:s15] =	ssyncset.done $0x0  }
0x29: {  	s16 =	sadd.s32 $0x122A00, s29;
	[sflag:s15] =	ssyncadd.s32 $0xFFFFC000  }
0x2a: {  	[tilespmem:s9], [sflag:$0x2] =	stream.linear.gather [hbm4b:s16+s3], $0x4000, $0x38;
	[tilespmem:$0x1C800] =	vst v63  }
0x2b: {  	_ =	swait.ge [sflag:s10], $0x4000  }
0x2c: {  	[sflag:s10] =	ssyncset.done $0x0  }
0x2d: {  	s17 =	simm.s32 $0x100;
	[sflag:s10] =	ssyncadd.s32 $0xFFFFC000  }
0x2e: {  	[spmem:s2] =	stream.indirect.scatter.add.f32 [tilespmem:s7], [sflag:$0x3], $0x80, s17, s11, $0xb8;
	[tilespmem:$0x1C800] =	vst v63  }
0x2f: {  	_ =	swait.ge [sflag:s12], $0x4000  }
0x30: {  	[sflag:s12] =	ssyncset.done $0x0  }
0x31: {  	s18 =	sadd.s32 $0x123200, s29;
	[sflag:s12] =	ssyncadd.s32 $0xFFFFC000  }
0x32: {  	[tilespmem:s7], [sflag:$0x1] =	stream.linear.gather [hbm4b:s18+s3], $0x4000, $0x38;
	[tilespmem:$0x1C800] =	vst v63  }
0x33: {  	_ =	swait.ge [sflag:s14], $0x4000  }
0x34: {  	[sflag:s14] =	ssyncset.done $0x0  }
0x35: {  	s19 =	simm.s32 $0x180;
	[sflag:s14] =	ssyncadd.s32 $0xFFFFC000  }
0x36: {  	[spmem:s2] =	stream.indirect.scatter.add.f32 [tilespmem:s9], [sflag:$0x4], $0x80, s19, s11, $0xb8;
	[tilespmem:$0x1C800] =	vst v63  }
0x37: {  	_ =	swait.ge [sflag:s15], $0x4000  }
0x38: {  	[sflag:s15] =	ssyncset.done $0x0  }
0x39: {  	s20 =	sadd.s32 $0x123A00, s29;
	[sflag:s15] =	ssyncadd.s32 $0xFFFFC000  }
0x3a: {  	[tilespmem:s9], [sflag:$0x2] =	stream.linear.gather [hbm4b:s20+s3], $0x4000, $0x38;
	[tilespmem:$0x1C800] =	vst v63  }
0x3b: {  	_ =	swait.ge [sflag:s10], $0x4000  }
0x3c: {  	[sflag:s10] =	ssyncset.done $0x0  }
0x3d: {  	s21 =	simm.s32 $0x200;
	[sflag:s10] =	ssyncadd.s32 $0xFFFFC000  }
0x3e: {  	[spmem:s2] =	stream.indirect.scatter.add.f32 [tilespmem:s7], [sflag:$0x3], $0x80, s21, s11, $0xb8;
	[tilespmem:$0x1C800] =	vst v63  }
0x3f: {  	_ =	swait.ge [sflag:s12], $0x4000  }
0x40: {  	[sflag:s12] =	ssyncset.done $0x0  }
0x41: {  	s22 =	sadd.s32 $0x124200, s29;
	[sflag:s12] =	ssyncadd.s32 $0xFFFFC000  }
0x42: {  	[tilespmem:s7], [sflag:$0x1] =	stream.linear.gather [hbm4b:s22+s3], $0x4000, $0x38;
	[tilespmem:$0x1C800] =	vst v63  }
0x43: {  	_ =	swait.ge [sflag:s14], $0x4000  }
0x44: {  	[sflag:s14] =	ssyncset.done $0x0  }
0x45: {  	s23 =	simm.s32 $0x280;
	[sflag:s14] =	ssyncadd.s32 $0xFFFFC000  }
0x46: {  	[spmem:s2] =	stream.indirect.scatter.add.f32 [tilespmem:s9], [sflag:$0x4], $0x80, s23, s11, $0xb8;
	[tilespmem:$0x1C800] =	vst v63  }
0x47: {  	_ =	swait.ge [sflag:s15], $0x4000  }
0x48: {  	[sflag:s15] =	ssyncset.done $0x0  }
0x49: {  	s24 =	sadd.s32 $0x124A00, s29;
	[sflag:s15] =	ssyncadd.s32 $0xFFFFC000  }
0x4a: {  	[tilespmem:s9], [sflag:$0x2] =	stream.linear.gather [hbm4b:s24+s3], $0x4000, $0x38;
	[tilespmem:$0x1C800] =	vst v63  }
0x4b: {  	_ =	swait.ge [sflag:s10], $0x4000  }
0x4c: {  	[sflag:s10] =	ssyncset.done $0x0  }
0x4d: {  	s25 =	simm.s32 $0x300;
	[sflag:s10] =	ssyncadd.s32 $0xFFFFC000  }
0x4e: {  	[spmem:s2] =	stream.indirect.scatter.add.f32 [tilespmem:s7], [sflag:$0x3], $0x80, s25, s11, $0xb8;
	[tilespmem:$0x1C800] =	vst v63  }
0x4f: {  	_ =	swait.ge [sflag:s12], $0x4000  }
0x50: {  	[sflag:s12] =	ssyncset.done $0x0  }
0x51: {  	s26 =	sadd.s32 $0x125200, s29;
	[sflag:s12] =	ssyncadd.s32 $0xFFFFC000  }
0x52: {  	[tilespmem:s7], [sflag:$0x1] =	stream.linear.gather [hbm4b:s26+s3], $0x4000, $0x38;
	[tilespmem:$0x1C800] =	vst v63  }
0x53: {  	_ =	swait.ge [sflag:s14], $0x4000  }
0x54: {  	[sflag:s14] =	ssyncset.done $0x0  }
0x55: {  	s28 =	simm.s32 $0x380;
	[sflag:s14] =	ssyncadd.s32 $0xFFFFC000  }
0x56: {  	[spmem:s2] =	stream.indirect.scatter.add.f32 [tilespmem:s9], [sflag:$0x4], $0x80, s28, s11, $0xb8;
	[tilespmem:$0x1C800] =	vst v63  }
0x57: {  	_ =	swait.ge [sflag:s15], $0x4000  }
0x58: {  	[sflag:s15] =	ssyncset.done $0x0  }
0x59: {  	s29 =	sadd.s32 $0x125A00, s29;
	[sflag:s15] =	ssyncadd.s32 $0xFFFFC000  }
0x5a: {  	[tilespmem:s9], [sflag:$0x2] =	stream.linear.gather [hbm4b:s29+s3], $0x4000, $0x38;
	[tilespmem:$0x1C800] =	vst v63  }
0x5b: {  	_ =	swait.ge [sflag:s10], $0x4000  }
0x5c: {  	[sflag:s10] =	ssyncset.done $0x0  }
0x5d: {  	s30 =	simm.s32 $0x400;
	[sflag:s10] =	ssyncadd.s32 $0xFFFFC000  }
0x5e: {  	[spmem:s2] =	stream.indirect.scatter.add.f32 [tilespmem:s7], [sflag:$0x3], $0x80, s30, s11, $0xb8;
	[tilespmem:$0x1C800] =	vst v63  }
0x5f: {  	_ =	swait.ge [sflag:s14], $0x4000  }
0x60: {  	[sflag:s14] =	ssyncset.done $0x0  }
0x61: {  	s31 =	simm.s32 $0x480;
	[sflag:s14] =	ssyncadd.s32 $0xFFFFC000  }
0x62: {  	[spmem:s2] =	stream.indirect.scatter.add.f32 [tilespmem:s9], [sflag:$0x4], $0x80, s31, s11, $0xb8;
	[tilespmem:$0x1C800] =	vst v63  }
0x63: {  	_ =	swait.ge [sflag:s12], $0x4000  }
0x64: {  	[sflag:s12] =	ssyncset.done $0x0  }
0x65: {  	[sflag:s12] =	ssyncadd.s32 $0xFFFFC000  }
0x66: {  	_ =	swait.ge [sflag:s15], $0x4000  }
0x67: {  	[sflag:s15] =	ssyncset.done $0x0  }
0x68: {  	[sflag:s15] =	ssyncadd.s32 $0xFFFFC000  }
0x69: {  	[bflag:$0x0] =	sbarrier.arrive $0xFFFF  }
0x6a: {  	s1 =	ssub.s32 $0x2, s1;
	s0 =	rddreg [dreg:$0x6]  }
0x6b: {  	[dreg:$0x7] =	wrdreg s0;
	s0 =	sshrl.u32 s1, $0x1  }
0x6c: {  	s0 =	ssub.s32 s1, s0  }
0x6d: {  	s0 =	smax.u32 s0, $0x1  }
0x6e: {  	p0 =	sne.s32 s0, $0x1  }
.Ltmp0:
0x6f: {  	_ = 	snop;
	(pc) =	sbr.rel @!p0 .LBB2_2-.Ltmp0, $4  }
0x70: {  	_ = 	snop  }
0x71: {  	s1 =	rddreg [dreg:$0x7]  }
0x72: {  	[hbm:s1], [sflag:s4] =	dma.local [spmem:s6], $0x2800  }
0x73: {  	s1 =	sadd.s32 $0xFFFFFFFF, s0;
	_ =	swait.ge [sflag:s5], $0x2800  }
.LBB2_1:
0x74: {  	[sflag:s5] =	ssyncset.done $0x0  }
0x75: {  	s0 =	rddreg [dreg:$0x3];
	[sflag:s5] =	ssyncadd.s32 $0xFFFFD800  }
0x76: {  	[spmem:s6], [sflag:s4] =	dma.local [hbm:s0], $0x2800  }
0x77: {  	_ =	swait.ge [sflag:s5], $0x2800  }
0x78: {  	[sflag:s5] =	ssyncset.done $0x0  }
0x79: {  	s0 =	rddreg [dreg:$0x4];
	[sflag:s5] =	ssyncadd.s32 $0xFFFFD800  }
0x7a: {  	[tilespmem:s3], [sflag:$0x5] =	stream.linear.gather [hbm4b:s0+s3], $0x500, $0x38;
	[tilespmem:$0x1C800] =	vst v63  }
0x7b: {  	_ =	swait.ge [sflag:s5], $0x500  }
0x7c: {  	[sflag:s5] =	ssyncset.done $0x0  }
0x7d: {  	[sflag:s5] =	ssyncadd.s32 $0xFFFFFB00  }
0x7e: {  	[bflag:$0x0] =	sbarrier.arrive $0xFFFF  }
0x7f: {  	s0 =	rddreg [dreg:$0x5]  }
0x80: {  	[tilespmem:s7], [sflag:$0x1] =	stream.linear.gather [hbm4b:s0+s3], $0x4000, $0x38;
	[tilespmem:$0x1C800] =	vst v63  }
0x81: {  	_ = 	snop  }
0x82: {  	[tilespmem:s9], [sflag:$0x2] =	stream.linear.gather [hbm4b:s8+s3], $0x4000, $0x38;
	[tilespmem:$0x1C800] =	vst v63  }
0x83: {  	_ =	swait.ge [sflag:s10], $0x4000  }
0x84: {  	[sflag:s10] =	ssyncset.done $0x0  }
0x85: {  	[sflag:s10] =	ssyncadd.s32 $0xFFFFC000  }
0x86: {  	[spmem:s2] =	stream.indirect.scatter.add.f32 [tilespmem:s7], [sflag:$0x3], $0x80, s3, s11, $0xb8;
	[tilespmem:$0x1C800] =	vst v63  }
0x87: {  	_ =	swait.ge [sflag:s12], $0x4000  }
0x88: {  	[sflag:s12] =	ssyncset.done $0x0  }
0x89: {  	[sflag:s12] =	ssyncadd.s32 $0xFFFFC000  }
0x8a: {  	[tilespmem:s7], [sflag:$0x1] =	stream.linear.gather [hbm4b:s13+s3], $0x4000, $0x38;
	[tilespmem:$0x1C800] =	vst v63  }
0x8b: {  	_ =	swait.ge [sflag:s14], $0x4000  }
0x8c: {  	[sflag:s14] =	ssyncset.done $0x0  }
0x8d: {  	[sflag:s14] =	ssyncadd.s32 $0xFFFFC000  }
0x8e: {  	[spmem:s2] =	stream.indirect.scatter.add.f32 [tilespmem:s9], [sflag:$0x4], $0x80, s11, s11, $0xb8;
	[tilespmem:$0x1C800] =	vst v63  }
0x8f: {  	_ =	swait.ge [sflag:s15], $0x4000  }
0x90: {  	[sflag:s15] =	ssyncset.done $0x0  }
0x91: {  	[sflag:s15] =	ssyncadd.s32 $0xFFFFC000  }
0x92: {  	[tilespmem:s9], [sflag:$0x2] =	stream.linear.gather [hbm4b:s16+s3], $0x4000, $0x38;
	[tilespmem:$0x1C800] =	vst v63  }
0x93: {  	_ =	swait.ge [sflag:s10], $0x4000  }
0x94: {  	[sflag:s10] =	ssyncset.done $0x0  }
0x95: {  	[sflag:s10] =	ssyncadd.s32 $0xFFFFC000  }
0x96: {  	[spmem:s2] =	stream.indirect.scatter.add.f32 [tilespmem:s7], [sflag:$0x3], $0x80, s17, s11, $0xb8;
	[tilespmem:$0x1C800] =	vst v63  }
0x97: {  	_ =	swait.ge [sflag:s12], $0x4000  }
0x98: {  	[sflag:s12] =	ssyncset.done $0x0  }
0x99: {  	[sflag:s12] =	ssyncadd.s32 $0xFFFFC000  }
0x9a: {  	[tilespmem:s7], [sflag:$0x1] =	stream.linear.gather [hbm4b:s18+s3], $0x4000, $0x38;
	[tilespmem:$0x1C800] =	vst v63  }
0x9b: {  	_ =	swait.ge [sflag:s14], $0x4000  }
0x9c: {  	[sflag:s14] =	ssyncset.done $0x0  }
0x9d: {  	[sflag:s14] =	ssyncadd.s32 $0xFFFFC000  }
0x9e: {  	[spmem:s2] =	stream.indirect.scatter.add.f32 [tilespmem:s9], [sflag:$0x4], $0x80, s19, s11, $0xb8;
	[tilespmem:$0x1C800] =	vst v63  }
0x9f: {  	_ =	swait.ge [sflag:s15], $0x4000  }
0xa0: {  	[sflag:s15] =	ssyncset.done $0x0  }
0xa1: {  	[sflag:s15] =	ssyncadd.s32 $0xFFFFC000  }
0xa2: {  	[tilespmem:s9], [sflag:$0x2] =	stream.linear.gather [hbm4b:s20+s3], $0x4000, $0x38;
	[tilespmem:$0x1C800] =	vst v63  }
0xa3: {  	_ =	swait.ge [sflag:s10], $0x4000  }
0xa4: {  	[sflag:s10] =	ssyncset.done $0x0  }
0xa5: {  	[sflag:s10] =	ssyncadd.s32 $0xFFFFC000  }
0xa6: {  	[spmem:s2] =	stream.indirect.scatter.add.f32 [tilespmem:s7], [sflag:$0x3], $0x80, s21, s11, $0xb8;
	[tilespmem:$0x1C800] =	vst v63  }
0xa7: {  	_ =	swait.ge [sflag:s12], $0x4000  }
0xa8: {  	[sflag:s12] =	ssyncset.done $0x0  }
0xa9: {  	[sflag:s12] =	ssyncadd.s32 $0xFFFFC000  }
0xaa: {  	[tilespmem:s7], [sflag:$0x1] =	stream.linear.gather [hbm4b:s22+s3], $0x4000, $0x38;
	[tilespmem:$0x1C800] =	vst v63  }
0xab: {  	_ =	swait.ge [sflag:s14], $0x4000  }
0xac: {  	[sflag:s14] =	ssyncset.done $0x0  }
0xad: {  	[sflag:s14] =	ssyncadd.s32 $0xFFFFC000  }
0xae: {  	[spmem:s2] =	stream.indirect.scatter.add.f32 [tilespmem:s9], [sflag:$0x4], $0x80, s23, s11, $0xb8;
	[tilespmem:$0x1C800] =	vst v63  }
0xaf: {  	_ =	swait.ge [sflag:s15], $0x4000  }
0xb0: {  	[sflag:s15] =	ssyncset.done $0x0  }
0xb1: {  	[sflag:s15] =	ssyncadd.s32 $0xFFFFC000  }
0xb2: {  	[tilespmem:s9], [sflag:$0x2] =	stream.linear.gather [hbm4b:s24+s3], $0x4000, $0x38;
	[tilespmem:$0x1C800] =	vst v63  }
0xb3: {  	_ =	swait.ge [sflag:s10], $0x4000  }
0xb4: {  	[sflag:s10] =	ssyncset.done $0x0  }
0xb5: {  	[sflag:s10] =	ssyncadd.s32 $0xFFFFC000  }
0xb6: {  	[spmem:s2] =	stream.indirect.scatter.add.f32 [tilespmem:s7], [sflag:$0x3], $0x80, s25, s11, $0xb8;
	[tilespmem:$0x1C800] =	vst v63  }
0xb7: {  	_ =	swait.ge [sflag:s12], $0x4000  }
0xb8: {  	[sflag:s12] =	ssyncset.done $0x0  }
0xb9: {  	[sflag:s12] =	ssyncadd.s32 $0xFFFFC000  }
0xba: {  	[tilespmem:s7], [sflag:$0x1] =	stream.linear.gather [hbm4b:s26+s3], $0x4000, $0x38;
	[tilespmem:$0x1C800] =	vst v63  }
0xbb: {  	_ =	swait.ge [sflag:s14], $0x4000  }
0xbc: {  	[sflag:s14] =	ssyncset.done $0x0  }
0xbd: {  	[sflag:s14] =	ssyncadd.s32 $0xFFFFC000  }
0xbe: {  	[spmem:s2] =	stream.indirect.scatter.add.f32 [tilespmem:s9], [sflag:$0x4], $0x80, s28, s11, $0xb8;
	[tilespmem:$0x1C800] =	vst v63  }
0xbf: {  	_ =	swait.ge [sflag:s15], $0x4000  }
0xc0: {  	[sflag:s15] =	ssyncset.done $0x0  }
0xc1: {  	[sflag:s15] =	ssyncadd.s32 $0xFFFFC000  }
0xc2: {  	[tilespmem:s9], [sflag:$0x2] =	stream.linear.gather [hbm4b:s29+s3], $0x4000, $0x38;
	[tilespmem:$0x1C800] =	vst v63  }
0xc3: {  	_ =	swait.ge [sflag:s10], $0x4000  }
0xc4: {  	[sflag:s10] =	ssyncset.done $0x0  }
0xc5: {  	[sflag:s10] =	ssyncadd.s32 $0xFFFFC000  }
0xc6: {  	[spmem:s2] =	stream.indirect.scatter.add.f32 [tilespmem:s7], [sflag:$0x3], $0x80, s30, s11, $0xb8;
	[tilespmem:$0x1C800] =	vst v63  }
0xc7: {  	_ =	swait.ge [sflag:s14], $0x4000  }
0xc8: {  	[sflag:s14] =	ssyncset.done $0x0  }
0xc9: {  	[sflag:s14] =	ssyncadd.s32 $0xFFFFC000  }
0xca: {  	[spmem:s2] =	stream.indirect.scatter.add.f32 [tilespmem:s9], [sflag:$0x4], $0x80, s31, s11, $0xb8;
	[tilespmem:$0x1C800] =	vst v63  }
0xcb: {  	_ =	swait.ge [sflag:s12], $0x4000  }
0xcc: {  	[sflag:s12] =	ssyncset.done $0x0  }
0xcd: {  	[sflag:s12] =	ssyncadd.s32 $0xFFFFC000  }
0xce: {  	_ =	swait.ge [sflag:s15], $0x4000  }
0xcf: {  	p0 =	sne.s32 s1, $0x1;
	[sflag:s15] =	ssyncset.done $0x0  }
.Ltmp1:
0xd0: {  	[sflag:s15] =	ssyncadd.s32 $0xFFFFC000;
	(pc) =	sbr.rel @p0 .LBB2_1-.Ltmp1, $4  }
0xd1: {  	[bflag:$0x0] =	sbarrier.arrive $0xFFFF  }
0xd2: {  	s0 =	rddreg [dreg:$0x6]  }
0xd3: {  	[hbm:s0], [sflag:s4] =	dma.local [spmem:s6], $0x2800  }
0xd4: {  	s1 =	sadd.s32 $0xFFFFFFFF, s1;
	_ =	swait.ge [sflag:s5], $0x2800  }
.LBB2_2:
0xd5: {  	[sflag:s5] =	ssyncset.done $0x0  }
0xd6: {  	[sflag:s5] =	ssyncadd.s32 $0xFFFFD800  }
0xd7: {  	_ =	sfence.sel $0x180000  }
0xd8: {  	[bflag:$0x0] =	sbarrier.arrive $0xFFFF  }
0xd9: {  	_ =	strace $0x9000005C  }
0xda: {  	s0 =	stileid.u32;
	[bflag:$0x2] =	sbarrier.arrive $0xFFFF  }
0xdb: {  	p0 =	sne.s32 s0, $0x0;
	s0 =	rddreg [dreg:$0x2]  }
0xdc: {  	s0 =	sadd.s32 @!p0 $0x100000, s0  }
0xdd: {  	[sflag:s0] =	ssyncadd.tile.s32 @!p0 $0x1;
	_ =	shalt  }
.Lfunc_end2:
_tile_overlayer_lowered:
.L_overlay_start_2:
0xde: {  	(tag) =	ssettag $0x2  }
0xdf: {  	s0 =	rddreg [dreg:$0x0];
	s2 =	stileid.u32  }
0xe0: {  	s1 =	rddreg [dreg:$0x1];
	p0 =	sne.s32 s2, $0x0  }
0xe1: {  	s3 =	rddreg [dreg:$0x2];
	[bflag:$0x3] =	sbarrier.arrive $0xFFFF;
	s2 =	simm.s32 @!p0 $0x1C05  }
0xe2: {  	[timem:s3], [sflag:s2] =	dma.local @!p0 [hbm:s0], s1  }
0xe3: {  	s0 =	simm.s32 @!p0 $0x5  }
0xe4: {  	_ =	swait.ge @!p0 [sflag:s0], s1  }
0xe5: {  	s1 =	ssub.s32 @!p0 $0x0, s1;
	[sflag:s0] =	ssyncset.done @!p0 $0x0  }
0xe6: {  	[sflag:s0] =	ssyncadd.s32 @!p0 s1  }
0xe7: {  	[bflag:$0x3] =	sbarrier.arrive $0xFFFF  }
0xe8: {  	_ =	shalt  }

// kernel: kernel.21.cloned.1.call-start
scs
__scs_entry_jumppad:
0x0: {  	(pc) =	sbr.rel $0x88, $3  }
0x1: {  	(tag) =	ssettag $0x0;
	lr =	simm.s32 $0x1  }
0x2: {  	[smem:$0x3F92] =	sst lr;
	_ =	strace $0xD0000000  }
0x3: {  	_ = 	snop  }
0x4: {  	_ = 	snop  }
0x5: {  	_ = 	snop  }
0x6: {  	_ = 	snop  }
0x7: {  	_ = 	snop  }
__scs_overlays_trampoline_lowered:
0x8: {  	[smem:$0x3FA1] =	sst s0  }
0x9: {  	[smem:$0x3FA2] =	sst s1  }
0xa: {  	[smem:$0x3FA3] =	sst s2  }
0xb: {  	[smem:$0x3FA4] =	sst s3  }
0xc: {  	[smem:$0x3FA5] =	sst s4  }
0xd: {  	[smem:$0x3FA6] =	sst s5  }
0xe: {  	[smem:$0x3FA7] =	sst s6  }
0xf: {  	[smem:$0x3FA8] =	sst s7  }
0x10: {  	[smem:$0x3FA9] =	sst s8  }
0x11: {  	[smem:$0x3FAA] =	sst s9;
	s0 =	simm.s32 @!p0 $0x0  }
0x12: {  	s1 =	sld [smem:$0x3F90];
	s0 =	simm.s32 @p0 $0x1  }
0x13: {  	[smem:$0x3FAB] =	sst s0;
	s0 =	simm.s32 @!p1 $0x0  }
0x14: {  	s2 =	sld [smem:$0x3F8F];
	s0 =	simm.s32 @p1 $0x1  }
0x15: {  	[smem:$0x3FAC] =	sst s0;
	s0 =	simm.s32 @!p2 $0x0  }
0x16: {  	s3 =	sld [smem:$0x3FDB];
	s0 =	simm.s32 @p2 $0x1  }
0x17: {  	s4 =	simm.s32 $0x1BF5;
	[smem:$0x3FAE] =	sst s0  }
0x18: {  	s0 =	sld [smem:$0x3F91];
	_ =	swait.ge [sflag:s4], $0x0  }
0x19: {  	s7 =	sld [smem:$0x3F92]  }
0x1a: {  	s8 =	sadd.s32 $0xFFFFE003, lr  }
0x1b: {  	s9 =	sadd.s32 $0xFFFFFEF7, lr;
	s5 =	simm.s32 $0xFFFFFFFF;
	p2 =	slt.u32 s8, $0xFFFFF086  }
0x1c: {  	p1 =	slt.u32 s9, $0xF7A;
	s5 =	simm.s32 @!p2 $0x0  }
0x1d: {  	s5 =	simm.s32 @p1 $0x1;
	p0 =	seq.s32 s7, s2  }
0x1e: {  	s7 =	smul.u32 @!p0 $0xF7A, s2;
	p2 =	seq.s32 @!p0 s5, $0x0  }
0x1f: {  	s9 =	smul.u32 $0xF7A, s1;
	s8 =	simm.s32 @!p0 $0x1BF5;
	p2 =	por !p2, p0  }
0x20: {  	[sflag:s8] =	ssyncset.s32 @!p0 $0xFFFFF086;
	s6 =	sadd.s32 @!p0 s3, s7;
	s7 =	simm.s32 @!p0 $0x108  }
0x21: {  	s3 =	sadd.s32 s3, s9;
	s6 =	sadd.s32 @!p0 $0x88, s6;
	s7 =	simm.s32 @p2 $0x1082  }
0x22: {  	[simem:s7], [sflag:s8] =	dma.local @!p0 [hbm:s6], $0xF7A  }
0x23: {  	s9 =	sor.u32 $0xD0000000, s2;
	s6 =	simm.s32 $0x108;
	_ =	swait.ge @!p0 [sflag:s8], $0x0  }
0x24: {  	s3 =	sadd.s32 $0x88, s3;
	s6 =	simm.s32 @!p1 $0x1082;
	[sflag:s4] =	ssyncset.s32 $0xFFFFF086  }
0x25: {  	[simem:s6], [sflag:s4] =	dma.local [hbm:s3], $0xF7A  }
0x26: {  	[smem:$0x3F92] =	sst s1;
	(tag) =	ssettag s2;
	_ =	strace s9  }
0x27: {  	s1 =	sld [smem:$0x3FA2]  }
0x28: {  	s2 =	sld [smem:$0x3FA3]  }
0x29: {  	s4 =	sld [smem:$0x3FA5]  }
0x2a: {  	p0 =	seq.s32 s5, $0x0;
	s5 =	sld [smem:$0x3FA6]  }
0x2b: {  	s6 =	sld [smem:$0x3FA7]  }
0x2c: {  	s7 =	sld [smem:$0x3FA8]  }
0x2d: {  	s3 =	simm.s32 $0x108;
	s8 =	sld [smem:$0x3FA9]  }
0x2e: {  	s3 =	simm.s32 @!p0 $0x1082;
	s9 =	sld [smem:$0x3FAA]  }
0x2f: {  	lr =	sadd.s32 s0, s3;
	s0 =	sld [smem:$0x3FA1]  }
0x30: {  	s3 =	sld [smem:$0x3FA4]  }
0x31: {  	[smem:$0x3FAD] =	sst s10  }
0x32: {  	s10 =	sld [smem:$0x3FAB];
	_ =	sdelay $0x3  }
0x33: {  	p0 =	seq.s32 s10, $0x1;
	s10 =	sld [smem:$0x3FAD];
	_ =	sdelay $0x3  }
0x34: {  	[smem:$0x3FAD] =	sst s10  }
0x35: {  	s10 =	sld [smem:$0x3FAC];
	_ =	sdelay $0x3  }
0x36: {  	p1 =	seq.s32 s10, $0x1;
	s10 =	sld [smem:$0x3FAD];
	_ =	sdelay $0x3  }
0x37: {  	[smem:$0x3FAD] =	sst s10  }
0x38: {  	s10 =	sld [smem:$0x3FAE]  }
0x39: {  	_ = 	snop;
	(pc) =	sbr.ind lr, $3  }
0x3a: {  	_ = 	snop  }
0x3b: {  	_ = 	snop  }
0x3c: {  	p2 =	seq.s32 s10, $0x1;
	s10 =	sld [smem:$0x3FAD]  }
0x3d: {  	_ =	shalt  }
0x3e: {  	_ =	shalt  }
0x3f: {  	_ =	shalt  }
0x40: {  	_ =	shalt  }
0x41: {  	_ =	shalt  }
0x42: {  	_ =	shalt  }
0x43: {  	_ =	shalt  }
0x44: {  	_ =	shalt  }
0x45: {  	_ =	shalt  }
0x46: {  	_ =	shalt  }
0x47: {  	_ =	shalt  }
0x48: {  	_ =	shalt  }
0x49: {  	_ =	shalt  }
0x4a: {  	_ =	shalt  }
0x4b: {  	_ =	shalt  }
0x4c: {  	_ =	shalt  }
0x4d: {  	_ =	shalt  }
0x4e: {  	_ =	shalt  }
0x4f: {  	_ =	shalt  }
0x50: {  	_ =	shalt  }
0x51: {  	_ =	shalt  }
0x52: {  	_ =	shalt  }
0x53: {  	_ =	shalt  }
0x54: {  	_ =	shalt  }
0x55: {  	_ =	shalt  }
0x56: {  	_ =	shalt  }
0x57: {  	_ =	shalt  }
0x58: {  	_ =	shalt  }
0x59: {  	_ =	shalt  }
0x5a: {  	_ =	shalt  }
0x5b: {  	_ =	shalt  }
0x5c: {  	_ =	shalt  }
0x5d: {  	_ =	shalt  }
0x5e: {  	_ =	shalt  }
0x5f: {  	_ =	shalt  }
0x60: {  	_ =	shalt  }
0x61: {  	_ =	shalt  }
0x62: {  	_ =	shalt  }
0x63: {  	_ =	shalt  }
0x64: {  	_ =	shalt  }
0x65: {  	_ =	shalt  }
0x66: {  	_ =	shalt  }
0x67: {  	_ =	shalt  }
0x68: {  	_ =	shalt  }
0x69: {  	_ =	shalt  }
0x6a: {  	_ =	shalt  }
0x6b: {  	_ =	shalt  }
0x6c: {  	_ =	shalt  }
0x6d: {  	_ =	shalt  }
0x6e: {  	_ =	shalt  }
0x6f: {  	_ =	shalt  }
0x70: {  	_ =	shalt  }
0x71: {  	_ =	shalt  }
0x72: {  	_ =	shalt  }
0x73: {  	_ =	shalt  }
0x74: {  	_ =	shalt  }
0x75: {  	_ =	shalt  }
0x76: {  	_ =	shalt  }
0x77: {  	_ =	shalt  }
0x78: {  	_ =	shalt  }
0x79: {  	_ =	shalt  }
0x7a: {  	_ =	shalt  }
0x7b: {  	_ =	shalt  }
0x7c: {  	_ =	shalt  }
0x7d: {  	_ =	shalt  }
0x7e: {  	_ =	shalt  }
0x7f: {  	_ =	shalt  }
0x80: {  	_ =	shalt  }
0x81: {  	_ =	shalt  }
0x82: {  	_ =	shalt  }
0x83: {  	_ =	shalt  }
0x84: {  	_ =	shalt  }
0x85: {  	_ =	shalt  }
0x86: {  	_ =	shalt  }
0x87: {  	_ =	shalt  }
.Lfunc_end0:
.L_simem_size_0:
called_computation.2_lowered:
.L_overlay_start_0:
0x88: {  	s2 =	sld [smem:$0x3FD9]  }
0x89: {  	s3 =	sld [smem:$0x3FFE];
	_ =	sdelay $0x1  }
0x8a: {  	s1 =	srdreg.scid  }
0x8b: {  	s0 =	sand.u32 $0x1, s1  }
0x8c: {  	s17 =	sshll.u32 s0, $0xA;
	s2 =	sadd.s32 s3, s2  }
0x8d: {  	s2 =	sadd.s32 s2, s17  }
0x8e: {  	[smem:$0x3FB9] =	sst s2  }
0x8f: {  	_ = 	snop  }
0x90: {  	s2 =	sld [smem:$0x3FC8];
	(tm) =	ssettm $0x1  }
0x91: {  	s18 =	sld [smem:$0x3FFB];
	_ =	sdelay $0x3  }
0x92: {  	_ =	strace s18  }
0x93: {  	s3 =	sld [smem:$0x3FFC];
	_ =	sdelay $0x3  }
0x94: {  	_ =	strace s3  }
0x95: {  	s3 =	sld [smem:$0x3FFD];
	_ =	sdelay $0x3  }
0x96: {  	_ =	strace s3  }
0x97: {  	_ =	strace $0x8FFFFFFF  }
0x98: {  	s19 =	sld [smem:$0x3FDB];
	_ =	sdelay $0x1  }
0x99: {  	s4 =	simm.s32 $_scs_section_size  }
0x9a: {  	s5 =	simm.s32 $_size__tile_overlayer_lowered;
	s6 =	simm.s32 $_tile_overlayer_lowered  }
0x9b: {  	s22 =	simm.s32 $0x1BFF;
	s21 =	sshll.u32 s6, $0x1;
	s3 =	sadd.s32 s4, s19  }
0x9c: {  	s7 =	simm.s32 $0x0;
	s20 =	sshll.u32 s5, $0x1;
	s5 =	sadd.s32 s21, s3  }
0x9d: {  	[timem:s7], [sflag:s22] =	dma.local [hbm:s5], s20  }
0x9e: {  	_ =	swait.ge [sflag:s22], s20  }
0x9f: {  	s4 =	ssub.s32 $0x0, s20;
	[sflag:s22] =	ssyncset.done $0x0  }
0xa0: {  	[sflag:s22] =	ssyncadd.s32 s4;
	_ =	sdelay $0x1  }
0xa1: {  	s23 =	simm.s32 $0x1B8B  }
0xa2: {  	_ =	swait.ge [sflag:s23], $0x1  }
0xa3: {  	[sflag:s23] =	ssyncset.done $0x0  }
0xa4: {  	s25 =	simm.s32 $0x1B8E;
	s24 =	sld [smem:$0x3FFE];
	[sflag:s23] =	ssyncadd.s32 $0xFFFFFFFF  }
0xa5: {  	s26 =	simm.s32 $execute0_lowered;
	[smem:$0x3FD2] =	sst s25  }
0xa6: {  	s5 =	sshll.u32 s26, $0x1;
	_ =	strace $0x80000046;
	[dreg:$0x1] =	wrdreg $0xFFFFFFFF  }
0xa7: {  	s28 =	simm.s32 $_size_execute0_lowered;
	s3 =	sadd.s32 s3, s5;
	[dreg:$0x0] =	wrdreg $0x0  }
0xa8: {  	s5 =	sshll.u32 s28, $0x1;
	[dreg:$0x2] =	wrdreg s3  }
0xa9: {  	[dreg:$0x3] =	wrdreg s5  }
0xaa: {  	[dreg:$0x4] =	wrdreg $0xC0  }
0xab: {  	_ =	task [dreg:s7], $0x5FFFF  }
0xac: {  	[dreg:$0x1] =	wrdreg $0xFFFFFFFF  }
0xad: {  	[dreg:$0x0] =	wrdreg $0x60  }
0xae: {  	[dreg:$0x2] =	wrdreg s2  }
0xaf: {  	[dreg:$0x3] =	wrdreg s24  }
0xb0: {  	[dreg:$0x4] =	wrdreg $0xA  }
0xb1: {  	_ =	task.clear_ibuf [dreg:s7], $0x5FFFF;
	_ =	strace $0x90000046  }
0xb2: {  	s29 =	simm.s32 $0xA;
	_ =	strace $0x80000048  }
0xb3: {  	_ =	swait.ge [sflag:s29], $0x1  }
0xb4: {  	[sflag:s29] =	ssyncadd.s32 $0xFFFFFFFF  }
0xb5: {  	_ =	strace $0x90000048  }
0xb6: {  	_ =	sfence  }
0xb7: {  	s30 =	sld [smem:$0x0];
	_ =	sdelay $0x2  }
0xb8: {  	s31 =	sshll.u32 s1, $0xD;
	s1 =	sshrl.u32 s1, $0x2  }
0xb9: {  	s3 =	sand.u32 $0x4000, s31;
	s1 =	sadd.s32 s1, s30  }
0xba: {  	s0 =	sor.u32 s3, s0;
	s1 =	sshll.u32 s1, $0x11  }
0xbb: {  	s0 =	sor.u32 s1, s0  }
0xbc: {  	s0 =	sadd.s32 $0x8F2B, s0  }
0xbd: {  	[sflag:s0] =	ssyncadd.remote.s32 $0x1  }
0xbe: {  	_ =	sfence.sel $0xFFFF  }
0xbf: {  	[dreg:$0x0] =	wrdreg $0xFFFFFFFF;
	(pc) =	sbr.abs _section_cstart, $3  }
0xc0: {  	[dreg:$0x1] =	wrdreg $0xFFFFFFFF  }
0xc1: {  	_ =	task.clear_ibuf [dreg:s7], $0x2FFFF;
	_ =	strace $0x9FFFFFFF  }
0xc2: {  	(tm) =	ssettm $0x7FFFFFFF  }
0xc3: {  	_ =	shalt  }
tec
execute0_lowered:
.L_overlay_start_1:
0x0: {  	(tag) =	ssettag $0x1  }
0x1: {  	s0 =	srdreg.scid  }
0x2: {  	s30 =	sand.u32 $0x1, s0  }
0x3: {  	s0 =	stileid.u32;
	s1 =	sshll.u32 s30, $0x4  }
0x4: {  	s11 =	sor.u32 s0, s1  }
0x5: {  	s4 =	smul.u32 $0xA0, s11  }
0x6: {  	s9 =	rddreg [dreg:$0x1]  }
0x7: {  	s2 =	rddreg [dreg:$0x0];
	s3 =	simm.s32 $0x0;
	s4 =	sadd.s32 s4, s9  }
0x8: {  	[smem:$0x7FF] =	sst s3;
	s4 =	sadd.s32 $0x5600, s4  }
0x9: {  	_ =	strace $0x80000047;
	[dreg:$0x3] =	wrdreg s4  }
0xa: {  	s4 =	simm.s32 $0x5;
	s5 =	rddreg [dreg:$0x3]  }
0xb: {  	[tilespmem:s3], [sflag:$0x5] =	stream.linear.gather [hbm4b:s5+s3], $0x500, $0x38;
	[tilespmem:$0x8500] =	vst v63  }
0xc: {  	_ =	swait.ge [sflag:s4], $0x500  }
0xd: {  	[sflag:s4] =	ssyncset.done $0x0  }
0xe: {  	s6 =	simm.s32 $0x500;
	s5 =	simm.s32 $0x80;
	[sflag:s4] =	ssyncadd.s32 $0xFFFFFB00  }
0xf: {  	[tilespmem:s6], [sflag:$0x1] =	stream.indirect.gather [hbm4b:s2+s5], $0x80, s3, s5, $0xb8;
	[tilespmem:$0x8500] =	vst v63  }
0x10: {  	s7 =	simm.s32 $0x4500;
	s8 =	simm.s32 $0x1;
	s10 =	smul.u32 $0x28000, s11  }
0x11: {  	[tilespmem:s7], [sflag:$0x2] =	stream.indirect.gather [hbm4b:s2+s5], $0x80, s5, s5, $0xb8;
	[tilespmem:$0x8500] =	vst v63  }
0x12: {  	_ =	swait.ge [sflag:s8], $0x4000  }
0x13: {  	s13 =	sadd.s32 $0x9200, s9;
	s26 =	sshrl.u32 s10, $0x3;
	[sflag:s8] =	ssyncset.done $0x0  }
0x14: {  	s10 =	simm.s32 $0x3;
	s9 =	sadd.s32 s13, s26;
	[sflag:s8] =	ssyncadd.s32 $0xFFFFC000  }
0x15: {  	[hbm4b:s9+s3] =	stream.linear.scatter [tilespmem:s6], [sflag:$0x3], $0x4000, $0x38;
	[tilespmem:$0x8500] =	vst v63  }
0x16: {  	_ =	swait.ge [sflag:s10], $0x4000  }
0x17: {  	s12 =	simm.s32 $0x2;
	[sflag:s10] =	ssyncset.done $0x0  }
0x18: {  	s14 =	smul.u32 $0x5000, s11;
	s11 =	simm.s32 $0x100;
	[sflag:s10] =	ssyncadd.s32 $0xFFFFC000  }
0x19: {  	[tilespmem:s6], [sflag:$0x1] =	stream.indirect.gather [hbm4b:s2+s5], $0x80, s11, s5, $0xb8;
	[tilespmem:$0x8500] =	vst v63  }
0x1a: {  	_ =	swait.ge [sflag:s12], $0x4000  }
0x1b: {  	s31 =	sadd.s32 s13, s14;
	[sflag:s12] =	ssyncset.done $0x0  }
0x1c: {  	s14 =	sadd.s32 $0x800, s31;
	s13 =	simm.s32 $0x4;
	[sflag:s12] =	ssyncadd.s32 $0xFFFFC000  }
0x1d: {  	[hbm4b:s14+s3] =	stream.linear.scatter [tilespmem:s7], [sflag:$0x4], $0x4000, $0x38;
	[tilespmem:$0x8500] =	vst v63  }
0x1e: {  	_ =	swait.ge [sflag:s13], $0x4000  }
0x1f: {  	[sflag:s13] =	ssyncset.done $0x0  }
0x20: {  	s15 =	simm.s32 $0x180;
	[sflag:s13] =	ssyncadd.s32 $0xFFFFC000  }
0x21: {  	[tilespmem:s7], [sflag:$0x2] =	stream.indirect.gather [hbm4b:s2+s5], $0x80, s15, s5, $0xb8;
	[tilespmem:$0x8500] =	vst v63  }
0x22: {  	_ =	swait.ge [sflag:s8], $0x4000  }
0x23: {  	[sflag:s8] =	ssyncset.done $0x0  }
0x24: {  	s16 =	sadd.s32 $0x1000, s9;
	[sflag:s8] =	ssyncadd.s32 $0xFFFFC000  }
0x25: {  	[hbm4b:s16+s3] =	stream.linear.scatter [tilespmem:s6], [sflag:$0x3], $0x4000, $0x38;
	[tilespmem:$0x8500] =	vst v63  }
0x26: {  	_ =	swait.ge [sflag:s10], $0x4000  }
0x27: {  	[sflag:s10] =	ssyncset.done $0x0  }
0x28: {  	s17 =	simm.s32 $0x200;
	[sflag:s10] =	ssyncadd.s32 $0xFFFFC000  }
0x29: {  	[tilespmem:s6], [sflag:$0x1] =	stream.indirect.gather [hbm4b:s2+s5], $0x80, s17, s5, $0xb8;
	[tilespmem:$0x8500] =	vst v63  }
0x2a: {  	_ =	swait.ge [sflag:s12], $0x4000  }
0x2b: {  	[sflag:s12] =	ssyncset.done $0x0  }
0x2c: {  	s18 =	sadd.s32 $0x1800, s31;
	[sflag:s12] =	ssyncadd.s32 $0xFFFFC000  }
0x2d: {  	[hbm4b:s18+s3] =	stream.linear.scatter [tilespmem:s7], [sflag:$0x4], $0x4000, $0x38;
	[tilespmem:$0x8500] =	vst v63  }
0x2e: {  	_ =	swait.ge [sflag:s13], $0x4000  }
0x2f: {  	[sflag:s13] =	ssyncset.done $0x0  }
0x30: {  	s19 =	simm.s32 $0x280;
	[sflag:s13] =	ssyncadd.s32 $0xFFFFC000  }
0x31: {  	[tilespmem:s7], [sflag:$0x2] =	stream.indirect.gather [hbm4b:s2+s5], $0x80, s19, s5, $0xb8;
	[tilespmem:$0x8500] =	vst v63  }
0x32: {  	_ =	swait.ge [sflag:s8], $0x4000  }
0x33: {  	[sflag:s8] =	ssyncset.done $0x0  }
0x34: {  	s20 =	sadd.s32 $0x2000, s9;
	[sflag:s8] =	ssyncadd.s32 $0xFFFFC000  }
0x35: {  	[hbm4b:s20+s3] =	stream.linear.scatter [tilespmem:s6], [sflag:$0x3], $0x4000, $0x38;
	[tilespmem:$0x8500] =	vst v63  }
0x36: {  	_ =	swait.ge [sflag:s10], $0x4000  }
0x37: {  	[sflag:s10] =	ssyncset.done $0x0  }
0x38: {  	s21 =	simm.s32 $0x300;
	[sflag:s10] =	ssyncadd.s32 $0xFFFFC000  }
0x39: {  	[tilespmem:s6], [sflag:$0x1] =	stream.indirect.gather [hbm4b:s2+s5], $0x80, s21, s5, $0xb8;
	[tilespmem:$0x8500] =	vst v63  }
0x3a: {  	_ =	swait.ge [sflag:s12], $0x4000  }
0x3b: {  	[sflag:s12] =	ssyncset.done $0x0  }
0x3c: {  	s22 =	sadd.s32 $0x2800, s31;
	[sflag:s12] =	ssyncadd.s32 $0xFFFFC000  }
0x3d: {  	[hbm4b:s22+s3] =	stream.linear.scatter [tilespmem:s7], [sflag:$0x4], $0x4000, $0x38;
	[tilespmem:$0x8500] =	vst v63  }
0x3e: {  	_ =	swait.ge [sflag:s13], $0x4000  }
0x3f: {  	[sflag:s13] =	ssyncset.done $0x0  }
0x40: {  	s23 =	simm.s32 $0x380;
	[sflag:s13] =	ssyncadd.s32 $0xFFFFC000  }
0x41: {  	[tilespmem:s7], [sflag:$0x2] =	stream.indirect.gather [hbm4b:s2+s5], $0x80, s23, s5, $0xb8;
	[tilespmem:$0x8500] =	vst v63  }
0x42: {  	_ =	swait.ge [sflag:s8], $0x4000  }
0x43: {  	[sflag:s8] =	ssyncset.done $0x0  }
0x44: {  	s24 =	sadd.s32 $0x3000, s9;
	[sflag:s8] =	ssyncadd.s32 $0xFFFFC000  }
0x45: {  	[hbm4b:s24+s3] =	stream.linear.scatter [tilespmem:s6], [sflag:$0x3], $0x4000, $0x38;
	[tilespmem:$0x8500] =	vst v63  }
0x46: {  	_ =	swait.ge [sflag:s10], $0x4000  }
0x47: {  	[sflag:s10] =	ssyncset.done $0x0  }
0x48: {  	s25 =	simm.s32 $0x400;
	[sflag:s10] =	ssyncadd.s32 $0xFFFFC000  }
0x49: {  	[tilespmem:s6], [sflag:$0x1] =	stream.indirect.gather [hbm4b:s2+s5], $0x80, s25, s5, $0xb8;
	[tilespmem:$0x8500] =	vst v63  }
0x4a: {  	_ =	swait.ge [sflag:s12], $0x4000  }
0x4b: {  	[sflag:s12] =	ssyncset.done $0x0  }
0x4c: {  	s26 =	sadd.s32 $0x3800, s31;
	[sflag:s12] =	ssyncadd.s32 $0xFFFFC000  }
0x4d: {  	[hbm4b:s26+s3] =	stream.linear.scatter [tilespmem:s7], [sflag:$0x4], $0x4000, $0x38;
	[tilespmem:$0x8500] =	vst v63  }
0x4e: {  	_ =	swait.ge [sflag:s13], $0x4000  }
0x4f: {  	[sflag:s13] =	ssyncset.done $0x0  }
0x50: {  	s28 =	simm.s32 $0x480;
	[sflag:s13] =	ssyncadd.s32 $0xFFFFC000  }
0x51: {  	[tilespmem:s7], [sflag:$0x2] =	stream.indirect.gather [hbm4b:s2+s5], $0x80, s28, s5, $0xb8;
	[tilespmem:$0x8500] =	vst v63  }
0x52: {  	_ =	swait.ge [sflag:s8], $0x4000  }
0x53: {  	s1 =	ssub.s32 $0x2, s30;
	s30 =	sadd.s32 $0x4800, s31;
	[sflag:s8] =	ssyncset.done $0x0  }
0x54: {  	s31 =	sshrl.u32 s1, $0x1;
	s29 =	sadd.s32 $0x4000, s9;
	[sflag:s8] =	ssyncadd.s32 $0xFFFFC000  }
0x55: {  	[hbm4b:s29+s3] =	stream.linear.scatter [tilespmem:s6], [sflag:$0x3], $0x4000, $0x38;
	[tilespmem:$0x8500] =	vst v63  }
0x56: {  	s1 =	ssub.s32 s1, s31;
	_ =	swait.ge [sflag:s12], $0x4000  }
0x57: {  	s1 =	smax.u32 s1, $0x1;
	[sflag:s12] =	ssyncset.done $0x0  }
0x58: {  	p0 =	sne.s32 s1, $0x1;
	[sflag:s12] =	ssyncadd.s32 $0xFFFFC000  }
0x59: {  	[hbm4b:s30+s3] =	stream.linear.scatter [tilespmem:s7], [sflag:$0x4], $0x4000, $0x38;
	[tilespmem:$0x8500] =	vst v63  }
.Ltmp0:
0x5a: {  	_ =	swait.ge [sflag:s10], $0x4000;
	(pc) =	sbr.rel @!p0 .LBB2_2-.Ltmp0, $4  }
0x5b: {  	[sflag:s10] =	ssyncset.done $0x0  }
0x5c: {  	[sflag:s10] =	ssyncadd.s32 $0xFFFFC000  }
0x5d: {  	_ =	swait.ge [sflag:s13], $0x4000  }
0x5e: {  	s31 =	sadd.s32 $0xFFFFFFFF, s1;
	[sflag:s13] =	ssyncset.done $0x0  }
.LBB2_1:
0x5f: {  	s1 =	rddreg [dreg:$0x3];
	[sflag:s13] =	ssyncadd.s32 $0xFFFFC000  }
0x60: {  	[tilespmem:s3], [sflag:$0x5] =	stream.linear.gather [hbm4b:s1+s3], $0x500, $0x38;
	[tilespmem:$0x8500] =	vst v63  }
0x61: {  	_ =	swait.ge [sflag:s4], $0x500  }
0x62: {  	[sflag:s4] =	ssyncset.done $0x0  }
0x63: {  	[sflag:s4] =	ssyncadd.s32 $0xFFFFFB00  }
0x64: {  	[tilespmem:s6], [sflag:$0x1] =	stream.indirect.gather [hbm4b:s2+s5], $0x80, s3, s5, $0xb8;
	[tilespmem:$0x8500] =	vst v63  }
0x65: {  	_ = 	snop  }
0x66: {  	[tilespmem:s7], [sflag:$0x2] =	stream.indirect.gather [hbm4b:s2+s5], $0x80, s5, s5, $0xb8;
	[tilespmem:$0x8500] =	vst v63  }
0x67: {  	_ =	swait.ge [sflag:s8], $0x4000  }
0x68: {  	[sflag:s8] =	ssyncset.done $0x0  }
0x69: {  	[sflag:s8] =	ssyncadd.s32 $0xFFFFC000  }
0x6a: {  	[hbm4b:s9+s3] =	stream.linear.scatter [tilespmem:s6], [sflag:$0x3], $0x4000, $0x38;
	[tilespmem:$0x8500] =	vst v63  }
0x6b: {  	_ =	swait.ge [sflag:s10], $0x4000  }
0x6c: {  	[sflag:s10] =	ssyncset.done $0x0  }
0x6d: {  	[sflag:s10] =	ssyncadd.s32 $0xFFFFC000  }
0x6e: {  	[tilespmem:s6], [sflag:$0x1] =	stream.indirect.gather [hbm4b:s2+s5], $0x80, s11, s5, $0xb8;
	[tilespmem:$0x8500] =	vst v63  }
0x6f: {  	_ =	swait.ge [sflag:s12], $0x4000  }
0x70: {  	[sflag:s12] =	ssyncset.done $0x0  }
0x71: {  	[sflag:s12] =	ssyncadd.s32 $0xFFFFC000  }
0x72: {  	[hbm4b:s14+s3] =	stream.linear.scatter [tilespmem:s7], [sflag:$0x4], $0x4000, $0x38;
	[tilespmem:$0x8500] =	vst v63  }
0x73: {  	_ =	swait.ge [sflag:s13], $0x4000  }
0x74: {  	[sflag:s13] =	ssyncset.done $0x0  }
0x75: {  	[sflag:s13] =	ssyncadd.s32 $0xFFFFC000  }
0x76: {  	[tilespmem:s7], [sflag:$0x2] =	stream.indirect.gather [hbm4b:s2+s5], $0x80, s15, s5, $0xb8;
	[tilespmem:$0x8500] =	vst v63  }
0x77: {  	_ =	swait.ge [sflag:s8], $0x4000  }
0x78: {  	[sflag:s8] =	ssyncset.done $0x0  }
0x79: {  	[sflag:s8] =	ssyncadd.s32 $0xFFFFC000  }
0x7a: {  	[hbm4b:s16+s3] =	stream.linear.scatter [tilespmem:s6], [sflag:$0x3], $0x4000, $0x38;
	[tilespmem:$0x8500] =	vst v63  }
0x7b: {  	_ =	swait.ge [sflag:s10], $0x4000  }
0x7c: {  	[sflag:s10] =	ssyncset.done $0x0  }
0x7d: {  	[sflag:s10] =	ssyncadd.s32 $0xFFFFC000  }
0x7e: {  	[tilespmem:s6], [sflag:$0x1] =	stream.indirect.gather [hbm4b:s2+s5], $0x80, s17, s5, $0xb8;
	[tilespmem:$0x8500] =	vst v63  }
0x7f: {  	_ =	swait.ge [sflag:s12], $0x4000  }
0x80: {  	[sflag:s12] =	ssyncset.done $0x0  }
0x81: {  	[sflag:s12] =	ssyncadd.s32 $0xFFFFC000  }
0x82: {  	[hbm4b:s18+s3] =	stream.linear.scatter [tilespmem:s7], [sflag:$0x4], $0x4000, $0x38;
	[tilespmem:$0x8500] =	vst v63  }
0x83: {  	_ =	swait.ge [sflag:s13], $0x4000  }
0x84: {  	[sflag:s13] =	ssyncset.done $0x0  }
0x85: {  	[sflag:s13] =	ssyncadd.s32 $0xFFFFC000  }
0x86: {  	[tilespmem:s7], [sflag:$0x2] =	stream.indirect.gather [hbm4b:s2+s5], $0x80, s19, s5, $0xb8;
	[tilespmem:$0x8500] =	vst v63  }
0x87: {  	_ =	swait.ge [sflag:s8], $0x4000  }
0x88: {  	[sflag:s8] =	ssyncset.done $0x0  }
0x89: {  	[sflag:s8] =	ssyncadd.s32 $0xFFFFC000  }
0x8a: {  	[hbm4b:s20+s3] =	stream.linear.scatter [tilespmem:s6], [sflag:$0x3], $0x4000, $0x38;
	[tilespmem:$0x8500] =	vst v63  }
0x8b: {  	_ =	swait.ge [sflag:s10], $0x4000  }
0x8c: {  	[sflag:s10] =	ssyncset.done $0x0  }
0x8d: {  	[sflag:s10] =	ssyncadd.s32 $0xFFFFC000  }
0x8e: {  	[tilespmem:s6], [sflag:$0x1] =	stream.indirect.gather [hbm4b:s2+s5], $0x80, s21, s5, $0xb8;
	[tilespmem:$0x8500] =	vst v63  }
0x8f: {  	_ =	swait.ge [sflag:s12], $0x4000  }
0x90: {  	[sflag:s12] =	ssyncset.done $0x0  }
0x91: {  	[sflag:s12] =	ssyncadd.s32 $0xFFFFC000  }
0x92: {  	[hbm4b:s22+s3] =	stream.linear.scatter [tilespmem:s7], [sflag:$0x4], $0x4000, $0x38;
	[tilespmem:$0x8500] =	vst v63  }
0x93: {  	_ =	swait.ge [sflag:s13], $0x4000  }
0x94: {  	[sflag:s13] =	ssyncset.done $0x0  }
0x95: {  	[sflag:s13] =	ssyncadd.s32 $0xFFFFC000  }
0x96: {  	[tilespmem:s7], [sflag:$0x2] =	stream.indirect.gather [hbm4b:s2+s5], $0x80, s23, s5, $0xb8;
	[tilespmem:$0x8500] =	vst v63  }
0x97: {  	_ =	swait.ge [sflag:s8], $0x4000  }
0x98: {  	[sflag:s8] =	ssyncset.done $0x0  }
0x99: {  	[sflag:s8] =	ssyncadd.s32 $0xFFFFC000  }
0x9a: {  	[hbm4b:s24+s3] =	stream.linear.scatter [tilespmem:s6], [sflag:$0x3], $0x4000, $0x38;
	[tilespmem:$0x8500] =	vst v63  }
0x9b: {  	_ =	swait.ge [sflag:s10], $0x4000  }
0x9c: {  	[sflag:s10] =	ssyncset.done $0x0  }
0x9d: {  	[sflag:s10] =	ssyncadd.s32 $0xFFFFC000  }
0x9e: {  	[tilespmem:s6], [sflag:$0x1] =	stream.indirect.gather [hbm4b:s2+s5], $0x80, s25, s5, $0xb8;
	[tilespmem:$0x8500] =	vst v63  }
0x9f: {  	_ =	swait.ge [sflag:s12], $0x4000  }
0xa0: {  	[sflag:s12] =	ssyncset.done $0x0  }
0xa1: {  	[sflag:s12] =	ssyncadd.s32 $0xFFFFC000  }
0xa2: {  	[hbm4b:s26+s3] =	stream.linear.scatter [tilespmem:s7], [sflag:$0x4], $0x4000, $0x38;
	[tilespmem:$0x8500] =	vst v63  }
0xa3: {  	_ =	swait.ge [sflag:s13], $0x4000  }
0xa4: {  	[sflag:s13] =	ssyncset.done $0x0  }
0xa5: {  	[sflag:s13] =	ssyncadd.s32 $0xFFFFC000  }
0xa6: {  	[tilespmem:s7], [sflag:$0x2] =	stream.indirect.gather [hbm4b:s2+s5], $0x80, s28, s5, $0xb8;
	[tilespmem:$0x8500] =	vst v63  }
0xa7: {  	_ =	swait.ge [sflag:s8], $0x4000  }
0xa8: {  	[sflag:s8] =	ssyncset.done $0x0  }
0xa9: {  	[sflag:s8] =	ssyncadd.s32 $0xFFFFC000  }
0xaa: {  	[hbm4b:s29+s3] =	stream.linear.scatter [tilespmem:s6], [sflag:$0x3], $0x4000, $0x38;
	[tilespmem:$0x8500] =	vst v63  }
0xab: {  	_ =	swait.ge [sflag:s12], $0x4000  }
0xac: {  	[sflag:s12] =	ssyncset.done $0x0  }
0xad: {  	p0 =	sne.s32 s31, $0x1;
	[sflag:s12] =	ssyncadd.s32 $0xFFFFC000  }
0xae: {  	[hbm4b:s30+s3] =	stream.linear.scatter [tilespmem:s7], [sflag:$0x4], $0x4000, $0x38;
	[tilespmem:$0x8500] =	vst v63  }
.Ltmp1:
0xaf: {  	_ =	swait.ge [sflag:s10], $0x4000;
	(pc) =	sbr.rel @p0 .LBB2_1-.Ltmp1, $4  }
0xb0: {  	[sflag:s10] =	ssyncset.done $0x0  }
0xb1: {  	[sflag:s10] =	ssyncadd.s32 $0xFFFFC000  }
0xb2: {  	_ =	swait.ge [sflag:s13], $0x4000  }
0xb3: {  	s31 =	sadd.s32 $0xFFFFFFFF, s31;
	[sflag:s13] =	ssyncset.done $0x0  }
.LBB2_2:
0xb4: {  	[sflag:s13] =	ssyncadd.s32 $0xFFFFC000  }
0xb5: {  	_ =	sfence.sel $0x180000  }
0xb6: {  	[bflag:$0x0] =	sbarrier.arrive $0xFFFF  }
0xb7: {  	_ =	strace $0x90000047  }
0xb8: {  	[bflag:$0x2] =	sbarrier.arrive $0xFFFF  }
0xb9: {  	p0 =	sne.s32 s0, $0x0;
	s0 =	rddreg [dreg:$0x2]  }
0xba: {  	s0 =	sadd.s32 @!p0 $0x100000, s0  }
0xbb: {  	[sflag:s0] =	ssyncadd.tile.s32 @!p0 $0x1;
	_ =	shalt  }
.Lfunc_end2:
_tile_overlayer_lowered:
.L_overlay_start_2:
0xbc: {  	(tag) =	ssettag $0x2  }
0xbd: {  	s0 =	rddreg [dreg:$0x0];
	s2 =	stileid.u32  }
0xbe: {  	s1 =	rddreg [dreg:$0x1];
	p0 =	sne.s32 s2, $0x0  }
0xbf: {  	s3 =	rddreg [dreg:$0x2];
	[bflag:$0x3] =	sbarrier.arrive $0xFFFF;
	s2 =	simm.s32 @!p0 $0x1C05  }
0xc0: {  	[timem:s3], [sflag:s2] =	dma.local @!p0 [hbm:s0], s1  }
0xc1: {  	s0 =	simm.s32 @!p0 $0x5  }
0xc2: {  	_ =	swait.ge @!p0 [sflag:s0], s1  }
0xc3: {  	s1 =	ssub.s32 @!p0 $0x0, s1;
	[sflag:s0] =	ssyncset.done @!p0 $0x0  }
0xc4: {  	[sflag:s0] =	ssyncadd.s32 @!p0 s1  }
0xc5: {  	[bflag:$0x3] =	sbarrier.arrive $0xFFFF  }
0xc6: {  	_ =	shalt  }

// kernel: kernel.24.cloned.1.call-start
scs
__scs_entry_jumppad:
0x0: {  	(pc) =	sbr.rel $0x88, $3  }
0x1: {  	(tag) =	ssettag $0x0;
	lr =	simm.s32 $0x1  }
0x2: {  	[smem:$0x3F92] =	sst lr;
	_ =	strace $0xD0000000  }
0x3: {  	_ = 	snop  }
0x4: {  	_ = 	snop  }
0x5: {  	_ = 	snop  }
0x6: {  	_ = 	snop  }
0x7: {  	_ = 	snop  }
__scs_overlays_trampoline_lowered:
0x8: {  	[smem:$0x3FA1] =	sst s0  }
0x9: {  	[smem:$0x3FA2] =	sst s1  }
0xa: {  	[smem:$0x3FA3] =	sst s2  }
0xb: {  	[smem:$0x3FA4] =	sst s3  }
0xc: {  	[smem:$0x3FA5] =	sst s4  }
0xd: {  	[smem:$0x3FA6] =	sst s5  }
0xe: {  	[smem:$0x3FA7] =	sst s6  }
0xf: {  	[smem:$0x3FA8] =	sst s7  }
0x10: {  	[smem:$0x3FA9] =	sst s8  }
0x11: {  	[smem:$0x3FAA] =	sst s9;
	s0 =	simm.s32 @!p0 $0x0  }
0x12: {  	s1 =	sld [smem:$0x3F90];
	s0 =	simm.s32 @p0 $0x1  }
0x13: {  	[smem:$0x3FAB] =	sst s0;
	s0 =	simm.s32 @!p1 $0x0  }
0x14: {  	s2 =	sld [smem:$0x3F8F];
	s0 =	simm.s32 @p1 $0x1  }
0x15: {  	[smem:$0x3FAC] =	sst s0;
	s0 =	simm.s32 @!p2 $0x0  }
0x16: {  	s3 =	sld [smem:$0x3FDB];
	s0 =	simm.s32 @p2 $0x1  }
0x17: {  	s4 =	simm.s32 $0x1BF5;
	[smem:$0x3FAE] =	sst s0  }
0x18: {  	s0 =	sld [smem:$0x3F91];
	_ =	swait.ge [sflag:s4], $0x0  }
0x19: {  	s7 =	sld [smem:$0x3F92]  }
0x1a: {  	s8 =	sadd.s32 $0xFFFFE003, lr  }
0x1b: {  	s9 =	sadd.s32 $0xFFFFFEF7, lr;
	s5 =	simm.s32 $0xFFFFFFFF;
	p2 =	slt.u32 s8, $0xFFFFF086  }
0x1c: {  	p1 =	slt.u32 s9, $0xF7A;
	s5 =	simm.s32 @!p2 $0x0  }
0x1d: {  	s5 =	simm.s32 @p1 $0x1;
	p0 =	seq.s32 s7, s2  }
0x1e: {  	s7 =	smul.u32 @!p0 $0xF7A, s2;
	p2 =	seq.s32 @!p0 s5, $0x0  }
0x1f: {  	s9 =	smul.u32 $0xF7A, s1;
	s8 =	simm.s32 @!p0 $0x1BF5;
	p2 =	por !p2, p0  }
0x20: {  	[sflag:s8] =	ssyncset.s32 @!p0 $0xFFFFF086;
	s6 =	sadd.s32 @!p0 s3, s7;
	s7 =	simm.s32 @!p0 $0x108  }
0x21: {  	s3 =	sadd.s32 s3, s9;
	s6 =	sadd.s32 @!p0 $0x88, s6;
	s7 =	simm.s32 @p2 $0x1082  }
0x22: {  	[simem:s7], [sflag:s8] =	dma.local @!p0 [hbm:s6], $0xF7A  }
0x23: {  	s9 =	sor.u32 $0xD0000000, s2;
	s6 =	simm.s32 $0x108;
	_ =	swait.ge @!p0 [sflag:s8], $0x0  }
0x24: {  	s3 =	sadd.s32 $0x88, s3;
	s6 =	simm.s32 @!p1 $0x1082;
	[sflag:s4] =	ssyncset.s32 $0xFFFFF086  }
0x25: {  	[simem:s6], [sflag:s4] =	dma.local [hbm:s3], $0xF7A  }
0x26: {  	[smem:$0x3F92] =	sst s1;
	(tag) =	ssettag s2;
	_ =	strace s9  }
0x27: {  	s1 =	sld [smem:$0x3FA2]  }
0x28: {  	s2 =	sld [smem:$0x3FA3]  }
0x29: {  	s4 =	sld [smem:$0x3FA5]  }
0x2a: {  	p0 =	seq.s32 s5, $0x0;
	s5 =	sld [smem:$0x3FA6]  }
0x2b: {  	s6 =	sld [smem:$0x3FA7]  }
0x2c: {  	s7 =	sld [smem:$0x3FA8]  }
0x2d: {  	s3 =	simm.s32 $0x108;
	s8 =	sld [smem:$0x3FA9]  }
0x2e: {  	s3 =	simm.s32 @!p0 $0x1082;
	s9 =	sld [smem:$0x3FAA]  }
0x2f: {  	lr =	sadd.s32 s0, s3;
	s0 =	sld [smem:$0x3FA1]  }
0x30: {  	s3 =	sld [smem:$0x3FA4]  }
0x31: {  	[smem:$0x3FAD] =	sst s10  }
0x32: {  	s10 =	sld [smem:$0x3FAB];
	_ =	sdelay $0x3  }
0x33: {  	p0 =	seq.s32 s10, $0x1;
	s10 =	sld [smem:$0x3FAD];
	_ =	sdelay $0x3  }
0x34: {  	[smem:$0x3FAD] =	sst s10  }
0x35: {  	s10 =	sld [smem:$0x3FAC];
	_ =	sdelay $0x3  }
0x36: {  	p1 =	seq.s32 s10, $0x1;
	s10 =	sld [smem:$0x3FAD];
	_ =	sdelay $0x3  }
0x37: {  	[smem:$0x3FAD] =	sst s10  }
0x38: {  	s10 =	sld [smem:$0x3FAE]  }
0x39: {  	_ = 	snop;
	(pc) =	sbr.ind lr, $3  }
0x3a: {  	_ = 	snop  }
0x3b: {  	_ = 	snop  }
0x3c: {  	p2 =	seq.s32 s10, $0x1;
	s10 =	sld [smem:$0x3FAD]  }
0x3d: {  	_ =	shalt  }
0x3e: {  	_ =	shalt  }
0x3f: {  	_ =	shalt  }
0x40: {  	_ =	shalt  }
0x41: {  	_ =	shalt  }
0x42: {  	_ =	shalt  }
0x43: {  	_ =	shalt  }
0x44: {  	_ =	shalt  }
0x45: {  	_ =	shalt  }
0x46: {  	_ =	shalt  }
0x47: {  	_ =	shalt  }
0x48: {  	_ =	shalt  }
0x49: {  	_ =	shalt  }
0x4a: {  	_ =	shalt  }
0x4b: {  	_ =	shalt  }
0x4c: {  	_ =	shalt  }
0x4d: {  	_ =	shalt  }
0x4e: {  	_ =	shalt  }
0x4f: {  	_ =	shalt  }
0x50: {  	_ =	shalt  }
0x51: {  	_ =	shalt  }
0x52: {  	_ =	shalt  }
0x53: {  	_ =	shalt  }
0x54: {  	_ =	shalt  }
0x55: {  	_ =	shalt  }
0x56: {  	_ =	shalt  }
0x57: {  	_ =	shalt  }
0x58: {  	_ =	shalt  }
0x59: {  	_ =	shalt  }
0x5a: {  	_ =	shalt  }
0x5b: {  	_ =	shalt  }
0x5c: {  	_ =	shalt  }
0x5d: {  	_ =	shalt  }
0x5e: {  	_ =	shalt  }
0x5f: {  	_ =	shalt  }
0x60: {  	_ =	shalt  }
0x61: {  	_ =	shalt  }
0x62: {  	_ =	shalt  }
0x63: {  	_ =	shalt  }
0x64: {  	_ =	shalt  }
0x65: {  	_ =	shalt  }
0x66: {  	_ =	shalt  }
0x67: {  	_ =	shalt  }
0x68: {  	_ =	shalt  }
0x69: {  	_ =	shalt  }
0x6a: {  	_ =	shalt  }
0x6b: {  	_ =	shalt  }
0x6c: {  	_ =	shalt  }
0x6d: {  	_ =	shalt  }
0x6e: {  	_ =	shalt  }
0x6f: {  	_ =	shalt  }
0x70: {  	_ =	shalt  }
0x71: {  	_ =	shalt  }
0x72: {  	_ =	shalt  }
0x73: {  	_ =	shalt  }
0x74: {  	_ =	shalt  }
0x75: {  	_ =	shalt  }
0x76: {  	_ =	shalt  }
0x77: {  	_ =	shalt  }
0x78: {  	_ =	shalt  }
0x79: {  	_ =	shalt  }
0x7a: {  	_ =	shalt  }
0x7b: {  	_ =	shalt  }
0x7c: {  	_ =	shalt  }
0x7d: {  	_ =	shalt  }
0x7e: {  	_ =	shalt  }
0x7f: {  	_ =	shalt  }
0x80: {  	_ =	shalt  }
0x81: {  	_ =	shalt  }
0x82: {  	_ =	shalt  }
0x83: {  	_ =	shalt  }
0x84: {  	_ =	shalt  }
0x85: {  	_ =	shalt  }
0x86: {  	_ =	shalt  }
0x87: {  	_ =	shalt  }
.Lfunc_end0:
.L_simem_size_0:
called_computation.3_lowered:
.L_overlay_start_0:
0x88: {  	s2 =	sld [smem:$0x3FD9]  }
0x89: {  	s3 =	sld [smem:$0x3FFE];
	_ =	sdelay $0x1  }
0x8a: {  	s1 =	srdreg.scid  }
0x8b: {  	s0 =	sand.u32 $0x1, s1  }
0x8c: {  	s17 =	sshll.u32 s0, $0xA;
	s2 =	sadd.s32 s3, s2  }
0x8d: {  	s2 =	sadd.s32 s2, s17  }
0x8e: {  	[smem:$0x3FB9] =	sst s2  }
0x8f: {  	_ = 	snop  }
0x90: {  	(tm) =	ssettm $0x1  }
0x91: {  	s18 =	sld [smem:$0x3FFB];
	_ =	sdelay $0x3  }
0x92: {  	_ =	strace s18  }
0x93: {  	s2 =	sld [smem:$0x3FFC];
	_ =	sdelay $0x3  }
0x94: {  	_ =	strace s2  }
0x95: {  	s2 =	sld [smem:$0x3FFD];
	_ =	sdelay $0x3  }
0x96: {  	_ =	strace s2  }
0x97: {  	_ =	strace $0x8FFFFFFF  }
0x98: {  	s19 =	sld [smem:$0x3FDB];
	_ =	sdelay $0x1  }
0x99: {  	s20 =	simm.s32 $_scs_section_size  }
0x9a: {  	s4 =	simm.s32 $_size__tile_overlayer_lowered;
	s5 =	simm.s32 $_tile_overlayer_lowered  }
0x9b: {  	s6 =	simm.s32 $0x1BFF;
	s21 =	sshll.u32 s5, $0x1;
	s3 =	sadd.s32 s20, s19  }
0x9c: {  	s22 =	simm.s32 $0x0;
	s4 =	sshll.u32 s4, $0x1;
	s5 =	sadd.s32 s21, s3  }
0x9d: {  	[timem:s22], [sflag:s6] =	dma.local [hbm:s5], s4  }
0x9e: {  	_ =	swait.ge [sflag:s6], s4  }
0x9f: {  	s4 =	ssub.s32 $0x0, s4;
	[sflag:s6] =	ssyncset.done $0x0  }
0xa0: {  	[sflag:s6] =	ssyncadd.s32 s4;
	_ =	sdelay $0x1  }
0xa1: {  	s23 =	simm.s32 $0x1B8B  }
0xa2: {  	_ =	swait.ge [sflag:s23], $0x1  }
0xa3: {  	[sflag:s23] =	ssyncset.done $0x0  }
0xa4: {  	[sflag:s23] =	ssyncadd.s32 $0xFFFFFFFF  }
0xa5: {  	s4 =	sld [smem:$0x0]  }
0xa6: {  	s5 =	sand.u32 $0xFFFFFFFE, s1  }
0xa7: {  	p0 =	sne.s32 s1, s5  }
0xa8: {  	s5 =	sshll.u32 @p0 s5, $0xE  }
0xa9: {  	s5 =	sadd.s32 @p0 $0x11B8D, s5;
	s6 =	sshll.u32 @p0 s4, $0x11  }
0xaa: {  	s5 =	sor.u32 @p0 s6, s5  }
0xab: {  	[sflag:s5] =	ssyncadd.remote.s32 @p0 $0x1;
	_ =	sdelay $0x1  }
0xac: {  	s5 =	simm.s32 @p0 $0x1B8D  }
0xad: {  	_ =	swait.eq @p0 [sflag:s5], $0x1  }
0xae: {  	[sflag:s5] =	ssyncadd.s32 @p0 $0xFFFFFFFF  }
0xaf: {  	s6 =	sshll.u32 @!p0 s1, $0xE  }
0xb0: {  	s6 =	sor.u32 @!p0 $0x4000, s6;
	s5 =	simm.s32 @!p0 $0x1B8D  }
0xb1: {  	s4 =	sshll.u32 @!p0 s4, $0x11;
	s6 =	sadd.s32 @!p0 $0x11B8D, s6;
	_ =	swait.eq @!p0 [sflag:s5], $0x1  }
0xb2: {  	s4 =	sor.u32 @!p0 s4, s6;
	[sflag:s5] =	ssyncadd.s32 @!p0 $0xFFFFFFFF  }
0xb3: {  	s25 =	simm.s32 $0x1B8E;
	s24 =	sld [smem:$0x3FFE];
	[sflag:s4] =	ssyncadd.remote.s32 @!p0 $0x1  }
0xb4: {  	s26 =	simm.s32 $execute0_lowered;
	[smem:$0x3FD2] =	sst s25  }
0xb5: {  	s5 =	sshll.u32 s26, $0x1;
	_ =	strace $0x80000052;
	[dreg:$0x1] =	wrdreg $0xFFFFFFFF  }
0xb6: {  	s28 =	simm.s32 $_size_execute0_lowered;
	s3 =	sadd.s32 s3, s5;
	[dreg:$0x0] =	wrdreg $0x0  }
0xb7: {  	s5 =	sshll.u32 s28, $0x1;
	[dreg:$0x2] =	wrdreg s3  }
0xb8: {  	[dreg:$0x3] =	wrdreg s5  }
0xb9: {  	[dreg:$0x4] =	wrdreg $0xC0  }
0xba: {  	_ =	task [dreg:s22], $0x5FFFF  }
0xbb: {  	[dreg:$0x1] =	wrdreg $0xFFFFFFFF  }
0xbc: {  	[dreg:$0x0] =	wrdreg $0x60  }
0xbd: {  	[dreg:$0x2] =	wrdreg s24  }
0xbe: {  	[dreg:$0x3] =	wrdreg $0x88000  }
0xbf: {  	[dreg:$0x4] =	wrdreg $0xA  }
0xc0: {  	_ =	task.clear_ibuf [dreg:s22], $0x5FFFF;
	_ =	strace $0x90000052  }
0xc1: {  	s29 =	simm.s32 $0xA;
	_ =	strace $0x80000054  }
0xc2: {  	_ =	swait.ge [sflag:s29], $0x1  }
0xc3: {  	[sflag:s29] =	ssyncadd.s32 $0xFFFFFFFF  }
0xc4: {  	_ =	strace $0x90000054  }
0xc5: {  	_ =	sfence  }
0xc6: {  	s30 =	sld [smem:$0x0];
	_ =	sdelay $0x2  }
0xc7: {  	s31 =	sshll.u32 s1, $0xD;
	s1 =	sshrl.u32 s1, $0x2  }
0xc8: {  	s4 =	sand.u32 $0x4000, s31;
	s1 =	sadd.s32 s1, s30  }
0xc9: {  	s0 =	sor.u32 s4, s0;
	s1 =	sshll.u32 s1, $0x11  }
0xca: {  	s0 =	sor.u32 s1, s0  }
0xcb: {  	s0 =	sadd.s32 $0x8F2B, s0  }
0xcc: {  	[sflag:s0] =	ssyncadd.remote.s32 $0x1  }
0xcd: {  	_ =	sfence.sel $0xFFFF  }
0xce: {  	[dreg:$0x0] =	wrdreg $0xFFFFFFFF;
	(pc) =	sbr.abs _section_cstart, $3  }
0xcf: {  	[dreg:$0x1] =	wrdreg $0xFFFFFFFF  }
0xd0: {  	_ =	task.clear_ibuf [dreg:s22], $0x2FFFF;
	_ =	strace $0x9FFFFFFF  }
0xd1: {  	(tm) =	ssettm $0x7FFFFFFF  }
tec
execute0_lowered:
.L_overlay_start_1:
0x0: {  	(tag) =	ssettag $0x1  }
0x1: {  	s0 =	srdreg.scid;
	s16 =	stileid.u32  }
0x2: {  	s4 =	rddreg [dreg:$0x0];
	s7 =	smul.u32 $0x14000, s16  }
0x3: {  	s2 =	rddreg [dreg:$0x1];
	s1 =	sand.u32 $0x1, s0;
	s18 =	smul.u32 $0x50000, s16  }
0x4: {  	s21 =	sshll.u32 s16, $0x6;
	s3 =	sshll.u32 s1, $0x4;
	s8 =	smul.u32 $0x140000, s1  }
0x5: {  	s5 =	sor.u32 s16, s3;
	s3 =	simm.s32 $0x0;
	s17 =	sshrl.u32 s7, $0x3  }
0x6: {  	s6 =	smul.u32 $0x5000, s5;
	[smem:$0x7FF] =	sst s3;
	s5 =	sshll.u32 s5, $0x8  }
0x7: {  	s7 =	sadd.s32 s7, s8;
	_ =	strace $0x80000053;
	s5 =	sadd.s32 s5, s4  }
0x8: {  	s29 =	sadd.s32 s6, s4;
	s6 =	sadd.s32 s17, s4;
	s5 =	sadd.s32 $0x289200, s5  }
0x9: {  	s7 =	sshrl.u32 s7, $0x3;
	s6 =	sadd.s32 $0x9200, s6;
	[dreg:$0x4] =	wrdreg s5  }
0xa: {  	s19 =	sadd.s32 s7, s4;
	s22 =	sadd.s32 $0x28D200, s29;
	[dreg:$0x3] =	wrdreg s6  }
0xb: {  	s8 =	sshrl.u32 s18, $0x2;
	s24 =	sadd.s32 $0x31200, s19;
	[dreg:$0x5] =	wrdreg s22  }
0xc: {  	s20 =	sadd.s32 s8, s2;
	s4 =	sor.u32 $0x1C05, s21;
	[dreg:$0x6] =	wrdreg s24  }
0xd: {  	s5 =	simm.s32 $0x5;
	s6 =	sshrl.u32 s20, $0x3;
	s23 =	rddreg [dreg:$0x3]  }
0xe: {  	[spmem:s6], [sflag:s4] =	dma.local [hbm:s23], $0x2800  }
0xf: {  	_ =	swait.ge [sflag:s5], $0x2800  }
0x10: {  	[sflag:s5] =	ssyncset.done $0x0  }
0x11: {  	s25 =	rddreg [dreg:$0x4];
	[sflag:s5] =	ssyncadd.s32 $0xFFFFD800  }
0x12: {  	[tilespmem:s3], [sflag:$0x5] =	stream.linear.gather [hbm4b:s25+s3], $0x500, $0x38;
	[tilespmem:$0x1C800] =	vst v63  }
0x13: {  	_ =	swait.ge [sflag:s5], $0x500  }
0x14: {  	[sflag:s5] =	ssyncset.done $0x0  }
0x15: {  	[sflag:s5] =	ssyncadd.s32 $0xFFFFFB00  }
0x16: {  	[bflag:$0x0] =	sbarrier.arrive $0xFFFF  }
0x17: {  	s7 =	simm.s32 $0x800;
	s26 =	rddreg [dreg:$0x5]  }
0x18: {  	[tilespmem:s7], [sflag:$0x1] =	stream.linear.gather [hbm4b:s26+s3], $0x4000, $0x38;
	[tilespmem:$0x1C800] =	vst v63  }
0x19: {  	s9 =	simm.s32 $0x4800;
	s10 =	simm.s32 $0x1;
	s8 =	sadd.s32 $0x28DA00, s29  }
0x1a: {  	[tilespmem:s9], [sflag:$0x2] =	stream.linear.gather [hbm4b:s8+s3], $0x4000, $0x38;
	[tilespmem:$0x1C800] =	vst v63  }
0x1b: {  	_ =	swait.ge [sflag:s10], $0x4000  }
0x1c: {  	[sflag:s10] =	ssyncset.done $0x0  }
0x1d: {  	s11 =	simm.s32 $0x80;
	s12 =	simm.s32 $0x3;
	[sflag:s10] =	ssyncadd.s32 $0xFFFFC000  }
0x1e: {  	[spmem:s2] =	stream.indirect.scatter.add.f32 [tilespmem:s7], [sflag:$0x3], $0x80, s3, s11, $0xb8;
	[tilespmem:$0x1C800] =	vst v63  }
0x1f: {  	_ =	swait.ge [sflag:s12], $0x4000  }
0x20: {  	[sflag:s12] =	ssyncset.done $0x0  }
0x21: {  	s14 =	simm.s32 $0x2;
	s13 =	sadd.s32 $0x28E200, s29;
	[sflag:s12] =	ssyncadd.s32 $0xFFFFC000  }
0x22: {  	[tilespmem:s7], [sflag:$0x1] =	stream.linear.gather [hbm4b:s13+s3], $0x4000, $0x38;
	[tilespmem:$0x1C800] =	vst v63  }
0x23: {  	_ =	swait.ge [sflag:s14], $0x4000  }
0x24: {  	[sflag:s14] =	ssyncset.done $0x0  }
0x25: {  	s15 =	simm.s32 $0x4;
	[sflag:s14] =	ssyncadd.s32 $0xFFFFC000  }
0x26: {  	[spmem:s2] =	stream.indirect.scatter.add.f32 [tilespmem:s9], [sflag:$0x4], $0x80, s11, s11, $0xb8;
	[tilespmem:$0x1C800] =	vst v63  }
0x27: {  	_ =	swait.ge [sflag:s15], $0x4000  }
0x28: {  	[sflag:s15] =	ssyncset.done $0x0  }
0x29: {  	s16 =	sadd.s32 $0x28EA00, s29;
	[sflag:s15] =	ssyncadd.s32 $0xFFFFC000  }
0x2a: {  	[tilespmem:s9], [sflag:$0x2] =	stream.linear.gather [hbm4b:s16+s3], $0x4000, $0x38;
	[tilespmem:$0x1C800] =	vst v63  }
0x2b: {  	_ =	swait.ge [sflag:s10], $0x4000  }
0x2c: {  	[sflag:s10] =	ssyncset.done $0x0  }
0x2d: {  	s17 =	simm.s32 $0x100;
	[sflag:s10] =	ssyncadd.s32 $0xFFFFC000  }
0x2e: {  	[spmem:s2] =	stream.indirect.scatter.add.f32 [tilespmem:s7], [sflag:$0x3], $0x80, s17, s11, $0xb8;
	[tilespmem:$0x1C800] =	vst v63  }
0x2f: {  	_ =	swait.ge [sflag:s12], $0x4000  }
0x30: {  	[sflag:s12] =	ssyncset.done $0x0  }
0x31: {  	s18 =	sadd.s32 $0x28F200, s29;
	[sflag:s12] =	ssyncadd.s32 $0xFFFFC000  }
0x32: {  	[tilespmem:s7], [sflag:$0x1] =	stream.linear.gather [hbm4b:s18+s3], $0x4000, $0x38;
	[tilespmem:$0x1C800] =	vst v63  }
0x33: {  	_ =	swait.ge [sflag:s14], $0x4000  }
0x34: {  	[sflag:s14] =	ssyncset.done $0x0  }
0x35: {  	s19 =	simm.s32 $0x180;
	[sflag:s14] =	ssyncadd.s32 $0xFFFFC000  }
0x36: {  	[spmem:s2] =	stream.indirect.scatter.add.f32 [tilespmem:s9], [sflag:$0x4], $0x80, s19, s11, $0xb8;
	[tilespmem:$0x1C800] =	vst v63  }
0x37: {  	_ =	swait.ge [sflag:s15], $0x4000  }
0x38: {  	[sflag:s15] =	ssyncset.done $0x0  }
0x39: {  	s20 =	sadd.s32 $0x28FA00, s29;
	[sflag:s15] =	ssyncadd.s32 $0xFFFFC000  }
0x3a: {  	[tilespmem:s9], [sflag:$0x2] =	stream.linear.gather [hbm4b:s20+s3], $0x4000, $0x38;
	[tilespmem:$0x1C800] =	vst v63  }
0x3b: {  	_ =	swait.ge [sflag:s10], $0x4000  }
0x3c: {  	[sflag:s10] =	ssyncset.done $0x0  }
0x3d: {  	s21 =	simm.s32 $0x200;
	[sflag:s10] =	ssyncadd.s32 $0xFFFFC000  }
0x3e: {  	[spmem:s2] =	stream.indirect.scatter.add.f32 [tilespmem:s7], [sflag:$0x3], $0x80, s21, s11, $0xb8;
	[tilespmem:$0x1C800] =	vst v63  }
0x3f: {  	_ =	swait.ge [sflag:s12], $0x4000  }
0x40: {  	[sflag:s12] =	ssyncset.done $0x0  }
0x41: {  	s22 =	sadd.s32 $0x290200, s29;
	[sflag:s12] =	ssyncadd.s32 $0xFFFFC000  }
0x42: {  	[tilespmem:s7], [sflag:$0x1] =	stream.linear.gather [hbm4b:s22+s3], $0x4000, $0x38;
	[tilespmem:$0x1C800] =	vst v63  }
0x43: {  	_ =	swait.ge [sflag:s14], $0x4000  }
0x44: {  	[sflag:s14] =	ssyncset.done $0x0  }
0x45: {  	s23 =	simm.s32 $0x280;
	[sflag:s14] =	ssyncadd.s32 $0xFFFFC000  }
0x46: {  	[spmem:s2] =	stream.indirect.scatter.add.f32 [tilespmem:s9], [sflag:$0x4], $0x80, s23, s11, $0xb8;
	[tilespmem:$0x1C800] =	vst v63  }
0x47: {  	_ =	swait.ge [sflag:s15], $0x4000  }
0x48: {  	[sflag:s15] =	ssyncset.done $0x0  }
0x49: {  	s24 =	sadd.s32 $0x290A00, s29;
	[sflag:s15] =	ssyncadd.s32 $0xFFFFC000  }
0x4a: {  	[tilespmem:s9], [sflag:$0x2] =	stream.linear.gather [hbm4b:s24+s3], $0x4000, $0x38;
	[tilespmem:$0x1C800] =	vst v63  }
0x4b: {  	_ =	swait.ge [sflag:s10], $0x4000  }
0x4c: {  	[sflag:s10] =	ssyncset.done $0x0  }
0x4d: {  	s25 =	simm.s32 $0x300;
	[sflag:s10] =	ssyncadd.s32 $0xFFFFC000  }
0x4e: {  	[spmem:s2] =	stream.indirect.scatter.add.f32 [tilespmem:s7], [sflag:$0x3], $0x80, s25, s11, $0xb8;
	[tilespmem:$0x1C800] =	vst v63  }
0x4f: {  	_ =	swait.ge [sflag:s12], $0x4000  }
0x50: {  	[sflag:s12] =	ssyncset.done $0x0  }
0x51: {  	s26 =	sadd.s32 $0x291200, s29;
	[sflag:s12] =	ssyncadd.s32 $0xFFFFC000  }
0x52: {  	[tilespmem:s7], [sflag:$0x1] =	stream.linear.gather [hbm4b:s26+s3], $0x4000, $0x38;
	[tilespmem:$0x1C800] =	vst v63  }
0x53: {  	_ =	swait.ge [sflag:s14], $0x4000  }
0x54: {  	[sflag:s14] =	ssyncset.done $0x0  }
0x55: {  	s28 =	simm.s32 $0x380;
	[sflag:s14] =	ssyncadd.s32 $0xFFFFC000  }
0x56: {  	[spmem:s2] =	stream.indirect.scatter.add.f32 [tilespmem:s9], [sflag:$0x4], $0x80, s28, s11, $0xb8;
	[tilespmem:$0x1C800] =	vst v63  }
0x57: {  	_ =	swait.ge [sflag:s15], $0x4000  }
0x58: {  	[sflag:s15] =	ssyncset.done $0x0  }
0x59: {  	s29 =	sadd.s32 $0x291A00, s29;
	[sflag:s15] =	ssyncadd.s32 $0xFFFFC000  }
0x5a: {  	[tilespmem:s9], [sflag:$0x2] =	stream.linear.gather [hbm4b:s29+s3], $0x4000, $0x38;
	[tilespmem:$0x1C800] =	vst v63  }
0x5b: {  	_ =	swait.ge [sflag:s10], $0x4000  }
0x5c: {  	[sflag:s10] =	ssyncset.done $0x0  }
0x5d: {  	s30 =	simm.s32 $0x400;
	[sflag:s10] =	ssyncadd.s32 $0xFFFFC000  }
0x5e: {  	[spmem:s2] =	stream.indirect.scatter.add.f32 [tilespmem:s7], [sflag:$0x3], $0x80, s30, s11, $0xb8;
	[tilespmem:$0x1C800] =	vst v63  }
0x5f: {  	_ =	swait.ge [sflag:s14], $0x4000  }
0x60: {  	[sflag:s14] =	ssyncset.done $0x0  }
0x61: {  	s31 =	simm.s32 $0x480;
	[sflag:s14] =	ssyncadd.s32 $0xFFFFC000  }
0x62: {  	[spmem:s2] =	stream.indirect.scatter.add.f32 [tilespmem:s9], [sflag:$0x4], $0x80, s31, s11, $0xb8;
	[tilespmem:$0x1C800] =	vst v63  }
0x63: {  	_ =	swait.ge [sflag:s12], $0x4000  }
0x64: {  	[sflag:s12] =	ssyncset.done $0x0  }
0x65: {  	[sflag:s12] =	ssyncadd.s32 $0xFFFFC000  }
0x66: {  	_ =	swait.ge [sflag:s15], $0x4000  }
0x67: {  	[sflag:s15] =	ssyncset.done $0x0  }
0x68: {  	[sflag:s15] =	ssyncadd.s32 $0xFFFFC000  }
0x69: {  	[bflag:$0x0] =	sbarrier.arrive $0xFFFF  }
0x6a: {  	s1 =	ssub.s32 $0x2, s1;
	s0 =	rddreg [dreg:$0x6]  }
0x6b: {  	[dreg:$0x7] =	wrdreg s0;
	s0 =	sshrl.u32 s1, $0x1  }
0x6c: {  	s0 =	ssub.s32 s1, s0  }
0x6d: {  	s0 =	smax.u32 s0, $0x1  }
0x6e: {  	p0 =	sne.s32 s0, $0x1  }
.Ltmp0:
0x6f: {  	_ = 	snop;
	(pc) =	sbr.rel @!p0 .LBB2_2-.Ltmp0, $4  }
0x70: {  	_ = 	snop  }
0x71: {  	s1 =	rddreg [dreg:$0x7]  }
0x72: {  	[hbm:s1], [sflag:s4] =	dma.local [spmem:s6], $0x2800  }
0x73: {  	s1 =	sadd.s32 $0xFFFFFFFF, s0;
	_ =	swait.ge [sflag:s5], $0x2800  }
.LBB2_1:
0x74: {  	[sflag:s5] =	ssyncset.done $0x0  }
0x75: {  	s0 =	rddreg [dreg:$0x3];
	[sflag:s5] =	ssyncadd.s32 $0xFFFFD800  }
0x76: {  	[spmem:s6], [sflag:s4] =	dma.local [hbm:s0], $0x2800  }
0x77: {  	_ =	swait.ge [sflag:s5], $0x2800  }
0x78: {  	[sflag:s5] =	ssyncset.done $0x0  }
0x79: {  	s0 =	rddreg [dreg:$0x4];
	[sflag:s5] =	ssyncadd.s32 $0xFFFFD800  }
0x7a: {  	[tilespmem:s3], [sflag:$0x5] =	stream.linear.gather [hbm4b:s0+s3], $0x500, $0x38;
	[tilespmem:$0x1C800] =	vst v63  }
0x7b: {  	_ =	swait.ge [sflag:s5], $0x500  }
0x7c: {  	[sflag:s5] =	ssyncset.done $0x0  }
0x7d: {  	[sflag:s5] =	ssyncadd.s32 $0xFFFFFB00  }
0x7e: {  	[bflag:$0x0] =	sbarrier.arrive $0xFFFF  }
0x7f: {  	s0 =	rddreg [dreg:$0x5]  }
0x80: {  	[tilespmem:s7], [sflag:$0x1] =	stream.linear.gather [hbm4b:s0+s3], $0x4000, $0x38;
	[tilespmem:$0x1C800] =	vst v63  }
0x81: {  	_ = 	snop  }
0x82: {  	[tilespmem:s9], [sflag:$0x2] =	stream.linear.gather [hbm4b:s8+s3], $0x4000, $0x38;
	[tilespmem:$0x1C800] =	vst v63  }
0x83: {  	_ =	swait.ge [sflag:s10], $0x4000  }
0x84: {  	[sflag:s10] =	ssyncset.done $0x0  }
0x85: {  	[sflag:s10] =	ssyncadd.s32 $0xFFFFC000  }
0x86: {  	[spmem:s2] =	stream.indirect.scatter.add.f32 [tilespmem:s7], [sflag:$0x3], $0x80, s3, s11, $0xb8;
	[tilespmem:$0x1C800] =	vst v63  }
0x87: {  	_ =	swait.ge [sflag:s12], $0x4000  }
0x88: {  	[sflag:s12] =	ssyncset.done $0x0  }
0x89: {  	[sflag:s12] =	ssyncadd.s32 $0xFFFFC000  }
0x8a: {  	[tilespmem:s7], [sflag:$0x1] =	stream.linear.gather [hbm4b:s13+s3], $0x4000, $0x38;
	[tilespmem:$0x1C800] =	vst v63  }
0x8b: {  	_ =	swait.ge [sflag:s14], $0x4000  }
0x8c: {  	[sflag:s14] =	ssyncset.done $0x0  }
0x8d: {  	[sflag:s14] =	ssyncadd.s32 $0xFFFFC000  }
0x8e: {  	[spmem:s2] =	stream.indirect.scatter.add.f32 [tilespmem:s9], [sflag:$0x4], $0x80, s11, s11, $0xb8;
	[tilespmem:$0x1C800] =	vst v63  }
0x8f: {  	_ =	swait.ge [sflag:s15], $0x4000  }
0x90: {  	[sflag:s15] =	ssyncset.done $0x0  }
0x91: {  	[sflag:s15] =	ssyncadd.s32 $0xFFFFC000  }
0x92: {  	[tilespmem:s9], [sflag:$0x2] =	stream.linear.gather [hbm4b:s16+s3], $0x4000, $0x38;
	[tilespmem:$0x1C800] =	vst v63  }
0x93: {  	_ =	swait.ge [sflag:s10], $0x4000  }
0x94: {  	[sflag:s10] =	ssyncset.done $0x0  }
0x95: {  	[sflag:s10] =	ssyncadd.s32 $0xFFFFC000  }
0x96: {  	[spmem:s2] =	stream.indirect.scatter.add.f32 [tilespmem:s7], [sflag:$0x3], $0x80, s17, s11, $0xb8;
	[tilespmem:$0x1C800] =	vst v63  }
0x97: {  	_ =	swait.ge [sflag:s12], $0x4000  }
0x98: {  	[sflag:s12] =	ssyncset.done $0x0  }
0x99: {  	[sflag:s12] =	ssyncadd.s32 $0xFFFFC000  }
0x9a: {  	[tilespmem:s7], [sflag:$0x1] =	stream.linear.gather [hbm4b:s18+s3], $0x4000, $0x38;
	[tilespmem:$0x1C800] =	vst v63  }
0x9b: {  	_ =	swait.ge [sflag:s14], $0x4000  }
0x9c: {  	[sflag:s14] =	ssyncset.done $0x0  }
0x9d: {  	[sflag:s14] =	ssyncadd.s32 $0xFFFFC000  }
0x9e: {  	[spmem:s2] =	stream.indirect.scatter.add.f32 [tilespmem:s9], [sflag:$0x4], $0x80, s19, s11, $0xb8;
	[tilespmem:$0x1C800] =	vst v63  }
0x9f: {  	_ =	swait.ge [sflag:s15], $0x4000  }
0xa0: {  	[sflag:s15] =	ssyncset.done $0x0  }
0xa1: {  	[sflag:s15] =	ssyncadd.s32 $0xFFFFC000  }
0xa2: {  	[tilespmem:s9], [sflag:$0x2] =	stream.linear.gather [hbm4b:s20+s3], $0x4000, $0x38;
	[tilespmem:$0x1C800] =	vst v63  }
0xa3: {  	_ =	swait.ge [sflag:s10], $0x4000  }
0xa4: {  	[sflag:s10] =	ssyncset.done $0x0  }
0xa5: {  	[sflag:s10] =	ssyncadd.s32 $0xFFFFC000  }
0xa6: {  	[spmem:s2] =	stream.indirect.scatter.add.f32 [tilespmem:s7], [sflag:$0x3], $0x80, s21, s11, $0xb8;
	[tilespmem:$0x1C800] =	vst v63  }
0xa7: {  	_ =	swait.ge [sflag:s12], $0x4000  }
0xa8: {  	[sflag:s12] =	ssyncset.done $0x0  }
0xa9: {  	[sflag:s12] =	ssyncadd.s32 $0xFFFFC000  }
0xaa: {  	[tilespmem:s7], [sflag:$0x1] =	stream.linear.gather [hbm4b:s22+s3], $0x4000, $0x38;
	[tilespmem:$0x1C800] =	vst v63  }
0xab: {  	_ =	swait.ge [sflag:s14], $0x4000  }
0xac: {  	[sflag:s14] =	ssyncset.done $0x0  }
0xad: {  	[sflag:s14] =	ssyncadd.s32 $0xFFFFC000  }
0xae: {  	[spmem:s2] =	stream.indirect.scatter.add.f32 [tilespmem:s9], [sflag:$0x4], $0x80, s23, s11, $0xb8;
	[tilespmem:$0x1C800] =	vst v63  }
0xaf: {  	_ =	swait.ge [sflag:s15], $0x4000  }
0xb0: {  	[sflag:s15] =	ssyncset.done $0x0  }
0xb1: {  	[sflag:s15] =	ssyncadd.s32 $0xFFFFC000  }
0xb2: {  	[tilespmem:s9], [sflag:$0x2] =	stream.linear.gather [hbm4b:s24+s3], $0x4000, $0x38;
	[tilespmem:$0x1C800] =	vst v63  }
0xb3: {  	_ =	swait.ge [sflag:s10], $0x4000  }
0xb4: {  	[sflag:s10] =	ssyncset.done $0x0  }
0xb5: {  	[sflag:s10] =	ssyncadd.s32 $0xFFFFC000  }
0xb6: {  	[spmem:s2] =	stream.indirect.scatter.add.f32 [tilespmem:s7], [sflag:$0x3], $0x80, s25, s11, $0xb8;
	[tilespmem:$0x1C800] =	vst v63  }
0xb7: {  	_ =	swait.ge [sflag:s12], $0x4000  }
0xb8: {  	[sflag:s12] =	ssyncset.done $0x0  }
0xb9: {  	[sflag:s12] =	ssyncadd.s32 $0xFFFFC000  }
0xba: {  	[tilespmem:s7], [sflag:$0x1] =	stream.linear.gather [hbm4b:s26+s3], $0x4000, $0x38;
	[tilespmem:$0x1C800] =	vst v63  }
0xbb: {  	_ =	swait.ge [sflag:s14], $0x4000  }
0xbc: {  	[sflag:s14] =	ssyncset.done $0x0  }
0xbd: {  	[sflag:s14] =	ssyncadd.s32 $0xFFFFC000  }
0xbe: {  	[spmem:s2] =	stream.indirect.scatter.add.f32 [tilespmem:s9], [sflag:$0x4], $0x80, s28, s11, $0xb8;
	[tilespmem:$0x1C800] =	vst v63  }
0xbf: {  	_ =	swait.ge [sflag:s15], $0x4000  }
0xc0: {  	[sflag:s15] =	ssyncset.done $0x0  }
0xc1: {  	[sflag:s15] =	ssyncadd.s32 $0xFFFFC000  }
0xc2: {  	[tilespmem:s9], [sflag:$0x2] =	stream.linear.gather [hbm4b:s29+s3], $0x4000, $0x38;
	[tilespmem:$0x1C800] =	vst v63  }
0xc3: {  	_ =	swait.ge [sflag:s10], $0x4000  }
0xc4: {  	[sflag:s10] =	ssyncset.done $0x0  }
0xc5: {  	[sflag:s10] =	ssyncadd.s32 $0xFFFFC000  }
0xc6: {  	[spmem:s2] =	stream.indirect.scatter.add.f32 [tilespmem:s7], [sflag:$0x3], $0x80, s30, s11, $0xb8;
	[tilespmem:$0x1C800] =	vst v63  }
0xc7: {  	_ =	swait.ge [sflag:s14], $0x4000  }
0xc8: {  	[sflag:s14] =	ssyncset.done $0x0  }
0xc9: {  	[sflag:s14] =	ssyncadd.s32 $0xFFFFC000  }
0xca: {  	[spmem:s2] =	stream.indirect.scatter.add.f32 [tilespmem:s9], [sflag:$0x4], $0x80, s31, s11, $0xb8;
	[tilespmem:$0x1C800] =	vst v63  }
0xcb: {  	_ =	swait.ge [sflag:s12], $0x4000  }
0xcc: {  	[sflag:s12] =	ssyncset.done $0x0  }
0xcd: {  	[sflag:s12] =	ssyncadd.s32 $0xFFFFC000  }
0xce: {  	_ =	swait.ge [sflag:s15], $0x4000  }
0xcf: {  	p0 =	sne.s32 s1, $0x1;
	[sflag:s15] =	ssyncset.done $0x0  }
.Ltmp1:
0xd0: {  	[sflag:s15] =	ssyncadd.s32 $0xFFFFC000;
	(pc) =	sbr.rel @p0 .LBB2_1-.Ltmp1, $4  }
0xd1: {  	[bflag:$0x0] =	sbarrier.arrive $0xFFFF  }
0xd2: {  	s0 =	rddreg [dreg:$0x6]  }
0xd3: {  	[hbm:s0], [sflag:s4] =	dma.local [spmem:s6], $0x2800  }
0xd4: {  	s1 =	sadd.s32 $0xFFFFFFFF, s1;
	_ =	swait.ge [sflag:s5], $0x2800  }
.LBB2_2:
0xd5: {  	[sflag:s5] =	ssyncset.done $0x0  }
0xd6: {  	[sflag:s5] =	ssyncadd.s32 $0xFFFFD800  }
0xd7: {  	_ =	sfence.sel $0x180000  }
0xd8: {  	[bflag:$0x0] =	sbarrier.arrive $0xFFFF  }
0xd9: {  	_ =	strace $0x90000053  }
0xda: {  	s0 =	stileid.u32;
	[bflag:$0x2] =	sbarrier.arrive $0xFFFF  }
0xdb: {  	p0 =	sne.s32 s0, $0x0;
	s0 =	rddreg [dreg:$0x2]  }
0xdc: {  	s0 =	sadd.s32 @!p0 $0x100000, s0  }
0xdd: {  	[sflag:s0] =	ssyncadd.tile.s32 @!p0 $0x1;
	_ =	shalt  }
.Lfunc_end2:
_tile_overlayer_lowered:
.L_overlay_start_2:
0xde: {  	(tag) =	ssettag $0x2  }
0xdf: {  	s0 =	rddreg [dreg:$0x0];
	s2 =	stileid.u32  }
0xe0: {  	s1 =	rddreg [dreg:$0x1];
	p0 =	sne.s32 s2, $0x0  }
0xe1: {  	s3 =	rddreg [dreg:$0x2];
	[bflag:$0x3] =	sbarrier.arrive $0xFFFF;
	s2 =	simm.s32 @!p0 $0x1C05  }
0xe2: {  	[timem:s3], [sflag:s2] =	dma.local @!p0 [hbm:s0], s1  }
0xe3: {  	s0 =	simm.s32 @!p0 $0x5  }
0xe4: {  	_ =	swait.ge @!p0 [sflag:s0], s1  }
0xe5: {  	s1 =	ssub.s32 @!p0 $0x0, s1;
	[sflag:s0] =	ssyncset.done @!p0 $0x0  }
0xe6: {  	[sflag:s0] =	ssyncadd.s32 @!p0 s1  }
0xe7: {  	[bflag:$0x3] =	sbarrier.arrive $0xFFFF  }
0xe8: {  	_ =	shalt  }

// kernel: kernel.27.cloned.1.call-start
scs
__scs_entry_jumppad:
0x0: {  	(pc) =	sbr.rel $0x88, $3  }
0x1: {  	(tag) =	ssettag $0x0;
	lr =	simm.s32 $0x1  }
0x2: {  	[smem:$0x3F92] =	sst lr;
	_ =	strace $0xD0000000  }
0x3: {  	_ = 	snop  }
0x4: {  	_ = 	snop  }
0x5: {  	_ = 	snop  }
0x6: {  	_ = 	snop  }
0x7: {  	_ = 	snop  }
__scs_overlays_trampoline_lowered:
0x8: {  	[smem:$0x3FA1] =	sst s0  }
0x9: {  	[smem:$0x3FA2] =	sst s1  }
0xa: {  	[smem:$0x3FA3] =	sst s2  }
0xb: {  	[smem:$0x3FA4] =	sst s3  }
0xc: {  	[smem:$0x3FA5] =	sst s4  }
0xd: {  	[smem:$0x3FA6] =	sst s5  }
0xe: {  	[smem:$0x3FA7] =	sst s6  }
0xf: {  	[smem:$0x3FA8] =	sst s7  }
0x10: {  	[smem:$0x3FA9] =	sst s8  }
0x11: {  	[smem:$0x3FAA] =	sst s9;
	s0 =	simm.s32 @!p0 $0x0  }
0x12: {  	s1 =	sld [smem:$0x3F90];
	s0 =	simm.s32 @p0 $0x1  }
0x13: {  	[smem:$0x3FAB] =	sst s0;
	s0 =	simm.s32 @!p1 $0x0  }
0x14: {  	s2 =	sld [smem:$0x3F8F];
	s0 =	simm.s32 @p1 $0x1  }
0x15: {  	[smem:$0x3FAC] =	sst s0;
	s0 =	simm.s32 @!p2 $0x0  }
0x16: {  	s3 =	sld [smem:$0x3FDB];
	s0 =	simm.s32 @p2 $0x1  }
0x17: {  	s4 =	simm.s32 $0x1BF5;
	[smem:$0x3FAE] =	sst s0  }
0x18: {  	s0 =	sld [smem:$0x3F91];
	_ =	swait.ge [sflag:s4], $0x0  }
0x19: {  	s7 =	sld [smem:$0x3F92]  }
0x1a: {  	s8 =	sadd.s32 $0xFFFFE003, lr  }
0x1b: {  	s9 =	sadd.s32 $0xFFFFFEF7, lr;
	s5 =	simm.s32 $0xFFFFFFFF;
	p2 =	slt.u32 s8, $0xFFFFF086  }
0x1c: {  	p1 =	slt.u32 s9, $0xF7A;
	s5 =	simm.s32 @!p2 $0x0  }
0x1d: {  	s5 =	simm.s32 @p1 $0x1;
	p0 =	seq.s32 s7, s2  }
0x1e: {  	s7 =	smul.u32 @!p0 $0xF7A, s2;
	p2 =	seq.s32 @!p0 s5, $0x0  }
0x1f: {  	s9 =	smul.u32 $0xF7A, s1;
	s8 =	simm.s32 @!p0 $0x1BF5;
	p2 =	por !p2, p0  }
0x20: {  	[sflag:s8] =	ssyncset.s32 @!p0 $0xFFFFF086;
	s6 =	sadd.s32 @!p0 s3, s7;
	s7 =	simm.s32 @!p0 $0x108  }
0x21: {  	s3 =	sadd.s32 s3, s9;
	s6 =	sadd.s32 @!p0 $0x88, s6;
	s7 =	simm.s32 @p2 $0x1082  }
0x22: {  	[simem:s7], [sflag:s8] =	dma.local @!p0 [hbm:s6], $0xF7A  }
0x23: {  	s9 =	sor.u32 $0xD0000000, s2;
	s6 =	simm.s32 $0x108;
	_ =	swait.ge @!p0 [sflag:s8], $0x0  }
0x24: {  	s3 =	sadd.s32 $0x88, s3;
	s6 =	simm.s32 @!p1 $0x1082;
	[sflag:s4] =	ssyncset.s32 $0xFFFFF086  }
0x25: {  	[simem:s6], [sflag:s4] =	dma.local [hbm:s3], $0xF7A  }
0x26: {  	[smem:$0x3F92] =	sst s1;
	(tag) =	ssettag s2;
	_ =	strace s9  }
0x27: {  	s1 =	sld [smem:$0x3FA2]  }
0x28: {  	s2 =	sld [smem:$0x3FA3]  }
0x29: {  	s4 =	sld [smem:$0x3FA5]  }
0x2a: {  	p0 =	seq.s32 s5, $0x0;
	s5 =	sld [smem:$0x3FA6]  }
0x2b: {  	s6 =	sld [smem:$0x3FA7]  }
0x2c: {  	s7 =	sld [smem:$0x3FA8]  }
0x2d: {  	s3 =	simm.s32 $0x108;
	s8 =	sld [smem:$0x3FA9]  }
0x2e: {  	s3 =	simm.s32 @!p0 $0x1082;
	s9 =	sld [smem:$0x3FAA]  }
0x2f: {  	lr =	sadd.s32 s0, s3;
	s0 =	sld [smem:$0x3FA1]  }
0x30: {  	s3 =	sld [smem:$0x3FA4]  }
0x31: {  	[smem:$0x3FAD] =	sst s10  }
0x32: {  	s10 =	sld [smem:$0x3FAB];
	_ =	sdelay $0x3  }
0x33: {  	p0 =	seq.s32 s10, $0x1;
	s10 =	sld [smem:$0x3FAD];
	_ =	sdelay $0x3  }
0x34: {  	[smem:$0x3FAD] =	sst s10  }
0x35: {  	s10 =	sld [smem:$0x3FAC];
	_ =	sdelay $0x3  }
0x36: {  	p1 =	seq.s32 s10, $0x1;
	s10 =	sld [smem:$0x3FAD];
	_ =	sdelay $0x3  }
0x37: {  	[smem:$0x3FAD] =	sst s10  }
0x38: {  	s10 =	sld [smem:$0x3FAE]  }
0x39: {  	_ = 	snop;
	(pc) =	sbr.ind lr, $3  }
0x3a: {  	_ = 	snop  }
0x3b: {  	_ = 	snop  }
0x3c: {  	p2 =	seq.s32 s10, $0x1;
	s10 =	sld [smem:$0x3FAD]  }
0x3d: {  	_ =	shalt  }
0x3e: {  	_ =	shalt  }
0x3f: {  	_ =	shalt  }
0x40: {  	_ =	shalt  }
0x41: {  	_ =	shalt  }
0x42: {  	_ =	shalt  }
0x43: {  	_ =	shalt  }
0x44: {  	_ =	shalt  }
0x45: {  	_ =	shalt  }
0x46: {  	_ =	shalt  }
0x47: {  	_ =	shalt  }
0x48: {  	_ =	shalt  }
0x49: {  	_ =	shalt  }
0x4a: {  	_ =	shalt  }
0x4b: {  	_ =	shalt  }
0x4c: {  	_ =	shalt  }
0x4d: {  	_ =	shalt  }
0x4e: {  	_ =	shalt  }
0x4f: {  	_ =	shalt  }
0x50: {  	_ =	shalt  }
0x51: {  	_ =	shalt  }
0x52: {  	_ =	shalt  }
0x53: {  	_ =	shalt  }
0x54: {  	_ =	shalt  }
0x55: {  	_ =	shalt  }
0x56: {  	_ =	shalt  }
0x57: {  	_ =	shalt  }
0x58: {  	_ =	shalt  }
0x59: {  	_ =	shalt  }
0x5a: {  	_ =	shalt  }
0x5b: {  	_ =	shalt  }
0x5c: {  	_ =	shalt  }
0x5d: {  	_ =	shalt  }
0x5e: {  	_ =	shalt  }
0x5f: {  	_ =	shalt  }
0x60: {  	_ =	shalt  }
0x61: {  	_ =	shalt  }
0x62: {  	_ =	shalt  }
0x63: {  	_ =	shalt  }
0x64: {  	_ =	shalt  }
0x65: {  	_ =	shalt  }
0x66: {  	_ =	shalt  }
0x67: {  	_ =	shalt  }
0x68: {  	_ =	shalt  }
0x69: {  	_ =	shalt  }
0x6a: {  	_ =	shalt  }
0x6b: {  	_ =	shalt  }
0x6c: {  	_ =	shalt  }
0x6d: {  	_ =	shalt  }
0x6e: {  	_ =	shalt  }
0x6f: {  	_ =	shalt  }
0x70: {  	_ =	shalt  }
0x71: {  	_ =	shalt  }
0x72: {  	_ =	shalt  }
0x73: {  	_ =	shalt  }
0x74: {  	_ =	shalt  }
0x75: {  	_ =	shalt  }
0x76: {  	_ =	shalt  }
0x77: {  	_ =	shalt  }
0x78: {  	_ =	shalt  }
0x79: {  	_ =	shalt  }
0x7a: {  	_ =	shalt  }
0x7b: {  	_ =	shalt  }
0x7c: {  	_ =	shalt  }
0x7d: {  	_ =	shalt  }
0x7e: {  	_ =	shalt  }
0x7f: {  	_ =	shalt  }
0x80: {  	_ =	shalt  }
0x81: {  	_ =	shalt  }
0x82: {  	_ =	shalt  }
0x83: {  	_ =	shalt  }
0x84: {  	_ =	shalt  }
0x85: {  	_ =	shalt  }
0x86: {  	_ =	shalt  }
0x87: {  	_ =	shalt  }
.Lfunc_end0:
.L_simem_size_0:
called_computation.4_lowered:
.L_overlay_start_0:
0x88: {  	s2 =	sld [smem:$0x3FD9]  }
0x89: {  	s3 =	sld [smem:$0x3FFE];
	_ =	sdelay $0x1  }
0x8a: {  	s1 =	srdreg.scid  }
0x8b: {  	s0 =	sand.u32 $0x1, s1  }
0x8c: {  	s15 =	sshll.u32 s0, $0xA;
	s2 =	sadd.s32 s3, s2  }
0x8d: {  	s2 =	sadd.s32 s2, s15  }
0x8e: {  	[smem:$0x3FB9] =	sst s2  }
0x8f: {  	_ = 	snop  }
0x90: {  	s16 =	sld [smem:$0x3FD0];
	_ =	sdelay $0x2  }
0x91: {  	s4 =	simm.s32 $0xD;
	s5 =	simm.s32 $0x10;
	s2 =	sld [smem:$0x3FC8]  }
0x92: {  	[smem:s5], [sflag:s4] =	dma.local [hbm:s16], $0x1  }
0x93: {  	_ =	swait.eq [sflag:s4], $0x1  }
0x94: {  	[sflag:s4] =	ssyncset.done $0x0  }
0x95: {  	[sflag:s4] =	ssyncadd.s32 $0xFFFFFFFF  }
0x96: {  	s17 =	sld [smem:$0x11];
	(tm) =	ssettm $0x1  }
0x97: {  	s18 =	sld [smem:$0x3FFB];
	_ =	sdelay $0x3  }
0x98: {  	_ =	strace s18  }
0x99: {  	s3 =	sld [smem:$0x3FFC];
	_ =	sdelay $0x3  }
0x9a: {  	_ =	strace s3  }
0x9b: {  	s3 =	sld [smem:$0x3FFD];
	_ =	sdelay $0x3  }
0x9c: {  	_ =	strace s3  }
0x9d: {  	_ =	strace $0x8FFFFFFF  }
0x9e: {  	s19 =	sld [smem:$0x3FDB];
	_ =	sdelay $0x1  }
0x9f: {  	s20 =	simm.s32 $_scs_section_size  }
0xa0: {  	s6 =	simm.s32 $_size__tile_overlayer_lowered;
	s7 =	simm.s32 $_tile_overlayer_lowered  }
0xa1: {  	s8 =	simm.s32 $0x1BFF;
	s21 =	sshll.u32 s7, $0x1;
	s5 =	sadd.s32 s20, s19  }
0xa2: {  	s22 =	simm.s32 $0x0;
	s6 =	sshll.u32 s6, $0x1;
	s7 =	sadd.s32 s21, s5  }
0xa3: {  	[timem:s22], [sflag:s8] =	dma.local [hbm:s7], s6  }
0xa4: {  	_ =	swait.ge [sflag:s8], s6  }
0xa5: {  	s6 =	ssub.s32 $0x0, s6;
	[sflag:s8] =	ssyncset.done $0x0  }
0xa6: {  	[sflag:s8] =	ssyncadd.s32 s6;
	_ =	sdelay $0x1  }
0xa7: {  	s23 =	simm.s32 $0x1B8B  }
0xa8: {  	_ =	swait.ge [sflag:s23], $0x1  }
0xa9: {  	[sflag:s23] =	ssyncset.done $0x0  }
0xaa: {  	[sflag:s23] =	ssyncadd.s32 $0xFFFFFFFF  }
0xab: {  	s6 =	sld [smem:$0x0]  }
0xac: {  	s7 =	sand.u32 $0xFFFFFFFE, s1  }
0xad: {  	p0 =	sne.s32 s1, s7  }
0xae: {  	s7 =	sshll.u32 @p0 s7, $0xE  }
0xaf: {  	s7 =	sadd.s32 @p0 $0x11B8D, s7;
	s8 =	sshll.u32 @p0 s6, $0x11  }
0xb0: {  	s7 =	sor.u32 @p0 s8, s7  }
0xb1: {  	[sflag:s7] =	ssyncadd.remote.s32 @p0 $0x1;
	_ =	sdelay $0x1  }
0xb2: {  	s7 =	simm.s32 @p0 $0x1B8D  }
0xb3: {  	_ =	swait.eq @p0 [sflag:s7], $0x1  }
0xb4: {  	[sflag:s7] =	ssyncadd.s32 @p0 $0xFFFFFFFF  }
0xb5: {  	s8 =	sshll.u32 @!p0 s1, $0xE  }
0xb6: {  	s8 =	sor.u32 @!p0 $0x4000, s8;
	s7 =	simm.s32 @!p0 $0x1B8D  }
0xb7: {  	s6 =	sshll.u32 @!p0 s6, $0x11;
	s8 =	sadd.s32 @!p0 $0x11B8D, s8;
	_ =	swait.eq @!p0 [sflag:s7], $0x1  }
0xb8: {  	s6 =	sor.u32 @!p0 s6, s8;
	[sflag:s7] =	ssyncadd.s32 @!p0 $0xFFFFFFFF  }
0xb9: {  	s25 =	simm.s32 $0x1B8E;
	s24 =	sld [smem:$0x3FFE];
	[sflag:s6] =	ssyncadd.remote.s32 @!p0 $0x1  }
0xba: {  	s26 =	simm.s32 $execute0_lowered;
	[smem:$0x3FD2] =	sst s25  }
0xbb: {  	s7 =	sshll.u32 s26, $0x1;
	_ =	strace $0x80000049;
	[dreg:$0x1] =	wrdreg $0xFFFFFFFF  }
0xbc: {  	s28 =	simm.s32 $_size_execute0_lowered;
	s5 =	sadd.s32 s5, s7;
	[dreg:$0x0] =	wrdreg $0x0  }
0xbd: {  	s7 =	sshll.u32 s28, $0x1;
	[dreg:$0x2] =	wrdreg s5  }
0xbe: {  	[dreg:$0x3] =	wrdreg s7  }
0xbf: {  	[dreg:$0x4] =	wrdreg $0xC0  }
0xc0: {  	_ =	task [dreg:s22], $0x5FFFF  }
0xc1: {  	[dreg:$0x1] =	wrdreg $0xFFFFFFFF  }
0xc2: {  	[dreg:$0x0] =	wrdreg $0x60  }
0xc3: {  	[dreg:$0x2] =	wrdreg s2  }
0xc4: {  	[dreg:$0x3] =	wrdreg s17  }
0xc5: {  	[dreg:$0x4] =	wrdreg s24  }
0xc6: {  	[dreg:$0x5] =	wrdreg $0xB  }
0xc7: {  	_ =	task.clear_ibuf [dreg:s22], $0x6FFFF;
	_ =	strace $0x90000049  }
0xc8: {  	s29 =	simm.s32 $0xB;
	_ =	strace $0x8000004B  }
0xc9: {  	_ =	swait.ge [sflag:s29], $0x1  }
0xca: {  	[sflag:s29] =	ssyncadd.s32 $0xFFFFFFFF  }
0xcb: {  	_ =	strace $0x9000004B  }
0xcc: {  	_ =	sfence  }
0xcd: {  	s30 =	sld [smem:$0x0];
	_ =	sdelay $0x2  }
0xce: {  	s31 =	sshll.u32 s1, $0xD;
	s1 =	sshrl.u32 s1, $0x2  }
0xcf: {  	s4 =	sand.u32 $0x4000, s31;
	s1 =	sadd.s32 s1, s30  }
0xd0: {  	s0 =	sor.u32 s4, s0;
	s1 =	sshll.u32 s1, $0x11  }
0xd1: {  	s0 =	sor.u32 s1, s0  }
0xd2: {  	s0 =	sadd.s32 $0x8F2B, s0  }
0xd3: {  	[sflag:s0] =	ssyncadd.remote.s32 $0x1  }
0xd4: {  	_ =	sfence.sel $0xFFFF  }
0xd5: {  	[dreg:$0x0] =	wrdreg $0xFFFFFFFF;
	(pc) =	sbr.abs _section_cstart, $3  }
0xd6: {  	[dreg:$0x1] =	wrdreg $0xFFFFFFFF  }
0xd7: {  	_ =	task.clear_ibuf [dreg:s22], $0x2FFFF;
	_ =	strace $0x9FFFFFFF  }
0xd8: {  	(tm) =	ssettm $0x7FFFFFFF  }
0xd9: {  	_ =	shalt  }
tec
execute0_lowered:
.L_overlay_start_1:
0x0: {  	(tag) =	ssettag $0x1  }
0x1: {  	s0 =	srdreg.scid  }
0x2: {  	s30 =	sand.u32 $0x1, s0  }
0x3: {  	s0 =	stileid.u32;
	s1 =	sshll.u32 s30, $0x4  }
0x4: {  	s2 =	rddreg [dreg:$0x0];
	s11 =	sor.u32 s0, s1  }
0x5: {  	s4 =	rddreg [dreg:$0x1];
	s5 =	smul.u32 $0xA0, s11  }
0x6: {  	s9 =	rddreg [dreg:$0x2];
	s3 =	simm.s32 $0x0  }
0x7: {  	[smem:$0x7FF] =	sst s3;
	s4 =	sadd.s32 s4, s5  }
0x8: {  	_ =	strace $0x8000004A;
	[dreg:$0x4] =	wrdreg s4  }
0x9: {  	s4 =	simm.s32 $0x5;
	s25 =	rddreg [dreg:$0x4]  }
0xa: {  	[tilespmem:s3], [sflag:$0x5] =	stream.linear.gather [hbm4b:s25+s3], $0x500, $0x38;
	[tilespmem:$0x8500] =	vst v63  }
0xb: {  	_ =	swait.ge [sflag:s4], $0x500  }
0xc: {  	[sflag:s4] =	ssyncset.done $0x0  }
0xd: {  	s6 =	simm.s32 $0x500;
	s5 =	simm.s32 $0x80;
	[sflag:s4] =	ssyncadd.s32 $0xFFFFFB00  }
0xe: {  	[tilespmem:s6], [sflag:$0x1] =	stream.indirect.gather [hbm4b:s2+s5], $0x80, s3, s5, $0xb8;
	[tilespmem:$0x8500] =	vst v63  }
0xf: {  	s7 =	simm.s32 $0x4500;
	s8 =	simm.s32 $0x1;
	s10 =	smul.u32 $0x28000, s11  }
0x10: {  	[tilespmem:s7], [sflag:$0x2] =	stream.indirect.gather [hbm4b:s2+s5], $0x80, s5, s5, $0xb8;
	[tilespmem:$0x8500] =	vst v63  }
0x11: {  	_ =	swait.ge [sflag:s8], $0x4000  }
0x12: {  	s13 =	sadd.s32 $0xA9200, s9;
	s26 =	sshrl.u32 s10, $0x3;
	[sflag:s8] =	ssyncset.done $0x0  }
0x13: {  	s10 =	simm.s32 $0x3;
	s9 =	sadd.s32 s13, s26;
	[sflag:s8] =	ssyncadd.s32 $0xFFFFC000  }
0x14: {  	[hbm4b:s9+s3] =	stream.linear.scatter [tilespmem:s6], [sflag:$0x3], $0x4000, $0x38;
	[tilespmem:$0x8500] =	vst v63  }
0x15: {  	_ =	swait.ge [sflag:s10], $0x4000  }
0x16: {  	s12 =	simm.s32 $0x2;
	[sflag:s10] =	ssyncset.done $0x0  }
0x17: {  	s14 =	smul.u32 $0x5000, s11;
	s11 =	simm.s32 $0x100;
	[sflag:s10] =	ssyncadd.s32 $0xFFFFC000  }
0x18: {  	[tilespmem:s6], [sflag:$0x1] =	stream.indirect.gather [hbm4b:s2+s5], $0x80, s11, s5, $0xb8;
	[tilespmem:$0x8500] =	vst v63  }
0x19: {  	_ =	swait.ge [sflag:s12], $0x4000  }
0x1a: {  	s31 =	sadd.s32 s13, s14;
	[sflag:s12] =	ssyncset.done $0x0  }
0x1b: {  	s14 =	sadd.s32 $0x800, s31;
	s13 =	simm.s32 $0x4;
	[sflag:s12] =	ssyncadd.s32 $0xFFFFC000  }
0x1c: {  	[hbm4b:s14+s3] =	stream.linear.scatter [tilespmem:s7], [sflag:$0x4], $0x4000, $0x38;
	[tilespmem:$0x8500] =	vst v63  }
0x1d: {  	_ =	swait.ge [sflag:s13], $0x4000  }
0x1e: {  	[sflag:s13] =	ssyncset.done $0x0  }
0x1f: {  	s15 =	simm.s32 $0x180;
	[sflag:s13] =	ssyncadd.s32 $0xFFFFC000  }
0x20: {  	[tilespmem:s7], [sflag:$0x2] =	stream.indirect.gather [hbm4b:s2+s5], $0x80, s15, s5, $0xb8;
	[tilespmem:$0x8500] =	vst v63  }
0x21: {  	_ =	swait.ge [sflag:s8], $0x4000  }
0x22: {  	[sflag:s8] =	ssyncset.done $0x0  }
0x23: {  	s16 =	sadd.s32 $0x1000, s9;
	[sflag:s8] =	ssyncadd.s32 $0xFFFFC000  }
0x24: {  	[hbm4b:s16+s3] =	stream.linear.scatter [tilespmem:s6], [sflag:$0x3], $0x4000, $0x38;
	[tilespmem:$0x8500] =	vst v63  }
0x25: {  	_ =	swait.ge [sflag:s10], $0x4000  }
0x26: {  	[sflag:s10] =	ssyncset.done $0x0  }
0x27: {  	s17 =	simm.s32 $0x200;
	[sflag:s10] =	ssyncadd.s32 $0xFFFFC000  }
0x28: {  	[tilespmem:s6], [sflag:$0x1] =	stream.indirect.gather [hbm4b:s2+s5], $0x80, s17, s5, $0xb8;
	[tilespmem:$0x8500] =	vst v63  }
0x29: {  	_ =	swait.ge [sflag:s12], $0x4000  }
0x2a: {  	[sflag:s12] =	ssyncset.done $0x0  }
0x2b: {  	s18 =	sadd.s32 $0x1800, s31;
	[sflag:s12] =	ssyncadd.s32 $0xFFFFC000  }
0x2c: {  	[hbm4b:s18+s3] =	stream.linear.scatter [tilespmem:s7], [sflag:$0x4], $0x4000, $0x38;
	[tilespmem:$0x8500] =	vst v63  }
0x2d: {  	_ =	swait.ge [sflag:s13], $0x4000  }
0x2e: {  	[sflag:s13] =	ssyncset.done $0x0  }
0x2f: {  	s19 =	simm.s32 $0x280;
	[sflag:s13] =	ssyncadd.s32 $0xFFFFC000  }
0x30: {  	[tilespmem:s7], [sflag:$0x2] =	stream.indirect.gather [hbm4b:s2+s5], $0x80, s19, s5, $0xb8;
	[tilespmem:$0x8500] =	vst v63  }
0x31: {  	_ =	swait.ge [sflag:s8], $0x4000  }
0x32: {  	[sflag:s8] =	ssyncset.done $0x0  }
0x33: {  	s20 =	sadd.s32 $0x2000, s9;
	[sflag:s8] =	ssyncadd.s32 $0xFFFFC000  }
0x34: {  	[hbm4b:s20+s3] =	stream.linear.scatter [tilespmem:s6], [sflag:$0x3], $0x4000, $0x38;
	[tilespmem:$0x8500] =	vst v63  }
0x35: {  	_ =	swait.ge [sflag:s10], $0x4000  }
0x36: {  	[sflag:s10] =	ssyncset.done $0x0  }
0x37: {  	s21 =	simm.s32 $0x300;
	[sflag:s10] =	ssyncadd.s32 $0xFFFFC000  }
0x38: {  	[tilespmem:s6], [sflag:$0x1] =	stream.indirect.gather [hbm4b:s2+s5], $0x80, s21, s5, $0xb8;
	[tilespmem:$0x8500] =	vst v63  }
0x39: {  	_ =	swait.ge [sflag:s12], $0x4000  }
0x3a: {  	[sflag:s12] =	ssyncset.done $0x0  }
0x3b: {  	s22 =	sadd.s32 $0x2800, s31;
	[sflag:s12] =	ssyncadd.s32 $0xFFFFC000  }
0x3c: {  	[hbm4b:s22+s3] =	stream.linear.scatter [tilespmem:s7], [sflag:$0x4], $0x4000, $0x38;
	[tilespmem:$0x8500] =	vst v63  }
0x3d: {  	_ =	swait.ge [sflag:s13], $0x4000  }
0x3e: {  	[sflag:s13] =	ssyncset.done $0x0  }
0x3f: {  	s23 =	simm.s32 $0x380;
	[sflag:s13] =	ssyncadd.s32 $0xFFFFC000  }
0x40: {  	[tilespmem:s7], [sflag:$0x2] =	stream.indirect.gather [hbm4b:s2+s5], $0x80, s23, s5, $0xb8;
	[tilespmem:$0x8500] =	vst v63  }
0x41: {  	_ =	swait.ge [sflag:s8], $0x4000  }
0x42: {  	[sflag:s8] =	ssyncset.done $0x0  }
0x43: {  	s24 =	sadd.s32 $0x3000, s9;
	[sflag:s8] =	ssyncadd.s32 $0xFFFFC000  }
0x44: {  	[hbm4b:s24+s3] =	stream.linear.scatter [tilespmem:s6], [sflag:$0x3], $0x4000, $0x38;
	[tilespmem:$0x8500] =	vst v63  }
0x45: {  	_ =	swait.ge [sflag:s10], $0x4000  }
0x46: {  	[sflag:s10] =	ssyncset.done $0x0  }
0x47: {  	s25 =	simm.s32 $0x400;
	[sflag:s10] =	ssyncadd.s32 $0xFFFFC000  }
0x48: {  	[tilespmem:s6], [sflag:$0x1] =	stream.indirect.gather [hbm4b:s2+s5], $0x80, s25, s5, $0xb8;
	[tilespmem:$0x8500] =	vst v63  }
0x49: {  	_ =	swait.ge [sflag:s12], $0x4000  }
0x4a: {  	[sflag:s12] =	ssyncset.done $0x0  }
0x4b: {  	s26 =	sadd.s32 $0x3800, s31;
	[sflag:s12] =	ssyncadd.s32 $0xFFFFC000  }
0x4c: {  	[hbm4b:s26+s3] =	stream.linear.scatter [tilespmem:s7], [sflag:$0x4], $0x4000, $0x38;
	[tilespmem:$0x8500] =	vst v63  }
0x4d: {  	_ =	swait.ge [sflag:s13], $0x4000  }
0x4e: {  	[sflag:s13] =	ssyncset.done $0x0  }
0x4f: {  	s28 =	simm.s32 $0x480;
	[sflag:s13] =	ssyncadd.s32 $0xFFFFC000  }
0x50: {  	[tilespmem:s7], [sflag:$0x2] =	stream.indirect.gather [hbm4b:s2+s5], $0x80, s28, s5, $0xb8;
	[tilespmem:$0x8500] =	vst v63  }
0x51: {  	_ =	swait.ge [sflag:s8], $0x4000  }
0x52: {  	s1 =	ssub.s32 $0x2, s30;
	s30 =	sadd.s32 $0x4800, s31;
	[sflag:s8] =	ssyncset.done $0x0  }
0x53: {  	s31 =	sshrl.u32 s1, $0x1;
	s29 =	sadd.s32 $0x4000, s9;
	[sflag:s8] =	ssyncadd.s32 $0xFFFFC000  }
0x54: {  	[hbm4b:s29+s3] =	stream.linear.scatter [tilespmem:s6], [sflag:$0x3], $0x4000, $0x38;
	[tilespmem:$0x8500] =	vst v63  }
0x55: {  	s1 =	ssub.s32 s1, s31;
	_ =	swait.ge [sflag:s12], $0x4000  }
0x56: {  	s1 =	smax.u32 s1, $0x1;
	[sflag:s12] =	ssyncset.done $0x0  }
0x57: {  	p0 =	sne.s32 s1, $0x1;
	[sflag:s12] =	ssyncadd.s32 $0xFFFFC000  }
0x58: {  	[hbm4b:s30+s3] =	stream.linear.scatter [tilespmem:s7], [sflag:$0x4], $0x4000, $0x38;
	[tilespmem:$0x8500] =	vst v63  }
.Ltmp0:
0x59: {  	_ =	swait.ge [sflag:s10], $0x4000;
	(pc) =	sbr.rel @!p0 .LBB2_2-.Ltmp0, $4  }
0x5a: {  	[sflag:s10] =	ssyncset.done $0x0  }
0x5b: {  	[sflag:s10] =	ssyncadd.s32 $0xFFFFC000  }
0x5c: {  	_ =	swait.ge [sflag:s13], $0x4000  }
0x5d: {  	s31 =	sadd.s32 $0xFFFFFFFF, s1;
	[sflag:s13] =	ssyncset.done $0x0  }
.LBB2_1:
0x5e: {  	s1 =	rddreg [dreg:$0x4];
	[sflag:s13] =	ssyncadd.s32 $0xFFFFC000  }
0x5f: {  	[tilespmem:s3], [sflag:$0x5] =	stream.linear.gather [hbm4b:s1+s3], $0x500, $0x38;
	[tilespmem:$0x8500] =	vst v63  }
0x60: {  	_ =	swait.ge [sflag:s4], $0x500  }
0x61: {  	[sflag:s4] =	ssyncset.done $0x0  }
0x62: {  	[sflag:s4] =	ssyncadd.s32 $0xFFFFFB00  }
0x63: {  	[tilespmem:s6], [sflag:$0x1] =	stream.indirect.gather [hbm4b:s2+s5], $0x80, s3, s5, $0xb8;
	[tilespmem:$0x8500] =	vst v63  }
0x64: {  	_ = 	snop  }
0x65: {  	[tilespmem:s7], [sflag:$0x2] =	stream.indirect.gather [hbm4b:s2+s5], $0x80, s5, s5, $0xb8;
	[tilespmem:$0x8500] =	vst v63  }
0x66: {  	_ =	swait.ge [sflag:s8], $0x4000  }
0x67: {  	[sflag:s8] =	ssyncset.done $0x0  }
0x68: {  	[sflag:s8] =	ssyncadd.s32 $0xFFFFC000  }
0x69: {  	[hbm4b:s9+s3] =	stream.linear.scatter [tilespmem:s6], [sflag:$0x3], $0x4000, $0x38;
	[tilespmem:$0x8500] =	vst v63  }
0x6a: {  	_ =	swait.ge [sflag:s10], $0x4000  }
0x6b: {  	[sflag:s10] =	ssyncset.done $0x0  }
0x6c: {  	[sflag:s10] =	ssyncadd.s32 $0xFFFFC000  }
0x6d: {  	[tilespmem:s6], [sflag:$0x1] =	stream.indirect.gather [hbm4b:s2+s5], $0x80, s11, s5, $0xb8;
	[tilespmem:$0x8500] =	vst v63  }
0x6e: {  	_ =	swait.ge [sflag:s12], $0x4000  }
0x6f: {  	[sflag:s12] =	ssyncset.done $0x0  }
0x70: {  	[sflag:s12] =	ssyncadd.s32 $0xFFFFC000  }
0x71: {  	[hbm4b:s14+s3] =	stream.linear.scatter [tilespmem:s7], [sflag:$0x4], $0x4000, $0x38;
	[tilespmem:$0x8500] =	vst v63  }
0x72: {  	_ =	swait.ge [sflag:s13], $0x4000  }
0x73: {  	[sflag:s13] =	ssyncset.done $0x0  }
0x74: {  	[sflag:s13] =	ssyncadd.s32 $0xFFFFC000  }
0x75: {  	[tilespmem:s7], [sflag:$0x2] =	stream.indirect.gather [hbm4b:s2+s5], $0x80, s15, s5, $0xb8;
	[tilespmem:$0x8500] =	vst v63  }
0x76: {  	_ =	swait.ge [sflag:s8], $0x4000  }
0x77: {  	[sflag:s8] =	ssyncset.done $0x0  }
0x78: {  	[sflag:s8] =	ssyncadd.s32 $0xFFFFC000  }
0x79: {  	[hbm4b:s16+s3] =	stream.linear.scatter [tilespmem:s6], [sflag:$0x3], $0x4000, $0x38;
	[tilespmem:$0x8500] =	vst v63  }
0x7a: {  	_ =	swait.ge [sflag:s10], $0x4000  }
0x7b: {  	[sflag:s10] =	ssyncset.done $0x0  }
0x7c: {  	[sflag:s10] =	ssyncadd.s32 $0xFFFFC000  }
0x7d: {  	[tilespmem:s6], [sflag:$0x1] =	stream.indirect.gather [hbm4b:s2+s5], $0x80, s17, s5, $0xb8;
	[tilespmem:$0x8500] =	vst v63  }
0x7e: {  	_ =	swait.ge [sflag:s12], $0x4000  }
0x7f: {  	[sflag:s12] =	ssyncset.done $0x0  }
0x80: {  	[sflag:s12] =	ssyncadd.s32 $0xFFFFC000  }
0x81: {  	[hbm4b:s18+s3] =	stream.linear.scatter [tilespmem:s7], [sflag:$0x4], $0x4000, $0x38;
	[tilespmem:$0x8500] =	vst v63  }
0x82: {  	_ =	swait.ge [sflag:s13], $0x4000  }
0x83: {  	[sflag:s13] =	ssyncset.done $0x0  }
0x84: {  	[sflag:s13] =	ssyncadd.s32 $0xFFFFC000  }
0x85: {  	[tilespmem:s7], [sflag:$0x2] =	stream.indirect.gather [hbm4b:s2+s5], $0x80, s19, s5, $0xb8;
	[tilespmem:$0x8500] =	vst v63  }
0x86: {  	_ =	swait.ge [sflag:s8], $0x4000  }
0x87: {  	[sflag:s8] =	ssyncset.done $0x0  }
0x88: {  	[sflag:s8] =	ssyncadd.s32 $0xFFFFC000  }
0x89: {  	[hbm4b:s20+s3] =	stream.linear.scatter [tilespmem:s6], [sflag:$0x3], $0x4000, $0x38;
	[tilespmem:$0x8500] =	vst v63  }
0x8a: {  	_ =	swait.ge [sflag:s10], $0x4000  }
0x8b: {  	[sflag:s10] =	ssyncset.done $0x0  }
0x8c: {  	[sflag:s10] =	ssyncadd.s32 $0xFFFFC000  }
0x8d: {  	[tilespmem:s6], [sflag:$0x1] =	stream.indirect.gather [hbm4b:s2+s5], $0x80, s21, s5, $0xb8;
	[tilespmem:$0x8500] =	vst v63  }
0x8e: {  	_ =	swait.ge [sflag:s12], $0x4000  }
0x8f: {  	[sflag:s12] =	ssyncset.done $0x0  }
0x90: {  	[sflag:s12] =	ssyncadd.s32 $0xFFFFC000  }
0x91: {  	[hbm4b:s22+s3] =	stream.linear.scatter [tilespmem:s7], [sflag:$0x4], $0x4000, $0x38;
	[tilespmem:$0x8500] =	vst v63  }
0x92: {  	_ =	swait.ge [sflag:s13], $0x4000  }
0x93: {  	[sflag:s13] =	ssyncset.done $0x0  }
0x94: {  	[sflag:s13] =	ssyncadd.s32 $0xFFFFC000  }
0x95: {  	[tilespmem:s7], [sflag:$0x2] =	stream.indirect.gather [hbm4b:s2+s5], $0x80, s23, s5, $0xb8;
	[tilespmem:$0x8500] =	vst v63  }
0x96: {  	_ =	swait.ge [sflag:s8], $0x4000  }
0x97: {  	[sflag:s8] =	ssyncset.done $0x0  }
0x98: {  	[sflag:s8] =	ssyncadd.s32 $0xFFFFC000  }
0x99: {  	[hbm4b:s24+s3] =	stream.linear.scatter [tilespmem:s6], [sflag:$0x3], $0x4000, $0x38;
	[tilespmem:$0x8500] =	vst v63  }
0x9a: {  	_ =	swait.ge [sflag:s10], $0x4000  }
0x9b: {  	[sflag:s10] =	ssyncset.done $0x0  }
0x9c: {  	[sflag:s10] =	ssyncadd.s32 $0xFFFFC000  }
0x9d: {  	[tilespmem:s6], [sflag:$0x1] =	stream.indirect.gather [hbm4b:s2+s5], $0x80, s25, s5, $0xb8;
	[tilespmem:$0x8500] =	vst v63  }
0x9e: {  	_ =	swait.ge [sflag:s12], $0x4000  }
0x9f: {  	[sflag:s12] =	ssyncset.done $0x0  }
0xa0: {  	[sflag:s12] =	ssyncadd.s32 $0xFFFFC000  }
0xa1: {  	[hbm4b:s26+s3] =	stream.linear.scatter [tilespmem:s7], [sflag:$0x4], $0x4000, $0x38;
	[tilespmem:$0x8500] =	vst v63  }
0xa2: {  	_ =	swait.ge [sflag:s13], $0x4000  }
0xa3: {  	[sflag:s13] =	ssyncset.done $0x0  }
0xa4: {  	[sflag:s13] =	ssyncadd.s32 $0xFFFFC000  }
0xa5: {  	[tilespmem:s7], [sflag:$0x2] =	stream.indirect.gather [hbm4b:s2+s5], $0x80, s28, s5, $0xb8;
	[tilespmem:$0x8500] =	vst v63  }
0xa6: {  	_ =	swait.ge [sflag:s8], $0x4000  }
0xa7: {  	[sflag:s8] =	ssyncset.done $0x0  }
0xa8: {  	[sflag:s8] =	ssyncadd.s32 $0xFFFFC000  }
0xa9: {  	[hbm4b:s29+s3] =	stream.linear.scatter [tilespmem:s6], [sflag:$0x3], $0x4000, $0x38;
	[tilespmem:$0x8500] =	vst v63  }
0xaa: {  	_ =	swait.ge [sflag:s12], $0x4000  }
0xab: {  	[sflag:s12] =	ssyncset.done $0x0  }
0xac: {  	p0 =	sne.s32 s31, $0x1;
	[sflag:s12] =	ssyncadd.s32 $0xFFFFC000  }
0xad: {  	[hbm4b:s30+s3] =	stream.linear.scatter [tilespmem:s7], [sflag:$0x4], $0x4000, $0x38;
	[tilespmem:$0x8500] =	vst v63  }
.Ltmp1:
0xae: {  	_ =	swait.ge [sflag:s10], $0x4000;
	(pc) =	sbr.rel @p0 .LBB2_1-.Ltmp1, $4  }
0xaf: {  	[sflag:s10] =	ssyncset.done $0x0  }
0xb0: {  	[sflag:s10] =	ssyncadd.s32 $0xFFFFC000  }
0xb1: {  	_ =	swait.ge [sflag:s13], $0x4000  }
0xb2: {  	s31 =	sadd.s32 $0xFFFFFFFF, s31;
	[sflag:s13] =	ssyncset.done $0x0  }
.LBB2_2:
0xb3: {  	[sflag:s13] =	ssyncadd.s32 $0xFFFFC000  }
0xb4: {  	_ =	sfence.sel $0x180000  }
0xb5: {  	[bflag:$0x0] =	sbarrier.arrive $0xFFFF  }
0xb6: {  	_ =	strace $0x9000004A  }
0xb7: {  	[bflag:$0x2] =	sbarrier.arrive $0xFFFF  }
0xb8: {  	p0 =	sne.s32 s0, $0x0;
	s0 =	rddreg [dreg:$0x3]  }
0xb9: {  	s0 =	sadd.s32 @!p0 $0x100000, s0  }
0xba: {  	[sflag:s0] =	ssyncadd.tile.s32 @!p0 $0x1;
	_ =	shalt  }
.Lfunc_end2:
_tile_overlayer_lowered:
.L_overlay_start_2:
0xbb: {  	(tag) =	ssettag $0x2  }
0xbc: {  	s0 =	rddreg [dreg:$0x0];
	s2 =	stileid.u32  }
0xbd: {  	s1 =	rddreg [dreg:$0x1];
	p0 =	sne.s32 s2, $0x0  }
0xbe: {  	s3 =	rddreg [dreg:$0x2];
	[bflag:$0x3] =	sbarrier.arrive $0xFFFF;
	s2 =	simm.s32 @!p0 $0x1C05  }
0xbf: {  	[timem:s3], [sflag:s2] =	dma.local @!p0 [hbm:s0], s1  }
0xc0: {  	s0 =	simm.s32 @!p0 $0x5  }
0xc1: {  	_ =	swait.ge @!p0 [sflag:s0], s1  }
0xc2: {  	s1 =	ssub.s32 @!p0 $0x0, s1;
	[sflag:s0] =	ssyncset.done @!p0 $0x0  }
0xc3: {  	[sflag:s0] =	ssyncadd.s32 @!p0 s1  }
0xc4: {  	[bflag:$0x3] =	sbarrier.arrive $0xFFFF  }
0xc5: {  	_ =	shalt  }

// kernel: kernel.30.cloned.1.call-start
scs
__scs_entry_jumppad:
0x0: {  	(pc) =	sbr.rel $0x88, $3  }
0x1: {  	(tag) =	ssettag $0x0;
	lr =	simm.s32 $0x1  }
0x2: {  	[smem:$0x3F92] =	sst lr;
	_ =	strace $0xD0000000  }
0x3: {  	_ = 	snop  }
0x4: {  	_ = 	snop  }
0x5: {  	_ = 	snop  }
0x6: {  	_ = 	snop  }
0x7: {  	_ = 	snop  }
__scs_overlays_trampoline_lowered:
0x8: {  	[smem:$0x3FA1] =	sst s0  }
0x9: {  	[smem:$0x3FA2] =	sst s1  }
0xa: {  	[smem:$0x3FA3] =	sst s2  }
0xb: {  	[smem:$0x3FA4] =	sst s3  }
0xc: {  	[smem:$0x3FA5] =	sst s4  }
0xd: {  	[smem:$0x3FA6] =	sst s5  }
0xe: {  	[smem:$0x3FA7] =	sst s6  }
0xf: {  	[smem:$0x3FA8] =	sst s7  }
0x10: {  	[smem:$0x3FA9] =	sst s8  }
0x11: {  	[smem:$0x3FAA] =	sst s9;
	s0 =	simm.s32 @!p0 $0x0  }
0x12: {  	s1 =	sld [smem:$0x3F90];
	s0 =	simm.s32 @p0 $0x1  }
0x13: {  	[smem:$0x3FAB] =	sst s0;
	s0 =	simm.s32 @!p1 $0x0  }
0x14: {  	s2 =	sld [smem:$0x3F8F];
	s0 =	simm.s32 @p1 $0x1  }
0x15: {  	[smem:$0x3FAC] =	sst s0;
	s0 =	simm.s32 @!p2 $0x0  }
0x16: {  	s3 =	sld [smem:$0x3FDB];
	s0 =	simm.s32 @p2 $0x1  }
0x17: {  	s4 =	simm.s32 $0x1BF5;
	[smem:$0x3FAE] =	sst s0  }
0x18: {  	s0 =	sld [smem:$0x3F91];
	_ =	swait.ge [sflag:s4], $0x0  }
0x19: {  	s7 =	sld [smem:$0x3F92]  }
0x1a: {  	s8 =	sadd.s32 $0xFFFFE003, lr  }
0x1b: {  	s9 =	sadd.s32 $0xFFFFFEF7, lr;
	s5 =	simm.s32 $0xFFFFFFFF;
	p2 =	slt.u32 s8, $0xFFFFF086  }
0x1c: {  	p1 =	slt.u32 s9, $0xF7A;
	s5 =	simm.s32 @!p2 $0x0  }
0x1d: {  	s5 =	simm.s32 @p1 $0x1;
	p0 =	seq.s32 s7, s2  }
0x1e: {  	s7 =	smul.u32 @!p0 $0xF7A, s2;
	p2 =	seq.s32 @!p0 s5, $0x0  }
0x1f: {  	s9 =	smul.u32 $0xF7A, s1;
	s8 =	simm.s32 @!p0 $0x1BF5;
	p2 =	por !p2, p0  }
0x20: {  	[sflag:s8] =	ssyncset.s32 @!p0 $0xFFFFF086;
	s6 =	sadd.s32 @!p0 s3, s7;
	s7 =	simm.s32 @!p0 $0x108  }
0x21: {  	s3 =	sadd.s32 s3, s9;
	s6 =	sadd.s32 @!p0 $0x88, s6;
	s7 =	simm.s32 @p2 $0x1082  }
0x22: {  	[simem:s7], [sflag:s8] =	dma.local @!p0 [hbm:s6], $0xF7A  }
0x23: {  	s9 =	sor.u32 $0xD0000000, s2;
	s6 =	simm.s32 $0x108;
	_ =	swait.ge @!p0 [sflag:s8], $0x0  }
0x24: {  	s3 =	sadd.s32 $0x88, s3;
	s6 =	simm.s32 @!p1 $0x1082;
	[sflag:s4] =	ssyncset.s32 $0xFFFFF086  }
0x25: {  	[simem:s6], [sflag:s4] =	dma.local [hbm:s3], $0xF7A  }
0x26: {  	[smem:$0x3F92] =	sst s1;
	(tag) =	ssettag s2;
	_ =	strace s9  }
0x27: {  	s1 =	sld [smem:$0x3FA2]  }
0x28: {  	s2 =	sld [smem:$0x3FA3]  }
0x29: {  	s4 =	sld [smem:$0x3FA5]  }
0x2a: {  	p0 =	seq.s32 s5, $0x0;
	s5 =	sld [smem:$0x3FA6]  }
0x2b: {  	s6 =	sld [smem:$0x3FA7]  }
0x2c: {  	s7 =	sld [smem:$0x3FA8]  }
0x2d: {  	s3 =	simm.s32 $0x108;
	s8 =	sld [smem:$0x3FA9]  }
0x2e: {  	s3 =	simm.s32 @!p0 $0x1082;
	s9 =	sld [smem:$0x3FAA]  }
0x2f: {  	lr =	sadd.s32 s0, s3;
	s0 =	sld [smem:$0x3FA1]  }
0x30: {  	s3 =	sld [smem:$0x3FA4]  }
0x31: {  	[smem:$0x3FAD] =	sst s10  }
0x32: {  	s10 =	sld [smem:$0x3FAB];
	_ =	sdelay $0x3  }
0x33: {  	p0 =	seq.s32 s10, $0x1;
	s10 =	sld [smem:$0x3FAD];
	_ =	sdelay $0x3  }
0x34: {  	[smem:$0x3FAD] =	sst s10  }
0x35: {  	s10 =	sld [smem:$0x3FAC];
	_ =	sdelay $0x3  }
0x36: {  	p1 =	seq.s32 s10, $0x1;
	s10 =	sld [smem:$0x3FAD];
	_ =	sdelay $0x3  }
0x37: {  	[smem:$0x3FAD] =	sst s10  }
0x38: {  	s10 =	sld [smem:$0x3FAE]  }
0x39: {  	_ = 	snop;
	(pc) =	sbr.ind lr, $3  }
0x3a: {  	_ = 	snop  }
0x3b: {  	_ = 	snop  }
0x3c: {  	p2 =	seq.s32 s10, $0x1;
	s10 =	sld [smem:$0x3FAD]  }
0x3d: {  	_ =	shalt  }
0x3e: {  	_ =	shalt  }
0x3f: {  	_ =	shalt  }
0x40: {  	_ =	shalt  }
0x41: {  	_ =	shalt  }
0x42: {  	_ =	shalt  }
0x43: {  	_ =	shalt  }
0x44: {  	_ =	shalt  }
0x45: {  	_ =	shalt  }
0x46: {  	_ =	shalt  }
0x47: {  	_ =	shalt  }
0x48: {  	_ =	shalt  }
0x49: {  	_ =	shalt  }
0x4a: {  	_ =	shalt  }
0x4b: {  	_ =	shalt  }
0x4c: {  	_ =	shalt  }
0x4d: {  	_ =	shalt  }
0x4e: {  	_ =	shalt  }
0x4f: {  	_ =	shalt  }
0x50: {  	_ =	shalt  }
0x51: {  	_ =	shalt  }
0x52: {  	_ =	shalt  }
0x53: {  	_ =	shalt  }
0x54: {  	_ =	shalt  }
0x55: {  	_ =	shalt  }
0x56: {  	_ =	shalt  }
0x57: {  	_ =	shalt  }
0x58: {  	_ =	shalt  }
0x59: {  	_ =	shalt  }
0x5a: {  	_ =	shalt  }
0x5b: {  	_ =	shalt  }
0x5c: {  	_ =	shalt  }
0x5d: {  	_ =	shalt  }
0x5e: {  	_ =	shalt  }
0x5f: {  	_ =	shalt  }
0x60: {  	_ =	shalt  }
0x61: {  	_ =	shalt  }
0x62: {  	_ =	shalt  }
0x63: {  	_ =	shalt  }
0x64: {  	_ =	shalt  }
0x65: {  	_ =	shalt  }
0x66: {  	_ =	shalt  }
0x67: {  	_ =	shalt  }
0x68: {  	_ =	shalt  }
0x69: {  	_ =	shalt  }
0x6a: {  	_ =	shalt  }
0x6b: {  	_ =	shalt  }
0x6c: {  	_ =	shalt  }
0x6d: {  	_ =	shalt  }
0x6e: {  	_ =	shalt  }
0x6f: {  	_ =	shalt  }
0x70: {  	_ =	shalt  }
0x71: {  	_ =	shalt  }
0x72: {  	_ =	shalt  }
0x73: {  	_ =	shalt  }
0x74: {  	_ =	shalt  }
0x75: {  	_ =	shalt  }
0x76: {  	_ =	shalt  }
0x77: {  	_ =	shalt  }
0x78: {  	_ =	shalt  }
0x79: {  	_ =	shalt  }
0x7a: {  	_ =	shalt  }
0x7b: {  	_ =	shalt  }
0x7c: {  	_ =	shalt  }
0x7d: {  	_ =	shalt  }
0x7e: {  	_ =	shalt  }
0x7f: {  	_ =	shalt  }
0x80: {  	_ =	shalt  }
0x81: {  	_ =	shalt  }
0x82: {  	_ =	shalt  }
0x83: {  	_ =	shalt  }
0x84: {  	_ =	shalt  }
0x85: {  	_ =	shalt  }
0x86: {  	_ =	shalt  }
0x87: {  	_ =	shalt  }
.Lfunc_end0:
.L_simem_size_0:
called_computation.5_lowered:
.L_overlay_start_0:
0x88: {  	s2 =	sld [smem:$0x3FD9]  }
0x89: {  	s3 =	sld [smem:$0x3FFE];
	_ =	sdelay $0x1  }
0x8a: {  	s1 =	srdreg.scid  }
0x8b: {  	s0 =	sand.u32 $0x1, s1  }
0x8c: {  	s17 =	sshll.u32 s0, $0xA;
	s2 =	sadd.s32 s3, s2  }
0x8d: {  	s2 =	sadd.s32 s2, s17  }
0x8e: {  	[smem:$0x3FB9] =	sst s2  }
0x8f: {  	_ = 	snop  }
0x90: {  	(tm) =	ssettm $0x1  }
0x91: {  	s18 =	sld [smem:$0x3FFB];
	_ =	sdelay $0x3  }
0x92: {  	_ =	strace s18  }
0x93: {  	s2 =	sld [smem:$0x3FFC];
	_ =	sdelay $0x3  }
0x94: {  	_ =	strace s2  }
0x95: {  	s2 =	sld [smem:$0x3FFD];
	_ =	sdelay $0x3  }
0x96: {  	_ =	strace s2  }
0x97: {  	_ =	strace $0x8FFFFFFF  }
0x98: {  	s19 =	sld [smem:$0x3FDB];
	_ =	sdelay $0x1  }
0x99: {  	s20 =	simm.s32 $_scs_section_size  }
0x9a: {  	s4 =	simm.s32 $_size__tile_overlayer_lowered;
	s5 =	simm.s32 $_tile_overlayer_lowered  }
0x9b: {  	s6 =	simm.s32 $0x1BFF;
	s21 =	sshll.u32 s5, $0x1;
	s3 =	sadd.s32 s20, s19  }
0x9c: {  	s22 =	simm.s32 $0x0;
	s4 =	sshll.u32 s4, $0x1;
	s5 =	sadd.s32 s21, s3  }
0x9d: {  	[timem:s22], [sflag:s6] =	dma.local [hbm:s5], s4  }
0x9e: {  	_ =	swait.ge [sflag:s6], s4  }
0x9f: {  	s4 =	ssub.s32 $0x0, s4;
	[sflag:s6] =	ssyncset.done $0x0  }
0xa0: {  	[sflag:s6] =	ssyncadd.s32 s4;
	_ =	sdelay $0x1  }
0xa1: {  	s23 =	simm.s32 $0x1B8B  }
0xa2: {  	_ =	swait.ge [sflag:s23], $0x1  }
0xa3: {  	[sflag:s23] =	ssyncset.done $0x0  }
0xa4: {  	[sflag:s23] =	ssyncadd.s32 $0xFFFFFFFF  }
0xa5: {  	s4 =	sld [smem:$0x0]  }
0xa6: {  	s5 =	sand.u32 $0xFFFFFFFE, s1  }
0xa7: {  	p0 =	sne.s32 s1, s5  }
0xa8: {  	s5 =	sshll.u32 @p0 s5, $0xE  }
0xa9: {  	s5 =	sadd.s32 @p0 $0x11B8D, s5;
	s6 =	sshll.u32 @p0 s4, $0x11  }
0xaa: {  	s5 =	sor.u32 @p0 s6, s5  }
0xab: {  	[sflag:s5] =	ssyncadd.remote.s32 @p0 $0x1;
	_ =	sdelay $0x1  }
0xac: {  	s5 =	simm.s32 @p0 $0x1B8D  }
0xad: {  	_ =	swait.eq @p0 [sflag:s5], $0x1  }
0xae: {  	[sflag:s5] =	ssyncadd.s32 @p0 $0xFFFFFFFF  }
0xaf: {  	s6 =	sshll.u32 @!p0 s1, $0xE  }
0xb0: {  	s6 =	sor.u32 @!p0 $0x4000, s6;
	s5 =	simm.s32 @!p0 $0x1B8D  }
0xb1: {  	s4 =	sshll.u32 @!p0 s4, $0x11;
	s6 =	sadd.s32 @!p0 $0x11B8D, s6;
	_ =	swait.eq @!p0 [sflag:s5], $0x1  }
0xb2: {  	s4 =	sor.u32 @!p0 s4, s6;
	[sflag:s5] =	ssyncadd.s32 @!p0 $0xFFFFFFFF  }
0xb3: {  	s25 =	simm.s32 $0x1B8E;
	s24 =	sld [smem:$0x3FFE];
	[sflag:s4] =	ssyncadd.remote.s32 @!p0 $0x1  }
0xb4: {  	s26 =	simm.s32 $execute0_lowered;
	[smem:$0x3FD2] =	sst s25  }
0xb5: {  	s5 =	sshll.u32 s26, $0x1;
	_ =	strace $0x80000055;
	[dreg:$0x1] =	wrdreg $0xFFFFFFFF  }
0xb6: {  	s28 =	simm.s32 $_size_execute0_lowered;
	s3 =	sadd.s32 s3, s5;
	[dreg:$0x0] =	wrdreg $0x0  }
0xb7: {  	s5 =	sshll.u32 s28, $0x1;
	[dreg:$0x2] =	wrdreg s3  }
0xb8: {  	[dreg:$0x3] =	wrdreg s5  }
0xb9: {  	[dreg:$0x4] =	wrdreg $0xC0  }
0xba: {  	_ =	task [dreg:s22], $0x5FFFF  }
0xbb: {  	[dreg:$0x1] =	wrdreg $0xFFFFFFFF  }
0xbc: {  	[dreg:$0x0] =	wrdreg $0x60  }
0xbd: {  	[dreg:$0x2] =	wrdreg s24  }
0xbe: {  	[dreg:$0x3] =	wrdreg $0x88000  }
0xbf: {  	[dreg:$0x4] =	wrdreg $0xB  }
0xc0: {  	_ =	task.clear_ibuf [dreg:s22], $0x5FFFF;
	_ =	strace $0x90000055  }
0xc1: {  	s29 =	simm.s32 $0xB;
	_ =	strace $0x80000057  }
0xc2: {  	_ =	swait.ge [sflag:s29], $0x1  }
0xc3: {  	[sflag:s29] =	ssyncadd.s32 $0xFFFFFFFF  }
0xc4: {  	_ =	strace $0x90000057  }
0xc5: {  	_ =	sfence  }
0xc6: {  	s30 =	sld [smem:$0x0];
	_ =	sdelay $0x2  }
0xc7: {  	s31 =	sshll.u32 s1, $0xD;
	s1 =	sshrl.u32 s1, $0x2  }
0xc8: {  	s4 =	sand.u32 $0x4000, s31;
	s1 =	sadd.s32 s1, s30  }
0xc9: {  	s0 =	sor.u32 s4, s0;
	s1 =	sshll.u32 s1, $0x11  }
0xca: {  	s0 =	sor.u32 s1, s0  }
0xcb: {  	s0 =	sadd.s32 $0x8F2B, s0  }
0xcc: {  	[sflag:s0] =	ssyncadd.remote.s32 $0x1  }
0xcd: {  	_ =	sfence.sel $0xFFFF  }
0xce: {  	[dreg:$0x0] =	wrdreg $0xFFFFFFFF;
	(pc) =	sbr.abs _section_cstart, $3  }
0xcf: {  	[dreg:$0x1] =	wrdreg $0xFFFFFFFF  }
0xd0: {  	_ =	task.clear_ibuf [dreg:s22], $0x2FFFF;
	_ =	strace $0x9FFFFFFF  }
0xd1: {  	(tm) =	ssettm $0x7FFFFFFF  }
tec
execute0_lowered:
.L_overlay_start_1:
0x0: {  	(tag) =	ssettag $0x1  }
0x1: {  	s0 =	srdreg.scid;
	s16 =	stileid.u32  }
0x2: {  	s4 =	rddreg [dreg:$0x0];
	s7 =	smul.u32 $0x14000, s16  }
0x3: {  	s2 =	rddreg [dreg:$0x1];
	s1 =	sand.u32 $0x1, s0;
	s18 =	smul.u32 $0x50000, s16  }
0x4: {  	s21 =	sshll.u32 s16, $0x6;
	s3 =	sshll.u32 s1, $0x4;
	s8 =	smul.u32 $0x140000, s1  }
0x5: {  	s5 =	sor.u32 s16, s3;
	s3 =	simm.s32 $0x0;
	s17 =	sshrl.u32 s7, $0x3  }
0x6: {  	s6 =	smul.u32 $0x5000, s5;
	[smem:$0x7FF] =	sst s3;
	s5 =	sshll.u32 s5, $0x8  }
0x7: {  	s7 =	sadd.s32 s7, s8;
	_ =	strace $0x80000056;
	s5 =	sadd.s32 s5, s4  }
0x8: {  	s29 =	sadd.s32 s6, s4;
	s6 =	sadd.s32 s17, s4;
	s5 =	sadd.s32 $0x28B200, s5  }
0x9: {  	s7 =	sshrl.u32 s7, $0x3;
	s6 =	sadd.s32 $0x9200, s6;
	[dreg:$0x4] =	wrdreg s5  }
0xa: {  	s19 =	sadd.s32 s7, s4;
	s22 =	sadd.s32 $0x32D200, s29;
	[dreg:$0x3] =	wrdreg s6  }
0xb: {  	s8 =	sshrl.u32 s18, $0x2;
	s24 =	sadd.s32 $0x81200, s19;
	[dreg:$0x5] =	wrdreg s22  }
0xc: {  	s20 =	sadd.s32 s8, s2;
	s4 =	sor.u32 $0x1C05, s21;
	[dreg:$0x6] =	wrdreg s24  }
0xd: {  	s5 =	simm.s32 $0x5;
	s6 =	sshrl.u32 s20, $0x3;
	s23 =	rddreg [dreg:$0x3]  }
0xe: {  	[spmem:s6], [sflag:s4] =	dma.local [hbm:s23], $0x2800  }
0xf: {  	_ =	swait.ge [sflag:s5], $0x2800  }
0x10: {  	[sflag:s5] =	ssyncset.done $0x0  }
0x11: {  	s25 =	rddreg [dreg:$0x4];
	[sflag:s5] =	ssyncadd.s32 $0xFFFFD800  }
0x12: {  	[tilespmem:s3], [sflag:$0x5] =	stream.linear.gather [hbm4b:s25+s3], $0x500, $0x38;
	[tilespmem:$0x1C800] =	vst v63  }
0x13: {  	_ =	swait.ge [sflag:s5], $0x500  }
0x14: {  	[sflag:s5] =	ssyncset.done $0x0  }
0x15: {  	[sflag:s5] =	ssyncadd.s32 $0xFFFFFB00  }
0x16: {  	[bflag:$0x0] =	sbarrier.arrive $0xFFFF  }
0x17: {  	s7 =	simm.s32 $0x800;
	s26 =	rddreg [dreg:$0x5]  }
0x18: {  	[tilespmem:s7], [sflag:$0x1] =	stream.linear.gather [hbm4b:s26+s3], $0x4000, $0x38;
	[tilespmem:$0x1C800] =	vst v63  }
0x19: {  	s9 =	simm.s32 $0x4800;
	s10 =	simm.s32 $0x1;
	s8 =	sadd.s32 $0x32DA00, s29  }
0x1a: {  	[tilespmem:s9], [sflag:$0x2] =	stream.linear.gather [hbm4b:s8+s3], $0x4000, $0x38;
	[tilespmem:$0x1C800] =	vst v63  }
0x1b: {  	_ =	swait.ge [sflag:s10], $0x4000  }
0x1c: {  	[sflag:s10] =	ssyncset.done $0x0  }
0x1d: {  	s11 =	simm.s32 $0x80;
	s12 =	simm.s32 $0x3;
	[sflag:s10] =	ssyncadd.s32 $0xFFFFC000  }
0x1e: {  	[spmem:s2] =	stream.indirect.scatter.add.f32 [tilespmem:s7], [sflag:$0x3], $0x80, s3, s11, $0xb8;
	[tilespmem:$0x1C800] =	vst v63  }
0x1f: {  	_ =	swait.ge [sflag:s12], $0x4000  }
0x20: {  	[sflag:s12] =	ssyncset.done $0x0  }
0x21: {  	s14 =	simm.s32 $0x2;
	s13 =	sadd.s32 $0x32E200, s29;
	[sflag:s12] =	ssyncadd.s32 $0xFFFFC000  }
0x22: {  	[tilespmem:s7], [sflag:$0x1] =	stream.linear.gather [hbm4b:s13+s3], $0x4000, $0x38;
	[tilespmem:$0x1C800] =	vst v63  }
0x23: {  	_ =	swait.ge [sflag:s14], $0x4000  }
0x24: {  	[sflag:s14] =	ssyncset.done $0x0  }
0x25: {  	s15 =	simm.s32 $0x4;
	[sflag:s14] =	ssyncadd.s32 $0xFFFFC000  }
0x26: {  	[spmem:s2] =	stream.indirect.scatter.add.f32 [tilespmem:s9], [sflag:$0x4], $0x80, s11, s11, $0xb8;
	[tilespmem:$0x1C800] =	vst v63  }
0x27: {  	_ =	swait.ge [sflag:s15], $0x4000  }
0x28: {  	[sflag:s15] =	ssyncset.done $0x0  }
0x29: {  	s16 =	sadd.s32 $0x32EA00, s29;
	[sflag:s15] =	ssyncadd.s32 $0xFFFFC000  }
0x2a: {  	[tilespmem:s9], [sflag:$0x2] =	stream.linear.gather [hbm4b:s16+s3], $0x4000, $0x38;
	[tilespmem:$0x1C800] =	vst v63  }
0x2b: {  	_ =	swait.ge [sflag:s10], $0x4000  }
0x2c: {  	[sflag:s10] =	ssyncset.done $0x0  }
0x2d: {  	s17 =	simm.s32 $0x100;
	[sflag:s10] =	ssyncadd.s32 $0xFFFFC000  }
0x2e: {  	[spmem:s2] =	stream.indirect.scatter.add.f32 [tilespmem:s7], [sflag:$0x3], $0x80, s17, s11, $0xb8;
	[tilespmem:$0x1C800] =	vst v63  }
0x2f: {  	_ =	swait.ge [sflag:s12], $0x4000  }
0x30: {  	[sflag:s12] =	ssyncset.done $0x0  }
0x31: {  	s18 =	sadd.s32 $0x32F200, s29;
	[sflag:s12] =	ssyncadd.s32 $0xFFFFC000  }
0x32: {  	[tilespmem:s7], [sflag:$0x1] =	stream.linear.gather [hbm4b:s18+s3], $0x4000, $0x38;
	[tilespmem:$0x1C800] =	vst v63  }
0x33: {  	_ =	swait.ge [sflag:s14], $0x4000  }
0x34: {  	[sflag:s14] =	ssyncset.done $0x0  }
0x35: {  	s19 =	simm.s32 $0x180;
	[sflag:s14] =	ssyncadd.s32 $0xFFFFC000  }
0x36: {  	[spmem:s2] =	stream.indirect.scatter.add.f32 [tilespmem:s9], [sflag:$0x4], $0x80, s19, s11, $0xb8;
	[tilespmem:$0x1C800] =	vst v63  }
0x37: {  	_ =	swait.ge [sflag:s15], $0x4000  }
0x38: {  	[sflag:s15] =	ssyncset.done $0x0  }
0x39: {  	s20 =	sadd.s32 $0x32FA00, s29;
	[sflag:s15] =	ssyncadd.s32 $0xFFFFC000  }
0x3a: {  	[tilespmem:s9], [sflag:$0x2] =	stream.linear.gather [hbm4b:s20+s3], $0x4000, $0x38;
	[tilespmem:$0x1C800] =	vst v63  }
0x3b: {  	_ =	swait.ge [sflag:s10], $0x4000  }
0x3c: {  	[sflag:s10] =	ssyncset.done $0x0  }
0x3d: {  	s21 =	simm.s32 $0x200;
	[sflag:s10] =	ssyncadd.s32 $0xFFFFC000  }
0x3e: {  	[spmem:s2] =	stream.indirect.scatter.add.f32 [tilespmem:s7], [sflag:$0x3], $0x80, s21, s11, $0xb8;
	[tilespmem:$0x1C800] =	vst v63  }
0x3f: {  	_ =	swait.ge [sflag:s12], $0x4000  }
0x40: {  	[sflag:s12] =	ssyncset.done $0x0  }
0x41: {  	s22 =	sadd.s32 $0x330200, s29;
	[sflag:s12] =	ssyncadd.s32 $0xFFFFC000  }
0x42: {  	[tilespmem:s7], [sflag:$0x1] =	stream.linear.gather [hbm4b:s22+s3], $0x4000, $0x38;
	[tilespmem:$0x1C800] =	vst v63  }
0x43: {  	_ =	swait.ge [sflag:s14], $0x4000  }
0x44: {  	[sflag:s14] =	ssyncset.done $0x0  }
0x45: {  	s23 =	simm.s32 $0x280;
	[sflag:s14] =	ssyncadd.s32 $0xFFFFC000  }
0x46: {  	[spmem:s2] =	stream.indirect.scatter.add.f32 [tilespmem:s9], [sflag:$0x4], $0x80, s23, s11, $0xb8;
	[tilespmem:$0x1C800] =	vst v63  }
0x47: {  	_ =	swait.ge [sflag:s15], $0x4000  }
0x48: {  	[sflag:s15] =	ssyncset.done $0x0  }
0x49: {  	s24 =	sadd.s32 $0x330A00, s29;
	[sflag:s15] =	ssyncadd.s32 $0xFFFFC000  }
0x4a: {  	[tilespmem:s9], [sflag:$0x2] =	stream.linear.gather [hbm4b:s24+s3], $0x4000, $0x38;
	[tilespmem:$0x1C800] =	vst v63  }
0x4b: {  	_ =	swait.ge [sflag:s10], $0x4000  }
0x4c: {  	[sflag:s10] =	ssyncset.done $0x0  }
0x4d: {  	s25 =	simm.s32 $0x300;
	[sflag:s10] =	ssyncadd.s32 $0xFFFFC000  }
0x4e: {  	[spmem:s2] =	stream.indirect.scatter.add.f32 [tilespmem:s7], [sflag:$0x3], $0x80, s25, s11, $0xb8;
	[tilespmem:$0x1C800] =	vst v63  }
0x4f: {  	_ =	swait.ge [sflag:s12], $0x4000  }
0x50: {  	[sflag:s12] =	ssyncset.done $0x0  }
0x51: {  	s26 =	sadd.s32 $0x331200, s29;
	[sflag:s12] =	ssyncadd.s32 $0xFFFFC000  }
0x52: {  	[tilespmem:s7], [sflag:$0x1] =	stream.linear.gather [hbm4b:s26+s3], $0x4000, $0x38;
	[tilespmem:$0x1C800] =	vst v63  }
0x53: {  	_ =	swait.ge [sflag:s14], $0x4000  }
0x54: {  	[sflag:s14] =	ssyncset.done $0x0  }
0x55: {  	s28 =	simm.s32 $0x380;
	[sflag:s14] =	ssyncadd.s32 $0xFFFFC000  }
0x56: {  	[spmem:s2] =	stream.indirect.scatter.add.f32 [tilespmem:s9], [sflag:$0x4], $0x80, s28, s11, $0xb8;
	[tilespmem:$0x1C800] =	vst v63  }
0x57: {  	_ =	swait.ge [sflag:s15], $0x4000  }
0x58: {  	[sflag:s15] =	ssyncset.done $0x0  }
0x59: {  	s29 =	sadd.s32 $0x331A00, s29;
	[sflag:s15] =	ssyncadd.s32 $0xFFFFC000  }
0x5a: {  	[tilespmem:s9], [sflag:$0x2] =	stream.linear.gather [hbm4b:s29+s3], $0x4000, $0x38;
	[tilespmem:$0x1C800] =	vst v63  }
0x5b: {  	_ =	swait.ge [sflag:s10], $0x4000  }
0x5c: {  	[sflag:s10] =	ssyncset.done $0x0  }
0x5d: {  	s30 =	simm.s32 $0x400;
	[sflag:s10] =	ssyncadd.s32 $0xFFFFC000  }
0x5e: {  	[spmem:s2] =	stream.indirect.scatter.add.f32 [tilespmem:s7], [sflag:$0x3], $0x80, s30, s11, $0xb8;
	[tilespmem:$0x1C800] =	vst v63  }
0x5f: {  	_ =	swait.ge [sflag:s14], $0x4000  }
0x60: {  	[sflag:s14] =	ssyncset.done $0x0  }
0x61: {  	s31 =	simm.s32 $0x480;
	[sflag:s14] =	ssyncadd.s32 $0xFFFFC000  }
0x62: {  	[spmem:s2] =	stream.indirect.scatter.add.f32 [tilespmem:s9], [sflag:$0x4], $0x80, s31, s11, $0xb8;
	[tilespmem:$0x1C800] =	vst v63  }
0x63: {  	_ =	swait.ge [sflag:s12], $0x4000  }
0x64: {  	[sflag:s12] =	ssyncset.done $0x0  }
0x65: {  	[sflag:s12] =	ssyncadd.s32 $0xFFFFC000  }
0x66: {  	_ =	swait.ge [sflag:s15], $0x4000  }
0x67: {  	[sflag:s15] =	ssyncset.done $0x0  }
0x68: {  	[sflag:s15] =	ssyncadd.s32 $0xFFFFC000  }
0x69: {  	[bflag:$0x0] =	sbarrier.arrive $0xFFFF  }
0x6a: {  	s1 =	ssub.s32 $0x2, s1;
	s0 =	rddreg [dreg:$0x6]  }
0x6b: {  	[dreg:$0x7] =	wrdreg s0;
	s0 =	sshrl.u32 s1, $0x1  }
0x6c: {  	s0 =	ssub.s32 s1, s0  }
0x6d: {  	s0 =	smax.u32 s0, $0x1  }
0x6e: {  	p0 =	sne.s32 s0, $0x1  }
.Ltmp0:
0x6f: {  	_ = 	snop;
	(pc) =	sbr.rel @!p0 .LBB2_2-.Ltmp0, $4  }
0x70: {  	_ = 	snop  }
0x71: {  	s1 =	rddreg [dreg:$0x7]  }
0x72: {  	[hbm:s1], [sflag:s4] =	dma.local [spmem:s6], $0x2800  }
0x73: {  	s1 =	sadd.s32 $0xFFFFFFFF, s0;
	_ =	swait.ge [sflag:s5], $0x2800  }
.LBB2_1:
0x74: {  	[sflag:s5] =	ssyncset.done $0x0  }
0x75: {  	s0 =	rddreg [dreg:$0x3];
	[sflag:s5] =	ssyncadd.s32 $0xFFFFD800  }
0x76: {  	[spmem:s6], [sflag:s4] =	dma.local [hbm:s0], $0x2800  }
0x77: {  	_ =	swait.ge [sflag:s5], $0x2800  }
0x78: {  	[sflag:s5] =	ssyncset.done $0x0  }
0x79: {  	s0 =	rddreg [dreg:$0x4];
	[sflag:s5] =	ssyncadd.s32 $0xFFFFD800  }
0x7a: {  	[tilespmem:s3], [sflag:$0x5] =	stream.linear.gather [hbm4b:s0+s3], $0x500, $0x38;
	[tilespmem:$0x1C800] =	vst v63  }
0x7b: {  	_ =	swait.ge [sflag:s5], $0x500  }
0x7c: {  	[sflag:s5] =	ssyncset.done $0x0  }
0x7d: {  	[sflag:s5] =	ssyncadd.s32 $0xFFFFFB00  }
0x7e: {  	[bflag:$0x0] =	sbarrier.arrive $0xFFFF  }
0x7f: {  	s0 =	rddreg [dreg:$0x5]  }
0x80: {  	[tilespmem:s7], [sflag:$0x1] =	stream.linear.gather [hbm4b:s0+s3], $0x4000, $0x38;
	[tilespmem:$0x1C800] =	vst v63  }
0x81: {  	_ = 	snop  }
0x82: {  	[tilespmem:s9], [sflag:$0x2] =	stream.linear.gather [hbm4b:s8+s3], $0x4000, $0x38;
	[tilespmem:$0x1C800] =	vst v63  }
0x83: {  	_ =	swait.ge [sflag:s10], $0x4000  }
0x84: {  	[sflag:s10] =	ssyncset.done $0x0  }
0x85: {  	[sflag:s10] =	ssyncadd.s32 $0xFFFFC000  }
0x86: {  	[spmem:s2] =	stream.indirect.scatter.add.f32 [tilespmem:s7], [sflag:$0x3], $0x80, s3, s11, $0xb8;
	[tilespmem:$0x1C800] =	vst v63  }
0x87: {  	_ =	swait.ge [sflag:s12], $0x4000  }
0x88: {  	[sflag:s12] =	ssyncset.done $0x0  }
0x89: {  	[sflag:s12] =	ssyncadd.s32 $0xFFFFC000  }
0x8a: {  	[tilespmem:s7], [sflag:$0x1] =	stream.linear.gather [hbm4b:s13+s3], $0x4000, $0x38;
	[tilespmem:$0x1C800] =	vst v63  }
0x8b: {  	_ =	swait.ge [sflag:s14], $0x4000  }
0x8c: {  	[sflag:s14] =	ssyncset.done $0x0  }
0x8d: {  	[sflag:s14] =	ssyncadd.s32 $0xFFFFC000  }
0x8e: {  	[spmem:s2] =	stream.indirect.scatter.add.f32 [tilespmem:s9], [sflag:$0x4], $0x80, s11, s11, $0xb8;
	[tilespmem:$0x1C800] =	vst v63  }
0x8f: {  	_ =	swait.ge [sflag:s15], $0x4000  }
0x90: {  	[sflag:s15] =	ssyncset.done $0x0  }
0x91: {  	[sflag:s15] =	ssyncadd.s32 $0xFFFFC000  }
0x92: {  	[tilespmem:s9], [sflag:$0x2] =	stream.linear.gather [hbm4b:s16+s3], $0x4000, $0x38;
	[tilespmem:$0x1C800] =	vst v63  }
0x93: {  	_ =	swait.ge [sflag:s10], $0x4000  }
0x94: {  	[sflag:s10] =	ssyncset.done $0x0  }
0x95: {  	[sflag:s10] =	ssyncadd.s32 $0xFFFFC000  }
0x96: {  	[spmem:s2] =	stream.indirect.scatter.add.f32 [tilespmem:s7], [sflag:$0x3], $0x80, s17, s11, $0xb8;
	[tilespmem:$0x1C800] =	vst v63  }
0x97: {  	_ =	swait.ge [sflag:s12], $0x4000  }
0x98: {  	[sflag:s12] =	ssyncset.done $0x0  }
0x99: {  	[sflag:s12] =	ssyncadd.s32 $0xFFFFC000  }
0x9a: {  	[tilespmem:s7], [sflag:$0x1] =	stream.linear.gather [hbm4b:s18+s3], $0x4000, $0x38;
	[tilespmem:$0x1C800] =	vst v63  }
0x9b: {  	_ =	swait.ge [sflag:s14], $0x4000  }
0x9c: {  	[sflag:s14] =	ssyncset.done $0x0  }
0x9d: {  	[sflag:s14] =	ssyncadd.s32 $0xFFFFC000  }
0x9e: {  	[spmem:s2] =	stream.indirect.scatter.add.f32 [tilespmem:s9], [sflag:$0x4], $0x80, s19, s11, $0xb8;
	[tilespmem:$0x1C800] =	vst v63  }
0x9f: {  	_ =	swait.ge [sflag:s15], $0x4000  }
0xa0: {  	[sflag:s15] =	ssyncset.done $0x0  }
0xa1: {  	[sflag:s15] =	ssyncadd.s32 $0xFFFFC000  }
0xa2: {  	[tilespmem:s9], [sflag:$0x2] =	stream.linear.gather [hbm4b:s20+s3], $0x4000, $0x38;
	[tilespmem:$0x1C800] =	vst v63  }
0xa3: {  	_ =	swait.ge [sflag:s10], $0x4000  }
0xa4: {  	[sflag:s10] =	ssyncset.done $0x0  }
0xa5: {  	[sflag:s10] =	ssyncadd.s32 $0xFFFFC000  }
0xa6: {  	[spmem:s2] =	stream.indirect.scatter.add.f32 [tilespmem:s7], [sflag:$0x3], $0x80, s21, s11, $0xb8;
	[tilespmem:$0x1C800] =	vst v63  }
0xa7: {  	_ =	swait.ge [sflag:s12], $0x4000  }
0xa8: {  	[sflag:s12] =	ssyncset.done $0x0  }
0xa9: {  	[sflag:s12] =	ssyncadd.s32 $0xFFFFC000  }
0xaa: {  	[tilespmem:s7], [sflag:$0x1] =	stream.linear.gather [hbm4b:s22+s3], $0x4000, $0x38;
	[tilespmem:$0x1C800] =	vst v63  }
0xab: {  	_ =	swait.ge [sflag:s14], $0x4000  }
0xac: {  	[sflag:s14] =	ssyncset.done $0x0  }
0xad: {  	[sflag:s14] =	ssyncadd.s32 $0xFFFFC000  }
0xae: {  	[spmem:s2] =	stream.indirect.scatter.add.f32 [tilespmem:s9], [sflag:$0x4], $0x80, s23, s11, $0xb8;
	[tilespmem:$0x1C800] =	vst v63  }
0xaf: {  	_ =	swait.ge [sflag:s15], $0x4000  }
0xb0: {  	[sflag:s15] =	ssyncset.done $0x0  }
0xb1: {  	[sflag:s15] =	ssyncadd.s32 $0xFFFFC000  }
0xb2: {  	[tilespmem:s9], [sflag:$0x2] =	stream.linear.gather [hbm4b:s24+s3], $0x4000, $0x38;
	[tilespmem:$0x1C800] =	vst v63  }
0xb3: {  	_ =	swait.ge [sflag:s10], $0x4000  }
0xb4: {  	[sflag:s10] =	ssyncset.done $0x0  }
0xb5: {  	[sflag:s10] =	ssyncadd.s32 $0xFFFFC000  }
0xb6: {  	[spmem:s2] =	stream.indirect.scatter.add.f32 [tilespmem:s7], [sflag:$0x3], $0x80, s25, s11, $0xb8;
	[tilespmem:$0x1C800] =	vst v63  }
0xb7: {  	_ =	swait.ge [sflag:s12], $0x4000  }
0xb8: {  	[sflag:s12] =	ssyncset.done $0x0  }
0xb9: {  	[sflag:s12] =	ssyncadd.s32 $0xFFFFC000  }
0xba: {  	[tilespmem:s7], [sflag:$0x1] =	stream.linear.gather [hbm4b:s26+s3], $0x4000, $0x38;
	[tilespmem:$0x1C800] =	vst v63  }
0xbb: {  	_ =	swait.ge [sflag:s14], $0x4000  }
0xbc: {  	[sflag:s14] =	ssyncset.done $0x0  }
0xbd: {  	[sflag:s14] =	ssyncadd.s32 $0xFFFFC000  }
0xbe: {  	[spmem:s2] =	stream.indirect.scatter.add.f32 [tilespmem:s9], [sflag:$0x4], $0x80, s28, s11, $0xb8;
	[tilespmem:$0x1C800] =	vst v63  }
0xbf: {  	_ =	swait.ge [sflag:s15], $0x4000  }
0xc0: {  	[sflag:s15] =	ssyncset.done $0x0  }
0xc1: {  	[sflag:s15] =	ssyncadd.s32 $0xFFFFC000  }
0xc2: {  	[tilespmem:s9], [sflag:$0x2] =	stream.linear.gather [hbm4b:s29+s3], $0x4000, $0x38;
	[tilespmem:$0x1C800] =	vst v63  }
0xc3: {  	_ =	swait.ge [sflag:s10], $0x4000  }
0xc4: {  	[sflag:s10] =	ssyncset.done $0x0  }
0xc5: {  	[sflag:s10] =	ssyncadd.s32 $0xFFFFC000  }
0xc6: {  	[spmem:s2] =	stream.indirect.scatter.add.f32 [tilespmem:s7], [sflag:$0x3], $0x80, s30, s11, $0xb8;
	[tilespmem:$0x1C800] =	vst v63  }
0xc7: {  	_ =	swait.ge [sflag:s14], $0x4000  }
0xc8: {  	[sflag:s14] =	ssyncset.done $0x0  }
0xc9: {  	[sflag:s14] =	ssyncadd.s32 $0xFFFFC000  }
0xca: {  	[spmem:s2] =	stream.indirect.scatter.add.f32 [tilespmem:s9], [sflag:$0x4], $0x80, s31, s11, $0xb8;
	[tilespmem:$0x1C800] =	vst v63  }
0xcb: {  	_ =	swait.ge [sflag:s12], $0x4000  }
0xcc: {  	[sflag:s12] =	ssyncset.done $0x0  }
0xcd: {  	[sflag:s12] =	ssyncadd.s32 $0xFFFFC000  }
0xce: {  	_ =	swait.ge [sflag:s15], $0x4000  }
0xcf: {  	p0 =	sne.s32 s1, $0x1;
	[sflag:s15] =	ssyncset.done $0x0  }
.Ltmp1:
0xd0: {  	[sflag:s15] =	ssyncadd.s32 $0xFFFFC000;
	(pc) =	sbr.rel @p0 .LBB2_1-.Ltmp1, $4  }
0xd1: {  	[bflag:$0x0] =	sbarrier.arrive $0xFFFF  }
0xd2: {  	s0 =	rddreg [dreg:$0x6]  }
0xd3: {  	[hbm:s0], [sflag:s4] =	dma.local [spmem:s6], $0x2800  }
0xd4: {  	s1 =	sadd.s32 $0xFFFFFFFF, s1;
	_ =	swait.ge [sflag:s5], $0x2800  }
.LBB2_2:
0xd5: {  	[sflag:s5] =	ssyncset.done $0x0  }
0xd6: {  	[sflag:s5] =	ssyncadd.s32 $0xFFFFD800  }
0xd7: {  	_ =	sfence.sel $0x180000  }
0xd8: {  	[bflag:$0x0] =	sbarrier.arrive $0xFFFF  }
0xd9: {  	_ =	strace $0x90000056  }
0xda: {  	s0 =	stileid.u32;
	[bflag:$0x2] =	sbarrier.arrive $0xFFFF  }
0xdb: {  	p0 =	sne.s32 s0, $0x0;
	s0 =	rddreg [dreg:$0x2]  }
0xdc: {  	s0 =	sadd.s32 @!p0 $0x100000, s0  }
0xdd: {  	[sflag:s0] =	ssyncadd.tile.s32 @!p0 $0x1;
	_ =	shalt  }
.Lfunc_end2:
_tile_overlayer_lowered:
.L_overlay_start_2:
0xde: {  	(tag) =	ssettag $0x2  }
0xdf: {  	s0 =	rddreg [dreg:$0x0];
	s2 =	stileid.u32  }
0xe0: {  	s1 =	rddreg [dreg:$0x1];
	p0 =	sne.s32 s2, $0x0  }
0xe1: {  	s3 =	rddreg [dreg:$0x2];
	[bflag:$0x3] =	sbarrier.arrive $0xFFFF;
	s2 =	simm.s32 @!p0 $0x1C05  }
0xe2: {  	[timem:s3], [sflag:s2] =	dma.local @!p0 [hbm:s0], s1  }
0xe3: {  	s0 =	simm.s32 @!p0 $0x5  }
0xe4: {  	_ =	swait.ge @!p0 [sflag:s0], s1  }
0xe5: {  	s1 =	ssub.s32 @!p0 $0x0, s1;
	[sflag:s0] =	ssyncset.done @!p0 $0x0  }
0xe6: {  	[sflag:s0] =	ssyncadd.s32 @!p0 s1  }
0xe7: {  	[bflag:$0x3] =	sbarrier.arrive $0xFFFF  }
0xe8: {  	_ =	shalt  }

// kernel: kernel.33.cloned.1.call-start
scs
__scs_entry_jumppad:
0x0: {  	(pc) =	sbr.rel $0x88, $3  }
0x1: {  	(tag) =	ssettag $0x0;
	lr =	simm.s32 $0x1  }
0x2: {  	[smem:$0x3F92] =	sst lr;
	_ =	strace $0xD0000000  }
0x3: {  	_ = 	snop  }
0x4: {  	_ = 	snop  }
0x5: {  	_ = 	snop  }
0x6: {  	_ = 	snop  }
0x7: {  	_ = 	snop  }
__scs_overlays_trampoline_lowered:
0x8: {  	[smem:$0x3FA1] =	sst s0  }
0x9: {  	[smem:$0x3FA2] =	sst s1  }
0xa: {  	[smem:$0x3FA3] =	sst s2  }
0xb: {  	[smem:$0x3FA4] =	sst s3  }
0xc: {  	[smem:$0x3FA5] =	sst s4  }
0xd: {  	[smem:$0x3FA6] =	sst s5  }
0xe: {  	[smem:$0x3FA7] =	sst s6  }
0xf: {  	[smem:$0x3FA8] =	sst s7  }
0x10: {  	[smem:$0x3FA9] =	sst s8  }
0x11: {  	[smem:$0x3FAA] =	sst s9;
	s0 =	simm.s32 @!p0 $0x0  }
0x12: {  	s1 =	sld [smem:$0x3F90];
	s0 =	simm.s32 @p0 $0x1  }
0x13: {  	[smem:$0x3FAB] =	sst s0;
	s0 =	simm.s32 @!p1 $0x0  }
0x14: {  	s2 =	sld [smem:$0x3F8F];
	s0 =	simm.s32 @p1 $0x1  }
0x15: {  	[smem:$0x3FAC] =	sst s0;
	s0 =	simm.s32 @!p2 $0x0  }
0x16: {  	s3 =	sld [smem:$0x3FDB];
	s0 =	simm.s32 @p2 $0x1  }
0x17: {  	s4 =	simm.s32 $0x1BF5;
	[smem:$0x3FAE] =	sst s0  }
0x18: {  	s0 =	sld [smem:$0x3F91];
	_ =	swait.ge [sflag:s4], $0x0  }
0x19: {  	s7 =	sld [smem:$0x3F92]  }
0x1a: {  	s8 =	sadd.s32 $0xFFFFE003, lr  }
0x1b: {  	s9 =	sadd.s32 $0xFFFFFEF7, lr;
	s5 =	simm.s32 $0xFFFFFFFF;
	p2 =	slt.u32 s8, $0xFFFFF086  }
0x1c: {  	p1 =	slt.u32 s9, $0xF7A;
	s5 =	simm.s32 @!p2 $0x0  }
0x1d: {  	s5 =	simm.s32 @p1 $0x1;
	p0 =	seq.s32 s7, s2  }
0x1e: {  	s7 =	smul.u32 @!p0 $0xF7A, s2;
	p2 =	seq.s32 @!p0 s5, $0x0  }
0x1f: {  	s9 =	smul.u32 $0xF7A, s1;
	s8 =	simm.s32 @!p0 $0x1BF5;
	p2 =	por !p2, p0  }
0x20: {  	[sflag:s8] =	ssyncset.s32 @!p0 $0xFFFFF086;
	s6 =	sadd.s32 @!p0 s3, s7;
	s7 =	simm.s32 @!p0 $0x108  }
0x21: {  	s3 =	sadd.s32 s3, s9;
	s6 =	sadd.s32 @!p0 $0x88, s6;
	s7 =	simm.s32 @p2 $0x1082  }
0x22: {  	[simem:s7], [sflag:s8] =	dma.local @!p0 [hbm:s6], $0xF7A  }
0x23: {  	s9 =	sor.u32 $0xD0000000, s2;
	s6 =	simm.s32 $0x108;
	_ =	swait.ge @!p0 [sflag:s8], $0x0  }
0x24: {  	s3 =	sadd.s32 $0x88, s3;
	s6 =	simm.s32 @!p1 $0x1082;
	[sflag:s4] =	ssyncset.s32 $0xFFFFF086  }
0x25: {  	[simem:s6], [sflag:s4] =	dma.local [hbm:s3], $0xF7A  }
0x26: {  	[smem:$0x3F92] =	sst s1;
	(tag) =	ssettag s2;
	_ =	strace s9  }
0x27: {  	s1 =	sld [smem:$0x3FA2]  }
0x28: {  	s2 =	sld [smem:$0x3FA3]  }
0x29: {  	s4 =	sld [smem:$0x3FA5]  }
0x2a: {  	p0 =	seq.s32 s5, $0x0;
	s5 =	sld [smem:$0x3FA6]  }
0x2b: {  	s6 =	sld [smem:$0x3FA7]  }
0x2c: {  	s7 =	sld [smem:$0x3FA8]  }
0x2d: {  	s3 =	simm.s32 $0x108;
	s8 =	sld [smem:$0x3FA9]  }
0x2e: {  	s3 =	simm.s32 @!p0 $0x1082;
	s9 =	sld [smem:$0x3FAA]  }
0x2f: {  	lr =	sadd.s32 s0, s3;
	s0 =	sld [smem:$0x3FA1]  }
0x30: {  	s3 =	sld [smem:$0x3FA4]  }
0x31: {  	[smem:$0x3FAD] =	sst s10  }
0x32: {  	s10 =	sld [smem:$0x3FAB];
	_ =	sdelay $0x3  }
0x33: {  	p0 =	seq.s32 s10, $0x1;
	s10 =	sld [smem:$0x3FAD];
	_ =	sdelay $0x3  }
0x34: {  	[smem:$0x3FAD] =	sst s10  }
0x35: {  	s10 =	sld [smem:$0x3FAC];
	_ =	sdelay $0x3  }
0x36: {  	p1 =	seq.s32 s10, $0x1;
	s10 =	sld [smem:$0x3FAD];
	_ =	sdelay $0x3  }
0x37: {  	[smem:$0x3FAD] =	sst s10  }
0x38: {  	s10 =	sld [smem:$0x3FAE]  }
0x39: {  	_ = 	snop;
	(pc) =	sbr.ind lr, $3  }
0x3a: {  	_ = 	snop  }
0x3b: {  	_ = 	snop  }
0x3c: {  	p2 =	seq.s32 s10, $0x1;
	s10 =	sld [smem:$0x3FAD]  }
0x3d: {  	_ =	shalt  }
0x3e: {  	_ =	shalt  }
0x3f: {  	_ =	shalt  }
0x40: {  	_ =	shalt  }
0x41: {  	_ =	shalt  }
0x42: {  	_ =	shalt  }
0x43: {  	_ =	shalt  }
0x44: {  	_ =	shalt  }
0x45: {  	_ =	shalt  }
0x46: {  	_ =	shalt  }
0x47: {  	_ =	shalt  }
0x48: {  	_ =	shalt  }
0x49: {  	_ =	shalt  }
0x4a: {  	_ =	shalt  }
0x4b: {  	_ =	shalt  }
0x4c: {  	_ =	shalt  }
0x4d: {  	_ =	shalt  }
0x4e: {  	_ =	shalt  }
0x4f: {  	_ =	shalt  }
0x50: {  	_ =	shalt  }
0x51: {  	_ =	shalt  }
0x52: {  	_ =	shalt  }
0x53: {  	_ =	shalt  }
0x54: {  	_ =	shalt  }
0x55: {  	_ =	shalt  }
0x56: {  	_ =	shalt  }
0x57: {  	_ =	shalt  }
0x58: {  	_ =	shalt  }
0x59: {  	_ =	shalt  }
0x5a: {  	_ =	shalt  }
0x5b: {  	_ =	shalt  }
0x5c: {  	_ =	shalt  }
0x5d: {  	_ =	shalt  }
0x5e: {  	_ =	shalt  }
0x5f: {  	_ =	shalt  }
0x60: {  	_ =	shalt  }
0x61: {  	_ =	shalt  }
0x62: {  	_ =	shalt  }
0x63: {  	_ =	shalt  }
0x64: {  	_ =	shalt  }
0x65: {  	_ =	shalt  }
0x66: {  	_ =	shalt  }
0x67: {  	_ =	shalt  }
0x68: {  	_ =	shalt  }
0x69: {  	_ =	shalt  }
0x6a: {  	_ =	shalt  }
0x6b: {  	_ =	shalt  }
0x6c: {  	_ =	shalt  }
0x6d: {  	_ =	shalt  }
0x6e: {  	_ =	shalt  }
0x6f: {  	_ =	shalt  }
0x70: {  	_ =	shalt  }
0x71: {  	_ =	shalt  }
0x72: {  	_ =	shalt  }
0x73: {  	_ =	shalt  }
0x74: {  	_ =	shalt  }
0x75: {  	_ =	shalt  }
0x76: {  	_ =	shalt  }
0x77: {  	_ =	shalt  }
0x78: {  	_ =	shalt  }
0x79: {  	_ =	shalt  }
0x7a: {  	_ =	shalt  }
0x7b: {  	_ =	shalt  }
0x7c: {  	_ =	shalt  }
0x7d: {  	_ =	shalt  }
0x7e: {  	_ =	shalt  }
0x7f: {  	_ =	shalt  }
0x80: {  	_ =	shalt  }
0x81: {  	_ =	shalt  }
0x82: {  	_ =	shalt  }
0x83: {  	_ =	shalt  }
0x84: {  	_ =	shalt  }
0x85: {  	_ =	shalt  }
0x86: {  	_ =	shalt  }
0x87: {  	_ =	shalt  }
.Lfunc_end0:
.L_simem_size_0:
called_computation.6_lowered:
.L_overlay_start_0:
0x88: {  	s2 =	sld [smem:$0x3FD9]  }
0x89: {  	s3 =	sld [smem:$0x3FFE];
	_ =	sdelay $0x1  }
0x8a: {  	s1 =	srdreg.scid  }
0x8b: {  	s0 =	sand.u32 $0x1, s1  }
0x8c: {  	s17 =	sshll.u32 s0, $0xA;
	s2 =	sadd.s32 s3, s2  }
0x8d: {  	s2 =	sadd.s32 s2, s17  }
0x8e: {  	[smem:$0x3FB9] =	sst s2  }
0x8f: {  	_ = 	snop  }
0x90: {  	s18 =	sld [smem:$0x3FC8];
	(tm) =	ssettm $0x1  }
0x91: {  	s19 =	sld [smem:$0x3FFB];
	_ =	sdelay $0x3  }
0x92: {  	_ =	strace s19  }
0x93: {  	s2 =	sld [smem:$0x3FFC];
	_ =	sdelay $0x3  }
0x94: {  	_ =	strace s2  }
0x95: {  	s2 =	sld [smem:$0x3FFD];
	_ =	sdelay $0x3  }
0x96: {  	_ =	strace s2  }
0x97: {  	_ =	strace $0x8FFFFFFF  }
0x98: {  	s20 =	sld [smem:$0x3FDB];
	_ =	sdelay $0x1  }
0x99: {  	s4 =	simm.s32 $_scs_section_size  }
0x9a: {  	s5 =	simm.s32 $_size__tile_overlayer_lowered;
	s6 =	simm.s32 $_tile_overlayer_lowered  }
0x9b: {  	s7 =	simm.s32 $0x1BFF;
	s21 =	sshll.u32 s6, $0x1;
	s4 =	sadd.s32 s4, s20  }
0x9c: {  	s22 =	simm.s32 $0x0;
	s5 =	sshll.u32 s5, $0x1;
	s6 =	sadd.s32 s21, s4  }
0x9d: {  	[timem:s22], [sflag:s7] =	dma.local [hbm:s6], s5  }
0x9e: {  	_ =	swait.ge [sflag:s7], s5  }
0x9f: {  	s5 =	ssub.s32 $0x0, s5;
	[sflag:s7] =	ssyncset.done $0x0  }
0xa0: {  	[sflag:s7] =	ssyncadd.s32 s5;
	_ =	sdelay $0x1  }
0xa1: {  	s23 =	simm.s32 $0x1B8B  }
0xa2: {  	_ =	swait.ge [sflag:s23], $0x1  }
0xa3: {  	[sflag:s23] =	ssyncset.done $0x0  }
0xa4: {  	[sflag:s23] =	ssyncadd.s32 $0xFFFFFFFF  }
0xa5: {  	s5 =	sld [smem:$0x0]  }
0xa6: {  	s6 =	sand.u32 $0xFFFFFFFE, s1  }
0xa7: {  	p0 =	sne.s32 s1, s6  }
0xa8: {  	s6 =	sshll.u32 @p0 s6, $0xE  }
0xa9: {  	s6 =	sadd.s32 @p0 $0x11B8D, s6;
	s7 =	sshll.u32 @p0 s5, $0x11  }
0xaa: {  	s6 =	sor.u32 @p0 s7, s6  }
0xab: {  	[sflag:s6] =	ssyncadd.remote.s32 @p0 $0x1;
	_ =	sdelay $0x1  }
0xac: {  	s6 =	simm.s32 @p0 $0x1B8D  }
0xad: {  	_ =	swait.eq @p0 [sflag:s6], $0x1  }
0xae: {  	[sflag:s6] =	ssyncadd.s32 @p0 $0xFFFFFFFF  }
0xaf: {  	s7 =	sshll.u32 @!p0 s1, $0xE  }
0xb0: {  	s7 =	sor.u32 @!p0 $0x4000, s7;
	s6 =	simm.s32 @!p0 $0x1B8D  }
0xb1: {  	s5 =	sshll.u32 @!p0 s5, $0x11;
	s7 =	sadd.s32 @!p0 $0x11B8D, s7;
	_ =	swait.eq @!p0 [sflag:s6], $0x1  }
0xb2: {  	s5 =	sor.u32 @!p0 s5, s7;
	[sflag:s6] =	ssyncadd.s32 @!p0 $0xFFFFFFFF  }
0xb3: {  	s25 =	simm.s32 $0x1B8E;
	s24 =	sld [smem:$0x3FFE];
	[sflag:s5] =	ssyncadd.remote.s32 @!p0 $0x1  }
0xb4: {  	s26 =	simm.s32 $execute0_lowered;
	[smem:$0x3FD2] =	sst s25  }
0xb5: {  	s6 =	sshll.u32 s26, $0x1;
	_ =	strace $0x8000004C;
	[dreg:$0x1] =	wrdreg $0xFFFFFFFF  }
0xb6: {  	s28 =	simm.s32 $_size_execute0_lowered;
	s4 =	sadd.s32 s4, s6;
	[dreg:$0x0] =	wrdreg $0x0  }
0xb7: {  	s6 =	sshll.u32 s28, $0x1;
	[dreg:$0x2] =	wrdreg s4  }
0xb8: {  	[dreg:$0x3] =	wrdreg s6  }
0xb9: {  	[dreg:$0x4] =	wrdreg $0xC0  }
0xba: {  	_ =	task [dreg:s22], $0x5FFFF  }
0xbb: {  	[dreg:$0x1] =	wrdreg $0xFFFFFFFF  }
0xbc: {  	[dreg:$0x0] =	wrdreg $0x60  }
0xbd: {  	[dreg:$0x2] =	wrdreg s18  }
0xbe: {  	[dreg:$0x3] =	wrdreg s24  }
0xbf: {  	[dreg:$0x4] =	wrdreg $0xC  }
0xc0: {  	_ =	task.clear_ibuf [dreg:s22], $0x5FFFF;
	_ =	strace $0x9000004C  }
0xc1: {  	s29 =	simm.s32 $0xC;
	_ =	strace $0x8000004E  }
0xc2: {  	_ =	swait.ge [sflag:s29], $0x1  }
0xc3: {  	[sflag:s29] =	ssyncadd.s32 $0xFFFFFFFF  }
0xc4: {  	_ =	strace $0x9000004E  }
0xc5: {  	_ =	sfence  }
0xc6: {  	s30 =	sld [smem:$0x0];
	_ =	sdelay $0x2  }
0xc7: {  	s31 =	sshll.u32 s1, $0xD;
	s1 =	sshrl.u32 s1, $0x2  }
0xc8: {  	s4 =	sand.u32 $0x4000, s31;
	s1 =	sadd.s32 s1, s30  }
0xc9: {  	s0 =	sor.u32 s4, s0;
	s1 =	sshll.u32 s1, $0x11  }
0xca: {  	s0 =	sor.u32 s1, s0  }
0xcb: {  	s0 =	sadd.s32 $0x8F2B, s0  }
0xcc: {  	[sflag:s0] =	ssyncadd.remote.s32 $0x1  }
0xcd: {  	_ =	sfence.sel $0xFFFF  }
0xce: {  	[dreg:$0x0] =	wrdreg $0xFFFFFFFF;
	(pc) =	sbr.abs _section_cstart, $3  }
0xcf: {  	[dreg:$0x1] =	wrdreg $0xFFFFFFFF  }
0xd0: {  	_ =	task.clear_ibuf [dreg:s22], $0x2FFFF;
	_ =	strace $0x9FFFFFFF  }
0xd1: {  	(tm) =	ssettm $0x7FFFFFFF  }
tec
execute0_lowered:
.L_overlay_start_1:
0x0: {  	(tag) =	ssettag $0x1  }
0x1: {  	s0 =	srdreg.scid  }
0x2: {  	s30 =	sand.u32 $0x1, s0  }
0x3: {  	s0 =	stileid.u32;
	s1 =	sshll.u32 s30, $0x4  }
0x4: {  	s11 =	sor.u32 s0, s1  }
0x5: {  	s4 =	smul.u32 $0xA0, s11  }
0x6: {  	s9 =	rddreg [dreg:$0x1]  }
0x7: {  	s2 =	rddreg [dreg:$0x0];
	s3 =	simm.s32 $0x0;
	s4 =	sadd.s32 s4, s9  }
0x8: {  	[smem:$0x7FF] =	sst s3;
	s4 =	sadd.s32 $0x6A00, s4  }
0x9: {  	_ =	strace $0x8000004D;
	[dreg:$0x3] =	wrdreg s4  }
0xa: {  	s4 =	simm.s32 $0x5;
	s5 =	rddreg [dreg:$0x3]  }
0xb: {  	[tilespmem:s3], [sflag:$0x5] =	stream.linear.gather [hbm4b:s5+s3], $0x500, $0x38;
	[tilespmem:$0x8500] =	vst v63  }
0xc: {  	_ =	swait.ge [sflag:s4], $0x500  }
0xd: {  	[sflag:s4] =	ssyncset.done $0x0  }
0xe: {  	s6 =	simm.s32 $0x500;
	s5 =	simm.s32 $0x80;
	[sflag:s4] =	ssyncadd.s32 $0xFFFFFB00  }
0xf: {  	[tilespmem:s6], [sflag:$0x1] =	stream.indirect.gather [hbm4b:s2+s5], $0x80, s3, s5, $0xb8;
	[tilespmem:$0x8500] =	vst v63  }
0x10: {  	s7 =	simm.s32 $0x4500;
	s8 =	simm.s32 $0x1;
	s10 =	smul.u32 $0x28000, s11  }
0x11: {  	[tilespmem:s7], [sflag:$0x2] =	stream.indirect.gather [hbm4b:s2+s5], $0x80, s5, s5, $0xb8;
	[tilespmem:$0x8500] =	vst v63  }
0x12: {  	_ =	swait.ge [sflag:s8], $0x4000  }
0x13: {  	s13 =	sadd.s32 $0x149200, s9;
	s26 =	sshrl.u32 s10, $0x3;
	[sflag:s8] =	ssyncset.done $0x0  }
0x14: {  	s10 =	simm.s32 $0x3;
	s9 =	sadd.s32 s13, s26;
	[sflag:s8] =	ssyncadd.s32 $0xFFFFC000  }
0x15: {  	[hbm4b:s9+s3] =	stream.linear.scatter [tilespmem:s6], [sflag:$0x3], $0x4000, $0x38;
	[tilespmem:$0x8500] =	vst v63  }
0x16: {  	_ =	swait.ge [sflag:s10], $0x4000  }
0x17: {  	s12 =	simm.s32 $0x2;
	[sflag:s10] =	ssyncset.done $0x0  }
0x18: {  	s14 =	smul.u32 $0x5000, s11;
	s11 =	simm.s32 $0x100;
	[sflag:s10] =	ssyncadd.s32 $0xFFFFC000  }
0x19: {  	[tilespmem:s6], [sflag:$0x1] =	stream.indirect.gather [hbm4b:s2+s5], $0x80, s11, s5, $0xb8;
	[tilespmem:$0x8500] =	vst v63  }
0x1a: {  	_ =	swait.ge [sflag:s12], $0x4000  }
0x1b: {  	s31 =	sadd.s32 s13, s14;
	[sflag:s12] =	ssyncset.done $0x0  }
0x1c: {  	s14 =	sadd.s32 $0x800, s31;
	s13 =	simm.s32 $0x4;
	[sflag:s12] =	ssyncadd.s32 $0xFFFFC000  }
0x1d: {  	[hbm4b:s14+s3] =	stream.linear.scatter [tilespmem:s7], [sflag:$0x4], $0x4000, $0x38;
	[tilespmem:$0x8500] =	vst v63  }
0x1e: {  	_ =	swait.ge [sflag:s13], $0x4000  }
0x1f: {  	[sflag:s13] =	ssyncset.done $0x0  }
0x20: {  	s15 =	simm.s32 $0x180;
	[sflag:s13] =	ssyncadd.s32 $0xFFFFC000  }
0x21: {  	[tilespmem:s7], [sflag:$0x2] =	stream.indirect.gather [hbm4b:s2+s5], $0x80, s15, s5, $0xb8;
	[tilespmem:$0x8500] =	vst v63  }
0x22: {  	_ =	swait.ge [sflag:s8], $0x4000  }
0x23: {  	[sflag:s8] =	ssyncset.done $0x0  }
0x24: {  	s16 =	sadd.s32 $0x1000, s9;
	[sflag:s8] =	ssyncadd.s32 $0xFFFFC000  }
0x25: {  	[hbm4b:s16+s3] =	stream.linear.scatter [tilespmem:s6], [sflag:$0x3], $0x4000, $0x38;
	[tilespmem:$0x8500] =	vst v63  }
0x26: {  	_ =	swait.ge [sflag:s10], $0x4000  }
0x27: {  	[sflag:s10] =	ssyncset.done $0x0  }
0x28: {  	s17 =	simm.s32 $0x200;
	[sflag:s10] =	ssyncadd.s32 $0xFFFFC000  }
0x29: {  	[tilespmem:s6], [sflag:$0x1] =	stream.indirect.gather [hbm4b:s2+s5], $0x80, s17, s5, $0xb8;
	[tilespmem:$0x8500] =	vst v63  }
0x2a: {  	_ =	swait.ge [sflag:s12], $0x4000  }
0x2b: {  	[sflag:s12] =	ssyncset.done $0x0  }
0x2c: {  	s18 =	sadd.s32 $0x1800, s31;
	[sflag:s12] =	ssyncadd.s32 $0xFFFFC000  }
0x2d: {  	[hbm4b:s18+s3] =	stream.linear.scatter [tilespmem:s7], [sflag:$0x4], $0x4000, $0x38;
	[tilespmem:$0x8500] =	vst v63  }
0x2e: {  	_ =	swait.ge [sflag:s13], $0x4000  }
0x2f: {  	[sflag:s13] =	ssyncset.done $0x0  }
0x30: {  	s19 =	simm.s32 $0x280;
	[sflag:s13] =	ssyncadd.s32 $0xFFFFC000  }
0x31: {  	[tilespmem:s7], [sflag:$0x2] =	stream.indirect.gather [hbm4b:s2+s5], $0x80, s19, s5, $0xb8;
	[tilespmem:$0x8500] =	vst v63  }
0x32: {  	_ =	swait.ge [sflag:s8], $0x4000  }
0x33: {  	[sflag:s8] =	ssyncset.done $0x0  }
0x34: {  	s20 =	sadd.s32 $0x2000, s9;
	[sflag:s8] =	ssyncadd.s32 $0xFFFFC000  }
0x35: {  	[hbm4b:s20+s3] =	stream.linear.scatter [tilespmem:s6], [sflag:$0x3], $0x4000, $0x38;
	[tilespmem:$0x8500] =	vst v63  }
0x36: {  	_ =	swait.ge [sflag:s10], $0x4000  }
0x37: {  	[sflag:s10] =	ssyncset.done $0x0  }
0x38: {  	s21 =	simm.s32 $0x300;
	[sflag:s10] =	ssyncadd.s32 $0xFFFFC000  }
0x39: {  	[tilespmem:s6], [sflag:$0x1] =	stream.indirect.gather [hbm4b:s2+s5], $0x80, s21, s5, $0xb8;
	[tilespmem:$0x8500] =	vst v63  }
0x3a: {  	_ =	swait.ge [sflag:s12], $0x4000  }
0x3b: {  	[sflag:s12] =	ssyncset.done $0x0  }
0x3c: {  	s22 =	sadd.s32 $0x2800, s31;
	[sflag:s12] =	ssyncadd.s32 $0xFFFFC000  }
0x3d: {  	[hbm4b:s22+s3] =	stream.linear.scatter [tilespmem:s7], [sflag:$0x4], $0x4000, $0x38;
	[tilespmem:$0x8500] =	vst v63  }
0x3e: {  	_ =	swait.ge [sflag:s13], $0x4000  }
0x3f: {  	[sflag:s13] =	ssyncset.done $0x0  }
0x40: {  	s23 =	simm.s32 $0x380;
	[sflag:s13] =	ssyncadd.s32 $0xFFFFC000  }
0x41: {  	[tilespmem:s7], [sflag:$0x2] =	stream.indirect.gather [hbm4b:s2+s5], $0x80, s23, s5, $0xb8;
	[tilespmem:$0x8500] =	vst v63  }
0x42: {  	_ =	swait.ge [sflag:s8], $0x4000  }
0x43: {  	[sflag:s8] =	ssyncset.done $0x0  }
0x44: {  	s24 =	sadd.s32 $0x3000, s9;
	[sflag:s8] =	ssyncadd.s32 $0xFFFFC000  }
0x45: {  	[hbm4b:s24+s3] =	stream.linear.scatter [tilespmem:s6], [sflag:$0x3], $0x4000, $0x38;
	[tilespmem:$0x8500] =	vst v63  }
0x46: {  	_ =	swait.ge [sflag:s10], $0x4000  }
0x47: {  	[sflag:s10] =	ssyncset.done $0x0  }
0x48: {  	s25 =	simm.s32 $0x400;
	[sflag:s10] =	ssyncadd.s32 $0xFFFFC000  }
0x49: {  	[tilespmem:s6], [sflag:$0x1] =	stream.indirect.gather [hbm4b:s2+s5], $0x80, s25, s5, $0xb8;
	[tilespmem:$0x8500] =	vst v63  }
0x4a: {  	_ =	swait.ge [sflag:s12], $0x4000  }
0x4b: {  	[sflag:s12] =	ssyncset.done $0x0  }
0x4c: {  	s26 =	sadd.s32 $0x3800, s31;
	[sflag:s12] =	ssyncadd.s32 $0xFFFFC000  }
0x4d: {  	[hbm4b:s26+s3] =	stream.linear.scatter [tilespmem:s7], [sflag:$0x4], $0x4000, $0x38;
	[tilespmem:$0x8500] =	vst v63  }
0x4e: {  	_ =	swait.ge [sflag:s13], $0x4000  }
0x4f: {  	[sflag:s13] =	ssyncset.done $0x0  }
0x50: {  	s28 =	simm.s32 $0x480;
	[sflag:s13] =	ssyncadd.s32 $0xFFFFC000  }
0x51: {  	[tilespmem:s7], [sflag:$0x2] =	stream.indirect.gather [hbm4b:s2+s5], $0x80, s28, s5, $0xb8;
	[tilespmem:$0x8500] =	vst v63  }
0x52: {  	_ =	swait.ge [sflag:s8], $0x4000  }
0x53: {  	s1 =	ssub.s32 $0x2, s30;
	s30 =	sadd.s32 $0x4800, s31;
	[sflag:s8] =	ssyncset.done $0x0  }
0x54: {  	s31 =	sshrl.u32 s1, $0x1;
	s29 =	sadd.s32 $0x4000, s9;
	[sflag:s8] =	ssyncadd.s32 $0xFFFFC000  }
0x55: {  	[hbm4b:s29+s3] =	stream.linear.scatter [tilespmem:s6], [sflag:$0x3], $0x4000, $0x38;
	[tilespmem:$0x8500] =	vst v63  }
0x56: {  	s1 =	ssub.s32 s1, s31;
	_ =	swait.ge [sflag:s12], $0x4000  }
0x57: {  	s1 =	smax.u32 s1, $0x1;
	[sflag:s12] =	ssyncset.done $0x0  }
0x58: {  	p0 =	sne.s32 s1, $0x1;
	[sflag:s12] =	ssyncadd.s32 $0xFFFFC000  }
0x59: {  	[hbm4b:s30+s3] =	stream.linear.scatter [tilespmem:s7], [sflag:$0x4], $0x4000, $0x38;
	[tilespmem:$0x8500] =	vst v63  }
.Ltmp0:
0x5a: {  	_ =	swait.ge [sflag:s10], $0x4000;
	(pc) =	sbr.rel @!p0 .LBB2_2-.Ltmp0, $4  }
0x5b: {  	[sflag:s10] =	ssyncset.done $0x0  }
0x5c: {  	[sflag:s10] =	ssyncadd.s32 $0xFFFFC000  }
0x5d: {  	_ =	swait.ge [sflag:s13], $0x4000  }
0x5e: {  	s31 =	sadd.s32 $0xFFFFFFFF, s1;
	[sflag:s13] =	ssyncset.done $0x0  }
.LBB2_1:
0x5f: {  	s1 =	rddreg [dreg:$0x3];
	[sflag:s13] =	ssyncadd.s32 $0xFFFFC000  }
0x60: {  	[tilespmem:s3], [sflag:$0x5] =	stream.linear.gather [hbm4b:s1+s3], $0x500, $0x38;
	[tilespmem:$0x8500] =	vst v63  }
0x61: {  	_ =	swait.ge [sflag:s4], $0x500  }
0x62: {  	[sflag:s4] =	ssyncset.done $0x0  }
0x63: {  	[sflag:s4] =	ssyncadd.s32 $0xFFFFFB00  }
0x64: {  	[tilespmem:s6], [sflag:$0x1] =	stream.indirect.gather [hbm4b:s2+s5], $0x80, s3, s5, $0xb8;
	[tilespmem:$0x8500] =	vst v63  }
0x65: {  	_ = 	snop  }
0x66: {  	[tilespmem:s7], [sflag:$0x2] =	stream.indirect.gather [hbm4b:s2+s5], $0x80, s5, s5, $0xb8;
	[tilespmem:$0x8500] =	vst v63  }
0x67: {  	_ =	swait.ge [sflag:s8], $0x4000  }
0x68: {  	[sflag:s8] =	ssyncset.done $0x0  }
0x69: {  	[sflag:s8] =	ssyncadd.s32 $0xFFFFC000  }
0x6a: {  	[hbm4b:s9+s3] =	stream.linear.scatter [tilespmem:s6], [sflag:$0x3], $0x4000, $0x38;
	[tilespmem:$0x8500] =	vst v63  }
0x6b: {  	_ =	swait.ge [sflag:s10], $0x4000  }
0x6c: {  	[sflag:s10] =	ssyncset.done $0x0  }
0x6d: {  	[sflag:s10] =	ssyncadd.s32 $0xFFFFC000  }
0x6e: {  	[tilespmem:s6], [sflag:$0x1] =	stream.indirect.gather [hbm4b:s2+s5], $0x80, s11, s5, $0xb8;
	[tilespmem:$0x8500] =	vst v63  }
0x6f: {  	_ =	swait.ge [sflag:s12], $0x4000  }
0x70: {  	[sflag:s12] =	ssyncset.done $0x0  }
0x71: {  	[sflag:s12] =	ssyncadd.s32 $0xFFFFC000  }
0x72: {  	[hbm4b:s14+s3] =	stream.linear.scatter [tilespmem:s7], [sflag:$0x4], $0x4000, $0x38;
	[tilespmem:$0x8500] =	vst v63  }
0x73: {  	_ =	swait.ge [sflag:s13], $0x4000  }
0x74: {  	[sflag:s13] =	ssyncset.done $0x0  }
0x75: {  	[sflag:s13] =	ssyncadd.s32 $0xFFFFC000  }
0x76: {  	[tilespmem:s7], [sflag:$0x2] =	stream.indirect.gather [hbm4b:s2+s5], $0x80, s15, s5, $0xb8;
	[tilespmem:$0x8500] =	vst v63  }
0x77: {  	_ =	swait.ge [sflag:s8], $0x4000  }
0x78: {  	[sflag:s8] =	ssyncset.done $0x0  }
0x79: {  	[sflag:s8] =	ssyncadd.s32 $0xFFFFC000  }
0x7a: {  	[hbm4b:s16+s3] =	stream.linear.scatter [tilespmem:s6], [sflag:$0x3], $0x4000, $0x38;
	[tilespmem:$0x8500] =	vst v63  }
0x7b: {  	_ =	swait.ge [sflag:s10], $0x4000  }
0x7c: {  	[sflag:s10] =	ssyncset.done $0x0  }
0x7d: {  	[sflag:s10] =	ssyncadd.s32 $0xFFFFC000  }
0x7e: {  	[tilespmem:s6], [sflag:$0x1] =	stream.indirect.gather [hbm4b:s2+s5], $0x80, s17, s5, $0xb8;
	[tilespmem:$0x8500] =	vst v63  }
0x7f: {  	_ =	swait.ge [sflag:s12], $0x4000  }
0x80: {  	[sflag:s12] =	ssyncset.done $0x0  }
0x81: {  	[sflag:s12] =	ssyncadd.s32 $0xFFFFC000  }
0x82: {  	[hbm4b:s18+s3] =	stream.linear.scatter [tilespmem:s7], [sflag:$0x4], $0x4000, $0x38;
	[tilespmem:$0x8500] =	vst v63  }
0x83: {  	_ =	swait.ge [sflag:s13], $0x4000  }
0x84: {  	[sflag:s13] =	ssyncset.done $0x0  }
0x85: {  	[sflag:s13] =	ssyncadd.s32 $0xFFFFC000  }
0x86: {  	[tilespmem:s7], [sflag:$0x2] =	stream.indirect.gather [hbm4b:s2+s5], $0x80, s19, s5, $0xb8;
	[tilespmem:$0x8500] =	vst v63  }
0x87: {  	_ =	swait.ge [sflag:s8], $0x4000  }
0x88: {  	[sflag:s8] =	ssyncset.done $0x0  }
0x89: {  	[sflag:s8] =	ssyncadd.s32 $0xFFFFC000  }
0x8a: {  	[hbm4b:s20+s3] =	stream.linear.scatter [tilespmem:s6], [sflag:$0x3], $0x4000, $0x38;
	[tilespmem:$0x8500] =	vst v63  }
0x8b: {  	_ =	swait.ge [sflag:s10], $0x4000  }
0x8c: {  	[sflag:s10] =	ssyncset.done $0x0  }
0x8d: {  	[sflag:s10] =	ssyncadd.s32 $0xFFFFC000  }
0x8e: {  	[tilespmem:s6], [sflag:$0x1] =	stream.indirect.gather [hbm4b:s2+s5], $0x80, s21, s5, $0xb8;
	[tilespmem:$0x8500] =	vst v63  }
0x8f: {  	_ =	swait.ge [sflag:s12], $0x4000  }
0x90: {  	[sflag:s12] =	ssyncset.done $0x0  }
0x91: {  	[sflag:s12] =	ssyncadd.s32 $0xFFFFC000  }
0x92: {  	[hbm4b:s22+s3] =	stream.linear.scatter [tilespmem:s7], [sflag:$0x4], $0x4000, $0x38;
	[tilespmem:$0x8500] =	vst v63  }
0x93: {  	_ =	swait.ge [sflag:s13], $0x4000  }
0x94: {  	[sflag:s13] =	ssyncset.done $0x0  }
0x95: {  	[sflag:s13] =	ssyncadd.s32 $0xFFFFC000  }
0x96: {  	[tilespmem:s7], [sflag:$0x2] =	stream.indirect.gather [hbm4b:s2+s5], $0x80, s23, s5, $0xb8;
	[tilespmem:$0x8500] =	vst v63  }
0x97: {  	_ =	swait.ge [sflag:s8], $0x4000  }
0x98: {  	[sflag:s8] =	ssyncset.done $0x0  }
0x99: {  	[sflag:s8] =	ssyncadd.s32 $0xFFFFC000  }
0x9a: {  	[hbm4b:s24+s3] =	stream.linear.scatter [tilespmem:s6], [sflag:$0x3], $0x4000, $0x38;
	[tilespmem:$0x8500] =	vst v63  }
0x9b: {  	_ =	swait.ge [sflag:s10], $0x4000  }
0x9c: {  	[sflag:s10] =	ssyncset.done $0x0  }
0x9d: {  	[sflag:s10] =	ssyncadd.s32 $0xFFFFC000  }
0x9e: {  	[tilespmem:s6], [sflag:$0x1] =	stream.indirect.gather [hbm4b:s2+s5], $0x80, s25, s5, $0xb8;
	[tilespmem:$0x8500] =	vst v63  }
0x9f: {  	_ =	swait.ge [sflag:s12], $0x4000  }
0xa0: {  	[sflag:s12] =	ssyncset.done $0x0  }
0xa1: {  	[sflag:s12] =	ssyncadd.s32 $0xFFFFC000  }
0xa2: {  	[hbm4b:s26+s3] =	stream.linear.scatter [tilespmem:s7], [sflag:$0x4], $0x4000, $0x38;
	[tilespmem:$0x8500] =	vst v63  }
0xa3: {  	_ =	swait.ge [sflag:s13], $0x4000  }
0xa4: {  	[sflag:s13] =	ssyncset.done $0x0  }
0xa5: {  	[sflag:s13] =	ssyncadd.s32 $0xFFFFC000  }
0xa6: {  	[tilespmem:s7], [sflag:$0x2] =	stream.indirect.gather [hbm4b:s2+s5], $0x80, s28, s5, $0xb8;
	[tilespmem:$0x8500] =	vst v63  }
0xa7: {  	_ =	swait.ge [sflag:s8], $0x4000  }
0xa8: {  	[sflag:s8] =	ssyncset.done $0x0  }
0xa9: {  	[sflag:s8] =	ssyncadd.s32 $0xFFFFC000  }
0xaa: {  	[hbm4b:s29+s3] =	stream.linear.scatter [tilespmem:s6], [sflag:$0x3], $0x4000, $0x38;
	[tilespmem:$0x8500] =	vst v63  }
0xab: {  	_ =	swait.ge [sflag:s12], $0x4000  }
0xac: {  	[sflag:s12] =	ssyncset.done $0x0  }
0xad: {  	p0 =	sne.s32 s31, $0x1;
	[sflag:s12] =	ssyncadd.s32 $0xFFFFC000  }
0xae: {  	[hbm4b:s30+s3] =	stream.linear.scatter [tilespmem:s7], [sflag:$0x4], $0x4000, $0x38;
	[tilespmem:$0x8500] =	vst v63  }
.Ltmp1:
0xaf: {  	_ =	swait.ge [sflag:s10], $0x4000;
	(pc) =	sbr.rel @p0 .LBB2_1-.Ltmp1, $4  }
0xb0: {  	[sflag:s10] =	ssyncset.done $0x0  }
0xb1: {  	[sflag:s10] =	ssyncadd.s32 $0xFFFFC000  }
0xb2: {  	_ =	swait.ge [sflag:s13], $0x4000  }
0xb3: {  	s31 =	sadd.s32 $0xFFFFFFFF, s31;
	[sflag:s13] =	ssyncset.done $0x0  }
.LBB2_2:
0xb4: {  	[sflag:s13] =	ssyncadd.s32 $0xFFFFC000  }
0xb5: {  	_ =	sfence.sel $0x180000  }
0xb6: {  	[bflag:$0x0] =	sbarrier.arrive $0xFFFF  }
0xb7: {  	_ =	strace $0x9000004D  }
0xb8: {  	[bflag:$0x2] =	sbarrier.arrive $0xFFFF  }
0xb9: {  	p0 =	sne.s32 s0, $0x0;
	s0 =	rddreg [dreg:$0x2]  }
0xba: {  	s0 =	sadd.s32 @!p0 $0x100000, s0  }
0xbb: {  	[sflag:s0] =	ssyncadd.tile.s32 @!p0 $0x1;
	_ =	shalt  }
.Lfunc_end2:
_tile_overlayer_lowered:
.L_overlay_start_2:
0xbc: {  	(tag) =	ssettag $0x2  }
0xbd: {  	s0 =	rddreg [dreg:$0x0];
	s2 =	stileid.u32  }
0xbe: {  	s1 =	rddreg [dreg:$0x1];
	p0 =	sne.s32 s2, $0x0  }
0xbf: {  	s3 =	rddreg [dreg:$0x2];
	[bflag:$0x3] =	sbarrier.arrive $0xFFFF;
	s2 =	simm.s32 @!p0 $0x1C05  }
0xc0: {  	[timem:s3], [sflag:s2] =	dma.local @!p0 [hbm:s0], s1  }
0xc1: {  	s0 =	simm.s32 @!p0 $0x5  }
0xc2: {  	_ =	swait.ge @!p0 [sflag:s0], s1  }
0xc3: {  	s1 =	ssub.s32 @!p0 $0x0, s1;
	[sflag:s0] =	ssyncset.done @!p0 $0x0  }
0xc4: {  	[sflag:s0] =	ssyncadd.s32 @!p0 s1  }
0xc5: {  	[bflag:$0x3] =	sbarrier.arrive $0xFFFF  }
0xc6: {  	_ =	shalt  }

// kernel: kernel.36.cloned.1.call-start
scs
__scs_entry_jumppad:
0x0: {  	(pc) =	sbr.rel $0x88, $3  }
0x1: {  	(tag) =	ssettag $0x0;
	lr =	simm.s32 $0x1  }
0x2: {  	[smem:$0x3F92] =	sst lr;
	_ =	strace $0xD0000000  }
0x3: {  	_ = 	snop  }
0x4: {  	_ = 	snop  }
0x5: {  	_ = 	snop  }
0x6: {  	_ = 	snop  }
0x7: {  	_ = 	snop  }
__scs_overlays_trampoline_lowered:
0x8: {  	[smem:$0x3FA1] =	sst s0  }
0x9: {  	[smem:$0x3FA2] =	sst s1  }
0xa: {  	[smem:$0x3FA3] =	sst s2  }
0xb: {  	[smem:$0x3FA4] =	sst s3  }
0xc: {  	[smem:$0x3FA5] =	sst s4  }
0xd: {  	[smem:$0x3FA6] =	sst s5  }
0xe: {  	[smem:$0x3FA7] =	sst s6  }
0xf: {  	[smem:$0x3FA8] =	sst s7  }
0x10: {  	[smem:$0x3FA9] =	sst s8  }
0x11: {  	[smem:$0x3FAA] =	sst s9;
	s0 =	simm.s32 @!p0 $0x0  }
0x12: {  	s1 =	sld [smem:$0x3F90];
	s0 =	simm.s32 @p0 $0x1  }
0x13: {  	[smem:$0x3FAB] =	sst s0;
	s0 =	simm.s32 @!p1 $0x0  }
0x14: {  	s2 =	sld [smem:$0x3F8F];
	s0 =	simm.s32 @p1 $0x1  }
0x15: {  	[smem:$0x3FAC] =	sst s0;
	s0 =	simm.s32 @!p2 $0x0  }
0x16: {  	s3 =	sld [smem:$0x3FDB];
	s0 =	simm.s32 @p2 $0x1  }
0x17: {  	s4 =	simm.s32 $0x1BF5;
	[smem:$0x3FAE] =	sst s0  }
0x18: {  	s0 =	sld [smem:$0x3F91];
	_ =	swait.ge [sflag:s4], $0x0  }
0x19: {  	s7 =	sld [smem:$0x3F92]  }
0x1a: {  	s8 =	sadd.s32 $0xFFFFE003, lr  }
0x1b: {  	s9 =	sadd.s32 $0xFFFFFEF7, lr;
	s5 =	simm.s32 $0xFFFFFFFF;
	p2 =	slt.u32 s8, $0xFFFFF086  }
0x1c: {  	p1 =	slt.u32 s9, $0xF7A;
	s5 =	simm.s32 @!p2 $0x0  }
0x1d: {  	s5 =	simm.s32 @p1 $0x1;
	p0 =	seq.s32 s7, s2  }
0x1e: {  	s7 =	smul.u32 @!p0 $0xF7A, s2;
	p2 =	seq.s32 @!p0 s5, $0x0  }
0x1f: {  	s9 =	smul.u32 $0xF7A, s1;
	s8 =	simm.s32 @!p0 $0x1BF5;
	p2 =	por !p2, p0  }
0x20: {  	[sflag:s8] =	ssyncset.s32 @!p0 $0xFFFFF086;
	s6 =	sadd.s32 @!p0 s3, s7;
	s7 =	simm.s32 @!p0 $0x108  }
0x21: {  	s3 =	sadd.s32 s3, s9;
	s6 =	sadd.s32 @!p0 $0x88, s6;
	s7 =	simm.s32 @p2 $0x1082  }
0x22: {  	[simem:s7], [sflag:s8] =	dma.local @!p0 [hbm:s6], $0xF7A  }
0x23: {  	s9 =	sor.u32 $0xD0000000, s2;
	s6 =	simm.s32 $0x108;
	_ =	swait.ge @!p0 [sflag:s8], $0x0  }
0x24: {  	s3 =	sadd.s32 $0x88, s3;
	s6 =	simm.s32 @!p1 $0x1082;
	[sflag:s4] =	ssyncset.s32 $0xFFFFF086  }
0x25: {  	[simem:s6], [sflag:s4] =	dma.local [hbm:s3], $0xF7A  }
0x26: {  	[smem:$0x3F92] =	sst s1;
	(tag) =	ssettag s2;
	_ =	strace s9  }
0x27: {  	s1 =	sld [smem:$0x3FA2]  }
0x28: {  	s2 =	sld [smem:$0x3FA3]  }
0x29: {  	s4 =	sld [smem:$0x3FA5]  }
0x2a: {  	p0 =	seq.s32 s5, $0x0;
	s5 =	sld [smem:$0x3FA6]  }
0x2b: {  	s6 =	sld [smem:$0x3FA7]  }
0x2c: {  	s7 =	sld [smem:$0x3FA8]  }
0x2d: {  	s3 =	simm.s32 $0x108;
	s8 =	sld [smem:$0x3FA9]  }
0x2e: {  	s3 =	simm.s32 @!p0 $0x1082;
	s9 =	sld [smem:$0x3FAA]  }
0x2f: {  	lr =	sadd.s32 s0, s3;
	s0 =	sld [smem:$0x3FA1]  }
0x30: {  	s3 =	sld [smem:$0x3FA4]  }
0x31: {  	[smem:$0x3FAD] =	sst s10  }
0x32: {  	s10 =	sld [smem:$0x3FAB];
	_ =	sdelay $0x3  }
0x33: {  	p0 =	seq.s32 s10, $0x1;
	s10 =	sld [smem:$0x3FAD];
	_ =	sdelay $0x3  }
0x34: {  	[smem:$0x3FAD] =	sst s10  }
0x35: {  	s10 =	sld [smem:$0x3FAC];
	_ =	sdelay $0x3  }
0x36: {  	p1 =	seq.s32 s10, $0x1;
	s10 =	sld [smem:$0x3FAD];
	_ =	sdelay $0x3  }
0x37: {  	[smem:$0x3FAD] =	sst s10  }
0x38: {  	s10 =	sld [smem:$0x3FAE]  }
0x39: {  	_ = 	snop;
	(pc) =	sbr.ind lr, $3  }
0x3a: {  	_ = 	snop  }
0x3b: {  	_ = 	snop  }
0x3c: {  	p2 =	seq.s32 s10, $0x1;
	s10 =	sld [smem:$0x3FAD]  }
0x3d: {  	_ =	shalt  }
0x3e: {  	_ =	shalt  }
0x3f: {  	_ =	shalt  }
0x40: {  	_ =	shalt  }
0x41: {  	_ =	shalt  }
0x42: {  	_ =	shalt  }
0x43: {  	_ =	shalt  }
0x44: {  	_ =	shalt  }
0x45: {  	_ =	shalt  }
0x46: {  	_ =	shalt  }
0x47: {  	_ =	shalt  }
0x48: {  	_ =	shalt  }
0x49: {  	_ =	shalt  }
0x4a: {  	_ =	shalt  }
0x4b: {  	_ =	shalt  }
0x4c: {  	_ =	shalt  }
0x4d: {  	_ =	shalt  }
0x4e: {  	_ =	shalt  }
0x4f: {  	_ =	shalt  }
0x50: {  	_ =	shalt  }
0x51: {  	_ =	shalt  }
0x52: {  	_ =	shalt  }
0x53: {  	_ =	shalt  }
0x54: {  	_ =	shalt  }
0x55: {  	_ =	shalt  }
0x56: {  	_ =	shalt  }
0x57: {  	_ =	shalt  }
0x58: {  	_ =	shalt  }
0x59: {  	_ =	shalt  }
0x5a: {  	_ =	shalt  }
0x5b: {  	_ =	shalt  }
0x5c: {  	_ =	shalt  }
0x5d: {  	_ =	shalt  }
0x5e: {  	_ =	shalt  }
0x5f: {  	_ =	shalt  }
0x60: {  	_ =	shalt  }
0x61: {  	_ =	shalt  }
0x62: {  	_ =	shalt  }
0x63: {  	_ =	shalt  }
0x64: {  	_ =	shalt  }
0x65: {  	_ =	shalt  }
0x66: {  	_ =	shalt  }
0x67: {  	_ =	shalt  }
0x68: {  	_ =	shalt  }
0x69: {  	_ =	shalt  }
0x6a: {  	_ =	shalt  }
0x6b: {  	_ =	shalt  }
0x6c: {  	_ =	shalt  }
0x6d: {  	_ =	shalt  }
0x6e: {  	_ =	shalt  }
0x6f: {  	_ =	shalt  }
0x70: {  	_ =	shalt  }
0x71: {  	_ =	shalt  }
0x72: {  	_ =	shalt  }
0x73: {  	_ =	shalt  }
0x74: {  	_ =	shalt  }
0x75: {  	_ =	shalt  }
0x76: {  	_ =	shalt  }
0x77: {  	_ =	shalt  }
0x78: {  	_ =	shalt  }
0x79: {  	_ =	shalt  }
0x7a: {  	_ =	shalt  }
0x7b: {  	_ =	shalt  }
0x7c: {  	_ =	shalt  }
0x7d: {  	_ =	shalt  }
0x7e: {  	_ =	shalt  }
0x7f: {  	_ =	shalt  }
0x80: {  	_ =	shalt  }
0x81: {  	_ =	shalt  }
0x82: {  	_ =	shalt  }
0x83: {  	_ =	shalt  }
0x84: {  	_ =	shalt  }
0x85: {  	_ =	shalt  }
0x86: {  	_ =	shalt  }
0x87: {  	_ =	shalt  }
.Lfunc_end0:
.L_simem_size_0:
called_computation.7_lowered:
.L_overlay_start_0:
0x88: {  	s2 =	sld [smem:$0x3FD9]  }
0x89: {  	s3 =	sld [smem:$0x3FFE];
	_ =	sdelay $0x1  }
0x8a: {  	s1 =	srdreg.scid  }
0x8b: {  	s0 =	sand.u32 $0x1, s1  }
0x8c: {  	s15 =	sshll.u32 s0, $0xA;
	s2 =	sadd.s32 s3, s2  }
0x8d: {  	s2 =	sadd.s32 s2, s15  }
0x8e: {  	[smem:$0x3FB9] =	sst s2  }
0x8f: {  	_ = 	snop  }
0x90: {  	s2 =	sld [smem:$0x3FD0];
	_ =	sdelay $0x2  }
0x91: {  	s16 =	simm.s32 $0xD;
	s4 =	simm.s32 $0x10  }
0x92: {  	[smem:s4], [sflag:s16] =	dma.local [hbm:s2], $0x1  }
0x93: {  	_ =	swait.eq [sflag:s16], $0x1  }
0x94: {  	[sflag:s16] =	ssyncset.done $0x0  }
0x95: {  	[sflag:s16] =	ssyncadd.s32 $0xFFFFFFFF  }
0x96: {  	s17 =	sld [smem:$0x11];
	(tm) =	ssettm $0x1  }
0x97: {  	s18 =	sld [smem:$0x3FFB];
	_ =	sdelay $0x3  }
0x98: {  	_ =	strace s18  }
0x99: {  	s2 =	sld [smem:$0x3FFC];
	_ =	sdelay $0x3  }
0x9a: {  	_ =	strace s2  }
0x9b: {  	s2 =	sld [smem:$0x3FFD];
	_ =	sdelay $0x3  }
0x9c: {  	_ =	strace s2  }
0x9d: {  	_ =	strace $0x8FFFFFFF  }
0x9e: {  	s19 =	sld [smem:$0x3FDB];
	_ =	sdelay $0x1  }
0x9f: {  	s20 =	simm.s32 $_scs_section_size  }
0xa0: {  	s5 =	simm.s32 $_size__tile_overlayer_lowered;
	s6 =	simm.s32 $_tile_overlayer_lowered  }
0xa1: {  	s7 =	simm.s32 $0x1BFF;
	s21 =	sshll.u32 s6, $0x1;
	s4 =	sadd.s32 s20, s19  }
0xa2: {  	s22 =	simm.s32 $0x0;
	s5 =	sshll.u32 s5, $0x1;
	s6 =	sadd.s32 s21, s4  }
0xa3: {  	[timem:s22], [sflag:s7] =	dma.local [hbm:s6], s5  }
0xa4: {  	_ =	swait.ge [sflag:s7], s5  }
0xa5: {  	s5 =	ssub.s32 $0x0, s5;
	[sflag:s7] =	ssyncset.done $0x0  }
0xa6: {  	[sflag:s7] =	ssyncadd.s32 s5;
	_ =	sdelay $0x1  }
0xa7: {  	s23 =	simm.s32 $0x1B8B  }
0xa8: {  	_ =	swait.ge [sflag:s23], $0x1  }
0xa9: {  	[sflag:s23] =	ssyncset.done $0x0  }
0xaa: {  	[sflag:s23] =	ssyncadd.s32 $0xFFFFFFFF  }
0xab: {  	s5 =	sld [smem:$0x0]  }
0xac: {  	s6 =	sand.u32 $0xFFFFFFFE, s1  }
0xad: {  	p0 =	sne.s32 s1, s6  }
0xae: {  	s6 =	sshll.u32 @p0 s6, $0xE  }
0xaf: {  	s6 =	sadd.s32 @p0 $0x11B8D, s6;
	s7 =	sshll.u32 @p0 s5, $0x11  }
0xb0: {  	s6 =	sor.u32 @p0 s7, s6  }
0xb1: {  	[sflag:s6] =	ssyncadd.remote.s32 @p0 $0x1;
	_ =	sdelay $0x1  }
0xb2: {  	s6 =	simm.s32 @p0 $0x1B8D  }
0xb3: {  	_ =	swait.eq @p0 [sflag:s6], $0x1  }
0xb4: {  	[sflag:s6] =	ssyncadd.s32 @p0 $0xFFFFFFFF  }
0xb5: {  	s7 =	sshll.u32 @!p0 s1, $0xE  }
0xb6: {  	s7 =	sor.u32 @!p0 $0x4000, s7;
	s6 =	simm.s32 @!p0 $0x1B8D  }
0xb7: {  	s5 =	sshll.u32 @!p0 s5, $0x11;
	s7 =	sadd.s32 @!p0 $0x11B8D, s7;
	_ =	swait.eq @!p0 [sflag:s6], $0x1  }
0xb8: {  	s5 =	sor.u32 @!p0 s5, s7;
	[sflag:s6] =	ssyncadd.s32 @!p0 $0xFFFFFFFF  }
0xb9: {  	s25 =	simm.s32 $0x1B8E;
	s24 =	sld [smem:$0x3FFE];
	[sflag:s5] =	ssyncadd.remote.s32 @!p0 $0x1  }
0xba: {  	s26 =	simm.s32 $execute0_lowered;
	[smem:$0x3FD2] =	sst s25  }
0xbb: {  	s6 =	sshll.u32 s26, $0x1;
	_ =	strace $0x80000058;
	[dreg:$0x1] =	wrdreg $0xFFFFFFFF  }
0xbc: {  	s28 =	simm.s32 $_size_execute0_lowered;
	s4 =	sadd.s32 s4, s6;
	[dreg:$0x0] =	wrdreg $0x0  }
0xbd: {  	s6 =	sshll.u32 s28, $0x1;
	[dreg:$0x2] =	wrdreg s4  }
0xbe: {  	[dreg:$0x3] =	wrdreg s6  }
0xbf: {  	[dreg:$0x4] =	wrdreg $0xC0  }
0xc0: {  	_ =	task [dreg:s22], $0x5FFFF  }
0xc1: {  	[dreg:$0x1] =	wrdreg $0xFFFFFFFF  }
0xc2: {  	[dreg:$0x0] =	wrdreg $0x60  }
0xc3: {  	[dreg:$0x2] =	wrdreg s24  }
0xc4: {  	[dreg:$0x3] =	wrdreg s17  }
0xc5: {  	[dreg:$0x4] =	wrdreg $0x88000  }
0xc6: {  	[dreg:$0x5] =	wrdreg $0xC  }
0xc7: {  	_ =	task.clear_ibuf [dreg:s22], $0x6FFFF;
	_ =	strace $0x90000058  }
0xc8: {  	s29 =	simm.s32 $0xC;
	_ =	strace $0x8000005A  }
0xc9: {  	_ =	swait.ge [sflag:s29], $0x1  }
0xca: {  	[sflag:s29] =	ssyncadd.s32 $0xFFFFFFFF  }
0xcb: {  	_ =	strace $0x9000005A  }
0xcc: {  	_ =	sfence  }
0xcd: {  	s30 =	sld [smem:$0x0];
	_ =	sdelay $0x2  }
0xce: {  	s31 =	sshll.u32 s1, $0xD;
	s1 =	sshrl.u32 s1, $0x2  }
0xcf: {  	s4 =	sand.u32 $0x4000, s31;
	s1 =	sadd.s32 s1, s30  }
0xd0: {  	s0 =	sor.u32 s4, s0;
	s1 =	sshll.u32 s1, $0x11  }
0xd1: {  	s0 =	sor.u32 s1, s0  }
0xd2: {  	s0 =	sadd.s32 $0x8F2B, s0  }
0xd3: {  	[sflag:s0] =	ssyncadd.remote.s32 $0x1  }
0xd4: {  	_ =	sfence.sel $0xFFFF  }
0xd5: {  	[dreg:$0x0] =	wrdreg $0xFFFFFFFF;
	(pc) =	sbr.abs _section_cstart, $3  }
0xd6: {  	[dreg:$0x1] =	wrdreg $0xFFFFFFFF  }
0xd7: {  	_ =	task.clear_ibuf [dreg:s22], $0x2FFFF;
	_ =	strace $0x9FFFFFFF  }
0xd8: {  	(tm) =	ssettm $0x7FFFFFFF  }
0xd9: {  	_ =	shalt  }
tec
execute0_lowered:
.L_overlay_start_1:
0x0: {  	(tag) =	ssettag $0x1  }
0x1: {  	s0 =	srdreg.scid;
	s4 =	rddreg [dreg:$0x0]  }
0x2: {  	s16 =	stileid.u32;
	s5 =	rddreg [dreg:$0x1]  }
0x3: {  	s3 =	simm.s32 $0x0;
	s1 =	sand.u32 $0x1, s0;
	s8 =	smul.u32 $0x14000, s16  }
0x4: {  	[smem:$0x7FF] =	sst s3;
	s18 =	smul.u32 $0x50000, s16;
	s2 =	sshll.u32 s1, $0x4  }
0x5: {  	s21 =	sshll.u32 s16, $0x6;
	s9 =	smul.u32 $0x140000, s1;
	s6 =	sor.u32 s16, s2  }
0x6: {  	s2 =	rddreg [dreg:$0x2];
	_ =	strace $0x80000059;
	s7 =	smul.u32 $0x5000, s6  }
0x7: {  	s17 =	sshrl.u32 s8, $0x3;
	s8 =	sadd.s32 s8, s9;
	s6 =	sshll.u32 s6, $0x8  }
0x8: {  	s5 =	sadd.s32 s5, s6;
	s29 =	sadd.s32 s7, s4;
	s7 =	sadd.s32 s17, s4  }
0x9: {  	s8 =	sshrl.u32 s8, $0x3;
	[dreg:$0x5] =	wrdreg s5;
	s7 =	sadd.s32 $0x9200, s7  }
0xa: {  	s19 =	sadd.s32 s8, s4;
	s22 =	sadd.s32 $0x3CD200, s29;
	[dreg:$0x4] =	wrdreg s7  }
0xb: {  	s9 =	sshrl.u32 s18, $0x2;
	s24 =	sadd.s32 $0xD1200, s19;
	[dreg:$0x6] =	wrdreg s22  }
0xc: {  	s20 =	sadd.s32 s9, s2;
	s4 =	sor.u32 $0x1C05, s21;
	[dreg:$0x7] =	wrdreg s24  }
0xd: {  	s6 =	sshrl.u32 s20, $0x3;
	s5 =	simm.s32 $0x5;
	s23 =	rddreg [dreg:$0x4]  }
0xe: {  	[spmem:s6], [sflag:s4] =	dma.local [hbm:s23], $0x2800  }
0xf: {  	_ =	swait.ge [sflag:s5], $0x2800  }
0x10: {  	[sflag:s5] =	ssyncset.done $0x0  }
0x11: {  	s25 =	rddreg [dreg:$0x5];
	[sflag:s5] =	ssyncadd.s32 $0xFFFFD800  }
0x12: {  	[tilespmem:s3], [sflag:$0x5] =	stream.linear.gather [hbm4b:s25+s3], $0x500, $0x38;
	[tilespmem:$0x1C800] =	vst v63  }
0x13: {  	_ =	swait.ge [sflag:s5], $0x500  }
0x14: {  	[sflag:s5] =	ssyncset.done $0x0  }
0x15: {  	[sflag:s5] =	ssyncadd.s32 $0xFFFFFB00  }
0x16: {  	[bflag:$0x0] =	sbarrier.arrive $0xFFFF  }
0x17: {  	s7 =	simm.s32 $0x800;
	s26 =	rddreg [dreg:$0x6]  }
0x18: {  	[tilespmem:s7], [sflag:$0x1] =	stream.linear.gather [hbm4b:s26+s3], $0x4000, $0x38;
	[tilespmem:$0x1C800] =	vst v63  }
0x19: {  	s10 =	simm.s32 $0x1;
	s9 =	simm.s32 $0x4800;
	s8 =	sadd.s32 $0x3CDA00, s29  }
0x1a: {  	[tilespmem:s9], [sflag:$0x2] =	stream.linear.gather [hbm4b:s8+s3], $0x4000, $0x38;
	[tilespmem:$0x1C800] =	vst v63  }
0x1b: {  	_ =	swait.ge [sflag:s10], $0x4000  }
0x1c: {  	[sflag:s10] =	ssyncset.done $0x0  }
0x1d: {  	s11 =	simm.s32 $0x80;
	s12 =	simm.s32 $0x3;
	[sflag:s10] =	ssyncadd.s32 $0xFFFFC000  }
0x1e: {  	[spmem:s2] =	stream.indirect.scatter.add.f32 [tilespmem:s7], [sflag:$0x3], $0x80, s3, s11, $0xb8;
	[tilespmem:$0x1C800] =	vst v63  }
0x1f: {  	_ =	swait.ge [sflag:s12], $0x4000  }
0x20: {  	[sflag:s12] =	ssyncset.done $0x0  }
0x21: {  	s14 =	simm.s32 $0x2;
	s13 =	sadd.s32 $0x3CE200, s29;
	[sflag:s12] =	ssyncadd.s32 $0xFFFFC000  }
0x22: {  	[tilespmem:s7], [sflag:$0x1] =	stream.linear.gather [hbm4b:s13+s3], $0x4000, $0x38;
	[tilespmem:$0x1C800] =	vst v63  }
0x23: {  	_ =	swait.ge [sflag:s14], $0x4000  }
0x24: {  	[sflag:s14] =	ssyncset.done $0x0  }
0x25: {  	s15 =	simm.s32 $0x4;
	[sflag:s14] =	ssyncadd.s32 $0xFFFFC000  }
0x26: {  	[spmem:s2] =	stream.indirect.scatter.add.f32 [tilespmem:s9], [sflag:$0x4], $0x80, s11, s11, $0xb8;
	[tilespmem:$0x1C800] =	vst v63  }
0x27: {  	_ =	swait.ge [sflag:s15], $0x4000  }
0x28: {  	[sflag:s15] =	ssyncset.done $0x0  }
0x29: {  	s16 =	sadd.s32 $0x3CEA00, s29;
	[sflag:s15] =	ssyncadd.s32 $0xFFFFC000  }
0x2a: {  	[tilespmem:s9], [sflag:$0x2] =	stream.linear.gather [hbm4b:s16+s3], $0x4000, $0x38;
	[tilespmem:$0x1C800] =	vst v63  }
0x2b: {  	_ =	swait.ge [sflag:s10], $0x4000  }
0x2c: {  	[sflag:s10] =	ssyncset.done $0x0  }
0x2d: {  	s17 =	simm.s32 $0x100;
	[sflag:s10] =	ssyncadd.s32 $0xFFFFC000  }
0x2e: {  	[spmem:s2] =	stream.indirect.scatter.add.f32 [tilespmem:s7], [sflag:$0x3], $0x80, s17, s11, $0xb8;
	[tilespmem:$0x1C800] =	vst v63  }
0x2f: {  	_ =	swait.ge [sflag:s12], $0x4000  }
0x30: {  	[sflag:s12] =	ssyncset.done $0x0  }
0x31: {  	s18 =	sadd.s32 $0x3CF200, s29;
	[sflag:s12] =	ssyncadd.s32 $0xFFFFC000  }
0x32: {  	[tilespmem:s7], [sflag:$0x1] =	stream.linear.gather [hbm4b:s18+s3], $0x4000, $0x38;
	[tilespmem:$0x1C800] =	vst v63  }
0x33: {  	_ =	swait.ge [sflag:s14], $0x4000  }
0x34: {  	[sflag:s14] =	ssyncset.done $0x0  }
0x35: {  	s19 =	simm.s32 $0x180;
	[sflag:s14] =	ssyncadd.s32 $0xFFFFC000  }
0x36: {  	[spmem:s2] =	stream.indirect.scatter.add.f32 [tilespmem:s9], [sflag:$0x4], $0x80, s19, s11, $0xb8;
	[tilespmem:$0x1C800] =	vst v63  }
0x37: {  	_ =	swait.ge [sflag:s15], $0x4000  }
0x38: {  	[sflag:s15] =	ssyncset.done $0x0  }
0x39: {  	s20 =	sadd.s32 $0x3CFA00, s29;
	[sflag:s15] =	ssyncadd.s32 $0xFFFFC000  }
0x3a: {  	[tilespmem:s9], [sflag:$0x2] =	stream.linear.gather [hbm4b:s20+s3], $0x4000, $0x38;
	[tilespmem:$0x1C800] =	vst v63  }
0x3b: {  	_ =	swait.ge [sflag:s10], $0x4000  }
0x3c: {  	[sflag:s10] =	ssyncset.done $0x0  }
0x3d: {  	s21 =	simm.s32 $0x200;
	[sflag:s10] =	ssyncadd.s32 $0xFFFFC000  }
0x3e: {  	[spmem:s2] =	stream.indirect.scatter.add.f32 [tilespmem:s7], [sflag:$0x3], $0x80, s21, s11, $0xb8;
	[tilespmem:$0x1C800] =	vst v63  }
0x3f: {  	_ =	swait.ge [sflag:s12], $0x4000  }
0x40: {  	[sflag:s12] =	ssyncset.done $0x0  }
0x41: {  	s22 =	sadd.s32 $0x3D0200, s29;
	[sflag:s12] =	ssyncadd.s32 $0xFFFFC000  }
0x42: {  	[tilespmem:s7], [sflag:$0x1] =	stream.linear.gather [hbm4b:s22+s3], $0x4000, $0x38;
	[tilespmem:$0x1C800] =	vst v63  }
0x43: {  	_ =	swait.ge [sflag:s14], $0x4000  }
0x44: {  	[sflag:s14] =	ssyncset.done $0x0  }
0x45: {  	s23 =	simm.s32 $0x280;
	[sflag:s14] =	ssyncadd.s32 $0xFFFFC000  }
0x46: {  	[spmem:s2] =	stream.indirect.scatter.add.f32 [tilespmem:s9], [sflag:$0x4], $0x80, s23, s11, $0xb8;
	[tilespmem:$0x1C800] =	vst v63  }
0x47: {  	_ =	swait.ge [sflag:s15], $0x4000  }
0x48: {  	[sflag:s15] =	ssyncset.done $0x0  }
0x49: {  	s24 =	sadd.s32 $0x3D0A00, s29;
	[sflag:s15] =	ssyncadd.s32 $0xFFFFC000  }
0x4a: {  	[tilespmem:s9], [sflag:$0x2] =	stream.linear.gather [hbm4b:s24+s3], $0x4000, $0x38;
	[tilespmem:$0x1C800] =	vst v63  }
0x4b: {  	_ =	swait.ge [sflag:s10], $0x4000  }
0x4c: {  	[sflag:s10] =	ssyncset.done $0x0  }
0x4d: {  	s25 =	simm.s32 $0x300;
	[sflag:s10] =	ssyncadd.s32 $0xFFFFC000  }
0x4e: {  	[spmem:s2] =	stream.indirect.scatter.add.f32 [tilespmem:s7], [sflag:$0x3], $0x80, s25, s11, $0xb8;
	[tilespmem:$0x1C800] =	vst v63  }
0x4f: {  	_ =	swait.ge [sflag:s12], $0x4000  }
0x50: {  	[sflag:s12] =	ssyncset.done $0x0  }
0x51: {  	s26 =	sadd.s32 $0x3D1200, s29;
	[sflag:s12] =	ssyncadd.s32 $0xFFFFC000  }
0x52: {  	[tilespmem:s7], [sflag:$0x1] =	stream.linear.gather [hbm4b:s26+s3], $0x4000, $0x38;
	[tilespmem:$0x1C800] =	vst v63  }
0x53: {  	_ =	swait.ge [sflag:s14], $0x4000  }
0x54: {  	[sflag:s14] =	ssyncset.done $0x0  }
0x55: {  	s28 =	simm.s32 $0x380;
	[sflag:s14] =	ssyncadd.s32 $0xFFFFC000  }
0x56: {  	[spmem:s2] =	stream.indirect.scatter.add.f32 [tilespmem:s9], [sflag:$0x4], $0x80, s28, s11, $0xb8;
	[tilespmem:$0x1C800] =	vst v63  }
0x57: {  	_ =	swait.ge [sflag:s15], $0x4000  }
0x58: {  	[sflag:s15] =	ssyncset.done $0x0  }
0x59: {  	s29 =	sadd.s32 $0x3D1A00, s29;
	[sflag:s15] =	ssyncadd.s32 $0xFFFFC000  }
0x5a: {  	[tilespmem:s9], [sflag:$0x2] =	stream.linear.gather [hbm4b:s29+s3], $0x4000, $0x38;
	[tilespmem:$0x1C800] =	vst v63  }
0x5b: {  	_ =	swait.ge [sflag:s10], $0x4000  }
0x5c: {  	[sflag:s10] =	ssyncset.done $0x0  }
0x5d: {  	s30 =	simm.s32 $0x400;
	[sflag:s10] =	ssyncadd.s32 $0xFFFFC000  }
0x5e: {  	[spmem:s2] =	stream.indirect.scatter.add.f32 [tilespmem:s7], [sflag:$0x3], $0x80, s30, s11, $0xb8;
	[tilespmem:$0x1C800] =	vst v63  }
0x5f: {  	_ =	swait.ge [sflag:s14], $0x4000  }
0x60: {  	[sflag:s14] =	ssyncset.done $0x0  }
0x61: {  	s31 =	simm.s32 $0x480;
	[sflag:s14] =	ssyncadd.s32 $0xFFFFC000  }
0x62: {  	[spmem:s2] =	stream.indirect.scatter.add.f32 [tilespmem:s9], [sflag:$0x4], $0x80, s31, s11, $0xb8;
	[tilespmem:$0x1C800] =	vst v63  }
0x63: {  	_ =	swait.ge [sflag:s12], $0x4000  }
0x64: {  	[sflag:s12] =	ssyncset.done $0x0  }
0x65: {  	[sflag:s12] =	ssyncadd.s32 $0xFFFFC000  }
0x66: {  	_ =	swait.ge [sflag:s15], $0x4000  }
0x67: {  	[sflag:s15] =	ssyncset.done $0x0  }
0x68: {  	[sflag:s15] =	ssyncadd.s32 $0xFFFFC000  }
0x69: {  	[bflag:$0x0] =	sbarrier.arrive $0xFFFF  }
0x6a: {  	s1 =	ssub.s32 $0x2, s1;
	s0 =	rddreg [dreg:$0x7]  }
0x6b: {  	[dreg:$0x8] =	wrdreg s0;
	s0 =	sshrl.u32 s1, $0x1  }
0x6c: {  	s0 =	ssub.s32 s1, s0  }
0x6d: {  	s0 =	smax.u32 s0, $0x1  }
0x6e: {  	p0 =	sne.s32 s0, $0x1  }
.Ltmp0:
0x6f: {  	_ = 	snop;
	(pc) =	sbr.rel @!p0 .LBB2_2-.Ltmp0, $4  }
0x70: {  	_ = 	snop  }
0x71: {  	s1 =	rddreg [dreg:$0x8]  }
0x72: {  	[hbm:s1], [sflag:s4] =	dma.local [spmem:s6], $0x2800  }
0x73: {  	s1 =	sadd.s32 $0xFFFFFFFF, s0;
	_ =	swait.ge [sflag:s5], $0x2800  }
.LBB2_1:
0x74: {  	[sflag:s5] =	ssyncset.done $0x0  }
0x75: {  	s0 =	rddreg [dreg:$0x4];
	[sflag:s5] =	ssyncadd.s32 $0xFFFFD800  }
0x76: {  	[spmem:s6], [sflag:s4] =	dma.local [hbm:s0], $0x2800  }
0x77: {  	_ =	swait.ge [sflag:s5], $0x2800  }
0x78: {  	[sflag:s5] =	ssyncset.done $0x0  }
0x79: {  	s0 =	rddreg [dreg:$0x5];
	[sflag:s5] =	ssyncadd.s32 $0xFFFFD800  }
0x7a: {  	[tilespmem:s3], [sflag:$0x5] =	stream.linear.gather [hbm4b:s0+s3], $0x500, $0x38;
	[tilespmem:$0x1C800] =	vst v63  }
0x7b: {  	_ =	swait.ge [sflag:s5], $0x500  }
0x7c: {  	[sflag:s5] =	ssyncset.done $0x0  }
0x7d: {  	[sflag:s5] =	ssyncadd.s32 $0xFFFFFB00  }
0x7e: {  	[bflag:$0x0] =	sbarrier.arrive $0xFFFF  }
0x7f: {  	s0 =	rddreg [dreg:$0x6]  }
0x80: {  	[tilespmem:s7], [sflag:$0x1] =	stream.linear.gather [hbm4b:s0+s3], $0x4000, $0x38;
	[tilespmem:$0x1C800] =	vst v63  }
0x81: {  	_ = 	snop  }
0x82: {  	[tilespmem:s9], [sflag:$0x2] =	stream.linear.gather [hbm4b:s8+s3], $0x4000, $0x38;
	[tilespmem:$0x1C800] =	vst v63  }
0x83: {  	_ =	swait.ge [sflag:s10], $0x4000  }
0x84: {  	[sflag:s10] =	ssyncset.done $0x0  }
0x85: {  	[sflag:s10] =	ssyncadd.s32 $0xFFFFC000  }
0x86: {  	[spmem:s2] =	stream.indirect.scatter.add.f32 [tilespmem:s7], [sflag:$0x3], $0x80, s3, s11, $0xb8;
	[tilespmem:$0x1C800] =	vst v63  }
0x87: {  	_ =	swait.ge [sflag:s12], $0x4000  }
0x88: {  	[sflag:s12] =	ssyncset.done $0x0  }
0x89: {  	[sflag:s12] =	ssyncadd.s32 $0xFFFFC000  }
0x8a: {  	[tilespmem:s7], [sflag:$0x1] =	stream.linear.gather [hbm4b:s13+s3], $0x4000, $0x38;
	[tilespmem:$0x1C800] =	vst v63  }
0x8b: {  	_ =	swait.ge [sflag:s14], $0x4000  }
0x8c: {  	[sflag:s14] =	ssyncset.done $0x0  }
0x8d: {  	[sflag:s14] =	ssyncadd.s32 $0xFFFFC000  }
0x8e: {  	[spmem:s2] =	stream.indirect.scatter.add.f32 [tilespmem:s9], [sflag:$0x4], $0x80, s11, s11, $0xb8;
	[tilespmem:$0x1C800] =	vst v63  }
0x8f: {  	_ =	swait.ge [sflag:s15], $0x4000  }
0x90: {  	[sflag:s15] =	ssyncset.done $0x0  }
0x91: {  	[sflag:s15] =	ssyncadd.s32 $0xFFFFC000  }
0x92: {  	[tilespmem:s9], [sflag:$0x2] =	stream.linear.gather [hbm4b:s16+s3], $0x4000, $0x38;
	[tilespmem:$0x1C800] =	vst v63  }
0x93: {  	_ =	swait.ge [sflag:s10], $0x4000  }
0x94: {  	[sflag:s10] =	ssyncset.done $0x0  }
0x95: {  	[sflag:s10] =	ssyncadd.s32 $0xFFFFC000  }
0x96: {  	[spmem:s2] =	stream.indirect.scatter.add.f32 [tilespmem:s7], [sflag:$0x3], $0x80, s17, s11, $0xb8;
	[tilespmem:$0x1C800] =	vst v63  }
0x97: {  	_ =	swait.ge [sflag:s12], $0x4000  }
0x98: {  	[sflag:s12] =	ssyncset.done $0x0  }
0x99: {  	[sflag:s12] =	ssyncadd.s32 $0xFFFFC000  }
0x9a: {  	[tilespmem:s7], [sflag:$0x1] =	stream.linear.gather [hbm4b:s18+s3], $0x4000, $0x38;
	[tilespmem:$0x1C800] =	vst v63  }
0x9b: {  	_ =	swait.ge [sflag:s14], $0x4000  }
0x9c: {  	[sflag:s14] =	ssyncset.done $0x0  }
0x9d: {  	[sflag:s14] =	ssyncadd.s32 $0xFFFFC000  }
0x9e: {  	[spmem:s2] =	stream.indirect.scatter.add.f32 [tilespmem:s9], [sflag:$0x4], $0x80, s19, s11, $0xb8;
	[tilespmem:$0x1C800] =	vst v63  }
0x9f: {  	_ =	swait.ge [sflag:s15], $0x4000  }
0xa0: {  	[sflag:s15] =	ssyncset.done $0x0  }
0xa1: {  	[sflag:s15] =	ssyncadd.s32 $0xFFFFC000  }
0xa2: {  	[tilespmem:s9], [sflag:$0x2] =	stream.linear.gather [hbm4b:s20+s3], $0x4000, $0x38;
	[tilespmem:$0x1C800] =	vst v63  }
0xa3: {  	_ =	swait.ge [sflag:s10], $0x4000  }
0xa4: {  	[sflag:s10] =	ssyncset.done $0x0  }
0xa5: {  	[sflag:s10] =	ssyncadd.s32 $0xFFFFC000  }
0xa6: {  	[spmem:s2] =	stream.indirect.scatter.add.f32 [tilespmem:s7], [sflag:$0x3], $0x80, s21, s11, $0xb8;
	[tilespmem:$0x1C800] =	vst v63  }
0xa7: {  	_ =	swait.ge [sflag:s12], $0x4000  }
0xa8: {  	[sflag:s12] =	ssyncset.done $0x0  }
0xa9: {  	[sflag:s12] =	ssyncadd.s32 $0xFFFFC000  }
0xaa: {  	[tilespmem:s7], [sflag:$0x1] =	stream.linear.gather [hbm4b:s22+s3], $0x4000, $0x38;
	[tilespmem:$0x1C800] =	vst v63  }
0xab: {  	_ =	swait.ge [sflag:s14], $0x4000  }
0xac: {  	[sflag:s14] =	ssyncset.done $0x0  }
0xad: {  	[sflag:s14] =	ssyncadd.s32 $0xFFFFC000  }
0xae: {  	[spmem:s2] =	stream.indirect.scatter.add.f32 [tilespmem:s9], [sflag:$0x4], $0x80, s23, s11, $0xb8;
	[tilespmem:$0x1C800] =	vst v63  }
0xaf: {  	_ =	swait.ge [sflag:s15], $0x4000  }
0xb0: {  	[sflag:s15] =	ssyncset.done $0x0  }
0xb1: {  	[sflag:s15] =	ssyncadd.s32 $0xFFFFC000  }
0xb2: {  	[tilespmem:s9], [sflag:$0x2] =	stream.linear.gather [hbm4b:s24+s3], $0x4000, $0x38;
	[tilespmem:$0x1C800] =	vst v63  }
0xb3: {  	_ =	swait.ge [sflag:s10], $0x4000  }
0xb4: {  	[sflag:s10] =	ssyncset.done $0x0  }
0xb5: {  	[sflag:s10] =	ssyncadd.s32 $0xFFFFC000  }
0xb6: {  	[spmem:s2] =	stream.indirect.scatter.add.f32 [tilespmem:s7], [sflag:$0x3], $0x80, s25, s11, $0xb8;
	[tilespmem:$0x1C800] =	vst v63  }
0xb7: {  	_ =	swait.ge [sflag:s12], $0x4000  }
0xb8: {  	[sflag:s12] =	ssyncset.done $0x0  }
0xb9: {  	[sflag:s12] =	ssyncadd.s32 $0xFFFFC000  }
0xba: {  	[tilespmem:s7], [sflag:$0x1] =	stream.linear.gather [hbm4b:s26+s3], $0x4000, $0x38;
	[tilespmem:$0x1C800] =	vst v63  }
0xbb: {  	_ =	swait.ge [sflag:s14], $0x4000  }
0xbc: {  	[sflag:s14] =	ssyncset.done $0x0  }
0xbd: {  	[sflag:s14] =	ssyncadd.s32 $0xFFFFC000  }
0xbe: {  	[spmem:s2] =	stream.indirect.scatter.add.f32 [tilespmem:s9], [sflag:$0x4], $0x80, s28, s11, $0xb8;
	[tilespmem:$0x1C800] =	vst v63  }
0xbf: {  	_ =	swait.ge [sflag:s15], $0x4000  }
0xc0: {  	[sflag:s15] =	ssyncset.done $0x0  }
0xc1: {  	[sflag:s15] =	ssyncadd.s32 $0xFFFFC000  }
0xc2: {  	[tilespmem:s9], [sflag:$0x2] =	stream.linear.gather [hbm4b:s29+s3], $0x4000, $0x38;
	[tilespmem:$0x1C800] =	vst v63  }
0xc3: {  	_ =	swait.ge [sflag:s10], $0x4000  }
0xc4: {  	[sflag:s10] =	ssyncset.done $0x0  }
0xc5: {  	[sflag:s10] =	ssyncadd.s32 $0xFFFFC000  }
0xc6: {  	[spmem:s2] =	stream.indirect.scatter.add.f32 [tilespmem:s7], [sflag:$0x3], $0x80, s30, s11, $0xb8;
	[tilespmem:$0x1C800] =	vst v63  }
0xc7: {  	_ =	swait.ge [sflag:s14], $0x4000  }
0xc8: {  	[sflag:s14] =	ssyncset.done $0x0  }
0xc9: {  	[sflag:s14] =	ssyncadd.s32 $0xFFFFC000  }
0xca: {  	[spmem:s2] =	stream.indirect.scatter.add.f32 [tilespmem:s9], [sflag:$0x4], $0x80, s31, s11, $0xb8;
	[tilespmem:$0x1C800] =	vst v63  }
0xcb: {  	_ =	swait.ge [sflag:s12], $0x4000  }
0xcc: {  	[sflag:s12] =	ssyncset.done $0x0  }
0xcd: {  	[sflag:s12] =	ssyncadd.s32 $0xFFFFC000  }
0xce: {  	_ =	swait.ge [sflag:s15], $0x4000  }
0xcf: {  	p0 =	sne.s32 s1, $0x1;
	[sflag:s15] =	ssyncset.done $0x0  }
.Ltmp1:
0xd0: {  	[sflag:s15] =	ssyncadd.s32 $0xFFFFC000;
	(pc) =	sbr.rel @p0 .LBB2_1-.Ltmp1, $4  }
0xd1: {  	[bflag:$0x0] =	sbarrier.arrive $0xFFFF  }
0xd2: {  	s0 =	rddreg [dreg:$0x7]  }
0xd3: {  	[hbm:s0], [sflag:s4] =	dma.local [spmem:s6], $0x2800  }
0xd4: {  	s1 =	sadd.s32 $0xFFFFFFFF, s1;
	_ =	swait.ge [sflag:s5], $0x2800  }
.LBB2_2:
0xd5: {  	[sflag:s5] =	ssyncset.done $0x0  }
0xd6: {  	[sflag:s5] =	ssyncadd.s32 $0xFFFFD800  }
0xd7: {  	_ =	sfence.sel $0x180000  }
0xd8: {  	[bflag:$0x0] =	sbarrier.arrive $0xFFFF  }
0xd9: {  	_ =	strace $0x90000059  }
0xda: {  	s0 =	stileid.u32;
	[bflag:$0x2] =	sbarrier.arrive $0xFFFF  }
0xdb: {  	p0 =	sne.s32 s0, $0x0;
	s0 =	rddreg [dreg:$0x3]  }
0xdc: {  	s0 =	sadd.s32 @!p0 $0x100000, s0  }
0xdd: {  	[sflag:s0] =	ssyncadd.tile.s32 @!p0 $0x1;
	_ =	shalt  }
.Lfunc_end2:
_tile_overlayer_lowered:
.L_overlay_start_2:
0xde: {  	(tag) =	ssettag $0x2  }
0xdf: {  	s0 =	rddreg [dreg:$0x0];
	s2 =	stileid.u32  }
0xe0: {  	s1 =	rddreg [dreg:$0x1];
	p0 =	sne.s32 s2, $0x0  }
0xe1: {  	s3 =	rddreg [dreg:$0x2];
	[bflag:$0x3] =	sbarrier.arrive $0xFFFF;
	s2 =	simm.s32 @!p0 $0x1C05  }
0xe2: {  	[timem:s3], [sflag:s2] =	dma.local @!p0 [hbm:s0], s1  }
0xe3: {  	s0 =	simm.s32 @!p0 $0x5  }
0xe4: {  	_ =	swait.ge @!p0 [sflag:s0], s1  }
0xe5: {  	s1 =	ssub.s32 @!p0 $0x0, s1;
	[sflag:s0] =	ssyncset.done @!p0 $0x0  }
0xe6: {  	[sflag:s0] =	ssyncadd.s32 @!p0 s1  }
0xe7: {  	[bflag:$0x3] =	sbarrier.arrive $0xFFFF  }
0xe8: {  	_ =	shalt  }

</sc_bundles>
